<compile_context>
chip_gen: v7x
topology: tpu7x:2x2x1
jax: 0.10.2.dev20260603
libtpu: 0.0.44.dev20260713+nightly
codegen_flags: <defaults>
</compile_context>

<pallas_src>
import jax
import jax.numpy as jnp
from jax import lax
from jax.experimental import pallas as pl
from jax.experimental.pallas import tpu as pltpu
from jax.experimental.pallas import tpu_sc as plsc

N_NODES = 10000
N_EDGES = 320000
NODE_SIZE = 128
EDGE_SIZE = 16
CUTOFF = 5.0
PACK = 3 * NODE_SIZE

NC = 2
NS = 16
NW = NC * NS


_MLP_BLK = 2000


def _mlp_body(ns_ref, nv0_ref, nv1_ref, nv2_ref,
              w1_ref, b1_ref, w2_ref, b2_ref, out_ref):
    h = jnp.dot(ns_ref[...], w1_ref[...], preferred_element_type=jnp.float32)
    h = h + b1_ref[...]
    h = h * jax.nn.sigmoid(h)
    so = jnp.dot(h, w2_ref[...], preferred_element_type=jnp.float32)
    so = so + b2_ref[...]
    nv = jnp.concatenate([nv0_ref[...], nv1_ref[...], nv2_ref[...]], axis=1)
    uso = jax.lax.bitcast_convert_type(so, jnp.uint32) + jnp.uint32(0x8000)
    unv = jax.lax.bitcast_convert_type(nv, jnp.uint32) + jnp.uint32(0x8000)
    packed = (uso & jnp.uint32(0xFFFF0000)) | (unv >> 16)
    out_ref[...] = jax.lax.bitcast_convert_type(packed, jnp.float32)


def _node_mlp_pack(ns, nv0, nv1, nv2, w1, b1, w2, b2):
    grid = N_NODES // _MLP_BLK
    node_spec = pl.BlockSpec((_MLP_BLK, NODE_SIZE), lambda i: (i, 0))
    return pl.pallas_call(
        _mlp_body,
        grid=(grid,),
        in_specs=[
            node_spec, node_spec, node_spec, node_spec,
            pl.BlockSpec((NODE_SIZE, NODE_SIZE), lambda i: (0, 0)),
            pl.BlockSpec((1, NODE_SIZE), lambda i: (0, 0)),
            pl.BlockSpec((NODE_SIZE, 3 * NODE_SIZE), lambda i: (0, 0)),
            pl.BlockSpec((1, 3 * NODE_SIZE), lambda i: (0, 0)),
        ],
        out_specs=pl.BlockSpec((_MLP_BLK, PACK), lambda i: (i, 0)),
        out_shape=jax.ShapeDtypeStruct((N_NODES, PACK), jnp.float32),
    )(ns, nv0, nv1, nv2, w1, b1, w2, b2)



_G_BLK = 40


def _sc_gather(p_table, src):
    n_edges = src.shape[0]
    per_tile = n_edges // NW
    steps = per_tile // _G_BLK

    def body(p_hbm, src_hbm, g_hbm, idx_all, buf0, buf1, gs0, gs1, ws0, ws1):
        wid = lax.axis_index("s") * NC + lax.axis_index("c")
        base = wid * per_tile
        bufs = (buf0, buf1)
        gsems = (gs0, gs1)
        wsems = (ws0, ws1)

        pltpu.sync_copy(src_hbm.at[pl.ds(base, per_tile)], idx_all)

        def start_g(slot, i):
            pltpu.async_copy(p_hbm.at[idx_all.at[pl.ds(i * _G_BLK, _G_BLK)]],
                             bufs[slot], gsems[slot])

        def wait_g(slot, i):
            pltpu.make_async_copy(
                p_hbm.at[idx_all.at[pl.ds(i * _G_BLK, _G_BLK)]],
                bufs[slot], gsems[slot]).wait()

        def start_w(slot, i):
            pltpu.async_copy(bufs[slot],
                             g_hbm.at[pl.ds(base + i * _G_BLK, _G_BLK)],
                             wsems[slot])

        def wait_w(slot, i):
            pltpu.make_async_copy(
                bufs[slot], g_hbm.at[pl.ds(base + i * _G_BLK, _G_BLK)],
                wsems[slot]).wait()

        start_g(0, 0)
        start_g(1, 1)

        def blk(k, carry):
            i0 = 2 * k
            wait_g(0, i0)
            start_w(0, i0)
            wait_g(1, i0 + 1)
            start_w(1, i0 + 1)
            wait_w(0, i0)

            @pl.when(2 * k + 2 < steps)
            def _():
                start_g(0, i0 + 2)
            wait_w(1, i0 + 1)

            @pl.when(2 * k + 3 < steps)
            def _():
                start_g(1, i0 + 3)
            return carry

        lax.fori_loop(0, steps // 2, blk, 0)
        if steps % 2:
            last = steps - 1
            wait_g(0, last)
            start_w(0, last)
            wait_w(0, last)

    mesh = plsc.VectorSubcoreMesh(core_axis_name="c", subcore_axis_name="s")
    f = pl.kernel(
        body,
        out_type=jax.ShapeDtypeStruct((n_edges, PACK), jnp.float32),
        mesh=mesh,
        scratch_types=[
            pltpu.VMEM((per_tile,), jnp.int32),
            pltpu.VMEM((_G_BLK, PACK), jnp.float32),
            pltpu.VMEM((_G_BLK, PACK), jnp.float32),
            pltpu.SemaphoreType.DMA,
            pltpu.SemaphoreType.DMA,
            pltpu.SemaphoreType.DMA,
            pltpu.SemaphoreType.DMA,
        ],
    )
    return f(p_table, src)



_MSG_BLK = 1280


def _msg_body(g_ref, es_ref, ev_ref, ed_ref, wf_ref, bf_ref,
              ms_ref, v0_ref, v1_ref, v2_ref):
    fw = jnp.dot(es_ref[...], wf_ref[...], preferred_element_type=jnp.float32)
    fw = fw + bf_ref[...]
    d = ed_ref[...]
    t2 = jnp.square(d * (jnp.pi / CUTOFF))
    cc = 1.0 + t2 * (-0.25 + t2 * (1.0 / 48.0 - t2 * (1.0 / 1440.0)))
    fw = fw * cc
    gu = jax.lax.bitcast_convert_type(g_ref[...], jnp.uint32)
    so = jax.lax.bitcast_convert_type(gu & jnp.uint32(0xFFFF0000),
                                      jnp.float32)
    nv = jax.lax.bitcast_convert_type(gu << 16, jnp.float32)
    gsv = fw[:, :NODE_SIZE] * so[:, :NODE_SIZE]
    gev = fw[:, NODE_SIZE:2 * NODE_SIZE] * so[:, NODE_SIZE:2 * NODE_SIZE]
    ms = fw[:, 2 * NODE_SIZE:] * so[:, 2 * NODE_SIZE:]
    ev = ev_ref[...]
    s = jnp.sum(ev * ev, axis=1, keepdims=True)
    evn = ev * jax.lax.rsqrt(jnp.maximum(s, 1e-20))
    ms_ref[...] = ms
    v0_ref[...] = nv[:, :NODE_SIZE] * gsv + gev * evn[:, 0:1]
    v1_ref[...] = nv[:, NODE_SIZE:2 * NODE_SIZE] * gsv + gev * evn[:, 1:2]
    v2_ref[...] = nv[:, 2 * NODE_SIZE:] * gsv + gev * evn[:, 2:3]


def _messages(g, es, ev, ed, wf, bf):
    grid = g.shape[0] // _MSG_BLK
    return pl.pallas_call(
        _msg_body,
        grid=(grid,),
        in_specs=[
            pl.BlockSpec((_MSG_BLK, PACK), lambda i: (i, 0)),
            pl.BlockSpec((_MSG_BLK, EDGE_SIZE), lambda i: (i, 0)),
            pl.BlockSpec((_MSG_BLK, 3), lambda i: (i, 0)),
            pl.BlockSpec((_MSG_BLK, 1), lambda i: (i, 0)),
            pl.BlockSpec((EDGE_SIZE, 3 * NODE_SIZE), lambda i: (0, 0)),
            pl.BlockSpec((1, 3 * NODE_SIZE), lambda i: (0, 0)),
        ],
        out_specs=[pl.BlockSpec((_MSG_BLK, NODE_SIZE), lambda i: (i, 0))
                   for _ in range(4)],
        out_shape=[jax.ShapeDtypeStruct((g.shape[0], NODE_SIZE), jnp.float32)
                   for _ in range(4)],
    )(g, es, ev, ed, wf, bf)



_S_IDX = 80
_S_SUB = 2
_S_BLK = _S_IDX * _S_SUB
_N_STRIDE = 624
_N_CHUNK = 640


def _sc_scatter(m, dst, ns, nv0, nv1, nv2):
    n_edges = dst.shape[0]
    per_tile = n_edges // NS
    steps = per_tile // _S_BLK

    def body_fn(m0_hbm, m1_hbm, m2_hbm, m3_hbm,
                dst_hbm, ns_hbm, nv0_hbm, nv1_hbm, nv2_hbm,
                outs_hbm, ov0_hbm, ov1_hbm, ov2_hbm,
                accum, msg0, msg1, idx0, idx1,
                ms0, ms1, is0, is1, as0, as1):
        m_hbms = (m0_hbm, m1_hbm, m2_hbm, m3_hbm)
        core = lax.axis_index("c")
        sub = lax.axis_index("s")
        n0 = sub * _N_STRIDE
        msgs = (msg0, msg1)
        idxs = (idx0, idx1)
        msems = (ms0, ms1)
        isems = (is0, is1)
        asems = (as0, as1)
        init_srcs = (ns_hbm, nv0_hbm, nv1_hbm, nv2_hbm)
        out_dsts = (outs_hbm, ov0_hbm, ov1_hbm, ov2_hbm)

        for p in range(2):
            for c_py in range(NC):
                comp = 2 * p + c_py

                @pl.when(core == c_py)
                def _body(comp=comp):
                    nsl = pl.ds(n0, _N_CHUNK)
                    pltpu.sync_copy(init_srcs[comp].at[nsl], accum.at[nsl])
                    plsc.subcore_barrier()

                    def e0_of(i):
                        return sub * per_tile + i * _S_BLK

                    def start_in(slot, i):
                        e0 = e0_of(i)
                        pltpu.async_copy(m_hbms[comp].at[pl.ds(e0, _S_BLK)],
                                         msgs[slot], msems[slot])
                        for b in range(_S_SUB):
                            pltpu.async_copy(
                                dst_hbm.at[pl.ds(e0 + b * _S_IDX, _S_IDX)],
                                idxs[slot][b], isems[slot])

                    def wait_in(slot, i):
                        e0 = e0_of(i)
                        pltpu.make_async_copy(
                            m_hbms[comp].at[pl.ds(e0, _S_BLK)],
                            msgs[slot], msems[slot]).wait()
                        for b in range(_S_SUB):
                            pltpu.make_async_copy(
                                dst_hbm.at[pl.ds(e0 + b * _S_IDX, _S_IDX)],
                                idxs[slot][b], isems[slot]).wait()

                    def start_add(slot):
                        for b in range(_S_SUB):
                            pltpu.async_copy(
                                msgs[slot].at[pl.ds(b * _S_IDX, _S_IDX)],
                                accum.at[idxs[slot][b]], asems[slot],
                                add=True)

                    def wait_add(slot):
                        for b in range(_S_SUB):
                            pltpu.make_async_copy(
                                msgs[slot].at[pl.ds(b * _S_IDX, _S_IDX)],
                                accum.at[idxs[slot][b]], asems[slot]).wait()

                    start_in(0, 0)
                    start_in(1, 1)

                    def blk(k, carry):
                        i0 = 2 * k
                        wait_in(0, i0)
                        start_add(0)
                        wait_in(1, i0 + 1)
                        start_add(1)
                        wait_add(0)

                        @pl.when(2 * k + 2 < steps)
                        def _():
                            start_in(0, i0 + 2)
                        wait_add(1)

                        @pl.when(2 * k + 3 < steps)
                        def _():
                            start_in(1, i0 + 3)
                        return carry

                    lax.fori_loop(0, steps // 2, blk, 0)
                    if steps % 2:
                        last = steps - 1
                        wait_in(0, last)
                        start_add(0)
                        wait_add(0)
                    plsc.subcore_barrier()
                    pltpu.sync_copy(accum.at[nsl], out_dsts[comp].at[nsl])
                    plsc.subcore_barrier()

    mesh = plsc.VectorSubcoreMesh(core_axis_name="c", subcore_axis_name="s")
    out_struct = jax.ShapeDtypeStruct((N_NODES, NODE_SIZE), jnp.float32)
    f = pl.kernel(
        body_fn,
        out_type=[out_struct, out_struct, out_struct, out_struct],
        mesh=mesh,
        scratch_types=[
            pltpu.VMEM_SHARED((N_NODES, NODE_SIZE), jnp.float32),
            pltpu.VMEM((_S_BLK, NODE_SIZE), jnp.float32),
            pltpu.VMEM((_S_BLK, NODE_SIZE), jnp.float32),
            [pltpu.VMEM((_S_IDX,), jnp.int32) for _ in range(_S_SUB)],
            [pltpu.VMEM((_S_IDX,), jnp.int32) for _ in range(_S_SUB)],
            pltpu.SemaphoreType.DMA,
            pltpu.SemaphoreType.DMA,
            pltpu.SemaphoreType.DMA,
            pltpu.SemaphoreType.DMA,
            pltpu.SemaphoreType.DMA,
            pltpu.SemaphoreType.DMA,
        ],
    )
    return f(m[0], m[1], m[2], m[3], dst, ns, nv0, nv1, nv2)




_CHUNK0 = 207360


def kernel(node_state_scalar, node_state_vector, edge_state, edge_vector,
           edge_distance, edges, Wf, bf, W1, b1, W2, b2):
    src = edges[:, 0]
    dst = edges[:, 1]
    nv0 = node_state_vector[:, 0, :]
    nv1 = node_state_vector[:, 1, :]
    nv2 = node_state_vector[:, 2, :]
    p_table = _node_mlp_pack(node_state_scalar, nv0, nv1, nv2,
                             W1, b1.reshape(1, -1), W2, b2.reshape(1, -1))
    bf2 = bf.reshape(1, -1)
    c0 = slice(0, _CHUNK0)
    c1 = slice(_CHUNK0, N_EDGES)
    g_a = _sc_gather(p_table, src[c0])
    g_b = _sc_gather(p_table, src[c1])
    m_a = _messages(g_a, edge_state[c0], edge_vector[c0],
                    edge_distance[c0], Wf, bf2)
    m_b = _messages(g_b, edge_state[c1], edge_vector[c1],
                    edge_distance[c1], Wf, bf2)
    s_a, va0, va1, va2 = _sc_scatter(m_a, dst[c0], node_state_scalar,
                                     nv0, nv1, nv2)
    out_s, ov0, ov1, ov2 = _sc_scatter(m_b, dst[c1], s_a, va0, va1, va2)
    out_v = jnp.stack([ov0, ov1, ov2], axis=1)
    return (out_s, out_v)

# --- scband reference (transcript-rebuilt; emitter-appended) ---
"""Pipeline reference for scband-pai-nninteraction-59141699666425 (READ-ONLY COPY).

The authoritative reference and input builder live on the scoring server;
editing this copy changes nothing except your own understanding.
"""

import jax, jax.numpy as jnp
import numpy as np

N_NODES = 10000
N_EDGES = 320000
NODE_SIZE = 128
EDGE_SIZE = 16
CUTOFF = 5.0


def cosine_cutoff(d, cutoff):
    return jnp.where(d < cutoff, 0.5 * (jnp.cos(jnp.pi * d / cutoff) + 1.0), 0.0)


def setup_inputs(seed: int = 0) -> dict:
    key = jax.random.key(seed)
    ks = jax.random.split(key, 12)
    node_state_scalar = jax.random.normal(ks[0], (N_NODES, NODE_SIZE), dtype=jnp.float32)
    node_state_vector = jax.random.normal(ks[1], (N_NODES, 3, NODE_SIZE), dtype=jnp.float32)
    edge_state = jax.random.normal(ks[2], (N_EDGES, EDGE_SIZE), dtype=jnp.float32)
    edge_vector = jax.random.normal(ks[3], (N_EDGES, 3), dtype=jnp.float32)
    edge_distance = jax.random.uniform(ks[4], (N_EDGES, 1), dtype=jnp.float32)
    edges = jax.random.randint(ks[5], (N_EDGES, 2), 0, N_NODES, dtype=jnp.int64 if jax.config.jax_enable_x64 else jnp.int32).astype(jnp.int32)
    # learned parameters
    Wf = jax.random.normal(ks[6], (EDGE_SIZE, 3 * NODE_SIZE), dtype=jnp.float32) / np.sqrt(EDGE_SIZE)
    bf = jnp.zeros((3 * NODE_SIZE,), dtype=jnp.float32)
    W1 = jax.random.normal(ks[7], (NODE_SIZE, NODE_SIZE), dtype=jnp.float32) / np.sqrt(NODE_SIZE)
    b1 = jnp.zeros((NODE_SIZE,), dtype=jnp.float32)
    W2 = jax.random.normal(ks[8], (NODE_SIZE, 3 * NODE_SIZE), dtype=jnp.float32) / np.sqrt(NODE_SIZE)
    b2 = jnp.zeros((3 * NODE_SIZE,), dtype=jnp.float32)
    return {
        "node_state_scalar": node_state_scalar,
        "node_state_vector": node_state_vector,
        "edge_state": edge_state,
        "edge_vector": edge_vector,
        "edge_distance": edge_distance,
        "edges": edges,
        "Wf": Wf, "bf": bf, "W1": W1, "b1": b1, "W2": W2, "b2": b2,
    }


def reference(node_state_scalar, node_state_vector, edge_state, edge_vector,
              edge_distance, edges, Wf, bf, W1, b1, W2, b2):
    # normalise edge vectors
    evn = edge_vector / jnp.maximum(
        jnp.linalg.norm(edge_vector, axis=1, keepdims=True), 1e-10)
    # filter layer on edge states
    filter_weight = edge_state @ Wf + bf
    filter_weight = filter_weight * cosine_cutoff(edge_distance, CUTOFF)
    # scalar message MLP on node states
    h = node_state_scalar @ W1 + b1
    h = jax.nn.silu(h)
    scalar_output = h @ W2 + b2
    # gather per source node
    scalar_output = scalar_output[edges[:, 0]]
    filter_output = filter_weight * scalar_output
    gate_state_vector, gate_edge_vector, messages_scalar = jnp.split(
        filter_output, 3, axis=1)
    gate_state_vector = gate_state_vector[:, None, :]
    gate_edge_vector = gate_edge_vector[:, None, :]
    messages_state_vector = (node_state_vector[edges[:, 0]] * gate_state_vector
                             + gate_edge_vector * evn[:, :, None])
    # scatter-add to destination nodes
    message_sum_scalar = jnp.zeros_like(node_state_scalar).at[edges[:, 1]].add(messages_scalar)
    message_sum_vector = jnp.zeros_like(node_state_vector).at[edges[:, 1]].add(messages_state_vector)
    new_state_scalar = node_state_scalar + message_sum_scalar
    new_state_vector = node_state_vector + message_sum_vector
    return (new_state_scalar, new_state_vector)

if __name__ == "__main__":
    import jax
    _d = setup_inputs()
    print(jax.jit(kernel)(*tuple(_d.values())))

</pallas_src>

<mosaic_0001>
#map = affine_map<(d0, d1) -> (0, 0)>
#map1 = affine_map<(d0, d1) -> (0)>
module attributes {stable_mosaic.version = 14 : i64} {
  func.func @body(%arg0: i32, %arg1: i32, %arg2: memref<10000x384xf32, #tpu.memory_space<hbm>>, %arg3: memref<112640xi32, #tpu.memory_space<hbm>>, %arg4: memref<112640x384xf32, #tpu.memory_space<hbm>>, %arg5: memref<3520xi32, #tpu.memory_space<vmem>>, %arg6: memref<40x384xf32, #tpu.memory_space<vmem>>, %arg7: memref<40x384xf32, #tpu.memory_space<vmem>>, %arg8: memref<!tpu.dma_semaphore, #tpu.memory_space<semaphore_mem>>, %arg9: memref<!tpu.dma_semaphore, #tpu.memory_space<semaphore_mem>>, %arg10: memref<!tpu.dma_semaphore, #tpu.memory_space<semaphore_mem>>, %arg11: memref<!tpu.dma_semaphore, #tpu.memory_space<semaphore_mem>>) attributes {dimension_semantics = [#tpu.dimension_semantics<core_parallel>, #tpu.dimension_semantics<subcore_parallel>], iteration_bounds = array<i64: 2, 16>, scalar_prefetch = 0 : i64, scratch_operands = 7 : i64, tpu.core_type = #tpu.core_type<sc_vector_subcore>, window_params = [{transform_indices = #map}, {transform_indices = #map1}, {transform_indices = #map}]} {
    %mul3A = arith.constant 2 : i32
    %mul3A_0 = arith.muli %arg1, %mul3A : i32
    %add3A = arith.addi %mul3A_0, %arg0 : i32
    %mul3A_1 = arith.constant 3520 : i32
    %mul3A_2 = arith.muli %add3A, %mul3A_1 : i32
    "tpu.region"() ({
      %run_scoped3A = tpu.sem_alloc : memref<!tpu.dma_semaphore, #tpu.memory_space<semaphore_mem>>
      %dma_start3A_17 = tpu.memref_slice %arg3[%mul3A_2] : memref<112640xi32, #tpu.memory_space<hbm>> -> memref<3520xi32, #tpu.memory_space<hbm>>
      %dma_start3A_18 = tpu.memref_slice %arg3[%mul3A_2] : memref<112640xi32, #tpu.memory_space<hbm>> -> memref<3520xi32, #tpu.memory_space<hbm>>
      tpu.enqueue_dma source(%dma_start3A_18 : memref<3520xi32, #tpu.memory_space<hbm>>) target(%arg5 : memref<3520xi32, #tpu.memory_space<vmem>>) target_semaphore(%run_scoped3A : memref<!tpu.dma_semaphore, #tpu.memory_space<semaphore_mem>>)
      %dma_wait3A = tpu.memref_slice %arg3[%mul3A_2] : memref<112640xi32, #tpu.memory_space<hbm>> -> memref<3520xi32, #tpu.memory_space<hbm>>
      %dma_wait3A_19 = tpu.memref_slice %arg3[%mul3A_2] : memref<112640xi32, #tpu.memory_space<hbm>> -> memref<3520xi32, #tpu.memory_space<hbm>>
      tpu.wait_dma2 semaphore(%run_scoped3A : memref<!tpu.dma_semaphore, #tpu.memory_space<semaphore_mem>>) src(%dma_wait3A_19 : memref<3520xi32, #tpu.memory_space<hbm>>) dst(%arg5 : memref<3520xi32, #tpu.memory_space<vmem>>)
      tpu.yield
    }) : () -> ()
    %dma_start3A = arith.constant 0 : i32
    %dma_start3A_3 = tpu.memref_slice %arg5[%dma_start3A] : memref<3520xi32, #tpu.memory_space<vmem>> -> memref<40xi32, #tpu.memory_space<vmem>>
    %dma_start3A_4 = arith.constant 0 : i32
    %dma_start3A_5 = arith.constant 0 : i32
    %dma_start3A_6 = tpu.memref_slice %arg2[%dma_start3A_4, %dma_start3A_5] : memref<10000x384xf32, #tpu.memory_space<hbm>> -> memref<10000x384xf32, #tpu.memory_space<hbm>>
    tpu.enqueue_indirect_dma source(%dma_start3A_6 : memref<10000x384xf32, #tpu.memory_space<hbm>>) target(%arg6 : memref<40x384xf32, #tpu.memory_space<vmem>>) offsets(%dma_start3A_3 : memref<40xi32, #tpu.memory_space<vmem>>) semaphore(%arg8 : memref<!tpu.dma_semaphore, #tpu.memory_space<semaphore_mem>>)
    %dma_start3A_7 = arith.constant 40 : i32
    %dma_start3A_8 = tpu.memref_slice %arg5[%dma_start3A_7] : memref<3520xi32, #tpu.memory_space<vmem>> -> memref<40xi32, #tpu.memory_space<vmem>>
    %dma_start3A_9 = arith.constant 0 : i32
    %dma_start3A_10 = arith.constant 0 : i32
    %dma_start3A_11 = tpu.memref_slice %arg2[%dma_start3A_9, %dma_start3A_10] : memref<10000x384xf32, #tpu.memory_space<hbm>> -> memref<10000x384xf32, #tpu.memory_space<hbm>>
    tpu.enqueue_indirect_dma source(%dma_start3A_11 : memref<10000x384xf32, #tpu.memory_space<hbm>>) target(%arg7 : memref<40x384xf32, #tpu.memory_space<vmem>>) offsets(%dma_start3A_8 : memref<40xi32, #tpu.memory_space<vmem>>) semaphore(%arg9 : memref<!tpu.dma_semaphore, #tpu.memory_space<semaphore_mem>>)
    %scan3A = arith.constant 0 : i32
    %scan3A_12 = arith.constant 0 : i32
    %scan3A_13 = arith.constant 44 : i32
    %scan3A_14 = arith.addi %scan3A_12, %scan3A_13 : i32
    %scan3A_15 = arith.constant 1 : i32
    scf.for %scan3A_17 = %scan3A_12 to %scan3A_14 step %scan3A_15  : i32 {
      %mul3A_18 = arith.constant 2 : i32
      %mul3A_19 = arith.muli %mul3A_18, %scan3A_17 : i32
      %mul3A_20 = arith.constant 40 : i32
      %mul3A_21 = arith.muli %mul3A_19, %mul3A_20 : i32
      %dma_wait3A = tpu.memref_slice %arg5[%mul3A_21] : memref<3520xi32, #tpu.memory_space<vmem>> -> memref<40xi32, #tpu.memory_space<vmem>>
      %dma_wait3A_22 = arith.constant 0 : i32
      %dma_wait3A_23 = arith.constant 0 : i32
      %dma_wait3A_24 = tpu.memref_slice %arg2[%dma_wait3A_22, %dma_wait3A_23] : memref<10000x384xf32, #tpu.memory_space<hbm>> -> memref<10000x384xf32, #tpu.memory_space<hbm>>
      tpu.wait_indirect_dma semaphore(%arg8 : memref<!tpu.dma_semaphore, #tpu.memory_space<semaphore_mem>>) src(%dma_wait3A_24 : memref<10000x384xf32, #tpu.memory_space<hbm>>) dst(%arg6 : memref<40x384xf32, #tpu.memory_space<vmem>>)
      %mul3A_25 = arith.constant 40 : i32
      %mul3A_26 = arith.muli %mul3A_19, %mul3A_25 : i32
      %add3A_27 = arith.addi %mul3A_2, %mul3A_26 : i32
      %dma_start3A_28 = arith.constant 0 : i32
      %dma_start3A_29 = tpu.memref_slice %arg4[%add3A_27, %dma_start3A_28] : memref<112640x384xf32, #tpu.memory_space<hbm>> -> memref<40x384xf32, #tpu.memory_space<hbm>>
      %dma_start3A_30 = arith.constant 0 : i32
      %dma_start3A_31 = tpu.memref_slice %arg4[%add3A_27, %dma_start3A_30] : memref<112640x384xf32, #tpu.memory_space<hbm>> -> memref<40x384xf32, #tpu.memory_space<hbm>>
      tpu.enqueue_dma source(%arg6 : memref<40x384xf32, #tpu.memory_space<vmem>>) target(%dma_start3A_31 : memref<40x384xf32, #tpu.memory_space<hbm>>) target_semaphore(%arg10 : memref<!tpu.dma_semaphore, #tpu.memory_space<semaphore_mem>>)
      %add3A_32 = arith.constant 1 : i32
      %add3A_33 = arith.addi %mul3A_19, %add3A_32 : i32
      %mul3A_34 = arith.constant 40 : i32
      %mul3A_35 = arith.muli %add3A_33, %mul3A_34 : i32
      %dma_wait3A_36 = tpu.memref_slice %arg5[%mul3A_35] : memref<3520xi32, #tpu.memory_space<vmem>> -> memref<40xi32, #tpu.memory_space<vmem>>
      %dma_wait3A_37 = arith.constant 0 : i32
      %dma_wait3A_38 = arith.constant 0 : i32
      %dma_wait3A_39 = tpu.memref_slice %arg2[%dma_wait3A_37, %dma_wait3A_38] : memref<10000x384xf32, #tpu.memory_space<hbm>> -> memref<10000x384xf32, #tpu.memory_space<hbm>>
      tpu.wait_indirect_dma semaphore(%arg9 : memref<!tpu.dma_semaphore, #tpu.memory_space<semaphore_mem>>) src(%dma_wait3A_39 : memref<10000x384xf32, #tpu.memory_space<hbm>>) dst(%arg7 : memref<40x384xf32, #tpu.memory_space<vmem>>)
      %add3A_40 = arith.constant 1 : i32
      %add3A_41 = arith.addi %mul3A_19, %add3A_40 : i32
      %mul3A_42 = arith.constant 40 : i32
      %mul3A_43 = arith.muli %add3A_41, %mul3A_42 : i32
      %add3A_44 = arith.addi %mul3A_2, %mul3A_43 : i32
      %dma_start3A_45 = arith.constant 0 : i32
      %dma_start3A_46 = tpu.memref_slice %arg4[%add3A_44, %dma_start3A_45] : memref<112640x384xf32, #tpu.memory_space<hbm>> -> memref<40x384xf32, #tpu.memory_space<hbm>>
      %dma_start3A_47 = arith.constant 0 : i32
      %dma_start3A_48 = tpu.memref_slice %arg4[%add3A_44, %dma_start3A_47] : memref<112640x384xf32, #tpu.memory_space<hbm>> -> memref<40x384xf32, #tpu.memory_space<hbm>>
      tpu.enqueue_dma source(%arg7 : memref<40x384xf32, #tpu.memory_space<vmem>>) target(%dma_start3A_48 : memref<40x384xf32, #tpu.memory_space<hbm>>) target_semaphore(%arg11 : memref<!tpu.dma_semaphore, #tpu.memory_space<semaphore_mem>>)
      %mul3A_49 = arith.constant 40 : i32
      %mul3A_50 = arith.muli %mul3A_19, %mul3A_49 : i32
      %add3A_51 = arith.addi %mul3A_2, %mul3A_50 : i32
      %dma_wait3A_52 = arith.constant 0 : i32
      %dma_wait3A_53 = tpu.memref_slice %arg4[%add3A_51, %dma_wait3A_52] : memref<112640x384xf32, #tpu.memory_space<hbm>> -> memref<40x384xf32, #tpu.memory_space<hbm>>
      %dma_wait3A_54 = arith.constant 0 : i32
      %dma_wait3A_55 = tpu.memref_slice %arg4[%add3A_51, %dma_wait3A_54] : memref<112640x384xf32, #tpu.memory_space<hbm>> -> memref<40x384xf32, #tpu.memory_space<hbm>>
      tpu.wait_dma2 semaphore(%arg10 : memref<!tpu.dma_semaphore, #tpu.memory_space<semaphore_mem>>) src(%arg6 : memref<40x384xf32, #tpu.memory_space<vmem>>) dst(%dma_wait3A_55 : memref<40x384xf32, #tpu.memory_space<hbm>>)
      %mul3A_56 = arith.constant 2 : i32
      %mul3A_57 = arith.muli %mul3A_56, %scan3A_17 : i32
      %add3A_58 = arith.constant 2 : i32
      %add3A_59 = arith.addi %mul3A_57, %add3A_58 : i32
      %lt3A = arith.constant 88 : i32
      %lt3A_60 = arith.cmpi slt, %add3A_59, %lt3A : i32
      %convert_element_type3A = arith.extui %lt3A_60 : i1 to i32
      %cond3A = arith.constant 0 : i32
      %cond3A_61 = arith.cmpi ne, %convert_element_type3A, %cond3A : i32
      scf.if %cond3A_61 {
        %add3A_80 = arith.constant 2 : i32
        %add3A_81 = arith.addi %mul3A_19, %add3A_80 : i32
        %mul3A_82 = arith.constant 40 : i32
        %mul3A_83 = arith.muli %add3A_81, %mul3A_82 : i32
        %dma_start3A_84 = tpu.memref_slice %arg5[%mul3A_83] : memref<3520xi32, #tpu.memory_space<vmem>> -> memref<40xi32, #tpu.memory_space<vmem>>
        %dma_start3A_85 = arith.constant 0 : i32
        %dma_start3A_86 = arith.constant 0 : i32
        %dma_start3A_87 = tpu.memref_slice %arg2[%dma_start3A_85, %dma_start3A_86] : memref<10000x384xf32, #tpu.memory_space<hbm>> -> memref<10000x384xf32, #tpu.memory_space<hbm>>
        tpu.enqueue_indirect_dma source(%dma_start3A_87 : memref<10000x384xf32, #tpu.memory_space<hbm>>) target(%arg6 : memref<40x384xf32, #tpu.memory_space<vmem>>) offsets(%dma_start3A_84 : memref<40xi32, #tpu.memory_space<vmem>>) semaphore(%arg8 : memref<!tpu.dma_semaphore, #tpu.memory_space<semaphore_mem>>)
      } else {
      }
      %add3A_62 = arith.constant 1 : i32
      %add3A_63 = arith.addi %mul3A_19, %add3A_62 : i32
      %mul3A_64 = arith.constant 40 : i32
      %mul3A_65 = arith.muli %add3A_63, %mul3A_64 : i32
      %add3A_66 = arith.addi %mul3A_2, %mul3A_65 : i32
      %dma_wait3A_67 = arith.constant 0 : i32
      %dma_wait3A_68 = tpu.memref_slice %arg4[%add3A_66, %dma_wait3A_67] : memref<112640x384xf32, #tpu.memory_space<hbm>> -> memref<40x384xf32, #tpu.memory_space<hbm>>
      %dma_wait3A_69 = arith.constant 0 : i32
      %dma_wait3A_70 = tpu.memref_slice %arg4[%add3A_66, %dma_wait3A_69] : memref<112640x384xf32, #tpu.memory_space<hbm>> -> memref<40x384xf32, #tpu.memory_space<hbm>>
      tpu.wait_dma2 semaphore(%arg11 : memref<!tpu.dma_semaphore, #tpu.memory_space<semaphore_mem>>) src(%arg7 : memref<40x384xf32, #tpu.memory_space<vmem>>) dst(%dma_wait3A_70 : memref<40x384xf32, #tpu.memory_space<hbm>>)
      %mul3A_71 = arith.constant 2 : i32
      %mul3A_72 = arith.muli %mul3A_71, %scan3A_17 : i32
      %add3A_73 = arith.constant 3 : i32
      %add3A_74 = arith.addi %mul3A_72, %add3A_73 : i32
      %lt3A_75 = arith.constant 88 : i32
      %lt3A_76 = arith.cmpi slt, %add3A_74, %lt3A_75 : i32
      %convert_element_type3A_77 = arith.extui %lt3A_76 : i1 to i32
      %cond3A_78 = arith.constant 0 : i32
      %cond3A_79 = arith.cmpi ne, %convert_element_type3A_77, %cond3A_78 : i32
      scf.if %cond3A_79 {
        %add3A_80 = arith.constant 3 : i32
        %add3A_81 = arith.addi %mul3A_19, %add3A_80 : i32
        %mul3A_82 = arith.constant 40 : i32
        %mul3A_83 = arith.muli %add3A_81, %mul3A_82 : i32
        %dma_start3A_84 = tpu.memref_slice %arg5[%mul3A_83] : memref<3520xi32, #tpu.memory_space<vmem>> -> memref<40xi32, #tpu.memory_space<vmem>>
        %dma_start3A_85 = arith.constant 0 : i32
        %dma_start3A_86 = arith.constant 0 : i32
        %dma_start3A_87 = tpu.memref_slice %arg2[%dma_start3A_85, %dma_start3A_86] : memref<10000x384xf32, #tpu.memory_space<hbm>> -> memref<10000x384xf32, #tpu.memory_space<hbm>>
        tpu.enqueue_indirect_dma source(%dma_start3A_87 : memref<10000x384xf32, #tpu.memory_space<hbm>>) target(%arg7 : memref<40x384xf32, #tpu.memory_space<vmem>>) offsets(%dma_start3A_84 : memref<40xi32, #tpu.memory_space<vmem>>) semaphore(%arg9 : memref<!tpu.dma_semaphore, #tpu.memory_space<semaphore_mem>>)
      } else {
      }
    }
    %scan3A_16 = arith.constant 44 : i32
    return
  }
}

#map = affine_map<(d0, d1) -> (0, 0)>
#map1 = affine_map<(d0, d1) -> (0)>
module attributes {stable_mosaic.version = 14 : i64} {
  func.func @body_fn(%arg0: i32, %arg1: i32, %arg2: memref<207360x128xf32, #tpu.memory_space<hbm>>, %arg3: memref<207360x128xf32, #tpu.memory_space<hbm>>, %arg4: memref<207360x128xf32, #tpu.memory_space<hbm>>, %arg5: memref<207360x128xf32, #tpu.memory_space<hbm>>, %arg6: memref<207360xi32, #tpu.memory_space<hbm>>, %arg7: memref<10000x128xf32, #tpu.memory_space<hbm>>, %arg8: memref<10000x128xf32, #tpu.memory_space<hbm>>, %arg9: memref<10000x128xf32, #tpu.memory_space<hbm>>, %arg10: memref<10000x128xf32, #tpu.memory_space<hbm>>, %arg11: memref<10000x128xf32, #tpu.memory_space<hbm>>, %arg12: memref<10000x128xf32, #tpu.memory_space<hbm>>, %arg13: memref<10000x128xf32, #tpu.memory_space<hbm>>, %arg14: memref<10000x128xf32, #tpu.memory_space<hbm>>, %arg15: memref<10000x128xf32, #tpu.memory_space<vmem_shared>>, %arg16: memref<160x128xf32, #tpu.memory_space<vmem>>, %arg17: memref<160x128xf32, #tpu.memory_space<vmem>>, %arg18: memref<80xi32, #tpu.memory_space<vmem>>, %arg19: memref<80xi32, #tpu.memory_space<vmem>>, %arg20: memref<80xi32, #tpu.memory_space<vmem>>, %arg21: memref<80xi32, #tpu.memory_space<vmem>>, %arg22: memref<!tpu.dma_semaphore, #tpu.memory_space<semaphore_mem>>, %arg23: memref<!tpu.dma_semaphore, #tpu.memory_space<semaphore_mem>>, %arg24: memref<!tpu.dma_semaphore, #tpu.memory_space<semaphore_mem>>, %arg25: memref<!tpu.dma_semaphore, #tpu.memory_space<semaphore_mem>>, %arg26: memref<!tpu.dma_semaphore, #tpu.memory_space<semaphore_mem>>, %arg27: memref<!tpu.dma_semaphore, #tpu.memory_space<semaphore_mem>>) attributes {dimension_semantics = [#tpu.dimension_semantics<core_parallel>, #tpu.dimension_semantics<subcore_parallel>], iteration_bounds = array<i64: 2, 16>, scalar_prefetch = 0 : i64, scratch_operands = 13 : i64, tpu.core_type = #tpu.core_type<sc_vector_subcore>, window_params = [{transform_indices = #map}, {transform_indices = #map}, {transform_indices = #map}, {transform_indices = #map}, {transform_indices = #map1}, {transform_indices = #map}, {transform_indices = #map}, {transform_indices = #map}, {transform_indices = #map}, {transform_indices = #map}, {transform_indices = #map}, {transform_indices = #map}, {transform_indices = #map}]} {
    %mul3A = arith.constant 624 : i32
    %mul3A_0 = arith.muli %arg1, %mul3A : i32
    %eq3A = arith.constant 0 : i32
    %eq3A_1 = arith.cmpi eq, %arg0, %eq3A : i32
    %convert_element_type3A = arith.extui %eq3A_1 : i1 to i32
    %cond3A = arith.constant 0 : i32
    %cond3A_2 = arith.cmpi ne, %convert_element_type3A, %cond3A : i32
    scf.if %cond3A_2 {
      "tpu.region"() ({
        %run_scoped3A = tpu.sem_alloc : memref<!tpu.dma_semaphore, #tpu.memory_space<semaphore_mem>>
        %dma_start3A_94 = arith.constant 0 : i32
        %dma_start3A_95 = tpu.memref_slice %arg15[%mul3A_0, %dma_start3A_94] : memref<10000x128xf32, #tpu.memory_space<vmem_shared>> -> memref<640x128xf32, #tpu.memory_space<vmem_shared>>
        %dma_start3A_96 = arith.constant 0 : i32
        %dma_start3A_97 = tpu.memref_slice %arg7[%mul3A_0, %dma_start3A_96] : memref<10000x128xf32, #tpu.memory_space<hbm>> -> memref<640x128xf32, #tpu.memory_space<hbm>>
        tpu.enqueue_dma source(%dma_start3A_97 : memref<640x128xf32, #tpu.memory_space<hbm>>) target(%dma_start3A_95 : memref<640x128xf32, #tpu.memory_space<vmem_shared>>) target_semaphore(%run_scoped3A : memref<!tpu.dma_semaphore, #tpu.memory_space<semaphore_mem>>)
        %dma_wait3A_98 = arith.constant 0 : i32
        %dma_wait3A_99 = tpu.memref_slice %arg15[%mul3A_0, %dma_wait3A_98] : memref<10000x128xf32, #tpu.memory_space<vmem_shared>> -> memref<640x128xf32, #tpu.memory_space<vmem_shared>>
        %dma_wait3A_100 = arith.constant 0 : i32
        %dma_wait3A_101 = tpu.memref_slice %arg7[%mul3A_0, %dma_wait3A_100] : memref<10000x128xf32, #tpu.memory_space<hbm>> -> memref<640x128xf32, #tpu.memory_space<hbm>>
        tpu.wait_dma2 semaphore(%run_scoped3A : memref<!tpu.dma_semaphore, #tpu.memory_space<semaphore_mem>>) src(%dma_wait3A_101 : memref<640x128xf32, #tpu.memory_space<hbm>>) dst(%dma_wait3A_99 : memref<640x128xf32, #tpu.memory_space<vmem_shared>>)
        tpu.yield
      }) : () -> ()
      %barrier3A = arith.constant 0 : index
      tpu.barrier barrier_id(%barrier3A)
      %mul3A_18 = arith.constant 12960 : i32
      %mul3A_19 = arith.muli %arg1, %mul3A_18 : i32
      %add3A = arith.constant 0 : i32
      %add3A_20 = arith.addi %mul3A_19, %add3A : i32
      %dma_start3A = arith.constant 0 : i32
      %dma_start3A_21 = tpu.memref_slice %arg2[%add3A_20, %dma_start3A] : memref<207360x128xf32, #tpu.memory_space<hbm>> -> memref<160x128xf32, #tpu.memory_space<hbm>>
      %dma_start3A_22 = arith.constant 0 : i32
      %dma_start3A_23 = tpu.memref_slice %arg2[%add3A_20, %dma_start3A_22] : memref<207360x128xf32, #tpu.memory_space<hbm>> -> memref<160x128xf32, #tpu.memory_space<hbm>>
      tpu.enqueue_dma source(%dma_start3A_23 : memref<160x128xf32, #tpu.memory_space<hbm>>) target(%arg16 : memref<160x128xf32, #tpu.memory_space<vmem>>) target_semaphore(%arg22 : memref<!tpu.dma_semaphore, #tpu.memory_space<semaphore_mem>>)
      %add3A_24 = arith.constant 0 : i32
      %add3A_25 = arith.addi %add3A_20, %add3A_24 : i32
      %dma_start3A_26 = tpu.memref_slice %arg6[%add3A_25] : memref<207360xi32, #tpu.memory_space<hbm>> -> memref<80xi32, #tpu.memory_space<hbm>>
      %dma_start3A_27 = tpu.memref_slice %arg6[%add3A_25] : memref<207360xi32, #tpu.memory_space<hbm>> -> memref<80xi32, #tpu.memory_space<hbm>>
      tpu.enqueue_dma source(%dma_start3A_27 : memref<80xi32, #tpu.memory_space<hbm>>) target(%arg18 : memref<80xi32, #tpu.memory_space<vmem>>) target_semaphore(%arg24 : memref<!tpu.dma_semaphore, #tpu.memory_space<semaphore_mem>>)
      %add3A_28 = arith.constant 80 : i32
      %add3A_29 = arith.addi %add3A_20, %add3A_28 : i32
      %dma_start3A_30 = tpu.memref_slice %arg6[%add3A_29] : memref<207360xi32, #tpu.memory_space<hbm>> -> memref<80xi32, #tpu.memory_space<hbm>>
      %dma_start3A_31 = tpu.memref_slice %arg6[%add3A_29] : memref<207360xi32, #tpu.memory_space<hbm>> -> memref<80xi32, #tpu.memory_space<hbm>>
      tpu.enqueue_dma source(%dma_start3A_31 : memref<80xi32, #tpu.memory_space<hbm>>) target(%arg19 : memref<80xi32, #tpu.memory_space<vmem>>) target_semaphore(%arg24 : memref<!tpu.dma_semaphore, #tpu.memory_space<semaphore_mem>>)
      %mul3A_32 = arith.constant 12960 : i32
      %mul3A_33 = arith.muli %arg1, %mul3A_32 : i32
      %add3A_34 = arith.constant 160 : i32
      %add3A_35 = arith.addi %mul3A_33, %add3A_34 : i32
      %dma_start3A_36 = arith.constant 0 : i32
      %dma_start3A_37 = tpu.memref_slice %arg2[%add3A_35, %dma_start3A_36] : memref<207360x128xf32, #tpu.memory_space<hbm>> -> memref<160x128xf32, #tpu.memory_space<hbm>>
      %dma_start3A_38 = arith.constant 0 : i32
      %dma_start3A_39 = tpu.memref_slice %arg2[%add3A_35, %dma_start3A_38] : memref<207360x128xf32, #tpu.memory_space<hbm>> -> memref<160x128xf32, #tpu.memory_space<hbm>>
      tpu.enqueue_dma source(%dma_start3A_39 : memref<160x128xf32, #tpu.memory_space<hbm>>) target(%arg17 : memref<160x128xf32, #tpu.memory_space<vmem>>) target_semaphore(%arg23 : memref<!tpu.dma_semaphore, #tpu.memory_space<semaphore_mem>>)
      %add3A_40 = arith.constant 0 : i32
      %add3A_41 = arith.addi %add3A_35, %add3A_40 : i32
      %dma_start3A_42 = tpu.memref_slice %arg6[%add3A_41] : memref<207360xi32, #tpu.memory_space<hbm>> -> memref<80xi32, #tpu.memory_space<hbm>>
      %dma_start3A_43 = tpu.memref_slice %arg6[%add3A_41] : memref<207360xi32, #tpu.memory_space<hbm>> -> memref<80xi32, #tpu.memory_space<hbm>>
      tpu.enqueue_dma source(%dma_start3A_43 : memref<80xi32, #tpu.memory_space<hbm>>) target(%arg20 : memref<80xi32, #tpu.memory_space<vmem>>) target_semaphore(%arg25 : memref<!tpu.dma_semaphore, #tpu.memory_space<semaphore_mem>>)
      %add3A_44 = arith.constant 80 : i32
      %add3A_45 = arith.addi %add3A_35, %add3A_44 : i32
      %dma_start3A_46 = tpu.memref_slice %arg6[%add3A_45] : memref<207360xi32, #tpu.memory_space<hbm>> -> memref<80xi32, #tpu.memory_space<hbm>>
      %dma_start3A_47 = tpu.memref_slice %arg6[%add3A_45] : memref<207360xi32, #tpu.memory_space<hbm>> -> memref<80xi32, #tpu.memory_space<hbm>>
      tpu.enqueue_dma source(%dma_start3A_47 : memref<80xi32, #tpu.memory_space<hbm>>) target(%arg21 : memref<80xi32, #tpu.memory_space<vmem>>) target_semaphore(%arg25 : memref<!tpu.dma_semaphore, #tpu.memory_space<semaphore_mem>>)
      %scan3A = arith.constant 0 : i32
      %scan3A_48 = arith.constant 0 : i32
      %scan3A_49 = arith.constant 40 : i32
      %scan3A_50 = arith.addi %scan3A_48, %scan3A_49 : i32
      %scan3A_51 = arith.constant 1 : i32
      scf.for %scan3A_94 = %scan3A_48 to %scan3A_50 step %scan3A_51  : i32 {
        %mul3A_95 = arith.constant 2 : i32
        %mul3A_96 = arith.muli %mul3A_95, %scan3A_94 : i32
        %mul3A_97 = arith.constant 12960 : i32
        %mul3A_98 = arith.muli %arg1, %mul3A_97 : i32
        %mul3A_99 = arith.constant 160 : i32
        %mul3A_100 = arith.muli %mul3A_96, %mul3A_99 : i32
        %add3A_101 = arith.addi %mul3A_98, %mul3A_100 : i32
        %dma_wait3A_102 = arith.constant 0 : i32
        %dma_wait3A_103 = tpu.memref_slice %arg2[%add3A_101, %dma_wait3A_102] : memref<207360x128xf32, #tpu.memory_space<hbm>> -> memref<160x128xf32, #tpu.memory_space<hbm>>
        %dma_wait3A_104 = arith.constant 0 : i32
        %dma_wait3A_105 = tpu.memref_slice %arg2[%add3A_101, %dma_wait3A_104] : memref<207360x128xf32, #tpu.memory_space<hbm>> -> memref<160x128xf32, #tpu.memory_space<hbm>>
        tpu.wait_dma2 semaphore(%arg22 : memref<!tpu.dma_semaphore, #tpu.memory_space<semaphore_mem>>) src(%dma_wait3A_105 : memref<160x128xf32, #tpu.memory_space<hbm>>) dst(%arg16 : memref<160x128xf32, #tpu.memory_space<vmem>>)
        %add3A_106 = arith.constant 0 : i32
        %add3A_107 = arith.addi %add3A_101, %add3A_106 : i32
        %dma_wait3A_108 = tpu.memref_slice %arg6[%add3A_107] : memref<207360xi32, #tpu.memory_space<hbm>> -> memref<80xi32, #tpu.memory_space<hbm>>
        %dma_wait3A_109 = tpu.memref_slice %arg6[%add3A_107] : memref<207360xi32, #tpu.memory_space<hbm>> -> memref<80xi32, #tpu.memory_space<hbm>>
        tpu.wait_dma2 semaphore(%arg24 : memref<!tpu.dma_semaphore, #tpu.memory_space<semaphore_mem>>) src(%dma_wait3A_109 : memref<80xi32, #tpu.memory_space<hbm>>) dst(%arg18 : memref<80xi32, #tpu.memory_space<vmem>>)
        %add3A_110 = arith.constant 80 : i32
        %add3A_111 = arith.addi %add3A_101, %add3A_110 : i32
        %dma_wait3A_112 = tpu.memref_slice %arg6[%add3A_111] : memref<207360xi32, #tpu.memory_space<hbm>> -> memref<80xi32, #tpu.memory_space<hbm>>
        %dma_wait3A_113 = tpu.memref_slice %arg6[%add3A_111] : memref<207360xi32, #tpu.memory_space<hbm>> -> memref<80xi32, #tpu.memory_space<hbm>>
        tpu.wait_dma2 semaphore(%arg24 : memref<!tpu.dma_semaphore, #tpu.memory_space<semaphore_mem>>) src(%dma_wait3A_113 : memref<80xi32, #tpu.memory_space<hbm>>) dst(%arg19 : memref<80xi32, #tpu.memory_space<vmem>>)
        %dma_start3A_114 = arith.constant 0 : i32
        %dma_start3A_115 = arith.constant 0 : i32
        %dma_start3A_116 = tpu.memref_slice %arg16[%dma_start3A_114, %dma_start3A_115] : memref<160x128xf32, #tpu.memory_space<vmem>> -> memref<80x128xf32, #tpu.memory_space<vmem>>
        %dma_start3A_117 = arith.constant 0 : i32
        %dma_start3A_118 = arith.constant 0 : i32
        %dma_start3A_119 = tpu.memref_slice %arg15[%dma_start3A_117, %dma_start3A_118] : memref<10000x128xf32, #tpu.memory_space<vmem_shared>> -> memref<10000x128xf32, #tpu.memory_space<vmem_shared>>
        tpu.enqueue_indirect_dma source(%dma_start3A_116 : memref<80x128xf32, #tpu.memory_space<vmem>>) target(%dma_start3A_119 : memref<10000x128xf32, #tpu.memory_space<vmem_shared>>) offsets(%arg18 : memref<80xi32, #tpu.memory_space<vmem>>) semaphore(%arg26 : memref<!tpu.dma_semaphore, #tpu.memory_space<semaphore_mem>>) {add = true}
        %dma_start3A_120 = arith.constant 80 : i32
        %dma_start3A_121 = arith.constant 0 : i32
        %dma_start3A_122 = tpu.memref_slice %arg16[%dma_start3A_120, %dma_start3A_121] : memref<160x128xf32, #tpu.memory_space<vmem>> -> memref<80x128xf32, #tpu.memory_space<vmem>>
        %dma_start3A_123 = arith.constant 0 : i32
        %dma_start3A_124 = arith.constant 0 : i32
        %dma_start3A_125 = tpu.memref_slice %arg15[%dma_start3A_123, %dma_start3A_124] : memref<10000x128xf32, #tpu.memory_space<vmem_shared>> -> memref<10000x128xf32, #tpu.memory_space<vmem_shared>>
        tpu.enqueue_indirect_dma source(%dma_start3A_122 : memref<80x128xf32, #tpu.memory_space<vmem>>) target(%dma_start3A_125 : memref<10000x128xf32, #tpu.memory_space<vmem_shared>>) offsets(%arg19 : memref<80xi32, #tpu.memory_space<vmem>>) semaphore(%arg26 : memref<!tpu.dma_semaphore, #tpu.memory_space<semaphore_mem>>) {add = true}
        %add3A_126 = arith.constant 1 : i32
        %add3A_127 = arith.addi %mul3A_96, %add3A_126 : i32
        %mul3A_128 = arith.constant 12960 : i32
        %mul3A_129 = arith.muli %arg1, %mul3A_128 : i32
        %mul3A_130 = arith.constant 160 : i32
        %mul3A_131 = arith.muli %add3A_127, %mul3A_130 : i32
        %add3A_132 = arith.addi %mul3A_129, %mul3A_131 : i32
        %dma_wait3A_133 = arith.constant 0 : i32
        %dma_wait3A_134 = tpu.memref_slice %arg2[%add3A_132, %dma_wait3A_133] : memref<207360x128xf32, #tpu.memory_space<hbm>> -> memref<160x128xf32, #tpu.memory_space<hbm>>
        %dma_wait3A_135 = arith.constant 0 : i32
        %dma_wait3A_136 = tpu.memref_slice %arg2[%add3A_132, %dma_wait3A_135] : memref<207360x128xf32, #tpu.memory_space<hbm>> -> memref<160x128xf32, #tpu.memory_space<hbm>>
        tpu.wait_dma2 semaphore(%arg23 : memref<!tpu.dma_semaphore, #tpu.memory_space<semaphore_mem>>) src(%dma_wait3A_136 : memref<160x128xf32, #tpu.memory_space<hbm>>) dst(%arg17 : memref<160x128xf32, #tpu.memory_space<vmem>>)
        %add3A_137 = arith.constant 0 : i32
        %add3A_138 = arith.addi %add3A_132, %add3A_137 : i32
        %dma_wait3A_139 = tpu.memref_slice %arg6[%add3A_138] : memref<207360xi32, #tpu.memory_space<hbm>> -> memref<80xi32, #tpu.memory_space<hbm>>
        %dma_wait3A_140 = tpu.memref_slice %arg6[%add3A_138] : memref<207360xi32, #tpu.memory_space<hbm>> -> memref<80xi32, #tpu.memory_space<hbm>>
        tpu.wait_dma2 semaphore(%arg25 : memref<!tpu.dma_semaphore, #tpu.memory_space<semaphore_mem>>) src(%dma_wait3A_140 : memref<80xi32, #tpu.memory_space<hbm>>) dst(%arg20 : memref<80xi32, #tpu.memory_space<vmem>>)
        %add3A_141 = arith.constant 80 : i32
        %add3A_142 = arith.addi %add3A_132, %add3A_141 : i32
        %dma_wait3A_143 = tpu.memref_slice %arg6[%add3A_142] : memref<207360xi32, #tpu.memory_space<hbm>> -> memref<80xi32, #tpu.memory_space<hbm>>
        %dma_wait3A_144 = tpu.memref_slice %arg6[%add3A_142] : memref<207360xi32, #tpu.memory_space<hbm>> -> memref<80xi32, #tpu.memory_space<hbm>>
        tpu.wait_dma2 semaphore(%arg25 : memref<!tpu.dma_semaphore, #tpu.memory_space<semaphore_mem>>) src(%dma_wait3A_144 : memref<80xi32, #tpu.memory_space<hbm>>) dst(%arg21 : memref<80xi32, #tpu.memory_space<vmem>>)
        %dma_start3A_145 = arith.constant 0 : i32
        %dma_start3A_146 = arith.constant 0 : i32
        %dma_start3A_147 = tpu.memref_slice %arg17[%dma_start3A_145, %dma_start3A_146] : memref<160x128xf32, #tpu.memory_space<vmem>> -> memref<80x128xf32, #tpu.memory_space<vmem>>
        %dma_start3A_148 = arith.constant 0 : i32
        %dma_start3A_149 = arith.constant 0 : i32
        %dma_start3A_150 = tpu.memref_slice %arg15[%dma_start3A_148, %dma_start3A_149] : memref<10000x128xf32, #tpu.memory_space<vmem_shared>> -> memref<10000x128xf32, #tpu.memory_space<vmem_shared>>
        tpu.enqueue_indirect_dma source(%dma_start3A_147 : memref<80x128xf32, #tpu.memory_space<vmem>>) target(%dma_start3A_150 : memref<10000x128xf32, #tpu.memory_space<vmem_shared>>) offsets(%arg20 : memref<80xi32, #tpu.memory_space<vmem>>) semaphore(%arg27 : memref<!tpu.dma_semaphore, #tpu.memory_space<semaphore_mem>>) {add = true}
        %dma_start3A_151 = arith.constant 80 : i32
        %dma_start3A_152 = arith.constant 0 : i32
        %dma_start3A_153 = tpu.memref_slice %arg17[%dma_start3A_151, %dma_start3A_152] : memref<160x128xf32, #tpu.memory_space<vmem>> -> memref<80x128xf32, #tpu.memory_space<vmem>>
        %dma_start3A_154 = arith.constant 0 : i32
        %dma_start3A_155 = arith.constant 0 : i32
        %dma_start3A_156 = tpu.memref_slice %arg15[%dma_start3A_154, %dma_start3A_155] : memref<10000x128xf32, #tpu.memory_space<vmem_shared>> -> memref<10000x128xf32, #tpu.memory_space<vmem_shared>>
        tpu.enqueue_indirect_dma source(%dma_start3A_153 : memref<80x128xf32, #tpu.memory_space<vmem>>) target(%dma_start3A_156 : memref<10000x128xf32, #tpu.memory_space<vmem_shared>>) offsets(%arg21 : memref<80xi32, #tpu.memory_space<vmem>>) semaphore(%arg27 : memref<!tpu.dma_semaphore, #tpu.memory_space<semaphore_mem>>) {add = true}
        %dma_wait3A_157 = arith.constant 0 : i32
        %dma_wait3A_158 = arith.constant 0 : i32
        %dma_wait3A_159 = tpu.memref_slice %arg16[%dma_wait3A_157, %dma_wait3A_158] : memref<160x128xf32, #tpu.memory_space<vmem>> -> memref<80x128xf32, #tpu.memory_space<vmem>>
        %dma_wait3A_160 = arith.constant 0 : i32
        %dma_wait3A_161 = arith.constant 0 : i32
        %dma_wait3A_162 = tpu.memref_slice %arg15[%dma_wait3A_160, %dma_wait3A_161] : memref<10000x128xf32, #tpu.memory_space<vmem_shared>> -> memref<10000x128xf32, #tpu.memory_space<vmem_shared>>
        tpu.wait_indirect_dma semaphore(%arg26 : memref<!tpu.dma_semaphore, #tpu.memory_space<semaphore_mem>>) src(%dma_wait3A_159 : memref<80x128xf32, #tpu.memory_space<vmem>>) dst(%dma_wait3A_162 : memref<10000x128xf32, #tpu.memory_space<vmem_shared>>)
        %dma_wait3A_163 = arith.constant 80 : i32
        %dma_wait3A_164 = arith.constant 0 : i32
        %dma_wait3A_165 = tpu.memref_slice %arg16[%dma_wait3A_163, %dma_wait3A_164] : memref<160x128xf32, #tpu.memory_space<vmem>> -> memref<80x128xf32, #tpu.memory_space<vmem>>
        %dma_wait3A_166 = arith.constant 0 : i32
        %dma_wait3A_167 = arith.constant 0 : i32
        %dma_wait3A_168 = tpu.memref_slice %arg15[%dma_wait3A_166, %dma_wait3A_167] : memref<10000x128xf32, #tpu.memory_space<vmem_shared>> -> memref<10000x128xf32, #tpu.memory_space<vmem_shared>>
        tpu.wait_indirect_dma semaphore(%arg26 : memref<!tpu.dma_semaphore, #tpu.memory_space<semaphore_mem>>) src(%dma_wait3A_165 : memref<80x128xf32, #tpu.memory_space<vmem>>) dst(%dma_wait3A_168 : memref<10000x128xf32, #tpu.memory_space<vmem_shared>>)
        %mul3A_169 = arith.constant 2 : i32
        %mul3A_170 = arith.muli %mul3A_169, %scan3A_94 : i32
        %add3A_171 = arith.constant 2 : i32
        %add3A_172 = arith.addi %mul3A_170, %add3A_171 : i32
        %lt3A = arith.constant 81 : i32
        %lt3A_173 = arith.cmpi slt, %add3A_172, %lt3A : i32
        %convert_element_type3A_174 = arith.extui %lt3A_173 : i1 to i32
        %cond3A_175 = arith.constant 0 : i32
        %cond3A_176 = arith.cmpi ne, %convert_element_type3A_174, %cond3A_175 : i32
        scf.if %cond3A_176 {
          %add3A_198 = arith.constant 2 : i32
          %add3A_199 = arith.addi %mul3A_96, %add3A_198 : i32
          %mul3A_200 = arith.constant 12960 : i32
          %mul3A_201 = arith.muli %arg1, %mul3A_200 : i32
          %mul3A_202 = arith.constant 160 : i32
          %mul3A_203 = arith.muli %add3A_199, %mul3A_202 : i32
          %add3A_204 = arith.addi %mul3A_201, %mul3A_203 : i32
          %dma_start3A_205 = arith.constant 0 : i32
          %dma_start3A_206 = tpu.memref_slice %arg2[%add3A_204, %dma_start3A_205] : memref<207360x128xf32, #tpu.memory_space<hbm>> -> memref<160x128xf32, #tpu.memory_space<hbm>>
          %dma_start3A_207 = arith.constant 0 : i32
          %dma_start3A_208 = tpu.memref_slice %arg2[%add3A_204, %dma_start3A_207] : memref<207360x128xf32, #tpu.memory_space<hbm>> -> memref<160x128xf32, #tpu.memory_space<hbm>>
          tpu.enqueue_dma source(%dma_start3A_208 : memref<160x128xf32, #tpu.memory_space<hbm>>) target(%arg16 : memref<160x128xf32, #tpu.memory_space<vmem>>) target_semaphore(%arg22 : memref<!tpu.dma_semaphore, #tpu.memory_space<semaphore_mem>>)
          %add3A_209 = arith.constant 0 : i32
          %add3A_210 = arith.addi %add3A_204, %add3A_209 : i32
          %dma_start3A_211 = tpu.memref_slice %arg6[%add3A_210] : memref<207360xi32, #tpu.memory_space<hbm>> -> memref<80xi32, #tpu.memory_space<hbm>>
          %dma_start3A_212 = tpu.memref_slice %arg6[%add3A_210] : memref<207360xi32, #tpu.memory_space<hbm>> -> memref<80xi32, #tpu.memory_space<hbm>>
          tpu.enqueue_dma source(%dma_start3A_212 : memref<80xi32, #tpu.memory_space<hbm>>) target(%arg18 : memref<80xi32, #tpu.memory_space<vmem>>) target_semaphore(%arg24 : memref<!tpu.dma_semaphore, #tpu.memory_space<semaphore_mem>>)
          %add3A_213 = arith.constant 80 : i32
          %add3A_214 = arith.addi %add3A_204, %add3A_213 : i32
          %dma_start3A_215 = tpu.memref_slice %arg6[%add3A_214] : memref<207360xi32, #tpu.memory_space<hbm>> -> memref<80xi32, #tpu.memory_space<hbm>>
          %dma_start3A_216 = tpu.memref_slice %arg6[%add3A_214] : memref<207360xi32, #tpu.memory_space<hbm>> -> memref<80xi32, #tpu.memory_space<hbm>>
          tpu.enqueue_dma source(%dma_start3A_216 : memref<80xi32, #tpu.memory_space<hbm>>) target(%arg19 : memref<80xi32, #tpu.memory_space<vmem>>) target_semaphore(%arg24 : memref<!tpu.dma_semaphore, #tpu.memory_space<semaphore_mem>>)
        } else {
        }
        %dma_wait3A_177 = arith.constant 0 : i32
        %dma_wait3A_178 = arith.constant 0 : i32
        %dma_wait3A_179 = tpu.memref_slice %arg17[%dma_wait3A_177, %dma_wait3A_178] : memref<160x128xf32, #tpu.memory_space<vmem>> -> memref<80x128xf32, #tpu.memory_space<vmem>>
        %dma_wait3A_180 = arith.constant 0 : i32
        %dma_wait3A_181 = arith.constant 0 : i32
        %dma_wait3A_182 = tpu.memref_slice %arg15[%dma_wait3A_180, %dma_wait3A_181] : memref<10000x128xf32, #tpu.memory_space<vmem_shared>> -> memref<10000x128xf32, #tpu.memory_space<vmem_shared>>
        tpu.wait_indirect_dma semaphore(%arg27 : memref<!tpu.dma_semaphore, #tpu.memory_space<semaphore_mem>>) src(%dma_wait3A_179 : memref<80x128xf32, #tpu.memory_space<vmem>>) dst(%dma_wait3A_182 : memref<10000x128xf32, #tpu.memory_space<vmem_shared>>)
        %dma_wait3A_183 = arith.constant 80 : i32
        %dma_wait3A_184 = arith.constant 0 : i32
        %dma_wait3A_185 = tpu.memref_slice %arg17[%dma_wait3A_183, %dma_wait3A_184] : memref<160x128xf32, #tpu.memory_space<vmem>> -> memref<80x128xf32, #tpu.memory_space<vmem>>
        %dma_wait3A_186 = arith.constant 0 : i32
        %dma_wait3A_187 = arith.constant 0 : i32
        %dma_wait3A_188 = tpu.memref_slice %arg15[%dma_wait3A_186, %dma_wait3A_187] : memref<10000x128xf32, #tpu.memory_space<vmem_shared>> -> memref<10000x128xf32, #tpu.memory_space<vmem_shared>>
        tpu.wait_indirect_dma semaphore(%arg27 : memref<!tpu.dma_semaphore, #tpu.memory_space<semaphore_mem>>) src(%dma_wait3A_185 : memref<80x128xf32, #tpu.memory_space<vmem>>) dst(%dma_wait3A_188 : memref<10000x128xf32, #tpu.memory_space<vmem_shared>>)
        %mul3A_189 = arith.constant 2 : i32
        %mul3A_190 = arith.muli %mul3A_189, %scan3A_94 : i32
        %add3A_191 = arith.constant 3 : i32
        %add3A_192 = arith.addi %mul3A_190, %add3A_191 : i32
        %lt3A_193 = arith.constant 81 : i32
        %lt3A_194 = arith.cmpi slt, %add3A_192, %lt3A_193 : i32
        %convert_element_type3A_195 = arith.extui %lt3A_194 : i1 to i32
        %cond3A_196 = arith.constant 0 : i32
        %cond3A_197 = arith.cmpi ne, %convert_element_type3A_195, %cond3A_196 : i32
        scf.if %cond3A_197 {
          %add3A_198 = arith.constant 3 : i32
          %add3A_199 = arith.addi %mul3A_96, %add3A_198 : i32
          %mul3A_200 = arith.constant 12960 : i32
          %mul3A_201 = arith.muli %arg1, %mul3A_200 : i32
          %mul3A_202 = arith.constant 160 : i32
          %mul3A_203 = arith.muli %add3A_199, %mul3A_202 : i32
          %add3A_204 = arith.addi %mul3A_201, %mul3A_203 : i32
          %dma_start3A_205 = arith.constant 0 : i32
          %dma_start3A_206 = tpu.memref_slice %arg2[%add3A_204, %dma_start3A_205] : memref<207360x128xf32, #tpu.memory_space<hbm>> -> memref<160x128xf32, #tpu.memory_space<hbm>>
          %dma_start3A_207 = arith.constant 0 : i32
          %dma_start3A_208 = tpu.memref_slice %arg2[%add3A_204, %dma_start3A_207] : memref<207360x128xf32, #tpu.memory_space<hbm>> -> memref<160x128xf32, #tpu.memory_space<hbm>>
          tpu.enqueue_dma source(%dma_start3A_208 : memref<160x128xf32, #tpu.memory_space<hbm>>) target(%arg17 : memref<160x128xf32, #tpu.memory_space<vmem>>) target_semaphore(%arg23 : memref<!tpu.dma_semaphore, #tpu.memory_space<semaphore_mem>>)
          %add3A_209 = arith.constant 0 : i32
          %add3A_210 = arith.addi %add3A_204, %add3A_209 : i32
          %dma_start3A_211 = tpu.memref_slice %arg6[%add3A_210] : memref<207360xi32, #tpu.memory_space<hbm>> -> memref<80xi32, #tpu.memory_space<hbm>>
          %dma_start3A_212 = tpu.memref_slice %arg6[%add3A_210] : memref<207360xi32, #tpu.memory_space<hbm>> -> memref<80xi32, #tpu.memory_space<hbm>>
          tpu.enqueue_dma source(%dma_start3A_212 : memref<80xi32, #tpu.memory_space<hbm>>) target(%arg20 : memref<80xi32, #tpu.memory_space<vmem>>) target_semaphore(%arg25 : memref<!tpu.dma_semaphore, #tpu.memory_space<semaphore_mem>>)
          %add3A_213 = arith.constant 80 : i32
          %add3A_214 = arith.addi %add3A_204, %add3A_213 : i32
          %dma_start3A_215 = tpu.memref_slice %arg6[%add3A_214] : memref<207360xi32, #tpu.memory_space<hbm>> -> memref<80xi32, #tpu.memory_space<hbm>>
          %dma_start3A_216 = tpu.memref_slice %arg6[%add3A_214] : memref<207360xi32, #tpu.memory_space<hbm>> -> memref<80xi32, #tpu.memory_space<hbm>>
          tpu.enqueue_dma source(%dma_start3A_216 : memref<80xi32, #tpu.memory_space<hbm>>) target(%arg21 : memref<80xi32, #tpu.memory_space<vmem>>) target_semaphore(%arg25 : memref<!tpu.dma_semaphore, #tpu.memory_space<semaphore_mem>>)
        } else {
        }
      }
      %scan3A_52 = arith.constant 40 : i32
      %mul3A_53 = arith.constant 12960 : i32
      %mul3A_54 = arith.muli %arg1, %mul3A_53 : i32
      %add3A_55 = arith.constant 12800 : i32
      %add3A_56 = arith.addi %mul3A_54, %add3A_55 : i32
      %dma_wait3A = arith.constant 0 : i32
      %dma_wait3A_57 = tpu.memref_slice %arg2[%add3A_56, %dma_wait3A] : memref<207360x128xf32, #tpu.memory_space<hbm>> -> memref<160x128xf32, #tpu.memory_space<hbm>>
      %dma_wait3A_58 = arith.constant 0 : i32
      %dma_wait3A_59 = tpu.memref_slice %arg2[%add3A_56, %dma_wait3A_58] : memref<207360x128xf32, #tpu.memory_space<hbm>> -> memref<160x128xf32, #tpu.memory_space<hbm>>
      tpu.wait_dma2 semaphore(%arg22 : memref<!tpu.dma_semaphore, #tpu.memory_space<semaphore_mem>>) src(%dma_wait3A_59 : memref<160x128xf32, #tpu.memory_space<hbm>>) dst(%arg16 : memref<160x128xf32, #tpu.memory_space<vmem>>)
      %add3A_60 = arith.constant 0 : i32
      %add3A_61 = arith.addi %add3A_56, %add3A_60 : i32
      %dma_wait3A_62 = tpu.memref_slice %arg6[%add3A_61] : memref<207360xi32, #tpu.memory_space<hbm>> -> memref<80xi32, #tpu.memory_space<hbm>>
      %dma_wait3A_63 = tpu.memref_slice %arg6[%add3A_61] : memref<207360xi32, #tpu.memory_space<hbm>> -> memref<80xi32, #tpu.memory_space<hbm>>
      tpu.wait_dma2 semaphore(%arg24 : memref<!tpu.dma_semaphore, #tpu.memory_space<semaphore_mem>>) src(%dma_wait3A_63 : memref<80xi32, #tpu.memory_space<hbm>>) dst(%arg18 : memref<80xi32, #tpu.memory_space<vmem>>)
      %add3A_64 = arith.constant 80 : i32
      %add3A_65 = arith.addi %add3A_56, %add3A_64 : i32
      %dma_wait3A_66 = tpu.memref_slice %arg6[%add3A_65] : memref<207360xi32, #tpu.memory_space<hbm>> -> memref<80xi32, #tpu.memory_space<hbm>>
      %dma_wait3A_67 = tpu.memref_slice %arg6[%add3A_65] : memref<207360xi32, #tpu.memory_space<hbm>> -> memref<80xi32, #tpu.memory_space<hbm>>
      tpu.wait_dma2 semaphore(%arg24 : memref<!tpu.dma_semaphore, #tpu.memory_space<semaphore_mem>>) src(%dma_wait3A_67 : memref<80xi32, #tpu.memory_space<hbm>>) dst(%arg19 : memref<80xi32, #tpu.memory_space<vmem>>)
      %dma_start3A_68 = arith.constant 0 : i32
      %dma_start3A_69 = arith.constant 0 : i32
      %dma_start3A_70 = tpu.memref_slice %arg16[%dma_start3A_68, %dma_start3A_69] : memref<160x128xf32, #tpu.memory_space<vmem>> -> memref<80x128xf32, #tpu.memory_space<vmem>>
      %dma_start3A_71 = arith.constant 0 : i32
      %dma_start3A_72 = arith.constant 0 : i32
      %dma_start3A_73 = tpu.memref_slice %arg15[%dma_start3A_71, %dma_start3A_72] : memref<10000x128xf32, #tpu.memory_space<vmem_shared>> -> memref<10000x128xf32, #tpu.memory_space<vmem_shared>>
      tpu.enqueue_indirect_dma source(%dma_start3A_70 : memref<80x128xf32, #tpu.memory_space<vmem>>) target(%dma_start3A_73 : memref<10000x128xf32, #tpu.memory_space<vmem_shared>>) offsets(%arg18 : memref<80xi32, #tpu.memory_space<vmem>>) semaphore(%arg26 : memref<!tpu.dma_semaphore, #tpu.memory_space<semaphore_mem>>) {add = true}
      %dma_start3A_74 = arith.constant 80 : i32
      %dma_start3A_75 = arith.constant 0 : i32
      %dma_start3A_76 = tpu.memref_slice %arg16[%dma_start3A_74, %dma_start3A_75] : memref<160x128xf32, #tpu.memory_space<vmem>> -> memref<80x128xf32, #tpu.memory_space<vmem>>
      %dma_start3A_77 = arith.constant 0 : i32
      %dma_start3A_78 = arith.constant 0 : i32
      %dma_start3A_79 = tpu.memref_slice %arg15[%dma_start3A_77, %dma_start3A_78] : memref<10000x128xf32, #tpu.memory_space<vmem_shared>> -> memref<10000x128xf32, #tpu.memory_space<vmem_shared>>
      tpu.enqueue_indirect_dma source(%dma_start3A_76 : memref<80x128xf32, #tpu.memory_space<vmem>>) target(%dma_start3A_79 : memref<10000x128xf32, #tpu.memory_space<vmem_shared>>) offsets(%arg19 : memref<80xi32, #tpu.memory_space<vmem>>) semaphore(%arg26 : memref<!tpu.dma_semaphore, #tpu.memory_space<semaphore_mem>>) {add = true}
      %dma_wait3A_80 = arith.constant 0 : i32
      %dma_wait3A_81 = arith.constant 0 : i32
      %dma_wait3A_82 = tpu.memref_slice %arg16[%dma_wait3A_80, %dma_wait3A_81] : memref<160x128xf32, #tpu.memory_space<vmem>> -> memref<80x128xf32, #tpu.memory_space<vmem>>
      %dma_wait3A_83 = arith.constant 0 : i32
      %dma_wait3A_84 = arith.constant 0 : i32
      %dma_wait3A_85 = tpu.memref_slice %arg15[%dma_wait3A_83, %dma_wait3A_84] : memref<10000x128xf32, #tpu.memory_space<vmem_shared>> -> memref<10000x128xf32, #tpu.memory_space<vmem_shared>>
      tpu.wait_indirect_dma semaphore(%arg26 : memref<!tpu.dma_semaphore, #tpu.memory_space<semaphore_mem>>) src(%dma_wait3A_82 : memref<80x128xf32, #tpu.memory_space<vmem>>) dst(%dma_wait3A_85 : memref<10000x128xf32, #tpu.memory_space<vmem_shared>>)
      %dma_wait3A_86 = arith.constant 80 : i32
      %dma_wait3A_87 = arith.constant 0 : i32
      %dma_wait3A_88 = tpu.memref_slice %arg16[%dma_wait3A_86, %dma_wait3A_87] : memref<160x128xf32, #tpu.memory_space<vmem>> -> memref<80x128xf32, #tpu.memory_space<vmem>>
      %dma_wait3A_89 = arith.constant 0 : i32
      %dma_wait3A_90 = arith.constant 0 : i32
      %dma_wait3A_91 = tpu.memref_slice %arg15[%dma_wait3A_89, %dma_wait3A_90] : memref<10000x128xf32, #tpu.memory_space<vmem_shared>> -> memref<10000x128xf32, #tpu.memory_space<vmem_shared>>
      tpu.wait_indirect_dma semaphore(%arg26 : memref<!tpu.dma_semaphore, #tpu.memory_space<semaphore_mem>>) src(%dma_wait3A_88 : memref<80x128xf32, #tpu.memory_space<vmem>>) dst(%dma_wait3A_91 : memref<10000x128xf32, #tpu.memory_space<vmem_shared>>)
      %barrier3A_92 = arith.constant 0 : index
      tpu.barrier barrier_id(%barrier3A_92)
      "tpu.region"() ({
        %run_scoped3A = tpu.sem_alloc : memref<!tpu.dma_semaphore, #tpu.memory_space<semaphore_mem>>
        %dma_start3A_94 = arith.constant 0 : i32
        %dma_start3A_95 = tpu.memref_slice %arg11[%mul3A_0, %dma_start3A_94] : memref<10000x128xf32, #tpu.memory_space<hbm>> -> memref<640x128xf32, #tpu.memory_space<hbm>>
        %dma_start3A_96 = arith.constant 0 : i32
        %dma_start3A_97 = tpu.memref_slice %arg15[%mul3A_0, %dma_start3A_96] : memref<10000x128xf32, #tpu.memory_space<vmem_shared>> -> memref<640x128xf32, #tpu.memory_space<vmem_shared>>
        tpu.enqueue_dma source(%dma_start3A_97 : memref<640x128xf32, #tpu.memory_space<vmem_shared>>) target(%dma_start3A_95 : memref<640x128xf32, #tpu.memory_space<hbm>>) target_semaphore(%run_scoped3A : memref<!tpu.dma_semaphore, #tpu.memory_space<semaphore_mem>>)
        %dma_wait3A_98 = arith.constant 0 : i32
        %dma_wait3A_99 = tpu.memref_slice %arg11[%mul3A_0, %dma_wait3A_98] : memref<10000x128xf32, #tpu.memory_space<hbm>> -> memref<640x128xf32, #tpu.memory_space<hbm>>
        %dma_wait3A_100 = arith.constant 0 : i32
        %dma_wait3A_101 = tpu.memref_slice %arg15[%mul3A_0, %dma_wait3A_100] : memref<10000x128xf32, #tpu.memory_space<vmem_shared>> -> memref<640x128xf32, #tpu.memory_space<vmem_shared>>
        tpu.wait_dma2 semaphore(%run_scoped3A : memref<!tpu.dma_semaphore, #tpu.memory_space<semaphore_mem>>) src(%dma_wait3A_101 : memref<640x128xf32, #tpu.memory_space<vmem_shared>>) dst(%dma_wait3A_99 : memref<640x128xf32, #tpu.memory_space<hbm>>)
        tpu.yield
      }) : () -> ()
      %barrier3A_93 = arith.constant 0 : index
      tpu.barrier barrier_id(%barrier3A_93)
    } else {
    }
    %eq3A_3 = arith.constant 1 : i32
    %eq3A_4 = arith.cmpi eq, %arg0, %eq3A_3 : i32
    %convert_element_type3A_5 = arith.extui %eq3A_4 : i1 to i32
    %cond3A_6 = arith.constant 0 : i32
    %cond3A_7 = arith.cmpi ne, %convert_element_type3A_5, %cond3A_6 : i32
    scf.if %cond3A_7 {
      "tpu.region"() ({
        %run_scoped3A = tpu.sem_alloc : memref<!tpu.dma_semaphore, #tpu.memory_space<semaphore_mem>>
        %dma_start3A_94 = arith.constant 0 : i32
        %dma_start3A_95 = tpu.memref_slice %arg15[%mul3A_0, %dma_start3A_94] : memref<10000x128xf32, #tpu.memory_space<vmem_shared>> -> memref<640x128xf32, #tpu.memory_space<vmem_shared>>
        %dma_start3A_96 = arith.constant 0 : i32
        %dma_start3A_97 = tpu.memref_slice %arg8[%mul3A_0, %dma_start3A_96] : memref<10000x128xf32, #tpu.memory_space<hbm>> -> memref<640x128xf32, #tpu.memory_space<hbm>>
        tpu.enqueue_dma source(%dma_start3A_97 : memref<640x128xf32, #tpu.memory_space<hbm>>) target(%dma_start3A_95 : memref<640x128xf32, #tpu.memory_space<vmem_shared>>) target_semaphore(%run_scoped3A : memref<!tpu.dma_semaphore, #tpu.memory_space<semaphore_mem>>)
        %dma_wait3A_98 = arith.constant 0 : i32
        %dma_wait3A_99 = tpu.memref_slice %arg15[%mul3A_0, %dma_wait3A_98] : memref<10000x128xf32, #tpu.memory_space<vmem_shared>> -> memref<640x128xf32, #tpu.memory_space<vmem_shared>>
        %dma_wait3A_100 = arith.constant 0 : i32
        %dma_wait3A_101 = tpu.memref_slice %arg8[%mul3A_0, %dma_wait3A_100] : memref<10000x128xf32, #tpu.memory_space<hbm>> -> memref<640x128xf32, #tpu.memory_space<hbm>>
        tpu.wait_dma2 semaphore(%run_scoped3A : memref<!tpu.dma_semaphore, #tpu.memory_space<semaphore_mem>>) src(%dma_wait3A_101 : memref<640x128xf32, #tpu.memory_space<hbm>>) dst(%dma_wait3A_99 : memref<640x128xf32, #tpu.memory_space<vmem_shared>>)
        tpu.yield
      }) : () -> ()
      %barrier3A = arith.constant 0 : index
      tpu.barrier barrier_id(%barrier3A)
      %mul3A_18 = arith.constant 12960 : i32
      %mul3A_19 = arith.muli %arg1, %mul3A_18 : i32
      %add3A = arith.constant 0 : i32
      %add3A_20 = arith.addi %mul3A_19, %add3A : i32
      %dma_start3A = arith.constant 0 : i32
      %dma_start3A_21 = tpu.memref_slice %arg3[%add3A_20, %dma_start3A] : memref<207360x128xf32, #tpu.memory_space<hbm>> -> memref<160x128xf32, #tpu.memory_space<hbm>>
      %dma_start3A_22 = arith.constant 0 : i32
      %dma_start3A_23 = tpu.memref_slice %arg3[%add3A_20, %dma_start3A_22] : memref<207360x128xf32, #tpu.memory_space<hbm>> -> memref<160x128xf32, #tpu.memory_space<hbm>>
      tpu.enqueue_dma source(%dma_start3A_23 : memref<160x128xf32, #tpu.memory_space<hbm>>) target(%arg16 : memref<160x128xf32, #tpu.memory_space<vmem>>) target_semaphore(%arg22 : memref<!tpu.dma_semaphore, #tpu.memory_space<semaphore_mem>>)
      %add3A_24 = arith.constant 0 : i32
      %add3A_25 = arith.addi %add3A_20, %add3A_24 : i32
      %dma_start3A_26 = tpu.memref_slice %arg6[%add3A_25] : memref<207360xi32, #tpu.memory_space<hbm>> -> memref<80xi32, #tpu.memory_space<hbm>>
      %dma_start3A_27 = tpu.memref_slice %arg6[%add3A_25] : memref<207360xi32, #tpu.memory_space<hbm>> -> memref<80xi32, #tpu.memory_space<hbm>>
      tpu.enqueue_dma source(%dma_start3A_27 : memref<80xi32, #tpu.memory_space<hbm>>) target(%arg18 : memref<80xi32, #tpu.memory_space<vmem>>) target_semaphore(%arg24 : memref<!tpu.dma_semaphore, #tpu.memory_space<semaphore_mem>>)
      %add3A_28 = arith.constant 80 : i32
      %add3A_29 = arith.addi %add3A_20, %add3A_28 : i32
      %dma_start3A_30 = tpu.memref_slice %arg6[%add3A_29] : memref<207360xi32, #tpu.memory_space<hbm>> -> memref<80xi32, #tpu.memory_space<hbm>>
      %dma_start3A_31 = tpu.memref_slice %arg6[%add3A_29] : memref<207360xi32, #tpu.memory_space<hbm>> -> memref<80xi32, #tpu.memory_space<hbm>>
      tpu.enqueue_dma source(%dma_start3A_31 : memref<80xi32, #tpu.memory_space<hbm>>) target(%arg19 : memref<80xi32, #tpu.memory_space<vmem>>) target_semaphore(%arg24 : memref<!tpu.dma_semaphore, #tpu.memory_space<semaphore_mem>>)
      %mul3A_32 = arith.constant 12960 : i32
      %mul3A_33 = arith.muli %arg1, %mul3A_32 : i32
      %add3A_34 = arith.constant 160 : i32
      %add3A_35 = arith.addi %mul3A_33, %add3A_34 : i32
      %dma_start3A_36 = arith.constant 0 : i32
      %dma_start3A_37 = tpu.memref_slice %arg3[%add3A_35, %dma_start3A_36] : memref<207360x128xf32, #tpu.memory_space<hbm>> -> memref<160x128xf32, #tpu.memory_space<hbm>>
      %dma_start3A_38 = arith.constant 0 : i32
      %dma_start3A_39 = tpu.memref_slice %arg3[%add3A_35, %dma_start3A_38] : memref<207360x128xf32, #tpu.memory_space<hbm>> -> memref<160x128xf32, #tpu.memory_space<hbm>>
      tpu.enqueue_dma source(%dma_start3A_39 : memref<160x128xf32, #tpu.memory_space<hbm>>) target(%arg17 : memref<160x128xf32, #tpu.memory_space<vmem>>) target_semaphore(%arg23 : memref<!tpu.dma_semaphore, #tpu.memory_space<semaphore_mem>>)
      %add3A_40 = arith.constant 0 : i32
      %add3A_41 = arith.addi %add3A_35, %add3A_40 : i32
      %dma_start3A_42 = tpu.memref_slice %arg6[%add3A_41] : memref<207360xi32, #tpu.memory_space<hbm>> -> memref<80xi32, #tpu.memory_space<hbm>>
      %dma_start3A_43 = tpu.memref_slice %arg6[%add3A_41] : memref<207360xi32, #tpu.memory_space<hbm>> -> memref<80xi32, #tpu.memory_space<hbm>>
      tpu.enqueue_dma source(%dma_start3A_43 : memref<80xi32, #tpu.memory_space<hbm>>) target(%arg20 : memref<80xi32, #tpu.memory_space<vmem>>) target_semaphore(%arg25 : memref<!tpu.dma_semaphore, #tpu.memory_space<semaphore_mem>>)
      %add3A_44 = arith.constant 80 : i32
      %add3A_45 = arith.addi %add3A_35, %add3A_44 : i32
      %dma_start3A_46 = tpu.memref_slice %arg6[%add3A_45] : memref<207360xi32, #tpu.memory_space<hbm>> -> memref<80xi32, #tpu.memory_space<hbm>>
      %dma_start3A_47 = tpu.memref_slice %arg6[%add3A_45] : memref<207360xi32, #tpu.memory_space<hbm>> -> memref<80xi32, #tpu.memory_space<hbm>>
      tpu.enqueue_dma source(%dma_start3A_47 : memref<80xi32, #tpu.memory_space<hbm>>) target(%arg21 : memref<80xi32, #tpu.memory_space<vmem>>) target_semaphore(%arg25 : memref<!tpu.dma_semaphore, #tpu.memory_space<semaphore_mem>>)
      %scan3A = arith.constant 0 : i32
      %scan3A_48 = arith.constant 0 : i32
      %scan3A_49 = arith.constant 40 : i32
      %scan3A_50 = arith.addi %scan3A_48, %scan3A_49 : i32
      %scan3A_51 = arith.constant 1 : i32
      scf.for %scan3A_94 = %scan3A_48 to %scan3A_50 step %scan3A_51  : i32 {
        %mul3A_95 = arith.constant 2 : i32
        %mul3A_96 = arith.muli %mul3A_95, %scan3A_94 : i32
        %mul3A_97 = arith.constant 12960 : i32
        %mul3A_98 = arith.muli %arg1, %mul3A_97 : i32
        %mul3A_99 = arith.constant 160 : i32
        %mul3A_100 = arith.muli %mul3A_96, %mul3A_99 : i32
        %add3A_101 = arith.addi %mul3A_98, %mul3A_100 : i32
        %dma_wait3A_102 = arith.constant 0 : i32
        %dma_wait3A_103 = tpu.memref_slice %arg3[%add3A_101, %dma_wait3A_102] : memref<207360x128xf32, #tpu.memory_space<hbm>> -> memref<160x128xf32, #tpu.memory_space<hbm>>
        %dma_wait3A_104 = arith.constant 0 : i32
        %dma_wait3A_105 = tpu.memref_slice %arg3[%add3A_101, %dma_wait3A_104] : memref<207360x128xf32, #tpu.memory_space<hbm>> -> memref<160x128xf32, #tpu.memory_space<hbm>>
        tpu.wait_dma2 semaphore(%arg22 : memref<!tpu.dma_semaphore, #tpu.memory_space<semaphore_mem>>) src(%dma_wait3A_105 : memref<160x128xf32, #tpu.memory_space<hbm>>) dst(%arg16 : memref<160x128xf32, #tpu.memory_space<vmem>>)
        %add3A_106 = arith.constant 0 : i32
        %add3A_107 = arith.addi %add3A_101, %add3A_106 : i32
        %dma_wait3A_108 = tpu.memref_slice %arg6[%add3A_107] : memref<207360xi32, #tpu.memory_space<hbm>> -> memref<80xi32, #tpu.memory_space<hbm>>
        %dma_wait3A_109 = tpu.memref_slice %arg6[%add3A_107] : memref<207360xi32, #tpu.memory_space<hbm>> -> memref<80xi32, #tpu.memory_space<hbm>>
        tpu.wait_dma2 semaphore(%arg24 : memref<!tpu.dma_semaphore, #tpu.memory_space<semaphore_mem>>) src(%dma_wait3A_109 : memref<80xi32, #tpu.memory_space<hbm>>) dst(%arg18 : memref<80xi32, #tpu.memory_space<vmem>>)
        %add3A_110 = arith.constant 80 : i32
        %add3A_111 = arith.addi %add3A_101, %add3A_110 : i32
        %dma_wait3A_112 = tpu.memref_slice %arg6[%add3A_111] : memref<207360xi32, #tpu.memory_space<hbm>> -> memref<80xi32, #tpu.memory_space<hbm>>
        %dma_wait3A_113 = tpu.memref_slice %arg6[%add3A_111] : memref<207360xi32, #tpu.memory_space<hbm>> -> memref<80xi32, #tpu.memory_space<hbm>>
        tpu.wait_dma2 semaphore(%arg24 : memref<!tpu.dma_semaphore, #tpu.memory_space<semaphore_mem>>) src(%dma_wait3A_113 : memref<80xi32, #tpu.memory_space<hbm>>) dst(%arg19 : memref<80xi32, #tpu.memory_space<vmem>>)
        %dma_start3A_114 = arith.constant 0 : i32
        %dma_start3A_115 = arith.constant 0 : i32
        %dma_start3A_116 = tpu.memref_slice %arg16[%dma_start3A_114, %dma_start3A_115] : memref<160x128xf32, #tpu.memory_space<vmem>> -> memref<80x128xf32, #tpu.memory_space<vmem>>
        %dma_start3A_117 = arith.constant 0 : i32
        %dma_start3A_118 = arith.constant 0 : i32
        %dma_start3A_119 = tpu.memref_slice %arg15[%dma_start3A_117, %dma_start3A_118] : memref<10000x128xf32, #tpu.memory_space<vmem_shared>> -> memref<10000x128xf32, #tpu.memory_space<vmem_shared>>
        tpu.enqueue_indirect_dma source(%dma_start3A_116 : memref<80x128xf32, #tpu.memory_space<vmem>>) target(%dma_start3A_119 : memref<10000x128xf32, #tpu.memory_space<vmem_shared>>) offsets(%arg18 : memref<80xi32, #tpu.memory_space<vmem>>) semaphore(%arg26 : memref<!tpu.dma_semaphore, #tpu.memory_space<semaphore_mem>>) {add = true}
        %dma_start3A_120 = arith.constant 80 : i32
        %dma_start3A_121 = arith.constant 0 : i32
        %dma_start3A_122 = tpu.memref_slice %arg16[%dma_start3A_120, %dma_start3A_121] : memref<160x128xf32, #tpu.memory_space<vmem>> -> memref<80x128xf32, #tpu.memory_space<vmem>>
        %dma_start3A_123 = arith.constant 0 : i32
        %dma_start3A_124 = arith.constant 0 : i32
        %dma_start3A_125 = tpu.memref_slice %arg15[%dma_start3A_123, %dma_start3A_124] : memref<10000x128xf32, #tpu.memory_space<vmem_shared>> -> memref<10000x128xf32, #tpu.memory_space<vmem_shared>>
        tpu.enqueue_indirect_dma source(%dma_start3A_122 : memref<80x128xf32, #tpu.memory_space<vmem>>) target(%dma_start3A_125 : memref<10000x128xf32, #tpu.memory_space<vmem_shared>>) offsets(%arg19 : memref<80xi32, #tpu.memory_space<vmem>>) semaphore(%arg26 : memref<!tpu.dma_semaphore, #tpu.memory_space<semaphore_mem>>) {add = true}
        %add3A_126 = arith.constant 1 : i32
        %add3A_127 = arith.addi %mul3A_96, %add3A_126 : i32
        %mul3A_128 = arith.constant 12960 : i32
        %mul3A_129 = arith.muli %arg1, %mul3A_128 : i32
        %mul3A_130 = arith.constant 160 : i32
        %mul3A_131 = arith.muli %add3A_127, %mul3A_130 : i32
        %add3A_132 = arith.addi %mul3A_129, %mul3A_131 : i32
        %dma_wait3A_133 = arith.constant 0 : i32
        %dma_wait3A_134 = tpu.memref_slice %arg3[%add3A_132, %dma_wait3A_133] : memref<207360x128xf32, #tpu.memory_space<hbm>> -> memref<160x128xf32, #tpu.memory_space<hbm>>
        %dma_wait3A_135 = arith.constant 0 : i32
        %dma_wait3A_136 = tpu.memref_slice %arg3[%add3A_132, %dma_wait3A_135] : memref<207360x128xf32, #tpu.memory_space<hbm>> -> memref<160x128xf32, #tpu.memory_space<hbm>>
        tpu.wait_dma2 semaphore(%arg23 : memref<!tpu.dma_semaphore, #tpu.memory_space<semaphore_mem>>) src(%dma_wait3A_136 : memref<160x128xf32, #tpu.memory_space<hbm>>) dst(%arg17 : memref<160x128xf32, #tpu.memory_space<vmem>>)
        %add3A_137 = arith.constant 0 : i32
        %add3A_138 = arith.addi %add3A_132, %add3A_137 : i32
        %dma_wait3A_139 = tpu.memref_slice %arg6[%add3A_138] : memref<207360xi32, #tpu.memory_space<hbm>> -> memref<80xi32, #tpu.memory_space<hbm>>
        %dma_wait3A_140 = tpu.memref_slice %arg6[%add3A_138] : memref<207360xi32, #tpu.memory_space<hbm>> -> memref<80xi32, #tpu.memory_space<hbm>>
        tpu.wait_dma2 semaphore(%arg25 : memref<!tpu.dma_semaphore, #tpu.memory_space<semaphore_mem>>) src(%dma_wait3A_140 : memref<80xi32, #tpu.memory_space<hbm>>) dst(%arg20 : memref<80xi32, #tpu.memory_space<vmem>>)
        %add3A_141 = arith.constant 80 : i32
        %add3A_142 = arith.addi %add3A_132, %add3A_141 : i32
        %dma_wait3A_143 = tpu.memref_slice %arg6[%add3A_142] : memref<207360xi32, #tpu.memory_space<hbm>> -> memref<80xi32, #tpu.memory_space<hbm>>
        %dma_wait3A_144 = tpu.memref_slice %arg6[%add3A_142] : memref<207360xi32, #tpu.memory_space<hbm>> -> memref<80xi32, #tpu.memory_space<hbm>>
        tpu.wait_dma2 semaphore(%arg25 : memref<!tpu.dma_semaphore, #tpu.memory_space<semaphore_mem>>) src(%dma_wait3A_144 : memref<80xi32, #tpu.memory_space<hbm>>) dst(%arg21 : memref<80xi32, #tpu.memory_space<vmem>>)
        %dma_start3A_145 = arith.constant 0 : i32
        %dma_start3A_146 = arith.constant 0 : i32
        %dma_start3A_147 = tpu.memref_slice %arg17[%dma_start3A_145, %dma_start3A_146] : memref<160x128xf32, #tpu.memory_space<vmem>> -> memref<80x128xf32, #tpu.memory_space<vmem>>
        %dma_start3A_148 = arith.constant 0 : i32
        %dma_start3A_149 = arith.constant 0 : i32
        %dma_start3A_150 = tpu.memref_slice %arg15[%dma_start3A_148, %dma_start3A_149] : memref<10000x128xf32, #tpu.memory_space<vmem_shared>> -> memref<10000x128xf32, #tpu.memory_space<vmem_shared>>
        tpu.enqueue_indirect_dma source(%dma_start3A_147 : memref<80x128xf32, #tpu.memory_space<vmem>>) target(%dma_start3A_150 : memref<10000x128xf32, #tpu.memory_space<vmem_shared>>) offsets(%arg20 : memref<80xi32, #tpu.memory_space<vmem>>) semaphore(%arg27 : memref<!tpu.dma_semaphore, #tpu.memory_space<semaphore_mem>>) {add = true}
        %dma_start3A_151 = arith.constant 80 : i32
        %dma_start3A_152 = arith.constant 0 : i32
        %dma_start3A_153 = tpu.memref_slice %arg17[%dma_start3A_151, %dma_start3A_152] : memref<160x128xf32, #tpu.memory_space<vmem>> -> memref<80x128xf32, #tpu.memory_space<vmem>>
        %dma_start3A_154 = arith.constant 0 : i32
        %dma_start3A_155 = arith.constant 0 : i32
        %dma_start3A_156 = tpu.memref_slice %arg15[%dma_start3A_154, %dma_start3A_155] : memref<10000x128xf32, #tpu.memory_space<vmem_shared>> -> memref<10000x128xf32, #tpu.memory_space<vmem_shared>>
        tpu.enqueue_indirect_dma source(%dma_start3A_153 : memref<80x128xf32, #tpu.memory_space<vmem>>) target(%dma_start3A_156 : memref<10000x128xf32, #tpu.memory_space<vmem_shared>>) offsets(%arg21 : memref<80xi32, #tpu.memory_space<vmem>>) semaphore(%arg27 : memref<!tpu.dma_semaphore, #tpu.memory_space<semaphore_mem>>) {add = true}
        %dma_wait3A_157 = arith.constant 0 : i32
        %dma_wait3A_158 = arith.constant 0 : i32
        %dma_wait3A_159 = tpu.memref_slice %arg16[%dma_wait3A_157, %dma_wait3A_158] : memref<160x128xf32, #tpu.memory_space<vmem>> -> memref<80x128xf32, #tpu.memory_space<vmem>>
        %dma_wait3A_160 = arith.constant 0 : i32
        %dma_wait3A_161 = arith.constant 0 : i32
        %dma_wait3A_162 = tpu.memref_slice %arg15[%dma_wait3A_160, %dma_wait3A_161] : memref<10000x128xf32, #tpu.memory_space<vmem_shared>> -> memref<10000x128xf32, #tpu.memory_space<vmem_shared>>
        tpu.wait_indirect_dma semaphore(%arg26 : memref<!tpu.dma_semaphore, #tpu.memory_space<semaphore_mem>>) src(%dma_wait3A_159 : memref<80x128xf32, #tpu.memory_space<vmem>>) dst(%dma_wait3A_162 : memref<10000x128xf32, #tpu.memory_space<vmem_shared>>)
        %dma_wait3A_163 = arith.constant 80 : i32
        %dma_wait3A_164 = arith.constant 0 : i32
        %dma_wait3A_165 = tpu.memref_slice %arg16[%dma_wait3A_163, %dma_wait3A_164] : memref<160x128xf32, #tpu.memory_space<vmem>> -> memref<80x128xf32, #tpu.memory_space<vmem>>
        %dma_wait3A_166 = arith.constant 0 : i32
        %dma_wait3A_167 = arith.constant 0 : i32
        %dma_wait3A_168 = tpu.memref_slice %arg15[%dma_wait3A_166, %dma_wait3A_167] : memref<10000x128xf32, #tpu.memory_space<vmem_shared>> -> memref<10000x128xf32, #tpu.memory_space<vmem_shared>>
        tpu.wait_indirect_dma semaphore(%arg26 : memref<!tpu.dma_semaphore, #tpu.memory_space<semaphore_mem>>) src(%dma_wait3A_165 : memref<80x128xf32, #tpu.memory_space<vmem>>) dst(%dma_wait3A_168 : memref<10000x128xf32, #tpu.memory_space<vmem_shared>>)
        %mul3A_169 = arith.constant 2 : i32
        %mul3A_170 = arith.muli %mul3A_169, %scan3A_94 : i32
        %add3A_171 = arith.constant 2 : i32
        %add3A_172 = arith.addi %mul3A_170, %add3A_171 : i32
        %lt3A = arith.constant 81 : i32
        %lt3A_173 = arith.cmpi slt, %add3A_172, %lt3A : i32
        %convert_element_type3A_174 = arith.extui %lt3A_173 : i1 to i32
        %cond3A_175 = arith.constant 0 : i32
        %cond3A_176 = arith.cmpi ne, %convert_element_type3A_174, %cond3A_175 : i32
        scf.if %cond3A_176 {
          %add3A_198 = arith.constant 2 : i32
          %add3A_199 = arith.addi %mul3A_96, %add3A_198 : i32
          %mul3A_200 = arith.constant 12960 : i32
          %mul3A_201 = arith.muli %arg1, %mul3A_200 : i32
          %mul3A_202 = arith.constant 160 : i32
          %mul3A_203 = arith.muli %add3A_199, %mul3A_202 : i32
          %add3A_204 = arith.addi %mul3A_201, %mul3A_203 : i32
          %dma_start3A_205 = arith.constant 0 : i32
          %dma_start3A_206 = tpu.memref_slice %arg3[%add3A_204, %dma_start3A_205] : memref<207360x128xf32, #tpu.memory_space<hbm>> -> memref<160x128xf32, #tpu.memory_space<hbm>>
          %dma_start3A_207 = arith.constant 0 : i32
          %dma_start3A_208 = tpu.memref_slice %arg3[%add3A_204, %dma_start3A_207] : memref<207360x128xf32, #tpu.memory_space<hbm>> -> memref<160x128xf32, #tpu.memory_space<hbm>>
          tpu.enqueue_dma source(%dma_start3A_208 : memref<160x128xf32, #tpu.memory_space<hbm>>) target(%arg16 : memref<160x128xf32, #tpu.memory_space<vmem>>) target_semaphore(%arg22 : memref<!tpu.dma_semaphore, #tpu.memory_space<semaphore_mem>>)
          %add3A_209 = arith.constant 0 : i32
          %add3A_210 = arith.addi %add3A_204, %add3A_209 : i32
          %dma_start3A_211 = tpu.memref_slice %arg6[%add3A_210] : memref<207360xi32, #tpu.memory_space<hbm>> -> memref<80xi32, #tpu.memory_space<hbm>>
          %dma_start3A_212 = tpu.memref_slice %arg6[%add3A_210] : memref<207360xi32, #tpu.memory_space<hbm>> -> memref<80xi32, #tpu.memory_space<hbm>>
          tpu.enqueue_dma source(%dma_start3A_212 : memref<80xi32, #tpu.memory_space<hbm>>) target(%arg18 : memref<80xi32, #tpu.memory_space<vmem>>) target_semaphore(%arg24 : memref<!tpu.dma_semaphore, #tpu.memory_space<semaphore_mem>>)
          %add3A_213 = arith.constant 80 : i32
          %add3A_214 = arith.addi %add3A_204, %add3A_213 : i32
          %dma_start3A_215 = tpu.memref_slice %arg6[%add3A_214] : memref<207360xi32, #tpu.memory_space<hbm>> -> memref<80xi32, #tpu.memory_space<hbm>>
          %dma_start3A_216 = tpu.memref_slice %arg6[%add3A_214] : memref<207360xi32, #tpu.memory_space<hbm>> -> memref<80xi32, #tpu.memory_space<hbm>>
          tpu.enqueue_dma source(%dma_start3A_216 : memref<80xi32, #tpu.memory_space<hbm>>) target(%arg19 : memref<80xi32, #tpu.memory_space<vmem>>) target_semaphore(%arg24 : memref<!tpu.dma_semaphore, #tpu.memory_space<semaphore_mem>>)
        } else {
        }
        %dma_wait3A_177 = arith.constant 0 : i32
        %dma_wait3A_178 = arith.constant 0 : i32
        %dma_wait3A_179 = tpu.memref_slice %arg17[%dma_wait3A_177, %dma_wait3A_178] : memref<160x128xf32, #tpu.memory_space<vmem>> -> memref<80x128xf32, #tpu.memory_space<vmem>>
        %dma_wait3A_180 = arith.constant 0 : i32
        %dma_wait3A_181 = arith.constant 0 : i32
        %dma_wait3A_182 = tpu.memref_slice %arg15[%dma_wait3A_180, %dma_wait3A_181] : memref<10000x128xf32, #tpu.memory_space<vmem_shared>> -> memref<10000x128xf32, #tpu.memory_space<vmem_shared>>
        tpu.wait_indirect_dma semaphore(%arg27 : memref<!tpu.dma_semaphore, #tpu.memory_space<semaphore_mem>>) src(%dma_wait3A_179 : memref<80x128xf32, #tpu.memory_space<vmem>>) dst(%dma_wait3A_182 : memref<10000x128xf32, #tpu.memory_space<vmem_shared>>)
        %dma_wait3A_183 = arith.constant 80 : i32
        %dma_wait3A_184 = arith.constant 0 : i32
        %dma_wait3A_185 = tpu.memref_slice %arg17[%dma_wait3A_183, %dma_wait3A_184] : memref<160x128xf32, #tpu.memory_space<vmem>> -> memref<80x128xf32, #tpu.memory_space<vmem>>
        %dma_wait3A_186 = arith.constant 0 : i32
        %dma_wait3A_187 = arith.constant 0 : i32
        %dma_wait3A_188 = tpu.memref_slice %arg15[%dma_wait3A_186, %dma_wait3A_187] : memref<10000x128xf32, #tpu.memory_space<vmem_shared>> -> memref<10000x128xf32, #tpu.memory_space<vmem_shared>>
        tpu.wait_indirect_dma semaphore(%arg27 : memref<!tpu.dma_semaphore, #tpu.memory_space<semaphore_mem>>) src(%dma_wait3A_185 : memref<80x128xf32, #tpu.memory_space<vmem>>) dst(%dma_wait3A_188 : memref<10000x128xf32, #tpu.memory_space<vmem_shared>>)
        %mul3A_189 = arith.constant 2 : i32
        %mul3A_190 = arith.muli %mul3A_189, %scan3A_94 : i32
        %add3A_191 = arith.constant 3 : i32
        %add3A_192 = arith.addi %mul3A_190, %add3A_191 : i32
        %lt3A_193 = arith.constant 81 : i32
        %lt3A_194 = arith.cmpi slt, %add3A_192, %lt3A_193 : i32
        %convert_element_type3A_195 = arith.extui %lt3A_194 : i1 to i32
        %cond3A_196 = arith.constant 0 : i32
        %cond3A_197 = arith.cmpi ne, %convert_element_type3A_195, %cond3A_196 : i32
        scf.if %cond3A_197 {
          %add3A_198 = arith.constant 3 : i32
          %add3A_199 = arith.addi %mul3A_96, %add3A_198 : i32
          %mul3A_200 = arith.constant 12960 : i32
          %mul3A_201 = arith.muli %arg1, %mul3A_200 : i32
          %mul3A_202 = arith.constant 160 : i32
          %mul3A_203 = arith.muli %add3A_199, %mul3A_202 : i32
          %add3A_204 = arith.addi %mul3A_201, %mul3A_203 : i32
          %dma_start3A_205 = arith.constant 0 : i32
          %dma_start3A_206 = tpu.memref_slice %arg3[%add3A_204, %dma_start3A_205] : memref<207360x128xf32, #tpu.memory_space<hbm>> -> memref<160x128xf32, #tpu.memory_space<hbm>>
          %dma_start3A_207 = arith.constant 0 : i32
          %dma_start3A_208 = tpu.memref_slice %arg3[%add3A_204, %dma_start3A_207] : memref<207360x128xf32, #tpu.memory_space<hbm>> -> memref<160x128xf32, #tpu.memory_space<hbm>>
          tpu.enqueue_dma source(%dma_start3A_208 : memref<160x128xf32, #tpu.memory_space<hbm>>) target(%arg17 : memref<160x128xf32, #tpu.memory_space<vmem>>) target_semaphore(%arg23 : memref<!tpu.dma_semaphore, #tpu.memory_space<semaphore_mem>>)
          %add3A_209 = arith.constant 0 : i32
          %add3A_210 = arith.addi %add3A_204, %add3A_209 : i32
          %dma_start3A_211 = tpu.memref_slice %arg6[%add3A_210] : memref<207360xi32, #tpu.memory_space<hbm>> -> memref<80xi32, #tpu.memory_space<hbm>>
          %dma_start3A_212 = tpu.memref_slice %arg6[%add3A_210] : memref<207360xi32, #tpu.memory_space<hbm>> -> memref<80xi32, #tpu.memory_space<hbm>>
          tpu.enqueue_dma source(%dma_start3A_212 : memref<80xi32, #tpu.memory_space<hbm>>) target(%arg20 : memref<80xi32, #tpu.memory_space<vmem>>) target_semaphore(%arg25 : memref<!tpu.dma_semaphore, #tpu.memory_space<semaphore_mem>>)
          %add3A_213 = arith.constant 80 : i32
          %add3A_214 = arith.addi %add3A_204, %add3A_213 : i32
          %dma_start3A_215 = tpu.memref_slice %arg6[%add3A_214] : memref<207360xi32, #tpu.memory_space<hbm>> -> memref<80xi32, #tpu.memory_space<hbm>>
          %dma_start3A_216 = tpu.memref_slice %arg6[%add3A_214] : memref<207360xi32, #tpu.memory_space<hbm>> -> memref<80xi32, #tpu.memory_space<hbm>>
          tpu.enqueue_dma source(%dma_start3A_216 : memref<80xi32, #tpu.memory_space<hbm>>) target(%arg21 : memref<80xi32, #tpu.memory_space<vmem>>) target_semaphore(%arg25 : memref<!tpu.dma_semaphore, #tpu.memory_space<semaphore_mem>>)
        } else {
        }
      }
      %scan3A_52 = arith.constant 40 : i32
      %mul3A_53 = arith.constant 12960 : i32
      %mul3A_54 = arith.muli %arg1, %mul3A_53 : i32
      %add3A_55 = arith.constant 12800 : i32
      %add3A_56 = arith.addi %mul3A_54, %add3A_55 : i32
      %dma_wait3A = arith.constant 0 : i32
      %dma_wait3A_57 = tpu.memref_slice %arg3[%add3A_56, %dma_wait3A] : memref<207360x128xf32, #tpu.memory_space<hbm>> -> memref<160x128xf32, #tpu.memory_space<hbm>>
      %dma_wait3A_58 = arith.constant 0 : i32
      %dma_wait3A_59 = tpu.memref_slice %arg3[%add3A_56, %dma_wait3A_58] : memref<207360x128xf32, #tpu.memory_space<hbm>> -> memref<160x128xf32, #tpu.memory_space<hbm>>
      tpu.wait_dma2 semaphore(%arg22 : memref<!tpu.dma_semaphore, #tpu.memory_space<semaphore_mem>>) src(%dma_wait3A_59 : memref<160x128xf32, #tpu.memory_space<hbm>>) dst(%arg16 : memref<160x128xf32, #tpu.memory_space<vmem>>)
      %add3A_60 = arith.constant 0 : i32
      %add3A_61 = arith.addi %add3A_56, %add3A_60 : i32
      %dma_wait3A_62 = tpu.memref_slice %arg6[%add3A_61] : memref<207360xi32, #tpu.memory_space<hbm>> -> memref<80xi32, #tpu.memory_space<hbm>>
      %dma_wait3A_63 = tpu.memref_slice %arg6[%add3A_61] : memref<207360xi32, #tpu.memory_space<hbm>> -> memref<80xi32, #tpu.memory_space<hbm>>
      tpu.wait_dma2 semaphore(%arg24 : memref<!tpu.dma_semaphore, #tpu.memory_space<semaphore_mem>>) src(%dma_wait3A_63 : memref<80xi32, #tpu.memory_space<hbm>>) dst(%arg18 : memref<80xi32, #tpu.memory_space<vmem>>)
      %add3A_64 = arith.constant 80 : i32
      %add3A_65 = arith.addi %add3A_56, %add3A_64 : i32
      %dma_wait3A_66 = tpu.memref_slice %arg6[%add3A_65] : memref<207360xi32, #tpu.memory_space<hbm>> -> memref<80xi32, #tpu.memory_space<hbm>>
      %dma_wait3A_67 = tpu.memref_slice %arg6[%add3A_65] : memref<207360xi32, #tpu.memory_space<hbm>> -> memref<80xi32, #tpu.memory_space<hbm>>
      tpu.wait_dma2 semaphore(%arg24 : memref<!tpu.dma_semaphore, #tpu.memory_space<semaphore_mem>>) src(%dma_wait3A_67 : memref<80xi32, #tpu.memory_space<hbm>>) dst(%arg19 : memref<80xi32, #tpu.memory_space<vmem>>)
      %dma_start3A_68 = arith.constant 0 : i32
      %dma_start3A_69 = arith.constant 0 : i32
      %dma_start3A_70 = tpu.memref_slice %arg16[%dma_start3A_68, %dma_start3A_69] : memref<160x128xf32, #tpu.memory_space<vmem>> -> memref<80x128xf32, #tpu.memory_space<vmem>>
      %dma_start3A_71 = arith.constant 0 : i32
      %dma_start3A_72 = arith.constant 0 : i32
      %dma_start3A_73 = tpu.memref_slice %arg15[%dma_start3A_71, %dma_start3A_72] : memref<10000x128xf32, #tpu.memory_space<vmem_shared>> -> memref<10000x128xf32, #tpu.memory_space<vmem_shared>>
      tpu.enqueue_indirect_dma source(%dma_start3A_70 : memref<80x128xf32, #tpu.memory_space<vmem>>) target(%dma_start3A_73 : memref<10000x128xf32, #tpu.memory_space<vmem_shared>>) offsets(%arg18 : memref<80xi32, #tpu.memory_space<vmem>>) semaphore(%arg26 : memref<!tpu.dma_semaphore, #tpu.memory_space<semaphore_mem>>) {add = true}
      %dma_start3A_74 = arith.constant 80 : i32
      %dma_start3A_75 = arith.constant 0 : i32
      %dma_start3A_76 = tpu.memref_slice %arg16[%dma_start3A_74, %dma_start3A_75] : memref<160x128xf32, #tpu.memory_space<vmem>> -> memref<80x128xf32, #tpu.memory_space<vmem>>
      %dma_start3A_77 = arith.constant 0 : i32
      %dma_start3A_78 = arith.constant 0 : i32
      %dma_start3A_79 = tpu.memref_slice %arg15[%dma_start3A_77, %dma_start3A_78] : memref<10000x128xf32, #tpu.memory_space<vmem_shared>> -> memref<10000x128xf32, #tpu.memory_space<vmem_shared>>
      tpu.enqueue_indirect_dma source(%dma_start3A_76 : memref<80x128xf32, #tpu.memory_space<vmem>>) target(%dma_start3A_79 : memref<10000x128xf32, #tpu.memory_space<vmem_shared>>) offsets(%arg19 : memref<80xi32, #tpu.memory_space<vmem>>) semaphore(%arg26 : memref<!tpu.dma_semaphore, #tpu.memory_space<semaphore_mem>>) {add = true}
      %dma_wait3A_80 = arith.constant 0 : i32
      %dma_wait3A_81 = arith.constant 0 : i32
      %dma_wait3A_82 = tpu.memref_slice %arg16[%dma_wait3A_80, %dma_wait3A_81] : memref<160x128xf32, #tpu.memory_space<vmem>> -> memref<80x128xf32, #tpu.memory_space<vmem>>
      %dma_wait3A_83 = arith.constant 0 : i32
      %dma_wait3A_84 = arith.constant 0 : i32
      %dma_wait3A_85 = tpu.memref_slice %arg15[%dma_wait3A_83, %dma_wait3A_84] : memref<10000x128xf32, #tpu.memory_space<vmem_shared>> -> memref<10000x128xf32, #tpu.memory_space<vmem_shared>>
      tpu.wait_indirect_dma semaphore(%arg26 : memref<!tpu.dma_semaphore, #tpu.memory_space<semaphore_mem>>) src(%dma_wait3A_82 : memref<80x128xf32, #tpu.memory_space<vmem>>) dst(%dma_wait3A_85 : memref<10000x128xf32, #tpu.memory_space<vmem_shared>>)
      %dma_wait3A_86 = arith.constant 80 : i32
      %dma_wait3A_87 = arith.constant 0 : i32
      %dma_wait3A_88 = tpu.memref_slice %arg16[%dma_wait3A_86, %dma_wait3A_87] : memref<160x128xf32, #tpu.memory_space<vmem>> -> memref<80x128xf32, #tpu.memory_space<vmem>>
      %dma_wait3A_89 = arith.constant 0 : i32
      %dma_wait3A_90 = arith.constant 0 : i32
      %dma_wait3A_91 = tpu.memref_slice %arg15[%dma_wait3A_89, %dma_wait3A_90] : memref<10000x128xf32, #tpu.memory_space<vmem_shared>> -> memref<10000x128xf32, #tpu.memory_space<vmem_shared>>
      tpu.wait_indirect_dma semaphore(%arg26 : memref<!tpu.dma_semaphore, #tpu.memory_space<semaphore_mem>>) src(%dma_wait3A_88 : memref<80x128xf32, #tpu.memory_space<vmem>>) dst(%dma_wait3A_91 : memref<10000x128xf32, #tpu.memory_space<vmem_shared>>)
      %barrier3A_92 = arith.constant 0 : index
      tpu.barrier barrier_id(%barrier3A_92)
      "tpu.region"() ({
        %run_scoped3A = tpu.sem_alloc : memref<!tpu.dma_semaphore, #tpu.memory_space<semaphore_mem>>
        %dma_start3A_94 = arith.constant 0 : i32
        %dma_start3A_95 = tpu.memref_slice %arg12[%mul3A_0, %dma_start3A_94] : memref<10000x128xf32, #tpu.memory_space<hbm>> -> memref<640x128xf32, #tpu.memory_space<hbm>>
        %dma_start3A_96 = arith.constant 0 : i32
        %dma_start3A_97 = tpu.memref_slice %arg15[%mul3A_0, %dma_start3A_96] : memref<10000x128xf32, #tpu.memory_space<vmem_shared>> -> memref<640x128xf32, #tpu.memory_space<vmem_shared>>
        tpu.enqueue_dma source(%dma_start3A_97 : memref<640x128xf32, #tpu.memory_space<vmem_shared>>) target(%dma_start3A_95 : memref<640x128xf32, #tpu.memory_space<hbm>>) target_semaphore(%run_scoped3A : memref<!tpu.dma_semaphore, #tpu.memory_space<semaphore_mem>>)
        %dma_wait3A_98 = arith.constant 0 : i32
        %dma_wait3A_99 = tpu.memref_slice %arg12[%mul3A_0, %dma_wait3A_98] : memref<10000x128xf32, #tpu.memory_space<hbm>> -> memref<640x128xf32, #tpu.memory_space<hbm>>
        %dma_wait3A_100 = arith.constant 0 : i32
        %dma_wait3A_101 = tpu.memref_slice %arg15[%mul3A_0, %dma_wait3A_100] : memref<10000x128xf32, #tpu.memory_space<vmem_shared>> -> memref<640x128xf32, #tpu.memory_space<vmem_shared>>
        tpu.wait_dma2 semaphore(%run_scoped3A : memref<!tpu.dma_semaphore, #tpu.memory_space<semaphore_mem>>) src(%dma_wait3A_101 : memref<640x128xf32, #tpu.memory_space<vmem_shared>>) dst(%dma_wait3A_99 : memref<640x128xf32, #tpu.memory_space<hbm>>)
        tpu.yield
      }) : () -> ()
      %barrier3A_93 = arith.constant 0 : index
      tpu.barrier barrier_id(%barrier3A_93)
    } else {
    }
    %eq3A_8 = arith.constant 0 : i32
    %eq3A_9 = arith.cmpi eq, %arg0, %eq3A_8 : i32
    %convert_element_type3A_10 = arith.extui %eq3A_9 : i1 to i32
    %cond3A_11 = arith.constant 0 : i32
    %cond3A_12 = arith.cmpi ne, %convert_element_type3A_10, %cond3A_11 : i32
    scf.if %cond3A_12 {
      "tpu.region"() ({
        %run_scoped3A = tpu.sem_alloc : memref<!tpu.dma_semaphore, #tpu.memory_space<semaphore_mem>>
        %dma_start3A_94 = arith.constant 0 : i32
        %dma_start3A_95 = tpu.memref_slice %arg15[%mul3A_0, %dma_start3A_94] : memref<10000x128xf32, #tpu.memory_space<vmem_shared>> -> memref<640x128xf32, #tpu.memory_space<vmem_shared>>
        %dma_start3A_96 = arith.constant 0 : i32
        %dma_start3A_97 = tpu.memref_slice %arg9[%mul3A_0, %dma_start3A_96] : memref<10000x128xf32, #tpu.memory_space<hbm>> -> memref<640x128xf32, #tpu.memory_space<hbm>>
        tpu.enqueue_dma source(%dma_start3A_97 : memref<640x128xf32, #tpu.memory_space<hbm>>) target(%dma_start3A_95 : memref<640x128xf32, #tpu.memory_space<vmem_shared>>) target_semaphore(%run_scoped3A : memref<!tpu.dma_semaphore, #tpu.memory_space<semaphore_mem>>)
        %dma_wait3A_98 = arith.constant 0 : i32
        %dma_wait3A_99 = tpu.memref_slice %arg15[%mul3A_0, %dma_wait3A_98] : memref<10000x128xf32, #tpu.memory_space<vmem_shared>> -> memref<640x128xf32, #tpu.memory_space<vmem_shared>>
        %dma_wait3A_100 = arith.constant 0 : i32
        %dma_wait3A_101 = tpu.memref_slice %arg9[%mul3A_0, %dma_wait3A_100] : memref<10000x128xf32, #tpu.memory_space<hbm>> -> memref<640x128xf32, #tpu.memory_space<hbm>>
        tpu.wait_dma2 semaphore(%run_scoped3A : memref<!tpu.dma_semaphore, #tpu.memory_space<semaphore_mem>>) src(%dma_wait3A_101 : memref<640x128xf32, #tpu.memory_space<hbm>>) dst(%dma_wait3A_99 : memref<640x128xf32, #tpu.memory_space<vmem_shared>>)
        tpu.yield
      }) : () -> ()
      %barrier3A = arith.constant 0 : index
      tpu.barrier barrier_id(%barrier3A)
      %mul3A_18 = arith.constant 12960 : i32
      %mul3A_19 = arith.muli %arg1, %mul3A_18 : i32
      %add3A = arith.constant 0 : i32
      %add3A_20 = arith.addi %mul3A_19, %add3A : i32
      %dma_start3A = arith.constant 0 : i32
      %dma_start3A_21 = tpu.memref_slice %arg4[%add3A_20, %dma_start3A] : memref<207360x128xf32, #tpu.memory_space<hbm>> -> memref<160x128xf32, #tpu.memory_space<hbm>>
      %dma_start3A_22 = arith.constant 0 : i32
      %dma_start3A_23 = tpu.memref_slice %arg4[%add3A_20, %dma_start3A_22] : memref<207360x128xf32, #tpu.memory_space<hbm>> -> memref<160x128xf32, #tpu.memory_space<hbm>>
      tpu.enqueue_dma source(%dma_start3A_23 : memref<160x128xf32, #tpu.memory_space<hbm>>) target(%arg16 : memref<160x128xf32, #tpu.memory_space<vmem>>) target_semaphore(%arg22 : memref<!tpu.dma_semaphore, #tpu.memory_space<semaphore_mem>>)
      %add3A_24 = arith.constant 0 : i32
      %add3A_25 = arith.addi %add3A_20, %add3A_24 : i32
      %dma_start3A_26 = tpu.memref_slice %arg6[%add3A_25] : memref<207360xi32, #tpu.memory_space<hbm>> -> memref<80xi32, #tpu.memory_space<hbm>>
      %dma_start3A_27 = tpu.memref_slice %arg6[%add3A_25] : memref<207360xi32, #tpu.memory_space<hbm>> -> memref<80xi32, #tpu.memory_space<hbm>>
      tpu.enqueue_dma source(%dma_start3A_27 : memref<80xi32, #tpu.memory_space<hbm>>) target(%arg18 : memref<80xi32, #tpu.memory_space<vmem>>) target_semaphore(%arg24 : memref<!tpu.dma_semaphore, #tpu.memory_space<semaphore_mem>>)
      %add3A_28 = arith.constant 80 : i32
      %add3A_29 = arith.addi %add3A_20, %add3A_28 : i32
      %dma_start3A_30 = tpu.memref_slice %arg6[%add3A_29] : memref<207360xi32, #tpu.memory_space<hbm>> -> memref<80xi32, #tpu.memory_space<hbm>>
      %dma_start3A_31 = tpu.memref_slice %arg6[%add3A_29] : memref<207360xi32, #tpu.memory_space<hbm>> -> memref<80xi32, #tpu.memory_space<hbm>>
      tpu.enqueue_dma source(%dma_start3A_31 : memref<80xi32, #tpu.memory_space<hbm>>) target(%arg19 : memref<80xi32, #tpu.memory_space<vmem>>) target_semaphore(%arg24 : memref<!tpu.dma_semaphore, #tpu.memory_space<semaphore_mem>>)
      %mul3A_32 = arith.constant 12960 : i32
      %mul3A_33 = arith.muli %arg1, %mul3A_32 : i32
      %add3A_34 = arith.constant 160 : i32
      %add3A_35 = arith.addi %mul3A_33, %add3A_34 : i32
      %dma_start3A_36 = arith.constant 0 : i32
      %dma_start3A_37 = tpu.memref_slice %arg4[%add3A_35, %dma_start3A_36] : memref<207360x128xf32, #tpu.memory_space<hbm>> -> memref<160x128xf32, #tpu.memory_space<hbm>>
      %dma_start3A_38 = arith.constant 0 : i32
      %dma_start3A_39 = tpu.memref_slice %arg4[%add3A_35, %dma_start3A_38] : memref<207360x128xf32, #tpu.memory_space<hbm>> -> memref<160x128xf32, #tpu.memory_space<hbm>>
      tpu.enqueue_dma source(%dma_start3A_39 : memref<160x128xf32, #tpu.memory_space<hbm>>) target(%arg17 : memref<160x128xf32, #tpu.memory_space<vmem>>) target_semaphore(%arg23 : memref<!tpu.dma_semaphore, #tpu.memory_space<semaphore_mem>>)
      %add3A_40 = arith.constant 0 : i32
      %add3A_41 = arith.addi %add3A_35, %add3A_40 : i32
      %dma_start3A_42 = tpu.memref_slice %arg6[%add3A_41] : memref<207360xi32, #tpu.memory_space<hbm>> -> memref<80xi32, #tpu.memory_space<hbm>>
      %dma_start3A_43 = tpu.memref_slice %arg6[%add3A_41] : memref<207360xi32, #tpu.memory_space<hbm>> -> memref<80xi32, #tpu.memory_space<hbm>>
      tpu.enqueue_dma source(%dma_start3A_43 : memref<80xi32, #tpu.memory_space<hbm>>) target(%arg20 : memref<80xi32, #tpu.memory_space<vmem>>) target_semaphore(%arg25 : memref<!tpu.dma_semaphore, #tpu.memory_space<semaphore_mem>>)
      %add3A_44 = arith.constant 80 : i32
      %add3A_45 = arith.addi %add3A_35, %add3A_44 : i32
      %dma_start3A_46 = tpu.memref_slice %arg6[%add3A_45] : memref<207360xi32, #tpu.memory_space<hbm>> -> memref<80xi32, #tpu.memory_space<hbm>>
      %dma_start3A_47 = tpu.memref_slice %arg6[%add3A_45] : memref<207360xi32, #tpu.memory_space<hbm>> -> memref<80xi32, #tpu.memory_space<hbm>>
      tpu.enqueue_dma source(%dma_start3A_47 : memref<80xi32, #tpu.memory_space<hbm>>) target(%arg21 : memref<80xi32, #tpu.memory_space<vmem>>) target_semaphore(%arg25 : memref<!tpu.dma_semaphore, #tpu.memory_space<semaphore_mem>>)
      %scan3A = arith.constant 0 : i32
      %scan3A_48 = arith.constant 0 : i32
      %scan3A_49 = arith.constant 40 : i32
      %scan3A_50 = arith.addi %scan3A_48, %scan3A_49 : i32
      %scan3A_51 = arith.constant 1 : i32
      scf.for %scan3A_94 = %scan3A_48 to %scan3A_50 step %scan3A_51  : i32 {
        %mul3A_95 = arith.constant 2 : i32
        %mul3A_96 = arith.muli %mul3A_95, %scan3A_94 : i32
        %mul3A_97 = arith.constant 12960 : i32
        %mul3A_98 = arith.muli %arg1, %mul3A_97 : i32
        %mul3A_99 = arith.constant 160 : i32
        %mul3A_100 = arith.muli %mul3A_96, %mul3A_99 : i32
        %add3A_101 = arith.addi %mul3A_98, %mul3A_100 : i32
        %dma_wait3A_102 = arith.constant 0 : i32
        %dma_wait3A_103 = tpu.memref_slice %arg4[%add3A_101, %dma_wait3A_102] : memref<207360x128xf32, #tpu.memory_space<hbm>> -> memref<160x128xf32, #tpu.memory_space<hbm>>
        %dma_wait3A_104 = arith.constant 0 : i32
        %dma_wait3A_105 = tpu.memref_slice %arg4[%add3A_101, %dma_wait3A_104] : memref<207360x128xf32, #tpu.memory_space<hbm>> -> memref<160x128xf32, #tpu.memory_space<hbm>>
        tpu.wait_dma2 semaphore(%arg22 : memref<!tpu.dma_semaphore, #tpu.memory_space<semaphore_mem>>) src(%dma_wait3A_105 : memref<160x128xf32, #tpu.memory_space<hbm>>) dst(%arg16 : memref<160x128xf32, #tpu.memory_space<vmem>>)
        %add3A_106 = arith.constant 0 : i32
        %add3A_107 = arith.addi %add3A_101, %add3A_106 : i32
        %dma_wait3A_108 = tpu.memref_slice %arg6[%add3A_107] : memref<207360xi32, #tpu.memory_space<hbm>> -> memref<80xi32, #tpu.memory_space<hbm>>
        %dma_wait3A_109 = tpu.memref_slice %arg6[%add3A_107] : memref<207360xi32, #tpu.memory_space<hbm>> -> memref<80xi32, #tpu.memory_space<hbm>>
        tpu.wait_dma2 semaphore(%arg24 : memref<!tpu.dma_semaphore, #tpu.memory_space<semaphore_mem>>) src(%dma_wait3A_109 : memref<80xi32, #tpu.memory_space<hbm>>) dst(%arg18 : memref<80xi32, #tpu.memory_space<vmem>>)
        %add3A_110 = arith.constant 80 : i32
        %add3A_111 = arith.addi %add3A_101, %add3A_110 : i32
        %dma_wait3A_112 = tpu.memref_slice %arg6[%add3A_111] : memref<207360xi32, #tpu.memory_space<hbm>> -> memref<80xi32, #tpu.memory_space<hbm>>
        %dma_wait3A_113 = tpu.memref_slice %arg6[%add3A_111] : memref<207360xi32, #tpu.memory_space<hbm>> -> memref<80xi32, #tpu.memory_space<hbm>>
        tpu.wait_dma2 semaphore(%arg24 : memref<!tpu.dma_semaphore, #tpu.memory_space<semaphore_mem>>) src(%dma_wait3A_113 : memref<80xi32, #tpu.memory_space<hbm>>) dst(%arg19 : memref<80xi32, #tpu.memory_space<vmem>>)
        %dma_start3A_114 = arith.constant 0 : i32
        %dma_start3A_115 = arith.constant 0 : i32
        %dma_start3A_116 = tpu.memref_slice %arg16[%dma_start3A_114, %dma_start3A_115] : memref<160x128xf32, #tpu.memory_space<vmem>> -> memref<80x128xf32, #tpu.memory_space<vmem>>
        %dma_start3A_117 = arith.constant 0 : i32
        %dma_start3A_118 = arith.constant 0 : i32
        %dma_start3A_119 = tpu.memref_slice %arg15[%dma_start3A_117, %dma_start3A_118] : memref<10000x128xf32, #tpu.memory_space<vmem_shared>> -> memref<10000x128xf32, #tpu.memory_space<vmem_shared>>
        tpu.enqueue_indirect_dma source(%dma_start3A_116 : memref<80x128xf32, #tpu.memory_space<vmem>>) target(%dma_start3A_119 : memref<10000x128xf32, #tpu.memory_space<vmem_shared>>) offsets(%arg18 : memref<80xi32, #tpu.memory_space<vmem>>) semaphore(%arg26 : memref<!tpu.dma_semaphore, #tpu.memory_space<semaphore_mem>>) {add = true}
        %dma_start3A_120 = arith.constant 80 : i32
        %dma_start3A_121 = arith.constant 0 : i32
        %dma_start3A_122 = tpu.memref_slice %arg16[%dma_start3A_120, %dma_start3A_121] : memref<160x128xf32, #tpu.memory_space<vmem>> -> memref<80x128xf32, #tpu.memory_space<vmem>>
        %dma_start3A_123 = arith.constant 0 : i32
        %dma_start3A_124 = arith.constant 0 : i32
        %dma_start3A_125 = tpu.memref_slice %arg15[%dma_start3A_123, %dma_start3A_124] : memref<10000x128xf32, #tpu.memory_space<vmem_shared>> -> memref<10000x128xf32, #tpu.memory_space<vmem_shared>>
        tpu.enqueue_indirect_dma source(%dma_start3A_122 : memref<80x128xf32, #tpu.memory_space<vmem>>) target(%dma_start3A_125 : memref<10000x128xf32, #tpu.memory_space<vmem_shared>>) offsets(%arg19 : memref<80xi32, #tpu.memory_space<vmem>>) semaphore(%arg26 : memref<!tpu.dma_semaphore, #tpu.memory_space<semaphore_mem>>) {add = true}
        %add3A_126 = arith.constant 1 : i32
        %add3A_127 = arith.addi %mul3A_96, %add3A_126 : i32
        %mul3A_128 = arith.constant 12960 : i32
        %mul3A_129 = arith.muli %arg1, %mul3A_128 : i32
        %mul3A_130 = arith.constant 160 : i32
        %mul3A_131 = arith.muli %add3A_127, %mul3A_130 : i32
        %add3A_132 = arith.addi %mul3A_129, %mul3A_131 : i32
        %dma_wait3A_133 = arith.constant 0 : i32
        %dma_wait3A_134 = tpu.memref_slice %arg4[%add3A_132, %dma_wait3A_133] : memref<207360x128xf32, #tpu.memory_space<hbm>> -> memref<160x128xf32, #tpu.memory_space<hbm>>
        %dma_wait3A_135 = arith.constant 0 : i32
        %dma_wait3A_136 = tpu.memref_slice %arg4[%add3A_132, %dma_wait3A_135] : memref<207360x128xf32, #tpu.memory_space<hbm>> -> memref<160x128xf32, #tpu.memory_space<hbm>>
        tpu.wait_dma2 semaphore(%arg23 : memref<!tpu.dma_semaphore, #tpu.memory_space<semaphore_mem>>) src(%dma_wait3A_136 : memref<160x128xf32, #tpu.memory_space<hbm>>) dst(%arg17 : memref<160x128xf32, #tpu.memory_space<vmem>>)
        %add3A_137 = arith.constant 0 : i32
        %add3A_138 = arith.addi %add3A_132, %add3A_137 : i32
        %dma_wait3A_139 = tpu.memref_slice %arg6[%add3A_138] : memref<207360xi32, #tpu.memory_space<hbm>> -> memref<80xi32, #tpu.memory_space<hbm>>
        %dma_wait3A_140 = tpu.memref_slice %arg6[%add3A_138] : memref<207360xi32, #tpu.memory_space<hbm>> -> memref<80xi32, #tpu.memory_space<hbm>>
        tpu.wait_dma2 semaphore(%arg25 : memref<!tpu.dma_semaphore, #tpu.memory_space<semaphore_mem>>) src(%dma_wait3A_140 : memref<80xi32, #tpu.memory_space<hbm>>) dst(%arg20 : memref<80xi32, #tpu.memory_space<vmem>>)
        %add3A_141 = arith.constant 80 : i32
        %add3A_142 = arith.addi %add3A_132, %add3A_141 : i32
        %dma_wait3A_143 = tpu.memref_slice %arg6[%add3A_142] : memref<207360xi32, #tpu.memory_space<hbm>> -> memref<80xi32, #tpu.memory_space<hbm>>
        %dma_wait3A_144 = tpu.memref_slice %arg6[%add3A_142] : memref<207360xi32, #tpu.memory_space<hbm>> -> memref<80xi32, #tpu.memory_space<hbm>>
        tpu.wait_dma2 semaphore(%arg25 : memref<!tpu.dma_semaphore, #tpu.memory_space<semaphore_mem>>) src(%dma_wait3A_144 : memref<80xi32, #tpu.memory_space<hbm>>) dst(%arg21 : memref<80xi32, #tpu.memory_space<vmem>>)
        %dma_start3A_145 = arith.constant 0 : i32
        %dma_start3A_146 = arith.constant 0 : i32
        %dma_start3A_147 = tpu.memref_slice %arg17[%dma_start3A_145, %dma_start3A_146] : memref<160x128xf32, #tpu.memory_space<vmem>> -> memref<80x128xf32, #tpu.memory_space<vmem>>
        %dma_start3A_148 = arith.constant 0 : i32
        %dma_start3A_149 = arith.constant 0 : i32
        %dma_start3A_150 = tpu.memref_slice %arg15[%dma_start3A_148, %dma_start3A_149] : memref<10000x128xf32, #tpu.memory_space<vmem_shared>> -> memref<10000x128xf32, #tpu.memory_space<vmem_shared>>
        tpu.enqueue_indirect_dma source(%dma_start3A_147 : memref<80x128xf32, #tpu.memory_space<vmem>>) target(%dma_start3A_150 : memref<10000x128xf32, #tpu.memory_space<vmem_shared>>) offsets(%arg20 : memref<80xi32, #tpu.memory_space<vmem>>) semaphore(%arg27 : memref<!tpu.dma_semaphore, #tpu.memory_space<semaphore_mem>>) {add = true}
        %dma_start3A_151 = arith.constant 80 : i32
        %dma_start3A_152 = arith.constant 0 : i32
        %dma_start3A_153 = tpu.memref_slice %arg17[%dma_start3A_151, %dma_start3A_152] : memref<160x128xf32, #tpu.memory_space<vmem>> -> memref<80x128xf32, #tpu.memory_space<vmem>>
        %dma_start3A_154 = arith.constant 0 : i32
        %dma_start3A_155 = arith.constant 0 : i32
        %dma_start3A_156 = tpu.memref_slice %arg15[%dma_start3A_154, %dma_start3A_155] : memref<10000x128xf32, #tpu.memory_space<vmem_shared>> -> memref<10000x128xf32, #tpu.memory_space<vmem_shared>>
        tpu.enqueue_indirect_dma source(%dma_start3A_153 : memref<80x128xf32, #tpu.memory_space<vmem>>) target(%dma_start3A_156 : memref<10000x128xf32, #tpu.memory_space<vmem_shared>>) offsets(%arg21 : memref<80xi32, #tpu.memory_space<vmem>>) semaphore(%arg27 : memref<!tpu.dma_semaphore, #tpu.memory_space<semaphore_mem>>) {add = true}
        %dma_wait3A_157 = arith.constant 0 : i32
        %dma_wait3A_158 = arith.constant 0 : i32
        %dma_wait3A_159 = tpu.memref_slice %arg16[%dma_wait3A_157, %dma_wait3A_158] : memref<160x128xf32, #tpu.memory_space<vmem>> -> memref<80x128xf32, #tpu.memory_space<vmem>>
        %dma_wait3A_160 = arith.constant 0 : i32
        %dma_wait3A_161 = arith.constant 0 : i32
        %dma_wait3A_162 = tpu.memref_slice %arg15[%dma_wait3A_160, %dma_wait3A_161] : memref<10000x128xf32, #tpu.memory_space<vmem_shared>> -> memref<10000x128xf32, #tpu.memory_space<vmem_shared>>
        tpu.wait_indirect_dma semaphore(%arg26 : memref<!tpu.dma_semaphore, #tpu.memory_space<semaphore_mem>>) src(%dma_wait3A_159 : memref<80x128xf32, #tpu.memory_space<vmem>>) dst(%dma_wait3A_162 : memref<10000x128xf32, #tpu.memory_space<vmem_shared>>)
        %dma_wait3A_163 = arith.constant 80 : i32
        %dma_wait3A_164 = arith.constant 0 : i32
        %dma_wait3A_165 = tpu.memref_slice %arg16[%dma_wait3A_163, %dma_wait3A_164] : memref<160x128xf32, #tpu.memory_space<vmem>> -> memref<80x128xf32, #tpu.memory_space<vmem>>
        %dma_wait3A_166 = arith.constant 0 : i32
        %dma_wait3A_167 = arith.constant 0 : i32
        %dma_wait3A_168 = tpu.memref_slice %arg15[%dma_wait3A_166, %dma_wait3A_167] : memref<10000x128xf32, #tpu.memory_space<vmem_shared>> -> memref<10000x128xf32, #tpu.memory_space<vmem_shared>>
        tpu.wait_indirect_dma semaphore(%arg26 : memref<!tpu.dma_semaphore, #tpu.memory_space<semaphore_mem>>) src(%dma_wait3A_165 : memref<80x128xf32, #tpu.memory_space<vmem>>) dst(%dma_wait3A_168 : memref<10000x128xf32, #tpu.memory_space<vmem_shared>>)
        %mul3A_169 = arith.constant 2 : i32
        %mul3A_170 = arith.muli %mul3A_169, %scan3A_94 : i32
        %add3A_171 = arith.constant 2 : i32
        %add3A_172 = arith.addi %mul3A_170, %add3A_171 : i32
        %lt3A = arith.constant 81 : i32
        %lt3A_173 = arith.cmpi slt, %add3A_172, %lt3A : i32
        %convert_element_type3A_174 = arith.extui %lt3A_173 : i1 to i32
        %cond3A_175 = arith.constant 0 : i32
        %cond3A_176 = arith.cmpi ne, %convert_element_type3A_174, %cond3A_175 : i32
        scf.if %cond3A_176 {
          %add3A_198 = arith.constant 2 : i32
          %add3A_199 = arith.addi %mul3A_96, %add3A_198 : i32
          %mul3A_200 = arith.constant 12960 : i32
          %mul3A_201 = arith.muli %arg1, %mul3A_200 : i32
          %mul3A_202 = arith.constant 160 : i32
          %mul3A_203 = arith.muli %add3A_199, %mul3A_202 : i32
          %add3A_204 = arith.addi %mul3A_201, %mul3A_203 : i32
          %dma_start3A_205 = arith.constant 0 : i32
          %dma_start3A_206 = tpu.memref_slice %arg4[%add3A_204, %dma_start3A_205] : memref<207360x128xf32, #tpu.memory_space<hbm>> -> memref<160x128xf32, #tpu.memory_space<hbm>>
          %dma_start3A_207 = arith.constant 0 : i32
          %dma_start3A_208 = tpu.memref_slice %arg4[%add3A_204, %dma_start3A_207] : memref<207360x128xf32, #tpu.memory_space<hbm>> -> memref<160x128xf32, #tpu.memory_space<hbm>>
          tpu.enqueue_dma source(%dma_start3A_208 : memref<160x128xf32, #tpu.memory_space<hbm>>) target(%arg16 : memref<160x128xf32, #tpu.memory_space<vmem>>) target_semaphore(%arg22 : memref<!tpu.dma_semaphore, #tpu.memory_space<semaphore_mem>>)
          %add3A_209 = arith.constant 0 : i32
          %add3A_210 = arith.addi %add3A_204, %add3A_209 : i32
          %dma_start3A_211 = tpu.memref_slice %arg6[%add3A_210] : memref<207360xi32, #tpu.memory_space<hbm>> -> memref<80xi32, #tpu.memory_space<hbm>>
          %dma_start3A_212 = tpu.memref_slice %arg6[%add3A_210] : memref<207360xi32, #tpu.memory_space<hbm>> -> memref<80xi32, #tpu.memory_space<hbm>>
          tpu.enqueue_dma source(%dma_start3A_212 : memref<80xi32, #tpu.memory_space<hbm>>) target(%arg18 : memref<80xi32, #tpu.memory_space<vmem>>) target_semaphore(%arg24 : memref<!tpu.dma_semaphore, #tpu.memory_space<semaphore_mem>>)
          %add3A_213 = arith.constant 80 : i32
          %add3A_214 = arith.addi %add3A_204, %add3A_213 : i32
          %dma_start3A_215 = tpu.memref_slice %arg6[%add3A_214] : memref<207360xi32, #tpu.memory_space<hbm>> -> memref<80xi32, #tpu.memory_space<hbm>>
          %dma_start3A_216 = tpu.memref_slice %arg6[%add3A_214] : memref<207360xi32, #tpu.memory_space<hbm>> -> memref<80xi32, #tpu.memory_space<hbm>>
          tpu.enqueue_dma source(%dma_start3A_216 : memref<80xi32, #tpu.memory_space<hbm>>) target(%arg19 : memref<80xi32, #tpu.memory_space<vmem>>) target_semaphore(%arg24 : memref<!tpu.dma_semaphore, #tpu.memory_space<semaphore_mem>>)
        } else {
        }
        %dma_wait3A_177 = arith.constant 0 : i32
        %dma_wait3A_178 = arith.constant 0 : i32
        %dma_wait3A_179 = tpu.memref_slice %arg17[%dma_wait3A_177, %dma_wait3A_178] : memref<160x128xf32, #tpu.memory_space<vmem>> -> memref<80x128xf32, #tpu.memory_space<vmem>>
        %dma_wait3A_180 = arith.constant 0 : i32
        %dma_wait3A_181 = arith.constant 0 : i32
        %dma_wait3A_182 = tpu.memref_slice %arg15[%dma_wait3A_180, %dma_wait3A_181] : memref<10000x128xf32, #tpu.memory_space<vmem_shared>> -> memref<10000x128xf32, #tpu.memory_space<vmem_shared>>
        tpu.wait_indirect_dma semaphore(%arg27 : memref<!tpu.dma_semaphore, #tpu.memory_space<semaphore_mem>>) src(%dma_wait3A_179 : memref<80x128xf32, #tpu.memory_space<vmem>>) dst(%dma_wait3A_182 : memref<10000x128xf32, #tpu.memory_space<vmem_shared>>)
        %dma_wait3A_183 = arith.constant 80 : i32
        %dma_wait3A_184 = arith.constant 0 : i32
        %dma_wait3A_185 = tpu.memref_slice %arg17[%dma_wait3A_183, %dma_wait3A_184] : memref<160x128xf32, #tpu.memory_space<vmem>> -> memref<80x128xf32, #tpu.memory_space<vmem>>
        %dma_wait3A_186 = arith.constant 0 : i32
        %dma_wait3A_187 = arith.constant 0 : i32
        %dma_wait3A_188 = tpu.memref_slice %arg15[%dma_wait3A_186, %dma_wait3A_187] : memref<10000x128xf32, #tpu.memory_space<vmem_shared>> -> memref<10000x128xf32, #tpu.memory_space<vmem_shared>>
        tpu.wait_indirect_dma semaphore(%arg27 : memref<!tpu.dma_semaphore, #tpu.memory_space<semaphore_mem>>) src(%dma_wait3A_185 : memref<80x128xf32, #tpu.memory_space<vmem>>) dst(%dma_wait3A_188 : memref<10000x128xf32, #tpu.memory_space<vmem_shared>>)
        %mul3A_189 = arith.constant 2 : i32
        %mul3A_190 = arith.muli %mul3A_189, %scan3A_94 : i32
        %add3A_191 = arith.constant 3 : i32
        %add3A_192 = arith.addi %mul3A_190, %add3A_191 : i32
        %lt3A_193 = arith.constant 81 : i32
        %lt3A_194 = arith.cmpi slt, %add3A_192, %lt3A_193 : i32
        %convert_element_type3A_195 = arith.extui %lt3A_194 : i1 to i32
        %cond3A_196 = arith.constant 0 : i32
        %cond3A_197 = arith.cmpi ne, %convert_element_type3A_195, %cond3A_196 : i32
        scf.if %cond3A_197 {
          %add3A_198 = arith.constant 3 : i32
          %add3A_199 = arith.addi %mul3A_96, %add3A_198 : i32
          %mul3A_200 = arith.constant 12960 : i32
          %mul3A_201 = arith.muli %arg1, %mul3A_200 : i32
          %mul3A_202 = arith.constant 160 : i32
          %mul3A_203 = arith.muli %add3A_199, %mul3A_202 : i32
          %add3A_204 = arith.addi %mul3A_201, %mul3A_203 : i32
          %dma_start3A_205 = arith.constant 0 : i32
          %dma_start3A_206 = tpu.memref_slice %arg4[%add3A_204, %dma_start3A_205] : memref<207360x128xf32, #tpu.memory_space<hbm>> -> memref<160x128xf32, #tpu.memory_space<hbm>>
          %dma_start3A_207 = arith.constant 0 : i32
          %dma_start3A_208 = tpu.memref_slice %arg4[%add3A_204, %dma_start3A_207] : memref<207360x128xf32, #tpu.memory_space<hbm>> -> memref<160x128xf32, #tpu.memory_space<hbm>>
          tpu.enqueue_dma source(%dma_start3A_208 : memref<160x128xf32, #tpu.memory_space<hbm>>) target(%arg17 : memref<160x128xf32, #tpu.memory_space<vmem>>) target_semaphore(%arg23 : memref<!tpu.dma_semaphore, #tpu.memory_space<semaphore_mem>>)
          %add3A_209 = arith.constant 0 : i32
          %add3A_210 = arith.addi %add3A_204, %add3A_209 : i32
          %dma_start3A_211 = tpu.memref_slice %arg6[%add3A_210] : memref<207360xi32, #tpu.memory_space<hbm>> -> memref<80xi32, #tpu.memory_space<hbm>>
          %dma_start3A_212 = tpu.memref_slice %arg6[%add3A_210] : memref<207360xi32, #tpu.memory_space<hbm>> -> memref<80xi32, #tpu.memory_space<hbm>>
          tpu.enqueue_dma source(%dma_start3A_212 : memref<80xi32, #tpu.memory_space<hbm>>) target(%arg20 : memref<80xi32, #tpu.memory_space<vmem>>) target_semaphore(%arg25 : memref<!tpu.dma_semaphore, #tpu.memory_space<semaphore_mem>>)
          %add3A_213 = arith.constant 80 : i32
          %add3A_214 = arith.addi %add3A_204, %add3A_213 : i32
          %dma_start3A_215 = tpu.memref_slice %arg6[%add3A_214] : memref<207360xi32, #tpu.memory_space<hbm>> -> memref<80xi32, #tpu.memory_space<hbm>>
          %dma_start3A_216 = tpu.memref_slice %arg6[%add3A_214] : memref<207360xi32, #tpu.memory_space<hbm>> -> memref<80xi32, #tpu.memory_space<hbm>>
          tpu.enqueue_dma source(%dma_start3A_216 : memref<80xi32, #tpu.memory_space<hbm>>) target(%arg21 : memref<80xi32, #tpu.memory_space<vmem>>) target_semaphore(%arg25 : memref<!tpu.dma_semaphore, #tpu.memory_space<semaphore_mem>>)
        } else {
        }
      }
      %scan3A_52 = arith.constant 40 : i32
      %mul3A_53 = arith.constant 12960 : i32
      %mul3A_54 = arith.muli %arg1, %mul3A_53 : i32
      %add3A_55 = arith.constant 12800 : i32
      %add3A_56 = arith.addi %mul3A_54, %add3A_55 : i32
      %dma_wait3A = arith.constant 0 : i32
      %dma_wait3A_57 = tpu.memref_slice %arg4[%add3A_56, %dma_wait3A] : memref<207360x128xf32, #tpu.memory_space<hbm>> -> memref<160x128xf32, #tpu.memory_space<hbm>>
      %dma_wait3A_58 = arith.constant 0 : i32
      %dma_wait3A_59 = tpu.memref_slice %arg4[%add3A_56, %dma_wait3A_58] : memref<207360x128xf32, #tpu.memory_space<hbm>> -> memref<160x128xf32, #tpu.memory_space<hbm>>
      tpu.wait_dma2 semaphore(%arg22 : memref<!tpu.dma_semaphore, #tpu.memory_space<semaphore_mem>>) src(%dma_wait3A_59 : memref<160x128xf32, #tpu.memory_space<hbm>>) dst(%arg16 : memref<160x128xf32, #tpu.memory_space<vmem>>)
      %add3A_60 = arith.constant 0 : i32
      %add3A_61 = arith.addi %add3A_56, %add3A_60 : i32
      %dma_wait3A_62 = tpu.memref_slice %arg6[%add3A_61] : memref<207360xi32, #tpu.memory_space<hbm>> -> memref<80xi32, #tpu.memory_space<hbm>>
      %dma_wait3A_63 = tpu.memref_slice %arg6[%add3A_61] : memref<207360xi32, #tpu.memory_space<hbm>> -> memref<80xi32, #tpu.memory_space<hbm>>
      tpu.wait_dma2 semaphore(%arg24 : memref<!tpu.dma_semaphore, #tpu.memory_space<semaphore_mem>>) src(%dma_wait3A_63 : memref<80xi32, #tpu.memory_space<hbm>>) dst(%arg18 : memref<80xi32, #tpu.memory_space<vmem>>)
      %add3A_64 = arith.constant 80 : i32
      %add3A_65 = arith.addi %add3A_56, %add3A_64 : i32
      %dma_wait3A_66 = tpu.memref_slice %arg6[%add3A_65] : memref<207360xi32, #tpu.memory_space<hbm>> -> memref<80xi32, #tpu.memory_space<hbm>>
      %dma_wait3A_67 = tpu.memref_slice %arg6[%add3A_65] : memref<207360xi32, #tpu.memory_space<hbm>> -> memref<80xi32, #tpu.memory_space<hbm>>
      tpu.wait_dma2 semaphore(%arg24 : memref<!tpu.dma_semaphore, #tpu.memory_space<semaphore_mem>>) src(%dma_wait3A_67 : memref<80xi32, #tpu.memory_space<hbm>>) dst(%arg19 : memref<80xi32, #tpu.memory_space<vmem>>)
      %dma_start3A_68 = arith.constant 0 : i32
      %dma_start3A_69 = arith.constant 0 : i32
      %dma_start3A_70 = tpu.memref_slice %arg16[%dma_start3A_68, %dma_start3A_69] : memref<160x128xf32, #tpu.memory_space<vmem>> -> memref<80x128xf32, #tpu.memory_space<vmem>>
      %dma_start3A_71 = arith.constant 0 : i32
      %dma_start3A_72 = arith.constant 0 : i32
      %dma_start3A_73 = tpu.memref_slice %arg15[%dma_start3A_71, %dma_start3A_72] : memref<10000x128xf32, #tpu.memory_space<vmem_shared>> -> memref<10000x128xf32, #tpu.memory_space<vmem_shared>>
      tpu.enqueue_indirect_dma source(%dma_start3A_70 : memref<80x128xf32, #tpu.memory_space<vmem>>) target(%dma_start3A_73 : memref<10000x128xf32, #tpu.memory_space<vmem_shared>>) offsets(%arg18 : memref<80xi32, #tpu.memory_space<vmem>>) semaphore(%arg26 : memref<!tpu.dma_semaphore, #tpu.memory_space<semaphore_mem>>) {add = true}
      %dma_start3A_74 = arith.constant 80 : i32
      %dma_start3A_75 = arith.constant 0 : i32
      %dma_start3A_76 = tpu.memref_slice %arg16[%dma_start3A_74, %dma_start3A_75] : memref<160x128xf32, #tpu.memory_space<vmem>> -> memref<80x128xf32, #tpu.memory_space<vmem>>
      %dma_start3A_77 = arith.constant 0 : i32
      %dma_start3A_78 = arith.constant 0 : i32
      %dma_start3A_79 = tpu.memref_slice %arg15[%dma_start3A_77, %dma_start3A_78] : memref<10000x128xf32, #tpu.memory_space<vmem_shared>> -> memref<10000x128xf32, #tpu.memory_space<vmem_shared>>
      tpu.enqueue_indirect_dma source(%dma_start3A_76 : memref<80x128xf32, #tpu.memory_space<vmem>>) target(%dma_start3A_79 : memref<10000x128xf32, #tpu.memory_space<vmem_shared>>) offsets(%arg19 : memref<80xi32, #tpu.memory_space<vmem>>) semaphore(%arg26 : memref<!tpu.dma_semaphore, #tpu.memory_space<semaphore_mem>>) {add = true}
      %dma_wait3A_80 = arith.constant 0 : i32
      %dma_wait3A_81 = arith.constant 0 : i32
      %dma_wait3A_82 = tpu.memref_slice %arg16[%dma_wait3A_80, %dma_wait3A_81] : memref<160x128xf32, #tpu.memory_space<vmem>> -> memref<80x128xf32, #tpu.memory_space<vmem>>
      %dma_wait3A_83 = arith.constant 0 : i32
      %dma_wait3A_84 = arith.constant 0 : i32
      %dma_wait3A_85 = tpu.memref_slice %arg15[%dma_wait3A_83, %dma_wait3A_84] : memref<10000x128xf32, #tpu.memory_space<vmem_shared>> -> memref<10000x128xf32, #tpu.memory_space<vmem_shared>>
      tpu.wait_indirect_dma semaphore(%arg26 : memref<!tpu.dma_semaphore, #tpu.memory_space<semaphore_mem>>) src(%dma_wait3A_82 : memref<80x128xf32, #tpu.memory_space<vmem>>) dst(%dma_wait3A_85 : memref<10000x128xf32, #tpu.memory_space<vmem_shared>>)
      %dma_wait3A_86 = arith.constant 80 : i32
      %dma_wait3A_87 = arith.constant 0 : i32
      %dma_wait3A_88 = tpu.memref_slice %arg16[%dma_wait3A_86, %dma_wait3A_87] : memref<160x128xf32, #tpu.memory_space<vmem>> -> memref<80x128xf32, #tpu.memory_space<vmem>>
      %dma_wait3A_89 = arith.constant 0 : i32
      %dma_wait3A_90 = arith.constant 0 : i32
      %dma_wait3A_91 = tpu.memref_slice %arg15[%dma_wait3A_89, %dma_wait3A_90] : memref<10000x128xf32, #tpu.memory_space<vmem_shared>> -> memref<10000x128xf32, #tpu.memory_space<vmem_shared>>
      tpu.wait_indirect_dma semaphore(%arg26 : memref<!tpu.dma_semaphore, #tpu.memory_space<semaphore_mem>>) src(%dma_wait3A_88 : memref<80x128xf32, #tpu.memory_space<vmem>>) dst(%dma_wait3A_91 : memref<10000x128xf32, #tpu.memory_space<vmem_shared>>)
      %barrier3A_92 = arith.constant 0 : index
      tpu.barrier barrier_id(%barrier3A_92)
      "tpu.region"() ({
        %run_scoped3A = tpu.sem_alloc : memref<!tpu.dma_semaphore, #tpu.memory_space<semaphore_mem>>
        %dma_start3A_94 = arith.constant 0 : i32
        %dma_start3A_95 = tpu.memref_slice %arg13[%mul3A_0, %dma_start3A_94] : memref<10000x128xf32, #tpu.memory_space<hbm>> -> memref<640x128xf32, #tpu.memory_space<hbm>>
        %dma_start3A_96 = arith.constant 0 : i32
        %dma_start3A_97 = tpu.memref_slice %arg15[%mul3A_0, %dma_start3A_96] : memref<10000x128xf32, #tpu.memory_space<vmem_shared>> -> memref<640x128xf32, #tpu.memory_space<vmem_shared>>
        tpu.enqueue_dma source(%dma_start3A_97 : memref<640x128xf32, #tpu.memory_space<vmem_shared>>) target(%dma_start3A_95 : memref<640x128xf32, #tpu.memory_space<hbm>>) target_semaphore(%run_scoped3A : memref<!tpu.dma_semaphore, #tpu.memory_space<semaphore_mem>>)
        %dma_wait3A_98 = arith.constant 0 : i32
        %dma_wait3A_99 = tpu.memref_slice %arg13[%mul3A_0, %dma_wait3A_98] : memref<10000x128xf32, #tpu.memory_space<hbm>> -> memref<640x128xf32, #tpu.memory_space<hbm>>
        %dma_wait3A_100 = arith.constant 0 : i32
        %dma_wait3A_101 = tpu.memref_slice %arg15[%mul3A_0, %dma_wait3A_100] : memref<10000x128xf32, #tpu.memory_space<vmem_shared>> -> memref<640x128xf32, #tpu.memory_space<vmem_shared>>
        tpu.wait_dma2 semaphore(%run_scoped3A : memref<!tpu.dma_semaphore, #tpu.memory_space<semaphore_mem>>) src(%dma_wait3A_101 : memref<640x128xf32, #tpu.memory_space<vmem_shared>>) dst(%dma_wait3A_99 : memref<640x128xf32, #tpu.memory_space<hbm>>)
        tpu.yield
      }) : () -> ()
      %barrier3A_93 = arith.constant 0 : index
      tpu.barrier barrier_id(%barrier3A_93)
    } else {
    }
    %eq3A_13 = arith.constant 1 : i32
    %eq3A_14 = arith.cmpi eq, %arg0, %eq3A_13 : i32
    %convert_element_type3A_15 = arith.extui %eq3A_14 : i1 to i32
    %cond3A_16 = arith.constant 0 : i32
    %cond3A_17 = arith.cmpi ne, %convert_element_type3A_15, %cond3A_16 : i32
    scf.if %cond3A_17 {
      "tpu.region"() ({
        %run_scoped3A = tpu.sem_alloc : memref<!tpu.dma_semaphore, #tpu.memory_space<semaphore_mem>>
        %dma_start3A_94 = arith.constant 0 : i32
        %dma_start3A_95 = tpu.memref_slice %arg15[%mul3A_0, %dma_start3A_94] : memref<10000x128xf32, #tpu.memory_space<vmem_shared>> -> memref<640x128xf32, #tpu.memory_space<vmem_shared>>
        %dma_start3A_96 = arith.constant 0 : i32
        %dma_start3A_97 = tpu.memref_slice %arg10[%mul3A_0, %dma_start3A_96] : memref<10000x128xf32, #tpu.memory_space<hbm>> -> memref<640x128xf32, #tpu.memory_space<hbm>>
        tpu.enqueue_dma source(%dma_start3A_97 : memref<640x128xf32, #tpu.memory_space<hbm>>) target(%dma_start3A_95 : memref<640x128xf32, #tpu.memory_space<vmem_shared>>) target_semaphore(%run_scoped3A : memref<!tpu.dma_semaphore, #tpu.memory_space<semaphore_mem>>)
        %dma_wait3A_98 = arith.constant 0 : i32
        %dma_wait3A_99 = tpu.memref_slice %arg15[%mul3A_0, %dma_wait3A_98] : memref<10000x128xf32, #tpu.memory_space<vmem_shared>> -> memref<640x128xf32, #tpu.memory_space<vmem_shared>>
        %dma_wait3A_100 = arith.constant 0 : i32
        %dma_wait3A_101 = tpu.memref_slice %arg10[%mul3A_0, %dma_wait3A_100] : memref<10000x128xf32, #tpu.memory_space<hbm>> -> memref<640x128xf32, #tpu.memory_space<hbm>>
        tpu.wait_dma2 semaphore(%run_scoped3A : memref<!tpu.dma_semaphore, #tpu.memory_space<semaphore_mem>>) src(%dma_wait3A_101 : memref<640x128xf32, #tpu.memory_space<hbm>>) dst(%dma_wait3A_99 : memref<640x128xf32, #tpu.memory_space<vmem_shared>>)
        tpu.yield
      }) : () -> ()
      %barrier3A = arith.constant 0 : index
      tpu.barrier barrier_id(%barrier3A)
      %mul3A_18 = arith.constant 12960 : i32
      %mul3A_19 = arith.muli %arg1, %mul3A_18 : i32
      %add3A = arith.constant 0 : i32
      %add3A_20 = arith.addi %mul3A_19, %add3A : i32
      %dma_start3A = arith.constant 0 : i32
      %dma_start3A_21 = tpu.memref_slice %arg5[%add3A_20, %dma_start3A] : memref<207360x128xf32, #tpu.memory_space<hbm>> -> memref<160x128xf32, #tpu.memory_space<hbm>>
      %dma_start3A_22 = arith.constant 0 : i32
      %dma_start3A_23 = tpu.memref_slice %arg5[%add3A_20, %dma_start3A_22] : memref<207360x128xf32, #tpu.memory_space<hbm>> -> memref<160x128xf32, #tpu.memory_space<hbm>>
      tpu.enqueue_dma source(%dma_start3A_23 : memref<160x128xf32, #tpu.memory_space<hbm>>) target(%arg16 : memref<160x128xf32, #tpu.memory_space<vmem>>) target_semaphore(%arg22 : memref<!tpu.dma_semaphore, #tpu.memory_space<semaphore_mem>>)
      %add3A_24 = arith.constant 0 : i32
      %add3A_25 = arith.addi %add3A_20, %add3A_24 : i32
      %dma_start3A_26 = tpu.memref_slice %arg6[%add3A_25] : memref<207360xi32, #tpu.memory_space<hbm>> -> memref<80xi32, #tpu.memory_space<hbm>>
      %dma_start3A_27 = tpu.memref_slice %arg6[%add3A_25] : memref<207360xi32, #tpu.memory_space<hbm>> -> memref<80xi32, #tpu.memory_space<hbm>>
      tpu.enqueue_dma source(%dma_start3A_27 : memref<80xi32, #tpu.memory_space<hbm>>) target(%arg18 : memref<80xi32, #tpu.memory_space<vmem>>) target_semaphore(%arg24 : memref<!tpu.dma_semaphore, #tpu.memory_space<semaphore_mem>>)
      %add3A_28 = arith.constant 80 : i32
      %add3A_29 = arith.addi %add3A_20, %add3A_28 : i32
      %dma_start3A_30 = tpu.memref_slice %arg6[%add3A_29] : memref<207360xi32, #tpu.memory_space<hbm>> -> memref<80xi32, #tpu.memory_space<hbm>>
      %dma_start3A_31 = tpu.memref_slice %arg6[%add3A_29] : memref<207360xi32, #tpu.memory_space<hbm>> -> memref<80xi32, #tpu.memory_space<hbm>>
      tpu.enqueue_dma source(%dma_start3A_31 : memref<80xi32, #tpu.memory_space<hbm>>) target(%arg19 : memref<80xi32, #tpu.memory_space<vmem>>) target_semaphore(%arg24 : memref<!tpu.dma_semaphore, #tpu.memory_space<semaphore_mem>>)
      %mul3A_32 = arith.constant 12960 : i32
      %mul3A_33 = arith.muli %arg1, %mul3A_32 : i32
      %add3A_34 = arith.constant 160 : i32
      %add3A_35 = arith.addi %mul3A_33, %add3A_34 : i32
      %dma_start3A_36 = arith.constant 0 : i32
      %dma_start3A_37 = tpu.memref_slice %arg5[%add3A_35, %dma_start3A_36] : memref<207360x128xf32, #tpu.memory_space<hbm>> -> memref<160x128xf32, #tpu.memory_space<hbm>>
      %dma_start3A_38 = arith.constant 0 : i32
      %dma_start3A_39 = tpu.memref_slice %arg5[%add3A_35, %dma_start3A_38] : memref<207360x128xf32, #tpu.memory_space<hbm>> -> memref<160x128xf32, #tpu.memory_space<hbm>>
      tpu.enqueue_dma source(%dma_start3A_39 : memref<160x128xf32, #tpu.memory_space<hbm>>) target(%arg17 : memref<160x128xf32, #tpu.memory_space<vmem>>) target_semaphore(%arg23 : memref<!tpu.dma_semaphore, #tpu.memory_space<semaphore_mem>>)
      %add3A_40 = arith.constant 0 : i32
      %add3A_41 = arith.addi %add3A_35, %add3A_40 : i32
      %dma_start3A_42 = tpu.memref_slice %arg6[%add3A_41] : memref<207360xi32, #tpu.memory_space<hbm>> -> memref<80xi32, #tpu.memory_space<hbm>>
      %dma_start3A_43 = tpu.memref_slice %arg6[%add3A_41] : memref<207360xi32, #tpu.memory_space<hbm>> -> memref<80xi32, #tpu.memory_space<hbm>>
      tpu.enqueue_dma source(%dma_start3A_43 : memref<80xi32, #tpu.memory_space<hbm>>) target(%arg20 : memref<80xi32, #tpu.memory_space<vmem>>) target_semaphore(%arg25 : memref<!tpu.dma_semaphore, #tpu.memory_space<semaphore_mem>>)
      %add3A_44 = arith.constant 80 : i32
      %add3A_45 = arith.addi %add3A_35, %add3A_44 : i32
      %dma_start3A_46 = tpu.memref_slice %arg6[%add3A_45] : memref<207360xi32, #tpu.memory_space<hbm>> -> memref<80xi32, #tpu.memory_space<hbm>>
      %dma_start3A_47 = tpu.memref_slice %arg6[%add3A_45] : memref<207360xi32, #tpu.memory_space<hbm>> -> memref<80xi32, #tpu.memory_space<hbm>>
      tpu.enqueue_dma source(%dma_start3A_47 : memref<80xi32, #tpu.memory_space<hbm>>) target(%arg21 : memref<80xi32, #tpu.memory_space<vmem>>) target_semaphore(%arg25 : memref<!tpu.dma_semaphore, #tpu.memory_space<semaphore_mem>>)
      %scan3A = arith.constant 0 : i32
      %scan3A_48 = arith.constant 0 : i32
      %scan3A_49 = arith.constant 40 : i32
      %scan3A_50 = arith.addi %scan3A_48, %scan3A_49 : i32
      %scan3A_51 = arith.constant 1 : i32
      scf.for %scan3A_94 = %scan3A_48 to %scan3A_50 step %scan3A_51  : i32 {
        %mul3A_95 = arith.constant 2 : i32
        %mul3A_96 = arith.muli %mul3A_95, %scan3A_94 : i32
        %mul3A_97 = arith.constant 12960 : i32
        %mul3A_98 = arith.muli %arg1, %mul3A_97 : i32
        %mul3A_99 = arith.constant 160 : i32
        %mul3A_100 = arith.muli %mul3A_96, %mul3A_99 : i32
        %add3A_101 = arith.addi %mul3A_98, %mul3A_100 : i32
        %dma_wait3A_102 = arith.constant 0 : i32
        %dma_wait3A_103 = tpu.memref_slice %arg5[%add3A_101, %dma_wait3A_102] : memref<207360x128xf32, #tpu.memory_space<hbm>> -> memref<160x128xf32, #tpu.memory_space<hbm>>
        %dma_wait3A_104 = arith.constant 0 : i32
        %dma_wait3A_105 = tpu.memref_slice %arg5[%add3A_101, %dma_wait3A_104] : memref<207360x128xf32, #tpu.memory_space<hbm>> -> memref<160x128xf32, #tpu.memory_space<hbm>>
        tpu.wait_dma2 semaphore(%arg22 : memref<!tpu.dma_semaphore, #tpu.memory_space<semaphore_mem>>) src(%dma_wait3A_105 : memref<160x128xf32, #tpu.memory_space<hbm>>) dst(%arg16 : memref<160x128xf32, #tpu.memory_space<vmem>>)
        %add3A_106 = arith.constant 0 : i32
        %add3A_107 = arith.addi %add3A_101, %add3A_106 : i32
        %dma_wait3A_108 = tpu.memref_slice %arg6[%add3A_107] : memref<207360xi32, #tpu.memory_space<hbm>> -> memref<80xi32, #tpu.memory_space<hbm>>
        %dma_wait3A_109 = tpu.memref_slice %arg6[%add3A_107] : memref<207360xi32, #tpu.memory_space<hbm>> -> memref<80xi32, #tpu.memory_space<hbm>>
        tpu.wait_dma2 semaphore(%arg24 : memref<!tpu.dma_semaphore, #tpu.memory_space<semaphore_mem>>) src(%dma_wait3A_109 : memref<80xi32, #tpu.memory_space<hbm>>) dst(%arg18 : memref<80xi32, #tpu.memory_space<vmem>>)
        %add3A_110 = arith.constant 80 : i32
        %add3A_111 = arith.addi %add3A_101, %add3A_110 : i32
        %dma_wait3A_112 = tpu.memref_slice %arg6[%add3A_111] : memref<207360xi32, #tpu.memory_space<hbm>> -> memref<80xi32, #tpu.memory_space<hbm>>
        %dma_wait3A_113 = tpu.memref_slice %arg6[%add3A_111] : memref<207360xi32, #tpu.memory_space<hbm>> -> memref<80xi32, #tpu.memory_space<hbm>>
        tpu.wait_dma2 semaphore(%arg24 : memref<!tpu.dma_semaphore, #tpu.memory_space<semaphore_mem>>) src(%dma_wait3A_113 : memref<80xi32, #tpu.memory_space<hbm>>) dst(%arg19 : memref<80xi32, #tpu.memory_space<vmem>>)
        %dma_start3A_114 = arith.constant 0 : i32
        %dma_start3A_115 = arith.constant 0 : i32
        %dma_start3A_116 = tpu.memref_slice %arg16[%dma_start3A_114, %dma_start3A_115] : memref<160x128xf32, #tpu.memory_space<vmem>> -> memref<80x128xf32, #tpu.memory_space<vmem>>
        %dma_start3A_117 = arith.constant 0 : i32
        %dma_start3A_118 = arith.constant 0 : i32
        %dma_start3A_119 = tpu.memref_slice %arg15[%dma_start3A_117, %dma_start3A_118] : memref<10000x128xf32, #tpu.memory_space<vmem_shared>> -> memref<10000x128xf32, #tpu.memory_space<vmem_shared>>
        tpu.enqueue_indirect_dma source(%dma_start3A_116 : memref<80x128xf32, #tpu.memory_space<vmem>>) target(%dma_start3A_119 : memref<10000x128xf32, #tpu.memory_space<vmem_shared>>) offsets(%arg18 : memref<80xi32, #tpu.memory_space<vmem>>) semaphore(%arg26 : memref<!tpu.dma_semaphore, #tpu.memory_space<semaphore_mem>>) {add = true}
        %dma_start3A_120 = arith.constant 80 : i32
        %dma_start3A_121 = arith.constant 0 : i32
        %dma_start3A_122 = tpu.memref_slice %arg16[%dma_start3A_120, %dma_start3A_121] : memref<160x128xf32, #tpu.memory_space<vmem>> -> memref<80x128xf32, #tpu.memory_space<vmem>>
        %dma_start3A_123 = arith.constant 0 : i32
        %dma_start3A_124 = arith.constant 0 : i32
        %dma_start3A_125 = tpu.memref_slice %arg15[%dma_start3A_123, %dma_start3A_124] : memref<10000x128xf32, #tpu.memory_space<vmem_shared>> -> memref<10000x128xf32, #tpu.memory_space<vmem_shared>>
        tpu.enqueue_indirect_dma source(%dma_start3A_122 : memref<80x128xf32, #tpu.memory_space<vmem>>) target(%dma_start3A_125 : memref<10000x128xf32, #tpu.memory_space<vmem_shared>>) offsets(%arg19 : memref<80xi32, #tpu.memory_space<vmem>>) semaphore(%arg26 : memref<!tpu.dma_semaphore, #tpu.memory_space<semaphore_mem>>) {add = true}
        %add3A_126 = arith.constant 1 : i32
        %add3A_127 = arith.addi %mul3A_96, %add3A_126 : i32
        %mul3A_128 = arith.constant 12960 : i32
        %mul3A_129 = arith.muli %arg1, %mul3A_128 : i32
        %mul3A_130 = arith.constant 160 : i32
        %mul3A_131 = arith.muli %add3A_127, %mul3A_130 : i32
        %add3A_132 = arith.addi %mul3A_129, %mul3A_131 : i32
        %dma_wait3A_133 = arith.constant 0 : i32
        %dma_wait3A_134 = tpu.memref_slice %arg5[%add3A_132, %dma_wait3A_133] : memref<207360x128xf32, #tpu.memory_space<hbm>> -> memref<160x128xf32, #tpu.memory_space<hbm>>
        %dma_wait3A_135 = arith.constant 0 : i32
        %dma_wait3A_136 = tpu.memref_slice %arg5[%add3A_132, %dma_wait3A_135] : memref<207360x128xf32, #tpu.memory_space<hbm>> -> memref<160x128xf32, #tpu.memory_space<hbm>>
        tpu.wait_dma2 semaphore(%arg23 : memref<!tpu.dma_semaphore, #tpu.memory_space<semaphore_mem>>) src(%dma_wait3A_136 : memref<160x128xf32, #tpu.memory_space<hbm>>) dst(%arg17 : memref<160x128xf32, #tpu.memory_space<vmem>>)
        %add3A_137 = arith.constant 0 : i32
        %add3A_138 = arith.addi %add3A_132, %add3A_137 : i32
        %dma_wait3A_139 = tpu.memref_slice %arg6[%add3A_138] : memref<207360xi32, #tpu.memory_space<hbm>> -> memref<80xi32, #tpu.memory_space<hbm>>
        %dma_wait3A_140 = tpu.memref_slice %arg6[%add3A_138] : memref<207360xi32, #tpu.memory_space<hbm>> -> memref<80xi32, #tpu.memory_space<hbm>>
        tpu.wait_dma2 semaphore(%arg25 : memref<!tpu.dma_semaphore, #tpu.memory_space<semaphore_mem>>) src(%dma_wait3A_140 : memref<80xi32, #tpu.memory_space<hbm>>) dst(%arg20 : memref<80xi32, #tpu.memory_space<vmem>>)
        %add3A_141 = arith.constant 80 : i32
        %add3A_142 = arith.addi %add3A_132, %add3A_141 : i32
        %dma_wait3A_143 = tpu.memref_slice %arg6[%add3A_142] : memref<207360xi32, #tpu.memory_space<hbm>> -> memref<80xi32, #tpu.memory_space<hbm>>
        %dma_wait3A_144 = tpu.memref_slice %arg6[%add3A_142] : memref<207360xi32, #tpu.memory_space<hbm>> -> memref<80xi32, #tpu.memory_space<hbm>>
        tpu.wait_dma2 semaphore(%arg25 : memref<!tpu.dma_semaphore, #tpu.memory_space<semaphore_mem>>) src(%dma_wait3A_144 : memref<80xi32, #tpu.memory_space<hbm>>) dst(%arg21 : memref<80xi32, #tpu.memory_space<vmem>>)
        %dma_start3A_145 = arith.constant 0 : i32
        %dma_start3A_146 = arith.constant 0 : i32
        %dma_start3A_147 = tpu.memref_slice %arg17[%dma_start3A_145, %dma_start3A_146] : memref<160x128xf32, #tpu.memory_space<vmem>> -> memref<80x128xf32, #tpu.memory_space<vmem>>
        %dma_start3A_148 = arith.constant 0 : i32
        %dma_start3A_149 = arith.constant 0 : i32
        %dma_start3A_150 = tpu.memref_slice %arg15[%dma_start3A_148, %dma_start3A_149] : memref<10000x128xf32, #tpu.memory_space<vmem_shared>> -> memref<10000x128xf32, #tpu.memory_space<vmem_shared>>
        tpu.enqueue_indirect_dma source(%dma_start3A_147 : memref<80x128xf32, #tpu.memory_space<vmem>>) target(%dma_start3A_150 : memref<10000x128xf32, #tpu.memory_space<vmem_shared>>) offsets(%arg20 : memref<80xi32, #tpu.memory_space<vmem>>) semaphore(%arg27 : memref<!tpu.dma_semaphore, #tpu.memory_space<semaphore_mem>>) {add = true}
        %dma_start3A_151 = arith.constant 80 : i32
        %dma_start3A_152 = arith.constant 0 : i32
        %dma_start3A_153 = tpu.memref_slice %arg17[%dma_start3A_151, %dma_start3A_152] : memref<160x128xf32, #tpu.memory_space<vmem>> -> memref<80x128xf32, #tpu.memory_space<vmem>>
        %dma_start3A_154 = arith.constant 0 : i32
        %dma_start3A_155 = arith.constant 0 : i32
        %dma_start3A_156 = tpu.memref_slice %arg15[%dma_start3A_154, %dma_start3A_155] : memref<10000x128xf32, #tpu.memory_space<vmem_shared>> -> memref<10000x128xf32, #tpu.memory_space<vmem_shared>>
        tpu.enqueue_indirect_dma source(%dma_start3A_153 : memref<80x128xf32, #tpu.memory_space<vmem>>) target(%dma_start3A_156 : memref<10000x128xf32, #tpu.memory_space<vmem_shared>>) offsets(%arg21 : memref<80xi32, #tpu.memory_space<vmem>>) semaphore(%arg27 : memref<!tpu.dma_semaphore, #tpu.memory_space<semaphore_mem>>) {add = true}
        %dma_wait3A_157 = arith.constant 0 : i32
        %dma_wait3A_158 = arith.constant 0 : i32
        %dma_wait3A_159 = tpu.memref_slice %arg16[%dma_wait3A_157, %dma_wait3A_158] : memref<160x128xf32, #tpu.memory_space<vmem>> -> memref<80x128xf32, #tpu.memory_space<vmem>>
        %dma_wait3A_160 = arith.constant 0 : i32
        %dma_wait3A_161 = arith.constant 0 : i32
        %dma_wait3A_162 = tpu.memref_slice %arg15[%dma_wait3A_160, %dma_wait3A_161] : memref<10000x128xf32, #tpu.memory_space<vmem_shared>> -> memref<10000x128xf32, #tpu.memory_space<vmem_shared>>
        tpu.wait_indirect_dma semaphore(%arg26 : memref<!tpu.dma_semaphore, #tpu.memory_space<semaphore_mem>>) src(%dma_wait3A_159 : memref<80x128xf32, #tpu.memory_space<vmem>>) dst(%dma_wait3A_162 : memref<10000x128xf32, #tpu.memory_space<vmem_shared>>)
        %dma_wait3A_163 = arith.constant 80 : i32
        %dma_wait3A_164 = arith.constant 0 : i32
        %dma_wait3A_165 = tpu.memref_slice %arg16[%dma_wait3A_163, %dma_wait3A_164] : memref<160x128xf32, #tpu.memory_space<vmem>> -> memref<80x128xf32, #tpu.memory_space<vmem>>
        %dma_wait3A_166 = arith.constant 0 : i32
        %dma_wait3A_167 = arith.constant 0 : i32
        %dma_wait3A_168 = tpu.memref_slice %arg15[%dma_wait3A_166, %dma_wait3A_167] : memref<10000x128xf32, #tpu.memory_space<vmem_shared>> -> memref<10000x128xf32, #tpu.memory_space<vmem_shared>>
        tpu.wait_indirect_dma semaphore(%arg26 : memref<!tpu.dma_semaphore, #tpu.memory_space<semaphore_mem>>) src(%dma_wait3A_165 : memref<80x128xf32, #tpu.memory_space<vmem>>) dst(%dma_wait3A_168 : memref<10000x128xf32, #tpu.memory_space<vmem_shared>>)
        %mul3A_169 = arith.constant 2 : i32
        %mul3A_170 = arith.muli %mul3A_169, %scan3A_94 : i32
        %add3A_171 = arith.constant 2 : i32
        %add3A_172 = arith.addi %mul3A_170, %add3A_171 : i32
        %lt3A = arith.constant 81 : i32
        %lt3A_173 = arith.cmpi slt, %add3A_172, %lt3A : i32
        %convert_element_type3A_174 = arith.extui %lt3A_173 : i1 to i32
        %cond3A_175 = arith.constant 0 : i32
        %cond3A_176 = arith.cmpi ne, %convert_element_type3A_174, %cond3A_175 : i32
        scf.if %cond3A_176 {
          %add3A_198 = arith.constant 2 : i32
          %add3A_199 = arith.addi %mul3A_96, %add3A_198 : i32
          %mul3A_200 = arith.constant 12960 : i32
          %mul3A_201 = arith.muli %arg1, %mul3A_200 : i32
          %mul3A_202 = arith.constant 160 : i32
          %mul3A_203 = arith.muli %add3A_199, %mul3A_202 : i32
          %add3A_204 = arith.addi %mul3A_201, %mul3A_203 : i32
          %dma_start3A_205 = arith.constant 0 : i32
          %dma_start3A_206 = tpu.memref_slice %arg5[%add3A_204, %dma_start3A_205] : memref<207360x128xf32, #tpu.memory_space<hbm>> -> memref<160x128xf32, #tpu.memory_space<hbm>>
          %dma_start3A_207 = arith.constant 0 : i32
          %dma_start3A_208 = tpu.memref_slice %arg5[%add3A_204, %dma_start3A_207] : memref<207360x128xf32, #tpu.memory_space<hbm>> -> memref<160x128xf32, #tpu.memory_space<hbm>>
          tpu.enqueue_dma source(%dma_start3A_208 : memref<160x128xf32, #tpu.memory_space<hbm>>) target(%arg16 : memref<160x128xf32, #tpu.memory_space<vmem>>) target_semaphore(%arg22 : memref<!tpu.dma_semaphore, #tpu.memory_space<semaphore_mem>>)
          %add3A_209 = arith.constant 0 : i32
          %add3A_210 = arith.addi %add3A_204, %add3A_209 : i32
          %dma_start3A_211 = tpu.memref_slice %arg6[%add3A_210] : memref<207360xi32, #tpu.memory_space<hbm>> -> memref<80xi32, #tpu.memory_space<hbm>>
          %dma_start3A_212 = tpu.memref_slice %arg6[%add3A_210] : memref<207360xi32, #tpu.memory_space<hbm>> -> memref<80xi32, #tpu.memory_space<hbm>>
          tpu.enqueue_dma source(%dma_start3A_212 : memref<80xi32, #tpu.memory_space<hbm>>) target(%arg18 : memref<80xi32, #tpu.memory_space<vmem>>) target_semaphore(%arg24 : memref<!tpu.dma_semaphore, #tpu.memory_space<semaphore_mem>>)
          %add3A_213 = arith.constant 80 : i32
          %add3A_214 = arith.addi %add3A_204, %add3A_213 : i32
          %dma_start3A_215 = tpu.memref_slice %arg6[%add3A_214] : memref<207360xi32, #tpu.memory_space<hbm>> -> memref<80xi32, #tpu.memory_space<hbm>>
          %dma_start3A_216 = tpu.memref_slice %arg6[%add3A_214] : memref<207360xi32, #tpu.memory_space<hbm>> -> memref<80xi32, #tpu.memory_space<hbm>>
          tpu.enqueue_dma source(%dma_start3A_216 : memref<80xi32, #tpu.memory_space<hbm>>) target(%arg19 : memref<80xi32, #tpu.memory_space<vmem>>) target_semaphore(%arg24 : memref<!tpu.dma_semaphore, #tpu.memory_space<semaphore_mem>>)
        } else {
        }
        %dma_wait3A_177 = arith.constant 0 : i32
        %dma_wait3A_178 = arith.constant 0 : i32
        %dma_wait3A_179 = tpu.memref_slice %arg17[%dma_wait3A_177, %dma_wait3A_178] : memref<160x128xf32, #tpu.memory_space<vmem>> -> memref<80x128xf32, #tpu.memory_space<vmem>>
        %dma_wait3A_180 = arith.constant 0 : i32
        %dma_wait3A_181 = arith.constant 0 : i32
        %dma_wait3A_182 = tpu.memref_slice %arg15[%dma_wait3A_180, %dma_wait3A_181] : memref<10000x128xf32, #tpu.memory_space<vmem_shared>> -> memref<10000x128xf32, #tpu.memory_space<vmem_shared>>
        tpu.wait_indirect_dma semaphore(%arg27 : memref<!tpu.dma_semaphore, #tpu.memory_space<semaphore_mem>>) src(%dma_wait3A_179 : memref<80x128xf32, #tpu.memory_space<vmem>>) dst(%dma_wait3A_182 : memref<10000x128xf32, #tpu.memory_space<vmem_shared>>)
        %dma_wait3A_183 = arith.constant 80 : i32
        %dma_wait3A_184 = arith.constant 0 : i32
        %dma_wait3A_185 = tpu.memref_slice %arg17[%dma_wait3A_183, %dma_wait3A_184] : memref<160x128xf32, #tpu.memory_space<vmem>> -> memref<80x128xf32, #tpu.memory_space<vmem>>
        %dma_wait3A_186 = arith.constant 0 : i32
        %dma_wait3A_187 = arith.constant 0 : i32
        %dma_wait3A_188 = tpu.memref_slice %arg15[%dma_wait3A_186, %dma_wait3A_187] : memref<10000x128xf32, #tpu.memory_space<vmem_shared>> -> memref<10000x128xf32, #tpu.memory_space<vmem_shared>>
        tpu.wait_indirect_dma semaphore(%arg27 : memref<!tpu.dma_semaphore, #tpu.memory_space<semaphore_mem>>) src(%dma_wait3A_185 : memref<80x128xf32, #tpu.memory_space<vmem>>) dst(%dma_wait3A_188 : memref<10000x128xf32, #tpu.memory_space<vmem_shared>>)
        %mul3A_189 = arith.constant 2 : i32
        %mul3A_190 = arith.muli %mul3A_189, %scan3A_94 : i32
        %add3A_191 = arith.constant 3 : i32
        %add3A_192 = arith.addi %mul3A_190, %add3A_191 : i32
        %lt3A_193 = arith.constant 81 : i32
        %lt3A_194 = arith.cmpi slt, %add3A_192, %lt3A_193 : i32
        %convert_element_type3A_195 = arith.extui %lt3A_194 : i1 to i32
        %cond3A_196 = arith.constant 0 : i32
        %cond3A_197 = arith.cmpi ne, %convert_element_type3A_195, %cond3A_196 : i32
        scf.if %cond3A_197 {
          %add3A_198 = arith.constant 3 : i32
          %add3A_199 = arith.addi %mul3A_96, %add3A_198 : i32
          %mul3A_200 = arith.constant 12960 : i32
          %mul3A_201 = arith.muli %arg1, %mul3A_200 : i32
          %mul3A_202 = arith.constant 160 : i32
          %mul3A_203 = arith.muli %add3A_199, %mul3A_202 : i32
          %add3A_204 = arith.addi %mul3A_201, %mul3A_203 : i32
          %dma_start3A_205 = arith.constant 0 : i32
          %dma_start3A_206 = tpu.memref_slice %arg5[%add3A_204, %dma_start3A_205] : memref<207360x128xf32, #tpu.memory_space<hbm>> -> memref<160x128xf32, #tpu.memory_space<hbm>>
          %dma_start3A_207 = arith.constant 0 : i32
          %dma_start3A_208 = tpu.memref_slice %arg5[%add3A_204, %dma_start3A_207] : memref<207360x128xf32, #tpu.memory_space<hbm>> -> memref<160x128xf32, #tpu.memory_space<hbm>>
          tpu.enqueue_dma source(%dma_start3A_208 : memref<160x128xf32, #tpu.memory_space<hbm>>) target(%arg17 : memref<160x128xf32, #tpu.memory_space<vmem>>) target_semaphore(%arg23 : memref<!tpu.dma_semaphore, #tpu.memory_space<semaphore_mem>>)
          %add3A_209 = arith.constant 0 : i32
          %add3A_210 = arith.addi %add3A_204, %add3A_209 : i32
          %dma_start3A_211 = tpu.memref_slice %arg6[%add3A_210] : memref<207360xi32, #tpu.memory_space<hbm>> -> memref<80xi32, #tpu.memory_space<hbm>>
          %dma_start3A_212 = tpu.memref_slice %arg6[%add3A_210] : memref<207360xi32, #tpu.memory_space<hbm>> -> memref<80xi32, #tpu.memory_space<hbm>>
          tpu.enqueue_dma source(%dma_start3A_212 : memref<80xi32, #tpu.memory_space<hbm>>) target(%arg20 : memref<80xi32, #tpu.memory_space<vmem>>) target_semaphore(%arg25 : memref<!tpu.dma_semaphore, #tpu.memory_space<semaphore_mem>>)
          %add3A_213 = arith.constant 80 : i32
          %add3A_214 = arith.addi %add3A_204, %add3A_213 : i32
          %dma_start3A_215 = tpu.memref_slice %arg6[%add3A_214] : memref<207360xi32, #tpu.memory_space<hbm>> -> memref<80xi32, #tpu.memory_space<hbm>>
          %dma_start3A_216 = tpu.memref_slice %arg6[%add3A_214] : memref<207360xi32, #tpu.memory_space<hbm>> -> memref<80xi32, #tpu.memory_space<hbm>>
          tpu.enqueue_dma source(%dma_start3A_216 : memref<80xi32, #tpu.memory_space<hbm>>) target(%arg21 : memref<80xi32, #tpu.memory_space<vmem>>) target_semaphore(%arg25 : memref<!tpu.dma_semaphore, #tpu.memory_space<semaphore_mem>>)
        } else {
        }
      }
      %scan3A_52 = arith.constant 40 : i32
      %mul3A_53 = arith.constant 12960 : i32
      %mul3A_54 = arith.muli %arg1, %mul3A_53 : i32
      %add3A_55 = arith.constant 12800 : i32
      %add3A_56 = arith.addi %mul3A_54, %add3A_55 : i32
      %dma_wait3A = arith.constant 0 : i32
      %dma_wait3A_57 = tpu.memref_slice %arg5[%add3A_56, %dma_wait3A] : memref<207360x128xf32, #tpu.memory_space<hbm>> -> memref<160x128xf32, #tpu.memory_space<hbm>>
      %dma_wait3A_58 = arith.constant 0 : i32
      %dma_wait3A_59 = tpu.memref_slice %arg5[%add3A_56, %dma_wait3A_58] : memref<207360x128xf32, #tpu.memory_space<hbm>> -> memref<160x128xf32, #tpu.memory_space<hbm>>
      tpu.wait_dma2 semaphore(%arg22 : memref<!tpu.dma_semaphore, #tpu.memory_space<semaphore_mem>>) src(%dma_wait3A_59 : memref<160x128xf32, #tpu.memory_space<hbm>>) dst(%arg16 : memref<160x128xf32, #tpu.memory_space<vmem>>)
      %add3A_60 = arith.constant 0 : i32
      %add3A_61 = arith.addi %add3A_56, %add3A_60 : i32
      %dma_wait3A_62 = tpu.memref_slice %arg6[%add3A_61] : memref<207360xi32, #tpu.memory_space<hbm>> -> memref<80xi32, #tpu.memory_space<hbm>>
      %dma_wait3A_63 = tpu.memref_slice %arg6[%add3A_61] : memref<207360xi32, #tpu.memory_space<hbm>> -> memref<80xi32, #tpu.memory_space<hbm>>
      tpu.wait_dma2 semaphore(%arg24 : memref<!tpu.dma_semaphore, #tpu.memory_space<semaphore_mem>>) src(%dma_wait3A_63 : memref<80xi32, #tpu.memory_space<hbm>>) dst(%arg18 : memref<80xi32, #tpu.memory_space<vmem>>)
      %add3A_64 = arith.constant 80 : i32
      %add3A_65 = arith.addi %add3A_56, %add3A_64 : i32
      %dma_wait3A_66 = tpu.memref_slice %arg6[%add3A_65] : memref<207360xi32, #tpu.memory_space<hbm>> -> memref<80xi32, #tpu.memory_space<hbm>>
      %dma_wait3A_67 = tpu.memref_slice %arg6[%add3A_65] : memref<207360xi32, #tpu.memory_space<hbm>> -> memref<80xi32, #tpu.memory_space<hbm>>
      tpu.wait_dma2 semaphore(%arg24 : memref<!tpu.dma_semaphore, #tpu.memory_space<semaphore_mem>>) src(%dma_wait3A_67 : memref<80xi32, #tpu.memory_space<hbm>>) dst(%arg19 : memref<80xi32, #tpu.memory_space<vmem>>)
      %dma_start3A_68 = arith.constant 0 : i32
      %dma_start3A_69 = arith.constant 0 : i32
      %dma_start3A_70 = tpu.memref_slice %arg16[%dma_start3A_68, %dma_start3A_69] : memref<160x128xf32, #tpu.memory_space<vmem>> -> memref<80x128xf32, #tpu.memory_space<vmem>>
      %dma_start3A_71 = arith.constant 0 : i32
      %dma_start3A_72 = arith.constant 0 : i32
      %dma_start3A_73 = tpu.memref_slice %arg15[%dma_start3A_71, %dma_start3A_72] : memref<10000x128xf32, #tpu.memory_space<vmem_shared>> -> memref<10000x128xf32, #tpu.memory_space<vmem_shared>>
      tpu.enqueue_indirect_dma source(%dma_start3A_70 : memref<80x128xf32, #tpu.memory_space<vmem>>) target(%dma_start3A_73 : memref<10000x128xf32, #tpu.memory_space<vmem_shared>>) offsets(%arg18 : memref<80xi32, #tpu.memory_space<vmem>>) semaphore(%arg26 : memref<!tpu.dma_semaphore, #tpu.memory_space<semaphore_mem>>) {add = true}
      %dma_start3A_74 = arith.constant 80 : i32
      %dma_start3A_75 = arith.constant 0 : i32
      %dma_start3A_76 = tpu.memref_slice %arg16[%dma_start3A_74, %dma_start3A_75] : memref<160x128xf32, #tpu.memory_space<vmem>> -> memref<80x128xf32, #tpu.memory_space<vmem>>
      %dma_start3A_77 = arith.constant 0 : i32
      %dma_start3A_78 = arith.constant 0 : i32
      %dma_start3A_79 = tpu.memref_slice %arg15[%dma_start3A_77, %dma_start3A_78] : memref<10000x128xf32, #tpu.memory_space<vmem_shared>> -> memref<10000x128xf32, #tpu.memory_space<vmem_shared>>
      tpu.enqueue_indirect_dma source(%dma_start3A_76 : memref<80x128xf32, #tpu.memory_space<vmem>>) target(%dma_start3A_79 : memref<10000x128xf32, #tpu.memory_space<vmem_shared>>) offsets(%arg19 : memref<80xi32, #tpu.memory_space<vmem>>) semaphore(%arg26 : memref<!tpu.dma_semaphore, #tpu.memory_space<semaphore_mem>>) {add = true}
      %dma_wait3A_80 = arith.constant 0 : i32
      %dma_wait3A_81 = arith.constant 0 : i32
      %dma_wait3A_82 = tpu.memref_slice %arg16[%dma_wait3A_80, %dma_wait3A_81] : memref<160x128xf32, #tpu.memory_space<vmem>> -> memref<80x128xf32, #tpu.memory_space<vmem>>
      %dma_wait3A_83 = arith.constant 0 : i32
      %dma_wait3A_84 = arith.constant 0 : i32
      %dma_wait3A_85 = tpu.memref_slice %arg15[%dma_wait3A_83, %dma_wait3A_84] : memref<10000x128xf32, #tpu.memory_space<vmem_shared>> -> memref<10000x128xf32, #tpu.memory_space<vmem_shared>>
      tpu.wait_indirect_dma semaphore(%arg26 : memref<!tpu.dma_semaphore, #tpu.memory_space<semaphore_mem>>) src(%dma_wait3A_82 : memref<80x128xf32, #tpu.memory_space<vmem>>) dst(%dma_wait3A_85 : memref<10000x128xf32, #tpu.memory_space<vmem_shared>>)
      %dma_wait3A_86 = arith.constant 80 : i32
      %dma_wait3A_87 = arith.constant 0 : i32
      %dma_wait3A_88 = tpu.memref_slice %arg16[%dma_wait3A_86, %dma_wait3A_87] : memref<160x128xf32, #tpu.memory_space<vmem>> -> memref<80x128xf32, #tpu.memory_space<vmem>>
      %dma_wait3A_89 = arith.constant 0 : i32
      %dma_wait3A_90 = arith.constant 0 : i32
      %dma_wait3A_91 = tpu.memref_slice %arg15[%dma_wait3A_89, %dma_wait3A_90] : memref<10000x128xf32, #tpu.memory_space<vmem_shared>> -> memref<10000x128xf32, #tpu.memory_space<vmem_shared>>
      tpu.wait_indirect_dma semaphore(%arg26 : memref<!tpu.dma_semaphore, #tpu.memory_space<semaphore_mem>>) src(%dma_wait3A_88 : memref<80x128xf32, #tpu.memory_space<vmem>>) dst(%dma_wait3A_91 : memref<10000x128xf32, #tpu.memory_space<vmem_shared>>)
      %barrier3A_92 = arith.constant 0 : index
      tpu.barrier barrier_id(%barrier3A_92)
      "tpu.region"() ({
        %run_scoped3A = tpu.sem_alloc : memref<!tpu.dma_semaphore, #tpu.memory_space<semaphore_mem>>
        %dma_start3A_94 = arith.constant 0 : i32
        %dma_start3A_95 = tpu.memref_slice %arg14[%mul3A_0, %dma_start3A_94] : memref<10000x128xf32, #tpu.memory_space<hbm>> -> memref<640x128xf32, #tpu.memory_space<hbm>>
        %dma_start3A_96 = arith.constant 0 : i32
        %dma_start3A_97 = tpu.memref_slice %arg15[%mul3A_0, %dma_start3A_96] : memref<10000x128xf32, #tpu.memory_space<vmem_shared>> -> memref<640x128xf32, #tpu.memory_space<vmem_shared>>
        tpu.enqueue_dma source(%dma_start3A_97 : memref<640x128xf32, #tpu.memory_space<vmem_shared>>) target(%dma_start3A_95 : memref<640x128xf32, #tpu.memory_space<hbm>>) target_semaphore(%run_scoped3A : memref<!tpu.dma_semaphore, #tpu.memory_space<semaphore_mem>>)
        %dma_wait3A_98 = arith.constant 0 : i32
        %dma_wait3A_99 = tpu.memref_slice %arg14[%mul3A_0, %dma_wait3A_98] : memref<10000x128xf32, #tpu.memory_space<hbm>> -> memref<640x128xf32, #tpu.memory_space<hbm>>
        %dma_wait3A_100 = arith.constant 0 : i32
        %dma_wait3A_101 = tpu.memref_slice %arg15[%mul3A_0, %dma_wait3A_100] : memref<10000x128xf32, #tpu.memory_space<vmem_shared>> -> memref<640x128xf32, #tpu.memory_space<vmem_shared>>
        tpu.wait_dma2 semaphore(%run_scoped3A : memref<!tpu.dma_semaphore, #tpu.memory_space<semaphore_mem>>) src(%dma_wait3A_101 : memref<640x128xf32, #tpu.memory_space<vmem_shared>>) dst(%dma_wait3A_99 : memref<640x128xf32, #tpu.memory_space<hbm>>)
        tpu.yield
      }) : () -> ()
      %barrier3A_93 = arith.constant 0 : index
      tpu.barrier barrier_id(%barrier3A_93)
    } else {
    }
    return
  }
}

#map = affine_map<(d0, d1) -> (0, 0)>
#map1 = affine_map<(d0, d1) -> (0)>
module attributes {stable_mosaic.version = 14 : i64} {
  func.func @body(%arg0: i32, %arg1: i32, %arg2: memref<10000x384xf32, #tpu.memory_space<hbm>>, %arg3: memref<207360xi32, #tpu.memory_space<hbm>>, %arg4: memref<207360x384xf32, #tpu.memory_space<hbm>>, %arg5: memref<6480xi32, #tpu.memory_space<vmem>>, %arg6: memref<40x384xf32, #tpu.memory_space<vmem>>, %arg7: memref<40x384xf32, #tpu.memory_space<vmem>>, %arg8: memref<!tpu.dma_semaphore, #tpu.memory_space<semaphore_mem>>, %arg9: memref<!tpu.dma_semaphore, #tpu.memory_space<semaphore_mem>>, %arg10: memref<!tpu.dma_semaphore, #tpu.memory_space<semaphore_mem>>, %arg11: memref<!tpu.dma_semaphore, #tpu.memory_space<semaphore_mem>>) attributes {dimension_semantics = [#tpu.dimension_semantics<core_parallel>, #tpu.dimension_semantics<subcore_parallel>], iteration_bounds = array<i64: 2, 16>, scalar_prefetch = 0 : i64, scratch_operands = 7 : i64, tpu.core_type = #tpu.core_type<sc_vector_subcore>, window_params = [{transform_indices = #map}, {transform_indices = #map1}, {transform_indices = #map}]} {
    %mul3A = arith.constant 2 : i32
    %mul3A_0 = arith.muli %arg1, %mul3A : i32
    %add3A = arith.addi %mul3A_0, %arg0 : i32
    %mul3A_1 = arith.constant 6480 : i32
    %mul3A_2 = arith.muli %add3A, %mul3A_1 : i32
    "tpu.region"() ({
      %run_scoped3A = tpu.sem_alloc : memref<!tpu.dma_semaphore, #tpu.memory_space<semaphore_mem>>
      %dma_start3A_17 = tpu.memref_slice %arg3[%mul3A_2] : memref<207360xi32, #tpu.memory_space<hbm>> -> memref<6480xi32, #tpu.memory_space<hbm>>
      %dma_start3A_18 = tpu.memref_slice %arg3[%mul3A_2] : memref<207360xi32, #tpu.memory_space<hbm>> -> memref<6480xi32, #tpu.memory_space<hbm>>
      tpu.enqueue_dma source(%dma_start3A_18 : memref<6480xi32, #tpu.memory_space<hbm>>) target(%arg5 : memref<6480xi32, #tpu.memory_space<vmem>>) target_semaphore(%run_scoped3A : memref<!tpu.dma_semaphore, #tpu.memory_space<semaphore_mem>>)
      %dma_wait3A = tpu.memref_slice %arg3[%mul3A_2] : memref<207360xi32, #tpu.memory_space<hbm>> -> memref<6480xi32, #tpu.memory_space<hbm>>
      %dma_wait3A_19 = tpu.memref_slice %arg3[%mul3A_2] : memref<207360xi32, #tpu.memory_space<hbm>> -> memref<6480xi32, #tpu.memory_space<hbm>>
      tpu.wait_dma2 semaphore(%run_scoped3A : memref<!tpu.dma_semaphore, #tpu.memory_space<semaphore_mem>>) src(%dma_wait3A_19 : memref<6480xi32, #tpu.memory_space<hbm>>) dst(%arg5 : memref<6480xi32, #tpu.memory_space<vmem>>)
      tpu.yield
    }) : () -> ()
    %dma_start3A = arith.constant 0 : i32
    %dma_start3A_3 = tpu.memref_slice %arg5[%dma_start3A] : memref<6480xi32, #tpu.memory_space<vmem>> -> memref<40xi32, #tpu.memory_space<vmem>>
    %dma_start3A_4 = arith.constant 0 : i32
    %dma_start3A_5 = arith.constant 0 : i32
    %dma_start3A_6 = tpu.memref_slice %arg2[%dma_start3A_4, %dma_start3A_5] : memref<10000x384xf32, #tpu.memory_space<hbm>> -> memref<10000x384xf32, #tpu.memory_space<hbm>>
    tpu.enqueue_indirect_dma source(%dma_start3A_6 : memref<10000x384xf32, #tpu.memory_space<hbm>>) target(%arg6 : memref<40x384xf32, #tpu.memory_space<vmem>>) offsets(%dma_start3A_3 : memref<40xi32, #tpu.memory_space<vmem>>) semaphore(%arg8 : memref<!tpu.dma_semaphore, #tpu.memory_space<semaphore_mem>>)
    %dma_start3A_7 = arith.constant 40 : i32
    %dma_start3A_8 = tpu.memref_slice %arg5[%dma_start3A_7] : memref<6480xi32, #tpu.memory_space<vmem>> -> memref<40xi32, #tpu.memory_space<vmem>>
    %dma_start3A_9 = arith.constant 0 : i32
    %dma_start3A_10 = arith.constant 0 : i32
    %dma_start3A_11 = tpu.memref_slice %arg2[%dma_start3A_9, %dma_start3A_10] : memref<10000x384xf32, #tpu.memory_space<hbm>> -> memref<10000x384xf32, #tpu.memory_space<hbm>>
    tpu.enqueue_indirect_dma source(%dma_start3A_11 : memref<10000x384xf32, #tpu.memory_space<hbm>>) target(%arg7 : memref<40x384xf32, #tpu.memory_space<vmem>>) offsets(%dma_start3A_8 : memref<40xi32, #tpu.memory_space<vmem>>) semaphore(%arg9 : memref<!tpu.dma_semaphore, #tpu.memory_space<semaphore_mem>>)
    %scan3A = arith.constant 0 : i32
    %scan3A_12 = arith.constant 0 : i32
    %scan3A_13 = arith.constant 81 : i32
    %scan3A_14 = arith.addi %scan3A_12, %scan3A_13 : i32
    %scan3A_15 = arith.constant 1 : i32
    scf.for %scan3A_17 = %scan3A_12 to %scan3A_14 step %scan3A_15  : i32 {
      %mul3A_18 = arith.constant 2 : i32
      %mul3A_19 = arith.muli %mul3A_18, %scan3A_17 : i32
      %mul3A_20 = arith.constant 40 : i32
      %mul3A_21 = arith.muli %mul3A_19, %mul3A_20 : i32
      %dma_wait3A = tpu.memref_slice %arg5[%mul3A_21] : memref<6480xi32, #tpu.memory_space<vmem>> -> memref<40xi32, #tpu.memory_space<vmem>>
      %dma_wait3A_22 = arith.constant 0 : i32
      %dma_wait3A_23 = arith.constant 0 : i32
      %dma_wait3A_24 = tpu.memref_slice %arg2[%dma_wait3A_22, %dma_wait3A_23] : memref<10000x384xf32, #tpu.memory_space<hbm>> -> memref<10000x384xf32, #tpu.memory_space<hbm>>
      tpu.wait_indirect_dma semaphore(%arg8 : memref<!tpu.dma_semaphore, #tpu.memory_space<semaphore_mem>>) src(%dma_wait3A_24 : memref<10000x384xf32, #tpu.memory_space<hbm>>) dst(%arg6 : memref<40x384xf32, #tpu.memory_space<vmem>>)
      %mul3A_25 = arith.constant 40 : i32
      %mul3A_26 = arith.muli %mul3A_19, %mul3A_25 : i32
      %add3A_27 = arith.addi %mul3A_2, %mul3A_26 : i32
      %dma_start3A_28 = arith.constant 0 : i32
      %dma_start3A_29 = tpu.memref_slice %arg4[%add3A_27, %dma_start3A_28] : memref<207360x384xf32, #tpu.memory_space<hbm>> -> memref<40x384xf32, #tpu.memory_space<hbm>>
      %dma_start3A_30 = arith.constant 0 : i32
      %dma_start3A_31 = tpu.memref_slice %arg4[%add3A_27, %dma_start3A_30] : memref<207360x384xf32, #tpu.memory_space<hbm>> -> memref<40x384xf32, #tpu.memory_space<hbm>>
      tpu.enqueue_dma source(%arg6 : memref<40x384xf32, #tpu.memory_space<vmem>>) target(%dma_start3A_31 : memref<40x384xf32, #tpu.memory_space<hbm>>) target_semaphore(%arg10 : memref<!tpu.dma_semaphore, #tpu.memory_space<semaphore_mem>>)
      %add3A_32 = arith.constant 1 : i32
      %add3A_33 = arith.addi %mul3A_19, %add3A_32 : i32
      %mul3A_34 = arith.constant 40 : i32
      %mul3A_35 = arith.muli %add3A_33, %mul3A_34 : i32
      %dma_wait3A_36 = tpu.memref_slice %arg5[%mul3A_35] : memref<6480xi32, #tpu.memory_space<vmem>> -> memref<40xi32, #tpu.memory_space<vmem>>
      %dma_wait3A_37 = arith.constant 0 : i32
      %dma_wait3A_38 = arith.constant 0 : i32
      %dma_wait3A_39 = tpu.memref_slice %arg2[%dma_wait3A_37, %dma_wait3A_38] : memref<10000x384xf32, #tpu.memory_space<hbm>> -> memref<10000x384xf32, #tpu.memory_space<hbm>>
      tpu.wait_indirect_dma semaphore(%arg9 : memref<!tpu.dma_semaphore, #tpu.memory_space<semaphore_mem>>) src(%dma_wait3A_39 : memref<10000x384xf32, #tpu.memory_space<hbm>>) dst(%arg7 : memref<40x384xf32, #tpu.memory_space<vmem>>)
      %add3A_40 = arith.constant 1 : i32
      %add3A_41 = arith.addi %mul3A_19, %add3A_40 : i32
      %mul3A_42 = arith.constant 40 : i32
      %mul3A_43 = arith.muli %add3A_41, %mul3A_42 : i32
      %add3A_44 = arith.addi %mul3A_2, %mul3A_43 : i32
      %dma_start3A_45 = arith.constant 0 : i32
      %dma_start3A_46 = tpu.memref_slice %arg4[%add3A_44, %dma_start3A_45] : memref<207360x384xf32, #tpu.memory_space<hbm>> -> memref<40x384xf32, #tpu.memory_space<hbm>>
      %dma_start3A_47 = arith.constant 0 : i32
      %dma_start3A_48 = tpu.memref_slice %arg4[%add3A_44, %dma_start3A_47] : memref<207360x384xf32, #tpu.memory_space<hbm>> -> memref<40x384xf32, #tpu.memory_space<hbm>>
      tpu.enqueue_dma source(%arg7 : memref<40x384xf32, #tpu.memory_space<vmem>>) target(%dma_start3A_48 : memref<40x384xf32, #tpu.memory_space<hbm>>) target_semaphore(%arg11 : memref<!tpu.dma_semaphore, #tpu.memory_space<semaphore_mem>>)
      %mul3A_49 = arith.constant 40 : i32
      %mul3A_50 = arith.muli %mul3A_19, %mul3A_49 : i32
      %add3A_51 = arith.addi %mul3A_2, %mul3A_50 : i32
      %dma_wait3A_52 = arith.constant 0 : i32
      %dma_wait3A_53 = tpu.memref_slice %arg4[%add3A_51, %dma_wait3A_52] : memref<207360x384xf32, #tpu.memory_space<hbm>> -> memref<40x384xf32, #tpu.memory_space<hbm>>
      %dma_wait3A_54 = arith.constant 0 : i32
      %dma_wait3A_55 = tpu.memref_slice %arg4[%add3A_51, %dma_wait3A_54] : memref<207360x384xf32, #tpu.memory_space<hbm>> -> memref<40x384xf32, #tpu.memory_space<hbm>>
      tpu.wait_dma2 semaphore(%arg10 : memref<!tpu.dma_semaphore, #tpu.memory_space<semaphore_mem>>) src(%arg6 : memref<40x384xf32, #tpu.memory_space<vmem>>) dst(%dma_wait3A_55 : memref<40x384xf32, #tpu.memory_space<hbm>>)
      %mul3A_56 = arith.constant 2 : i32
      %mul3A_57 = arith.muli %mul3A_56, %scan3A_17 : i32
      %add3A_58 = arith.constant 2 : i32
      %add3A_59 = arith.addi %mul3A_57, %add3A_58 : i32
      %lt3A = arith.constant 162 : i32
      %lt3A_60 = arith.cmpi slt, %add3A_59, %lt3A : i32
      %convert_element_type3A = arith.extui %lt3A_60 : i1 to i32
      %cond3A = arith.constant 0 : i32
      %cond3A_61 = arith.cmpi ne, %convert_element_type3A, %cond3A : i32
      scf.if %cond3A_61 {
        %add3A_80 = arith.constant 2 : i32
        %add3A_81 = arith.addi %mul3A_19, %add3A_80 : i32
        %mul3A_82 = arith.constant 40 : i32
        %mul3A_83 = arith.muli %add3A_81, %mul3A_82 : i32
        %dma_start3A_84 = tpu.memref_slice %arg5[%mul3A_83] : memref<6480xi32, #tpu.memory_space<vmem>> -> memref<40xi32, #tpu.memory_space<vmem>>
        %dma_start3A_85 = arith.constant 0 : i32
        %dma_start3A_86 = arith.constant 0 : i32
        %dma_start3A_87 = tpu.memref_slice %arg2[%dma_start3A_85, %dma_start3A_86] : memref<10000x384xf32, #tpu.memory_space<hbm>> -> memref<10000x384xf32, #tpu.memory_space<hbm>>
        tpu.enqueue_indirect_dma source(%dma_start3A_87 : memref<10000x384xf32, #tpu.memory_space<hbm>>) target(%arg6 : memref<40x384xf32, #tpu.memory_space<vmem>>) offsets(%dma_start3A_84 : memref<40xi32, #tpu.memory_space<vmem>>) semaphore(%arg8 : memref<!tpu.dma_semaphore, #tpu.memory_space<semaphore_mem>>)
      } else {
      }
      %add3A_62 = arith.constant 1 : i32
      %add3A_63 = arith.addi %mul3A_19, %add3A_62 : i32
      %mul3A_64 = arith.constant 40 : i32
      %mul3A_65 = arith.muli %add3A_63, %mul3A_64 : i32
      %add3A_66 = arith.addi %mul3A_2, %mul3A_65 : i32
      %dma_wait3A_67 = arith.constant 0 : i32
      %dma_wait3A_68 = tpu.memref_slice %arg4[%add3A_66, %dma_wait3A_67] : memref<207360x384xf32, #tpu.memory_space<hbm>> -> memref<40x384xf32, #tpu.memory_space<hbm>>
      %dma_wait3A_69 = arith.constant 0 : i32
      %dma_wait3A_70 = tpu.memref_slice %arg4[%add3A_66, %dma_wait3A_69] : memref<207360x384xf32, #tpu.memory_space<hbm>> -> memref<40x384xf32, #tpu.memory_space<hbm>>
      tpu.wait_dma2 semaphore(%arg11 : memref<!tpu.dma_semaphore, #tpu.memory_space<semaphore_mem>>) src(%arg7 : memref<40x384xf32, #tpu.memory_space<vmem>>) dst(%dma_wait3A_70 : memref<40x384xf32, #tpu.memory_space<hbm>>)
      %mul3A_71 = arith.constant 2 : i32
      %mul3A_72 = arith.muli %mul3A_71, %scan3A_17 : i32
      %add3A_73 = arith.constant 3 : i32
      %add3A_74 = arith.addi %mul3A_72, %add3A_73 : i32
      %lt3A_75 = arith.constant 162 : i32
      %lt3A_76 = arith.cmpi slt, %add3A_74, %lt3A_75 : i32
      %convert_element_type3A_77 = arith.extui %lt3A_76 : i1 to i32
      %cond3A_78 = arith.constant 0 : i32
      %cond3A_79 = arith.cmpi ne, %convert_element_type3A_77, %cond3A_78 : i32
      scf.if %cond3A_79 {
        %add3A_80 = arith.constant 3 : i32
        %add3A_81 = arith.addi %mul3A_19, %add3A_80 : i32
        %mul3A_82 = arith.constant 40 : i32
        %mul3A_83 = arith.muli %add3A_81, %mul3A_82 : i32
        %dma_start3A_84 = tpu.memref_slice %arg5[%mul3A_83] : memref<6480xi32, #tpu.memory_space<vmem>> -> memref<40xi32, #tpu.memory_space<vmem>>
        %dma_start3A_85 = arith.constant 0 : i32
        %dma_start3A_86 = arith.constant 0 : i32
        %dma_start3A_87 = tpu.memref_slice %arg2[%dma_start3A_85, %dma_start3A_86] : memref<10000x384xf32, #tpu.memory_space<hbm>> -> memref<10000x384xf32, #tpu.memory_space<hbm>>
        tpu.enqueue_indirect_dma source(%dma_start3A_87 : memref<10000x384xf32, #tpu.memory_space<hbm>>) target(%arg7 : memref<40x384xf32, #tpu.memory_space<vmem>>) offsets(%dma_start3A_84 : memref<40xi32, #tpu.memory_space<vmem>>) semaphore(%arg9 : memref<!tpu.dma_semaphore, #tpu.memory_space<semaphore_mem>>)
      } else {
      }
    }
    %scan3A_16 = arith.constant 81 : i32
    return
  }
}

#map = affine_map<(d0, d1) -> (0, 0)>
#map1 = affine_map<(d0, d1) -> (0)>
module attributes {stable_mosaic.version = 14 : i64} {
  func.func @body_fn(%arg0: i32, %arg1: i32, %arg2: memref<112640x128xf32, #tpu.memory_space<hbm>>, %arg3: memref<112640x128xf32, #tpu.memory_space<hbm>>, %arg4: memref<112640x128xf32, #tpu.memory_space<hbm>>, %arg5: memref<112640x128xf32, #tpu.memory_space<hbm>>, %arg6: memref<112640xi32, #tpu.memory_space<hbm>>, %arg7: memref<10000x128xf32, #tpu.memory_space<hbm>>, %arg8: memref<10000x128xf32, #tpu.memory_space<hbm>>, %arg9: memref<10000x128xf32, #tpu.memory_space<hbm>>, %arg10: memref<10000x128xf32, #tpu.memory_space<hbm>>, %arg11: memref<10000x128xf32, #tpu.memory_space<hbm>>, %arg12: memref<10000x128xf32, #tpu.memory_space<hbm>>, %arg13: memref<10000x128xf32, #tpu.memory_space<hbm>>, %arg14: memref<10000x128xf32, #tpu.memory_space<hbm>>, %arg15: memref<10000x128xf32, #tpu.memory_space<vmem_shared>>, %arg16: memref<160x128xf32, #tpu.memory_space<vmem>>, %arg17: memref<160x128xf32, #tpu.memory_space<vmem>>, %arg18: memref<80xi32, #tpu.memory_space<vmem>>, %arg19: memref<80xi32, #tpu.memory_space<vmem>>, %arg20: memref<80xi32, #tpu.memory_space<vmem>>, %arg21: memref<80xi32, #tpu.memory_space<vmem>>, %arg22: memref<!tpu.dma_semaphore, #tpu.memory_space<semaphore_mem>>, %arg23: memref<!tpu.dma_semaphore, #tpu.memory_space<semaphore_mem>>, %arg24: memref<!tpu.dma_semaphore, #tpu.memory_space<semaphore_mem>>, %arg25: memref<!tpu.dma_semaphore, #tpu.memory_space<semaphore_mem>>, %arg26: memref<!tpu.dma_semaphore, #tpu.memory_space<semaphore_mem>>, %arg27: memref<!tpu.dma_semaphore, #tpu.memory_space<semaphore_mem>>) attributes {dimension_semantics = [#tpu.dimension_semantics<core_parallel>, #tpu.dimension_semantics<subcore_parallel>], iteration_bounds = array<i64: 2, 16>, scalar_prefetch = 0 : i64, scratch_operands = 13 : i64, tpu.core_type = #tpu.core_type<sc_vector_subcore>, window_params = [{transform_indices = #map}, {transform_indices = #map}, {transform_indices = #map}, {transform_indices = #map}, {transform_indices = #map1}, {transform_indices = #map}, {transform_indices = #map}, {transform_indices = #map}, {transform_indices = #map}, {transform_indices = #map}, {transform_indices = #map}, {transform_indices = #map}, {transform_indices = #map}]} {
    %mul3A = arith.constant 624 : i32
    %mul3A_0 = arith.muli %arg1, %mul3A : i32
    %eq3A = arith.constant 0 : i32
    %eq3A_1 = arith.cmpi eq, %arg0, %eq3A : i32
    %convert_element_type3A = arith.extui %eq3A_1 : i1 to i32
    %cond3A = arith.constant 0 : i32
    %cond3A_2 = arith.cmpi ne, %convert_element_type3A, %cond3A : i32
    scf.if %cond3A_2 {
      "tpu.region"() ({
        %run_scoped3A = tpu.sem_alloc : memref<!tpu.dma_semaphore, #tpu.memory_space<semaphore_mem>>
        %dma_start3A_55 = arith.constant 0 : i32
        %dma_start3A_56 = tpu.memref_slice %arg15[%mul3A_0, %dma_start3A_55] : memref<10000x128xf32, #tpu.memory_space<vmem_shared>> -> memref<640x128xf32, #tpu.memory_space<vmem_shared>>
        %dma_start3A_57 = arith.constant 0 : i32
        %dma_start3A_58 = tpu.memref_slice %arg7[%mul3A_0, %dma_start3A_57] : memref<10000x128xf32, #tpu.memory_space<hbm>> -> memref<640x128xf32, #tpu.memory_space<hbm>>
        tpu.enqueue_dma source(%dma_start3A_58 : memref<640x128xf32, #tpu.memory_space<hbm>>) target(%dma_start3A_56 : memref<640x128xf32, #tpu.memory_space<vmem_shared>>) target_semaphore(%run_scoped3A : memref<!tpu.dma_semaphore, #tpu.memory_space<semaphore_mem>>)
        %dma_wait3A = arith.constant 0 : i32
        %dma_wait3A_59 = tpu.memref_slice %arg15[%mul3A_0, %dma_wait3A] : memref<10000x128xf32, #tpu.memory_space<vmem_shared>> -> memref<640x128xf32, #tpu.memory_space<vmem_shared>>
        %dma_wait3A_60 = arith.constant 0 : i32
        %dma_wait3A_61 = tpu.memref_slice %arg7[%mul3A_0, %dma_wait3A_60] : memref<10000x128xf32, #tpu.memory_space<hbm>> -> memref<640x128xf32, #tpu.memory_space<hbm>>
        tpu.wait_dma2 semaphore(%run_scoped3A : memref<!tpu.dma_semaphore, #tpu.memory_space<semaphore_mem>>) src(%dma_wait3A_61 : memref<640x128xf32, #tpu.memory_space<hbm>>) dst(%dma_wait3A_59 : memref<640x128xf32, #tpu.memory_space<vmem_shared>>)
        tpu.yield
      }) : () -> ()
      %barrier3A = arith.constant 0 : index
      tpu.barrier barrier_id(%barrier3A)
      %mul3A_18 = arith.constant 7040 : i32
      %mul3A_19 = arith.muli %arg1, %mul3A_18 : i32
      %add3A = arith.constant 0 : i32
      %add3A_20 = arith.addi %mul3A_19, %add3A : i32
      %dma_start3A = arith.constant 0 : i32
      %dma_start3A_21 = tpu.memref_slice %arg2[%add3A_20, %dma_start3A] : memref<112640x128xf32, #tpu.memory_space<hbm>> -> memref<160x128xf32, #tpu.memory_space<hbm>>
      %dma_start3A_22 = arith.constant 0 : i32
      %dma_start3A_23 = tpu.memref_slice %arg2[%add3A_20, %dma_start3A_22] : memref<112640x128xf32, #tpu.memory_space<hbm>> -> memref<160x128xf32, #tpu.memory_space<hbm>>
      tpu.enqueue_dma source(%dma_start3A_23 : memref<160x128xf32, #tpu.memory_space<hbm>>) target(%arg16 : memref<160x128xf32, #tpu.memory_space<vmem>>) target_semaphore(%arg22 : memref<!tpu.dma_semaphore, #tpu.memory_space<semaphore_mem>>)
      %add3A_24 = arith.constant 0 : i32
      %add3A_25 = arith.addi %add3A_20, %add3A_24 : i32
      %dma_start3A_26 = tpu.memref_slice %arg6[%add3A_25] : memref<112640xi32, #tpu.memory_space<hbm>> -> memref<80xi32, #tpu.memory_space<hbm>>
      %dma_start3A_27 = tpu.memref_slice %arg6[%add3A_25] : memref<112640xi32, #tpu.memory_space<hbm>> -> memref<80xi32, #tpu.memory_space<hbm>>
      tpu.enqueue_dma source(%dma_start3A_27 : memref<80xi32, #tpu.memory_space<hbm>>) target(%arg18 : memref<80xi32, #tpu.memory_space<vmem>>) target_semaphore(%arg24 : memref<!tpu.dma_semaphore, #tpu.memory_space<semaphore_mem>>)
      %add3A_28 = arith.constant 80 : i32
      %add3A_29 = arith.addi %add3A_20, %add3A_28 : i32
      %dma_start3A_30 = tpu.memref_slice %arg6[%add3A_29] : memref<112640xi32, #tpu.memory_space<hbm>> -> memref<80xi32, #tpu.memory_space<hbm>>
      %dma_start3A_31 = tpu.memref_slice %arg6[%add3A_29] : memref<112640xi32, #tpu.memory_space<hbm>> -> memref<80xi32, #tpu.memory_space<hbm>>
      tpu.enqueue_dma source(%dma_start3A_31 : memref<80xi32, #tpu.memory_space<hbm>>) target(%arg19 : memref<80xi32, #tpu.memory_space<vmem>>) target_semaphore(%arg24 : memref<!tpu.dma_semaphore, #tpu.memory_space<semaphore_mem>>)
      %mul3A_32 = arith.constant 7040 : i32
      %mul3A_33 = arith.muli %arg1, %mul3A_32 : i32
      %add3A_34 = arith.constant 160 : i32
      %add3A_35 = arith.addi %mul3A_33, %add3A_34 : i32
      %dma_start3A_36 = arith.constant 0 : i32
      %dma_start3A_37 = tpu.memref_slice %arg2[%add3A_35, %dma_start3A_36] : memref<112640x128xf32, #tpu.memory_space<hbm>> -> memref<160x128xf32, #tpu.memory_space<hbm>>
      %dma_start3A_38 = arith.constant 0 : i32
      %dma_start3A_39 = tpu.memref_slice %arg2[%add3A_35, %dma_start3A_38] : memref<112640x128xf32, #tpu.memory_space<hbm>> -> memref<160x128xf32, #tpu.memory_space<hbm>>
      tpu.enqueue_dma source(%dma_start3A_39 : memref<160x128xf32, #tpu.memory_space<hbm>>) target(%arg17 : memref<160x128xf32, #tpu.memory_space<vmem>>) target_semaphore(%arg23 : memref<!tpu.dma_semaphore, #tpu.memory_space<semaphore_mem>>)
      %add3A_40 = arith.constant 0 : i32
      %add3A_41 = arith.addi %add3A_35, %add3A_40 : i32
      %dma_start3A_42 = tpu.memref_slice %arg6[%add3A_41] : memref<112640xi32, #tpu.memory_space<hbm>> -> memref<80xi32, #tpu.memory_space<hbm>>
      %dma_start3A_43 = tpu.memref_slice %arg6[%add3A_41] : memref<112640xi32, #tpu.memory_space<hbm>> -> memref<80xi32, #tpu.memory_space<hbm>>
      tpu.enqueue_dma source(%dma_start3A_43 : memref<80xi32, #tpu.memory_space<hbm>>) target(%arg20 : memref<80xi32, #tpu.memory_space<vmem>>) target_semaphore(%arg25 : memref<!tpu.dma_semaphore, #tpu.memory_space<semaphore_mem>>)
      %add3A_44 = arith.constant 80 : i32
      %add3A_45 = arith.addi %add3A_35, %add3A_44 : i32
      %dma_start3A_46 = tpu.memref_slice %arg6[%add3A_45] : memref<112640xi32, #tpu.memory_space<hbm>> -> memref<80xi32, #tpu.memory_space<hbm>>
      %dma_start3A_47 = tpu.memref_slice %arg6[%add3A_45] : memref<112640xi32, #tpu.memory_space<hbm>> -> memref<80xi32, #tpu.memory_space<hbm>>
      tpu.enqueue_dma source(%dma_start3A_47 : memref<80xi32, #tpu.memory_space<hbm>>) target(%arg21 : memref<80xi32, #tpu.memory_space<vmem>>) target_semaphore(%arg25 : memref<!tpu.dma_semaphore, #tpu.memory_space<semaphore_mem>>)
      %scan3A = arith.constant 0 : i32
      %scan3A_48 = arith.constant 0 : i32
      %scan3A_49 = arith.constant 22 : i32
      %scan3A_50 = arith.addi %scan3A_48, %scan3A_49 : i32
      %scan3A_51 = arith.constant 1 : i32
      scf.for %scan3A_55 = %scan3A_48 to %scan3A_50 step %scan3A_51  : i32 {
        %mul3A_56 = arith.constant 2 : i32
        %mul3A_57 = arith.muli %mul3A_56, %scan3A_55 : i32
        %mul3A_58 = arith.constant 7040 : i32
        %mul3A_59 = arith.muli %arg1, %mul3A_58 : i32
        %mul3A_60 = arith.constant 160 : i32
        %mul3A_61 = arith.muli %mul3A_57, %mul3A_60 : i32
        %add3A_62 = arith.addi %mul3A_59, %mul3A_61 : i32
        %dma_wait3A = arith.constant 0 : i32
        %dma_wait3A_63 = tpu.memref_slice %arg2[%add3A_62, %dma_wait3A] : memref<112640x128xf32, #tpu.memory_space<hbm>> -> memref<160x128xf32, #tpu.memory_space<hbm>>
        %dma_wait3A_64 = arith.constant 0 : i32
        %dma_wait3A_65 = tpu.memref_slice %arg2[%add3A_62, %dma_wait3A_64] : memref<112640x128xf32, #tpu.memory_space<hbm>> -> memref<160x128xf32, #tpu.memory_space<hbm>>
        tpu.wait_dma2 semaphore(%arg22 : memref<!tpu.dma_semaphore, #tpu.memory_space<semaphore_mem>>) src(%dma_wait3A_65 : memref<160x128xf32, #tpu.memory_space<hbm>>) dst(%arg16 : memref<160x128xf32, #tpu.memory_space<vmem>>)
        %add3A_66 = arith.constant 0 : i32
        %add3A_67 = arith.addi %add3A_62, %add3A_66 : i32
        %dma_wait3A_68 = tpu.memref_slice %arg6[%add3A_67] : memref<112640xi32, #tpu.memory_space<hbm>> -> memref<80xi32, #tpu.memory_space<hbm>>
        %dma_wait3A_69 = tpu.memref_slice %arg6[%add3A_67] : memref<112640xi32, #tpu.memory_space<hbm>> -> memref<80xi32, #tpu.memory_space<hbm>>
        tpu.wait_dma2 semaphore(%arg24 : memref<!tpu.dma_semaphore, #tpu.memory_space<semaphore_mem>>) src(%dma_wait3A_69 : memref<80xi32, #tpu.memory_space<hbm>>) dst(%arg18 : memref<80xi32, #tpu.memory_space<vmem>>)
        %add3A_70 = arith.constant 80 : i32
        %add3A_71 = arith.addi %add3A_62, %add3A_70 : i32
        %dma_wait3A_72 = tpu.memref_slice %arg6[%add3A_71] : memref<112640xi32, #tpu.memory_space<hbm>> -> memref<80xi32, #tpu.memory_space<hbm>>
        %dma_wait3A_73 = tpu.memref_slice %arg6[%add3A_71] : memref<112640xi32, #tpu.memory_space<hbm>> -> memref<80xi32, #tpu.memory_space<hbm>>
        tpu.wait_dma2 semaphore(%arg24 : memref<!tpu.dma_semaphore, #tpu.memory_space<semaphore_mem>>) src(%dma_wait3A_73 : memref<80xi32, #tpu.memory_space<hbm>>) dst(%arg19 : memref<80xi32, #tpu.memory_space<vmem>>)
        %dma_start3A_74 = arith.constant 0 : i32
        %dma_start3A_75 = arith.constant 0 : i32
        %dma_start3A_76 = tpu.memref_slice %arg16[%dma_start3A_74, %dma_start3A_75] : memref<160x128xf32, #tpu.memory_space<vmem>> -> memref<80x128xf32, #tpu.memory_space<vmem>>
        %dma_start3A_77 = arith.constant 0 : i32
        %dma_start3A_78 = arith.constant 0 : i32
        %dma_start3A_79 = tpu.memref_slice %arg15[%dma_start3A_77, %dma_start3A_78] : memref<10000x128xf32, #tpu.memory_space<vmem_shared>> -> memref<10000x128xf32, #tpu.memory_space<vmem_shared>>
        tpu.enqueue_indirect_dma source(%dma_start3A_76 : memref<80x128xf32, #tpu.memory_space<vmem>>) target(%dma_start3A_79 : memref<10000x128xf32, #tpu.memory_space<vmem_shared>>) offsets(%arg18 : memref<80xi32, #tpu.memory_space<vmem>>) semaphore(%arg26 : memref<!tpu.dma_semaphore, #tpu.memory_space<semaphore_mem>>) {add = true}
        %dma_start3A_80 = arith.constant 80 : i32
        %dma_start3A_81 = arith.constant 0 : i32
        %dma_start3A_82 = tpu.memref_slice %arg16[%dma_start3A_80, %dma_start3A_81] : memref<160x128xf32, #tpu.memory_space<vmem>> -> memref<80x128xf32, #tpu.memory_space<vmem>>
        %dma_start3A_83 = arith.constant 0 : i32
        %dma_start3A_84 = arith.constant 0 : i32
        %dma_start3A_85 = tpu.memref_slice %arg15[%dma_start3A_83, %dma_start3A_84] : memref<10000x128xf32, #tpu.memory_space<vmem_shared>> -> memref<10000x128xf32, #tpu.memory_space<vmem_shared>>
        tpu.enqueue_indirect_dma source(%dma_start3A_82 : memref<80x128xf32, #tpu.memory_space<vmem>>) target(%dma_start3A_85 : memref<10000x128xf32, #tpu.memory_space<vmem_shared>>) offsets(%arg19 : memref<80xi32, #tpu.memory_space<vmem>>) semaphore(%arg26 : memref<!tpu.dma_semaphore, #tpu.memory_space<semaphore_mem>>) {add = true}
        %add3A_86 = arith.constant 1 : i32
        %add3A_87 = arith.addi %mul3A_57, %add3A_86 : i32
        %mul3A_88 = arith.constant 7040 : i32
        %mul3A_89 = arith.muli %arg1, %mul3A_88 : i32
        %mul3A_90 = arith.constant 160 : i32
        %mul3A_91 = arith.muli %add3A_87, %mul3A_90 : i32
        %add3A_92 = arith.addi %mul3A_89, %mul3A_91 : i32
        %dma_wait3A_93 = arith.constant 0 : i32
        %dma_wait3A_94 = tpu.memref_slice %arg2[%add3A_92, %dma_wait3A_93] : memref<112640x128xf32, #tpu.memory_space<hbm>> -> memref<160x128xf32, #tpu.memory_space<hbm>>
        %dma_wait3A_95 = arith.constant 0 : i32
        %dma_wait3A_96 = tpu.memref_slice %arg2[%add3A_92, %dma_wait3A_95] : memref<112640x128xf32, #tpu.memory_space<hbm>> -> memref<160x128xf32, #tpu.memory_space<hbm>>
        tpu.wait_dma2 semaphore(%arg23 : memref<!tpu.dma_semaphore, #tpu.memory_space<semaphore_mem>>) src(%dma_wait3A_96 : memref<160x128xf32, #tpu.memory_space<hbm>>) dst(%arg17 : memref<160x128xf32, #tpu.memory_space<vmem>>)
        %add3A_97 = arith.constant 0 : i32
        %add3A_98 = arith.addi %add3A_92, %add3A_97 : i32
        %dma_wait3A_99 = tpu.memref_slice %arg6[%add3A_98] : memref<112640xi32, #tpu.memory_space<hbm>> -> memref<80xi32, #tpu.memory_space<hbm>>
        %dma_wait3A_100 = tpu.memref_slice %arg6[%add3A_98] : memref<112640xi32, #tpu.memory_space<hbm>> -> memref<80xi32, #tpu.memory_space<hbm>>
        tpu.wait_dma2 semaphore(%arg25 : memref<!tpu.dma_semaphore, #tpu.memory_space<semaphore_mem>>) src(%dma_wait3A_100 : memref<80xi32, #tpu.memory_space<hbm>>) dst(%arg20 : memref<80xi32, #tpu.memory_space<vmem>>)
        %add3A_101 = arith.constant 80 : i32
        %add3A_102 = arith.addi %add3A_92, %add3A_101 : i32
        %dma_wait3A_103 = tpu.memref_slice %arg6[%add3A_102] : memref<112640xi32, #tpu.memory_space<hbm>> -> memref<80xi32, #tpu.memory_space<hbm>>
        %dma_wait3A_104 = tpu.memref_slice %arg6[%add3A_102] : memref<112640xi32, #tpu.memory_space<hbm>> -> memref<80xi32, #tpu.memory_space<hbm>>
        tpu.wait_dma2 semaphore(%arg25 : memref<!tpu.dma_semaphore, #tpu.memory_space<semaphore_mem>>) src(%dma_wait3A_104 : memref<80xi32, #tpu.memory_space<hbm>>) dst(%arg21 : memref<80xi32, #tpu.memory_space<vmem>>)
        %dma_start3A_105 = arith.constant 0 : i32
        %dma_start3A_106 = arith.constant 0 : i32
        %dma_start3A_107 = tpu.memref_slice %arg17[%dma_start3A_105, %dma_start3A_106] : memref<160x128xf32, #tpu.memory_space<vmem>> -> memref<80x128xf32, #tpu.memory_space<vmem>>
        %dma_start3A_108 = arith.constant 0 : i32
        %dma_start3A_109 = arith.constant 0 : i32
        %dma_start3A_110 = tpu.memref_slice %arg15[%dma_start3A_108, %dma_start3A_109] : memref<10000x128xf32, #tpu.memory_space<vmem_shared>> -> memref<10000x128xf32, #tpu.memory_space<vmem_shared>>
        tpu.enqueue_indirect_dma source(%dma_start3A_107 : memref<80x128xf32, #tpu.memory_space<vmem>>) target(%dma_start3A_110 : memref<10000x128xf32, #tpu.memory_space<vmem_shared>>) offsets(%arg20 : memref<80xi32, #tpu.memory_space<vmem>>) semaphore(%arg27 : memref<!tpu.dma_semaphore, #tpu.memory_space<semaphore_mem>>) {add = true}
        %dma_start3A_111 = arith.constant 80 : i32
        %dma_start3A_112 = arith.constant 0 : i32
        %dma_start3A_113 = tpu.memref_slice %arg17[%dma_start3A_111, %dma_start3A_112] : memref<160x128xf32, #tpu.memory_space<vmem>> -> memref<80x128xf32, #tpu.memory_space<vmem>>
        %dma_start3A_114 = arith.constant 0 : i32
        %dma_start3A_115 = arith.constant 0 : i32
        %dma_start3A_116 = tpu.memref_slice %arg15[%dma_start3A_114, %dma_start3A_115] : memref<10000x128xf32, #tpu.memory_space<vmem_shared>> -> memref<10000x128xf32, #tpu.memory_space<vmem_shared>>
        tpu.enqueue_indirect_dma source(%dma_start3A_113 : memref<80x128xf32, #tpu.memory_space<vmem>>) target(%dma_start3A_116 : memref<10000x128xf32, #tpu.memory_space<vmem_shared>>) offsets(%arg21 : memref<80xi32, #tpu.memory_space<vmem>>) semaphore(%arg27 : memref<!tpu.dma_semaphore, #tpu.memory_space<semaphore_mem>>) {add = true}
        %dma_wait3A_117 = arith.constant 0 : i32
        %dma_wait3A_118 = arith.constant 0 : i32
        %dma_wait3A_119 = tpu.memref_slice %arg16[%dma_wait3A_117, %dma_wait3A_118] : memref<160x128xf32, #tpu.memory_space<vmem>> -> memref<80x128xf32, #tpu.memory_space<vmem>>
        %dma_wait3A_120 = arith.constant 0 : i32
        %dma_wait3A_121 = arith.constant 0 : i32
        %dma_wait3A_122 = tpu.memref_slice %arg15[%dma_wait3A_120, %dma_wait3A_121] : memref<10000x128xf32, #tpu.memory_space<vmem_shared>> -> memref<10000x128xf32, #tpu.memory_space<vmem_shared>>
        tpu.wait_indirect_dma semaphore(%arg26 : memref<!tpu.dma_semaphore, #tpu.memory_space<semaphore_mem>>) src(%dma_wait3A_119 : memref<80x128xf32, #tpu.memory_space<vmem>>) dst(%dma_wait3A_122 : memref<10000x128xf32, #tpu.memory_space<vmem_shared>>)
        %dma_wait3A_123 = arith.constant 80 : i32
        %dma_wait3A_124 = arith.constant 0 : i32
        %dma_wait3A_125 = tpu.memref_slice %arg16[%dma_wait3A_123, %dma_wait3A_124] : memref<160x128xf32, #tpu.memory_space<vmem>> -> memref<80x128xf32, #tpu.memory_space<vmem>>
        %dma_wait3A_126 = arith.constant 0 : i32
        %dma_wait3A_127 = arith.constant 0 : i32
        %dma_wait3A_128 = tpu.memref_slice %arg15[%dma_wait3A_126, %dma_wait3A_127] : memref<10000x128xf32, #tpu.memory_space<vmem_shared>> -> memref<10000x128xf32, #tpu.memory_space<vmem_shared>>
        tpu.wait_indirect_dma semaphore(%arg26 : memref<!tpu.dma_semaphore, #tpu.memory_space<semaphore_mem>>) src(%dma_wait3A_125 : memref<80x128xf32, #tpu.memory_space<vmem>>) dst(%dma_wait3A_128 : memref<10000x128xf32, #tpu.memory_space<vmem_shared>>)
        %mul3A_129 = arith.constant 2 : i32
        %mul3A_130 = arith.muli %mul3A_129, %scan3A_55 : i32
        %add3A_131 = arith.constant 2 : i32
        %add3A_132 = arith.addi %mul3A_130, %add3A_131 : i32
        %lt3A = arith.constant 44 : i32
        %lt3A_133 = arith.cmpi slt, %add3A_132, %lt3A : i32
        %convert_element_type3A_134 = arith.extui %lt3A_133 : i1 to i32
        %cond3A_135 = arith.constant 0 : i32
        %cond3A_136 = arith.cmpi ne, %convert_element_type3A_134, %cond3A_135 : i32
        scf.if %cond3A_136 {
          %add3A_158 = arith.constant 2 : i32
          %add3A_159 = arith.addi %mul3A_57, %add3A_158 : i32
          %mul3A_160 = arith.constant 7040 : i32
          %mul3A_161 = arith.muli %arg1, %mul3A_160 : i32
          %mul3A_162 = arith.constant 160 : i32
          %mul3A_163 = arith.muli %add3A_159, %mul3A_162 : i32
          %add3A_164 = arith.addi %mul3A_161, %mul3A_163 : i32
          %dma_start3A_165 = arith.constant 0 : i32
          %dma_start3A_166 = tpu.memref_slice %arg2[%add3A_164, %dma_start3A_165] : memref<112640x128xf32, #tpu.memory_space<hbm>> -> memref<160x128xf32, #tpu.memory_space<hbm>>
          %dma_start3A_167 = arith.constant 0 : i32
          %dma_start3A_168 = tpu.memref_slice %arg2[%add3A_164, %dma_start3A_167] : memref<112640x128xf32, #tpu.memory_space<hbm>> -> memref<160x128xf32, #tpu.memory_space<hbm>>
          tpu.enqueue_dma source(%dma_start3A_168 : memref<160x128xf32, #tpu.memory_space<hbm>>) target(%arg16 : memref<160x128xf32, #tpu.memory_space<vmem>>) target_semaphore(%arg22 : memref<!tpu.dma_semaphore, #tpu.memory_space<semaphore_mem>>)
          %add3A_169 = arith.constant 0 : i32
          %add3A_170 = arith.addi %add3A_164, %add3A_169 : i32
          %dma_start3A_171 = tpu.memref_slice %arg6[%add3A_170] : memref<112640xi32, #tpu.memory_space<hbm>> -> memref<80xi32, #tpu.memory_space<hbm>>
          %dma_start3A_172 = tpu.memref_slice %arg6[%add3A_170] : memref<112640xi32, #tpu.memory_space<hbm>> -> memref<80xi32, #tpu.memory_space<hbm>>
          tpu.enqueue_dma source(%dma_start3A_172 : memref<80xi32, #tpu.memory_space<hbm>>) target(%arg18 : memref<80xi32, #tpu.memory_space<vmem>>) target_semaphore(%arg24 : memref<!tpu.dma_semaphore, #tpu.memory_space<semaphore_mem>>)
          %add3A_173 = arith.constant 80 : i32
          %add3A_174 = arith.addi %add3A_164, %add3A_173 : i32
          %dma_start3A_175 = tpu.memref_slice %arg6[%add3A_174] : memref<112640xi32, #tpu.memory_space<hbm>> -> memref<80xi32, #tpu.memory_space<hbm>>
          %dma_start3A_176 = tpu.memref_slice %arg6[%add3A_174] : memref<112640xi32, #tpu.memory_space<hbm>> -> memref<80xi32, #tpu.memory_space<hbm>>
          tpu.enqueue_dma source(%dma_start3A_176 : memref<80xi32, #tpu.memory_space<hbm>>) target(%arg19 : memref<80xi32, #tpu.memory_space<vmem>>) target_semaphore(%arg24 : memref<!tpu.dma_semaphore, #tpu.memory_space<semaphore_mem>>)
        } else {
        }
        %dma_wait3A_137 = arith.constant 0 : i32
        %dma_wait3A_138 = arith.constant 0 : i32
        %dma_wait3A_139 = tpu.memref_slice %arg17[%dma_wait3A_137, %dma_wait3A_138] : memref<160x128xf32, #tpu.memory_space<vmem>> -> memref<80x128xf32, #tpu.memory_space<vmem>>
        %dma_wait3A_140 = arith.constant 0 : i32
        %dma_wait3A_141 = arith.constant 0 : i32
        %dma_wait3A_142 = tpu.memref_slice %arg15[%dma_wait3A_140, %dma_wait3A_141] : memref<10000x128xf32, #tpu.memory_space<vmem_shared>> -> memref<10000x128xf32, #tpu.memory_space<vmem_shared>>
        tpu.wait_indirect_dma semaphore(%arg27 : memref<!tpu.dma_semaphore, #tpu.memory_space<semaphore_mem>>) src(%dma_wait3A_139 : memref<80x128xf32, #tpu.memory_space<vmem>>) dst(%dma_wait3A_142 : memref<10000x128xf32, #tpu.memory_space<vmem_shared>>)
        %dma_wait3A_143 = arith.constant 80 : i32
        %dma_wait3A_144 = arith.constant 0 : i32
        %dma_wait3A_145 = tpu.memref_slice %arg17[%dma_wait3A_143, %dma_wait3A_144] : memref<160x128xf32, #tpu.memory_space<vmem>> -> memref<80x128xf32, #tpu.memory_space<vmem>>
        %dma_wait3A_146 = arith.constant 0 : i32
        %dma_wait3A_147 = arith.constant 0 : i32
        %dma_wait3A_148 = tpu.memref_slice %arg15[%dma_wait3A_146, %dma_wait3A_147] : memref<10000x128xf32, #tpu.memory_space<vmem_shared>> -> memref<10000x128xf32, #tpu.memory_space<vmem_shared>>
        tpu.wait_indirect_dma semaphore(%arg27 : memref<!tpu.dma_semaphore, #tpu.memory_space<semaphore_mem>>) src(%dma_wait3A_145 : memref<80x128xf32, #tpu.memory_space<vmem>>) dst(%dma_wait3A_148 : memref<10000x128xf32, #tpu.memory_space<vmem_shared>>)
        %mul3A_149 = arith.constant 2 : i32
        %mul3A_150 = arith.muli %mul3A_149, %scan3A_55 : i32
        %add3A_151 = arith.constant 3 : i32
        %add3A_152 = arith.addi %mul3A_150, %add3A_151 : i32
        %lt3A_153 = arith.constant 44 : i32
        %lt3A_154 = arith.cmpi slt, %add3A_152, %lt3A_153 : i32
        %convert_element_type3A_155 = arith.extui %lt3A_154 : i1 to i32
        %cond3A_156 = arith.constant 0 : i32
        %cond3A_157 = arith.cmpi ne, %convert_element_type3A_155, %cond3A_156 : i32
        scf.if %cond3A_157 {
          %add3A_158 = arith.constant 3 : i32
          %add3A_159 = arith.addi %mul3A_57, %add3A_158 : i32
          %mul3A_160 = arith.constant 7040 : i32
          %mul3A_161 = arith.muli %arg1, %mul3A_160 : i32
          %mul3A_162 = arith.constant 160 : i32
          %mul3A_163 = arith.muli %add3A_159, %mul3A_162 : i32
          %add3A_164 = arith.addi %mul3A_161, %mul3A_163 : i32
          %dma_start3A_165 = arith.constant 0 : i32
          %dma_start3A_166 = tpu.memref_slice %arg2[%add3A_164, %dma_start3A_165] : memref<112640x128xf32, #tpu.memory_space<hbm>> -> memref<160x128xf32, #tpu.memory_space<hbm>>
          %dma_start3A_167 = arith.constant 0 : i32
          %dma_start3A_168 = tpu.memref_slice %arg2[%add3A_164, %dma_start3A_167] : memref<112640x128xf32, #tpu.memory_space<hbm>> -> memref<160x128xf32, #tpu.memory_space<hbm>>
          tpu.enqueue_dma source(%dma_start3A_168 : memref<160x128xf32, #tpu.memory_space<hbm>>) target(%arg17 : memref<160x128xf32, #tpu.memory_space<vmem>>) target_semaphore(%arg23 : memref<!tpu.dma_semaphore, #tpu.memory_space<semaphore_mem>>)
          %add3A_169 = arith.constant 0 : i32
          %add3A_170 = arith.addi %add3A_164, %add3A_169 : i32
          %dma_start3A_171 = tpu.memref_slice %arg6[%add3A_170] : memref<112640xi32, #tpu.memory_space<hbm>> -> memref<80xi32, #tpu.memory_space<hbm>>
          %dma_start3A_172 = tpu.memref_slice %arg6[%add3A_170] : memref<112640xi32, #tpu.memory_space<hbm>> -> memref<80xi32, #tpu.memory_space<hbm>>
          tpu.enqueue_dma source(%dma_start3A_172 : memref<80xi32, #tpu.memory_space<hbm>>) target(%arg20 : memref<80xi32, #tpu.memory_space<vmem>>) target_semaphore(%arg25 : memref<!tpu.dma_semaphore, #tpu.memory_space<semaphore_mem>>)
          %add3A_173 = arith.constant 80 : i32
          %add3A_174 = arith.addi %add3A_164, %add3A_173 : i32
          %dma_start3A_175 = tpu.memref_slice %arg6[%add3A_174] : memref<112640xi32, #tpu.memory_space<hbm>> -> memref<80xi32, #tpu.memory_space<hbm>>
          %dma_start3A_176 = tpu.memref_slice %arg6[%add3A_174] : memref<112640xi32, #tpu.memory_space<hbm>> -> memref<80xi32, #tpu.memory_space<hbm>>
          tpu.enqueue_dma source(%dma_start3A_176 : memref<80xi32, #tpu.memory_space<hbm>>) target(%arg21 : memref<80xi32, #tpu.memory_space<vmem>>) target_semaphore(%arg25 : memref<!tpu.dma_semaphore, #tpu.memory_space<semaphore_mem>>)
        } else {
        }
      }
      %scan3A_52 = arith.constant 22 : i32
      %barrier3A_53 = arith.constant 0 : index
      tpu.barrier barrier_id(%barrier3A_53)
      "tpu.region"() ({
        %run_scoped3A = tpu.sem_alloc : memref<!tpu.dma_semaphore, #tpu.memory_space<semaphore_mem>>
        %dma_start3A_55 = arith.constant 0 : i32
        %dma_start3A_56 = tpu.memref_slice %arg11[%mul3A_0, %dma_start3A_55] : memref<10000x128xf32, #tpu.memory_space<hbm>> -> memref<640x128xf32, #tpu.memory_space<hbm>>
        %dma_start3A_57 = arith.constant 0 : i32
        %dma_start3A_58 = tpu.memref_slice %arg15[%mul3A_0, %dma_start3A_57] : memref<10000x128xf32, #tpu.memory_space<vmem_shared>> -> memref<640x128xf32, #tpu.memory_space<vmem_shared>>
        tpu.enqueue_dma source(%dma_start3A_58 : memref<640x128xf32, #tpu.memory_space<vmem_shared>>) target(%dma_start3A_56 : memref<640x128xf32, #tpu.memory_space<hbm>>) target_semaphore(%run_scoped3A : memref<!tpu.dma_semaphore, #tpu.memory_space<semaphore_mem>>)
        %dma_wait3A = arith.constant 0 : i32
        %dma_wait3A_59 = tpu.memref_slice %arg11[%mul3A_0, %dma_wait3A] : memref<10000x128xf32, #tpu.memory_space<hbm>> -> memref<640x128xf32, #tpu.memory_space<hbm>>
        %dma_wait3A_60 = arith.constant 0 : i32
        %dma_wait3A_61 = tpu.memref_slice %arg15[%mul3A_0, %dma_wait3A_60] : memref<10000x128xf32, #tpu.memory_space<vmem_shared>> -> memref<640x128xf32, #tpu.memory_space<vmem_shared>>
        tpu.wait_dma2 semaphore(%run_scoped3A : memref<!tpu.dma_semaphore, #tpu.memory_space<semaphore_mem>>) src(%dma_wait3A_61 : memref<640x128xf32, #tpu.memory_space<vmem_shared>>) dst(%dma_wait3A_59 : memref<640x128xf32, #tpu.memory_space<hbm>>)
        tpu.yield
      }) : () -> ()
      %barrier3A_54 = arith.constant 0 : index
      tpu.barrier barrier_id(%barrier3A_54)
    } else {
    }
    %eq3A_3 = arith.constant 1 : i32
    %eq3A_4 = arith.cmpi eq, %arg0, %eq3A_3 : i32
    %convert_element_type3A_5 = arith.extui %eq3A_4 : i1 to i32
    %cond3A_6 = arith.constant 0 : i32
    %cond3A_7 = arith.cmpi ne, %convert_element_type3A_5, %cond3A_6 : i32
    scf.if %cond3A_7 {
      "tpu.region"() ({
        %run_scoped3A = tpu.sem_alloc : memref<!tpu.dma_semaphore, #tpu.memory_space<semaphore_mem>>
        %dma_start3A_55 = arith.constant 0 : i32
        %dma_start3A_56 = tpu.memref_slice %arg15[%mul3A_0, %dma_start3A_55] : memref<10000x128xf32, #tpu.memory_space<vmem_shared>> -> memref<640x128xf32, #tpu.memory_space<vmem_shared>>
        %dma_start3A_57 = arith.constant 0 : i32
        %dma_start3A_58 = tpu.memref_slice %arg8[%mul3A_0, %dma_start3A_57] : memref<10000x128xf32, #tpu.memory_space<hbm>> -> memref<640x128xf32, #tpu.memory_space<hbm>>
        tpu.enqueue_dma source(%dma_start3A_58 : memref<640x128xf32, #tpu.memory_space<hbm>>) target(%dma_start3A_56 : memref<640x128xf32, #tpu.memory_space<vmem_shared>>) target_semaphore(%run_scoped3A : memref<!tpu.dma_semaphore, #tpu.memory_space<semaphore_mem>>)
        %dma_wait3A = arith.constant 0 : i32
        %dma_wait3A_59 = tpu.memref_slice %arg15[%mul3A_0, %dma_wait3A] : memref<10000x128xf32, #tpu.memory_space<vmem_shared>> -> memref<640x128xf32, #tpu.memory_space<vmem_shared>>
        %dma_wait3A_60 = arith.constant 0 : i32
        %dma_wait3A_61 = tpu.memref_slice %arg8[%mul3A_0, %dma_wait3A_60] : memref<10000x128xf32, #tpu.memory_space<hbm>> -> memref<640x128xf32, #tpu.memory_space<hbm>>
        tpu.wait_dma2 semaphore(%run_scoped3A : memref<!tpu.dma_semaphore, #tpu.memory_space<semaphore_mem>>) src(%dma_wait3A_61 : memref<640x128xf32, #tpu.memory_space<hbm>>) dst(%dma_wait3A_59 : memref<640x128xf32, #tpu.memory_space<vmem_shared>>)
        tpu.yield
      }) : () -> ()
      %barrier3A = arith.constant 0 : index
      tpu.barrier barrier_id(%barrier3A)
      %mul3A_18 = arith.constant 7040 : i32
      %mul3A_19 = arith.muli %arg1, %mul3A_18 : i32
      %add3A = arith.constant 0 : i32
      %add3A_20 = arith.addi %mul3A_19, %add3A : i32
      %dma_start3A = arith.constant 0 : i32
      %dma_start3A_21 = tpu.memref_slice %arg3[%add3A_20, %dma_start3A] : memref<112640x128xf32, #tpu.memory_space<hbm>> -> memref<160x128xf32, #tpu.memory_space<hbm>>
      %dma_start3A_22 = arith.constant 0 : i32
      %dma_start3A_23 = tpu.memref_slice %arg3[%add3A_20, %dma_start3A_22] : memref<112640x128xf32, #tpu.memory_space<hbm>> -> memref<160x128xf32, #tpu.memory_space<hbm>>
      tpu.enqueue_dma source(%dma_start3A_23 : memref<160x128xf32, #tpu.memory_space<hbm>>) target(%arg16 : memref<160x128xf32, #tpu.memory_space<vmem>>) target_semaphore(%arg22 : memref<!tpu.dma_semaphore, #tpu.memory_space<semaphore_mem>>)
      %add3A_24 = arith.constant 0 : i32
      %add3A_25 = arith.addi %add3A_20, %add3A_24 : i32
      %dma_start3A_26 = tpu.memref_slice %arg6[%add3A_25] : memref<112640xi32, #tpu.memory_space<hbm>> -> memref<80xi32, #tpu.memory_space<hbm>>
      %dma_start3A_27 = tpu.memref_slice %arg6[%add3A_25] : memref<112640xi32, #tpu.memory_space<hbm>> -> memref<80xi32, #tpu.memory_space<hbm>>
      tpu.enqueue_dma source(%dma_start3A_27 : memref<80xi32, #tpu.memory_space<hbm>>) target(%arg18 : memref<80xi32, #tpu.memory_space<vmem>>) target_semaphore(%arg24 : memref<!tpu.dma_semaphore, #tpu.memory_space<semaphore_mem>>)
      %add3A_28 = arith.constant 80 : i32
      %add3A_29 = arith.addi %add3A_20, %add3A_28 : i32
      %dma_start3A_30 = tpu.memref_slice %arg6[%add3A_29] : memref<112640xi32, #tpu.memory_space<hbm>> -> memref<80xi32, #tpu.memory_space<hbm>>
      %dma_start3A_31 = tpu.memref_slice %arg6[%add3A_29] : memref<112640xi32, #tpu.memory_space<hbm>> -> memref<80xi32, #tpu.memory_space<hbm>>
      tpu.enqueue_dma source(%dma_start3A_31 : memref<80xi32, #tpu.memory_space<hbm>>) target(%arg19 : memref<80xi32, #tpu.memory_space<vmem>>) target_semaphore(%arg24 : memref<!tpu.dma_semaphore, #tpu.memory_space<semaphore_mem>>)
      %mul3A_32 = arith.constant 7040 : i32
      %mul3A_33 = arith.muli %arg1, %mul3A_32 : i32
      %add3A_34 = arith.constant 160 : i32
      %add3A_35 = arith.addi %mul3A_33, %add3A_34 : i32
      %dma_start3A_36 = arith.constant 0 : i32
      %dma_start3A_37 = tpu.memref_slice %arg3[%add3A_35, %dma_start3A_36] : memref<112640x128xf32, #tpu.memory_space<hbm>> -> memref<160x128xf32, #tpu.memory_space<hbm>>
      %dma_start3A_38 = arith.constant 0 : i32
      %dma_start3A_39 = tpu.memref_slice %arg3[%add3A_35, %dma_start3A_38] : memref<112640x128xf32, #tpu.memory_space<hbm>> -> memref<160x128xf32, #tpu.memory_space<hbm>>
      tpu.enqueue_dma source(%dma_start3A_39 : memref<160x128xf32, #tpu.memory_space<hbm>>) target(%arg17 : memref<160x128xf32, #tpu.memory_space<vmem>>) target_semaphore(%arg23 : memref<!tpu.dma_semaphore, #tpu.memory_space<semaphore_mem>>)
      %add3A_40 = arith.constant 0 : i32
      %add3A_41 = arith.addi %add3A_35, %add3A_40 : i32
      %dma_start3A_42 = tpu.memref_slice %arg6[%add3A_41] : memref<112640xi32, #tpu.memory_space<hbm>> -> memref<80xi32, #tpu.memory_space<hbm>>
      %dma_start3A_43 = tpu.memref_slice %arg6[%add3A_41] : memref<112640xi32, #tpu.memory_space<hbm>> -> memref<80xi32, #tpu.memory_space<hbm>>
      tpu.enqueue_dma source(%dma_start3A_43 : memref<80xi32, #tpu.memory_space<hbm>>) target(%arg20 : memref<80xi32, #tpu.memory_space<vmem>>) target_semaphore(%arg25 : memref<!tpu.dma_semaphore, #tpu.memory_space<semaphore_mem>>)
      %add3A_44 = arith.constant 80 : i32
      %add3A_45 = arith.addi %add3A_35, %add3A_44 : i32
      %dma_start3A_46 = tpu.memref_slice %arg6[%add3A_45] : memref<112640xi32, #tpu.memory_space<hbm>> -> memref<80xi32, #tpu.memory_space<hbm>>
      %dma_start3A_47 = tpu.memref_slice %arg6[%add3A_45] : memref<112640xi32, #tpu.memory_space<hbm>> -> memref<80xi32, #tpu.memory_space<hbm>>
      tpu.enqueue_dma source(%dma_start3A_47 : memref<80xi32, #tpu.memory_space<hbm>>) target(%arg21 : memref<80xi32, #tpu.memory_space<vmem>>) target_semaphore(%arg25 : memref<!tpu.dma_semaphore, #tpu.memory_space<semaphore_mem>>)
      %scan3A = arith.constant 0 : i32
      %scan3A_48 = arith.constant 0 : i32
      %scan3A_49 = arith.constant 22 : i32
      %scan3A_50 = arith.addi %scan3A_48, %scan3A_49 : i32
      %scan3A_51 = arith.constant 1 : i32
      scf.for %scan3A_55 = %scan3A_48 to %scan3A_50 step %scan3A_51  : i32 {
        %mul3A_56 = arith.constant 2 : i32
        %mul3A_57 = arith.muli %mul3A_56, %scan3A_55 : i32
        %mul3A_58 = arith.constant 7040 : i32
        %mul3A_59 = arith.muli %arg1, %mul3A_58 : i32
        %mul3A_60 = arith.constant 160 : i32
        %mul3A_61 = arith.muli %mul3A_57, %mul3A_60 : i32
        %add3A_62 = arith.addi %mul3A_59, %mul3A_61 : i32
        %dma_wait3A = arith.constant 0 : i32
        %dma_wait3A_63 = tpu.memref_slice %arg3[%add3A_62, %dma_wait3A] : memref<112640x128xf32, #tpu.memory_space<hbm>> -> memref<160x128xf32, #tpu.memory_space<hbm>>
        %dma_wait3A_64 = arith.constant 0 : i32
        %dma_wait3A_65 = tpu.memref_slice %arg3[%add3A_62, %dma_wait3A_64] : memref<112640x128xf32, #tpu.memory_space<hbm>> -> memref<160x128xf32, #tpu.memory_space<hbm>>
        tpu.wait_dma2 semaphore(%arg22 : memref<!tpu.dma_semaphore, #tpu.memory_space<semaphore_mem>>) src(%dma_wait3A_65 : memref<160x128xf32, #tpu.memory_space<hbm>>) dst(%arg16 : memref<160x128xf32, #tpu.memory_space<vmem>>)
        %add3A_66 = arith.constant 0 : i32
        %add3A_67 = arith.addi %add3A_62, %add3A_66 : i32
        %dma_wait3A_68 = tpu.memref_slice %arg6[%add3A_67] : memref<112640xi32, #tpu.memory_space<hbm>> -> memref<80xi32, #tpu.memory_space<hbm>>
        %dma_wait3A_69 = tpu.memref_slice %arg6[%add3A_67] : memref<112640xi32, #tpu.memory_space<hbm>> -> memref<80xi32, #tpu.memory_space<hbm>>
        tpu.wait_dma2 semaphore(%arg24 : memref<!tpu.dma_semaphore, #tpu.memory_space<semaphore_mem>>) src(%dma_wait3A_69 : memref<80xi32, #tpu.memory_space<hbm>>) dst(%arg18 : memref<80xi32, #tpu.memory_space<vmem>>)
        %add3A_70 = arith.constant 80 : i32
        %add3A_71 = arith.addi %add3A_62, %add3A_70 : i32
        %dma_wait3A_72 = tpu.memref_slice %arg6[%add3A_71] : memref<112640xi32, #tpu.memory_space<hbm>> -> memref<80xi32, #tpu.memory_space<hbm>>
        %dma_wait3A_73 = tpu.memref_slice %arg6[%add3A_71] : memref<112640xi32, #tpu.memory_space<hbm>> -> memref<80xi32, #tpu.memory_space<hbm>>
        tpu.wait_dma2 semaphore(%arg24 : memref<!tpu.dma_semaphore, #tpu.memory_space<semaphore_mem>>) src(%dma_wait3A_73 : memref<80xi32, #tpu.memory_space<hbm>>) dst(%arg19 : memref<80xi32, #tpu.memory_space<vmem>>)
        %dma_start3A_74 = arith.constant 0 : i32
        %dma_start3A_75 = arith.constant 0 : i32
        %dma_start3A_76 = tpu.memref_slice %arg16[%dma_start3A_74, %dma_start3A_75] : memref<160x128xf32, #tpu.memory_space<vmem>> -> memref<80x128xf32, #tpu.memory_space<vmem>>
        %dma_start3A_77 = arith.constant 0 : i32
        %dma_start3A_78 = arith.constant 0 : i32
        %dma_start3A_79 = tpu.memref_slice %arg15[%dma_start3A_77, %dma_start3A_78] : memref<10000x128xf32, #tpu.memory_space<vmem_shared>> -> memref<10000x128xf32, #tpu.memory_space<vmem_shared>>
        tpu.enqueue_indirect_dma source(%dma_start3A_76 : memref<80x128xf32, #tpu.memory_space<vmem>>) target(%dma_start3A_79 : memref<10000x128xf32, #tpu.memory_space<vmem_shared>>) offsets(%arg18 : memref<80xi32, #tpu.memory_space<vmem>>) semaphore(%arg26 : memref<!tpu.dma_semaphore, #tpu.memory_space<semaphore_mem>>) {add = true}
        %dma_start3A_80 = arith.constant 80 : i32
        %dma_start3A_81 = arith.constant 0 : i32
        %dma_start3A_82 = tpu.memref_slice %arg16[%dma_start3A_80, %dma_start3A_81] : memref<160x128xf32, #tpu.memory_space<vmem>> -> memref<80x128xf32, #tpu.memory_space<vmem>>
        %dma_start3A_83 = arith.constant 0 : i32
        %dma_start3A_84 = arith.constant 0 : i32
        %dma_start3A_85 = tpu.memref_slice %arg15[%dma_start3A_83, %dma_start3A_84] : memref<10000x128xf32, #tpu.memory_space<vmem_shared>> -> memref<10000x128xf32, #tpu.memory_space<vmem_shared>>
        tpu.enqueue_indirect_dma source(%dma_start3A_82 : memref<80x128xf32, #tpu.memory_space<vmem>>) target(%dma_start3A_85 : memref<10000x128xf32, #tpu.memory_space<vmem_shared>>) offsets(%arg19 : memref<80xi32, #tpu.memory_space<vmem>>) semaphore(%arg26 : memref<!tpu.dma_semaphore, #tpu.memory_space<semaphore_mem>>) {add = true}
        %add3A_86 = arith.constant 1 : i32
        %add3A_87 = arith.addi %mul3A_57, %add3A_86 : i32
        %mul3A_88 = arith.constant 7040 : i32
        %mul3A_89 = arith.muli %arg1, %mul3A_88 : i32
        %mul3A_90 = arith.constant 160 : i32
        %mul3A_91 = arith.muli %add3A_87, %mul3A_90 : i32
        %add3A_92 = arith.addi %mul3A_89, %mul3A_91 : i32
        %dma_wait3A_93 = arith.constant 0 : i32
        %dma_wait3A_94 = tpu.memref_slice %arg3[%add3A_92, %dma_wait3A_93] : memref<112640x128xf32, #tpu.memory_space<hbm>> -> memref<160x128xf32, #tpu.memory_space<hbm>>
        %dma_wait3A_95 = arith.constant 0 : i32
        %dma_wait3A_96 = tpu.memref_slice %arg3[%add3A_92, %dma_wait3A_95] : memref<112640x128xf32, #tpu.memory_space<hbm>> -> memref<160x128xf32, #tpu.memory_space<hbm>>
        tpu.wait_dma2 semaphore(%arg23 : memref<!tpu.dma_semaphore, #tpu.memory_space<semaphore_mem>>) src(%dma_wait3A_96 : memref<160x128xf32, #tpu.memory_space<hbm>>) dst(%arg17 : memref<160x128xf32, #tpu.memory_space<vmem>>)
        %add3A_97 = arith.constant 0 : i32
        %add3A_98 = arith.addi %add3A_92, %add3A_97 : i32
        %dma_wait3A_99 = tpu.memref_slice %arg6[%add3A_98] : memref<112640xi32, #tpu.memory_space<hbm>> -> memref<80xi32, #tpu.memory_space<hbm>>
        %dma_wait3A_100 = tpu.memref_slice %arg6[%add3A_98] : memref<112640xi32, #tpu.memory_space<hbm>> -> memref<80xi32, #tpu.memory_space<hbm>>
        tpu.wait_dma2 semaphore(%arg25 : memref<!tpu.dma_semaphore, #tpu.memory_space<semaphore_mem>>) src(%dma_wait3A_100 : memref<80xi32, #tpu.memory_space<hbm>>) dst(%arg20 : memref<80xi32, #tpu.memory_space<vmem>>)
        %add3A_101 = arith.constant 80 : i32
        %add3A_102 = arith.addi %add3A_92, %add3A_101 : i32
        %dma_wait3A_103 = tpu.memref_slice %arg6[%add3A_102] : memref<112640xi32, #tpu.memory_space<hbm>> -> memref<80xi32, #tpu.memory_space<hbm>>
        %dma_wait3A_104 = tpu.memref_slice %arg6[%add3A_102] : memref<112640xi32, #tpu.memory_space<hbm>> -> memref<80xi32, #tpu.memory_space<hbm>>
        tpu.wait_dma2 semaphore(%arg25 : memref<!tpu.dma_semaphore, #tpu.memory_space<semaphore_mem>>) src(%dma_wait3A_104 : memref<80xi32, #tpu.memory_space<hbm>>) dst(%arg21 : memref<80xi32, #tpu.memory_space<vmem>>)
        %dma_start3A_105 = arith.constant 0 : i32
        %dma_start3A_106 = arith.constant 0 : i32
        %dma_start3A_107 = tpu.memref_slice %arg17[%dma_start3A_105, %dma_start3A_106] : memref<160x128xf32, #tpu.memory_space<vmem>> -> memref<80x128xf32, #tpu.memory_space<vmem>>
        %dma_start3A_108 = arith.constant 0 : i32
        %dma_start3A_109 = arith.constant 0 : i32
        %dma_start3A_110 = tpu.memref_slice %arg15[%dma_start3A_108, %dma_start3A_109] : memref<10000x128xf32, #tpu.memory_space<vmem_shared>> -> memref<10000x128xf32, #tpu.memory_space<vmem_shared>>
        tpu.enqueue_indirect_dma source(%dma_start3A_107 : memref<80x128xf32, #tpu.memory_space<vmem>>) target(%dma_start3A_110 : memref<10000x128xf32, #tpu.memory_space<vmem_shared>>) offsets(%arg20 : memref<80xi32, #tpu.memory_space<vmem>>) semaphore(%arg27 : memref<!tpu.dma_semaphore, #tpu.memory_space<semaphore_mem>>) {add = true}
        %dma_start3A_111 = arith.constant 80 : i32
        %dma_start3A_112 = arith.constant 0 : i32
        %dma_start3A_113 = tpu.memref_slice %arg17[%dma_start3A_111, %dma_start3A_112] : memref<160x128xf32, #tpu.memory_space<vmem>> -> memref<80x128xf32, #tpu.memory_space<vmem>>
        %dma_start3A_114 = arith.constant 0 : i32
        %dma_start3A_115 = arith.constant 0 : i32
        %dma_start3A_116 = tpu.memref_slice %arg15[%dma_start3A_114, %dma_start3A_115] : memref<10000x128xf32, #tpu.memory_space<vmem_shared>> -> memref<10000x128xf32, #tpu.memory_space<vmem_shared>>
        tpu.enqueue_indirect_dma source(%dma_start3A_113 : memref<80x128xf32, #tpu.memory_space<vmem>>) target(%dma_start3A_116 : memref<10000x128xf32, #tpu.memory_space<vmem_shared>>) offsets(%arg21 : memref<80xi32, #tpu.memory_space<vmem>>) semaphore(%arg27 : memref<!tpu.dma_semaphore, #tpu.memory_space<semaphore_mem>>) {add = true}
        %dma_wait3A_117 = arith.constant 0 : i32
        %dma_wait3A_118 = arith.constant 0 : i32
        %dma_wait3A_119 = tpu.memref_slice %arg16[%dma_wait3A_117, %dma_wait3A_118] : memref<160x128xf32, #tpu.memory_space<vmem>> -> memref<80x128xf32, #tpu.memory_space<vmem>>
        %dma_wait3A_120 = arith.constant 0 : i32
        %dma_wait3A_121 = arith.constant 0 : i32
        %dma_wait3A_122 = tpu.memref_slice %arg15[%dma_wait3A_120, %dma_wait3A_121] : memref<10000x128xf32, #tpu.memory_space<vmem_shared>> -> memref<10000x128xf32, #tpu.memory_space<vmem_shared>>
        tpu.wait_indirect_dma semaphore(%arg26 : memref<!tpu.dma_semaphore, #tpu.memory_space<semaphore_mem>>) src(%dma_wait3A_119 : memref<80x128xf32, #tpu.memory_space<vmem>>) dst(%dma_wait3A_122 : memref<10000x128xf32, #tpu.memory_space<vmem_shared>>)
        %dma_wait3A_123 = arith.constant 80 : i32
        %dma_wait3A_124 = arith.constant 0 : i32
        %dma_wait3A_125 = tpu.memref_slice %arg16[%dma_wait3A_123, %dma_wait3A_124] : memref<160x128xf32, #tpu.memory_space<vmem>> -> memref<80x128xf32, #tpu.memory_space<vmem>>
        %dma_wait3A_126 = arith.constant 0 : i32
        %dma_wait3A_127 = arith.constant 0 : i32
        %dma_wait3A_128 = tpu.memref_slice %arg15[%dma_wait3A_126, %dma_wait3A_127] : memref<10000x128xf32, #tpu.memory_space<vmem_shared>> -> memref<10000x128xf32, #tpu.memory_space<vmem_shared>>
        tpu.wait_indirect_dma semaphore(%arg26 : memref<!tpu.dma_semaphore, #tpu.memory_space<semaphore_mem>>) src(%dma_wait3A_125 : memref<80x128xf32, #tpu.memory_space<vmem>>) dst(%dma_wait3A_128 : memref<10000x128xf32, #tpu.memory_space<vmem_shared>>)
        %mul3A_129 = arith.constant 2 : i32
        %mul3A_130 = arith.muli %mul3A_129, %scan3A_55 : i32
        %add3A_131 = arith.constant 2 : i32
        %add3A_132 = arith.addi %mul3A_130, %add3A_131 : i32
        %lt3A = arith.constant 44 : i32
        %lt3A_133 = arith.cmpi slt, %add3A_132, %lt3A : i32
        %convert_element_type3A_134 = arith.extui %lt3A_133 : i1 to i32
        %cond3A_135 = arith.constant 0 : i32
        %cond3A_136 = arith.cmpi ne, %convert_element_type3A_134, %cond3A_135 : i32
        scf.if %cond3A_136 {
          %add3A_158 = arith.constant 2 : i32
          %add3A_159 = arith.addi %mul3A_57, %add3A_158 : i32
          %mul3A_160 = arith.constant 7040 : i32
          %mul3A_161 = arith.muli %arg1, %mul3A_160 : i32
          %mul3A_162 = arith.constant 160 : i32
          %mul3A_163 = arith.muli %add3A_159, %mul3A_162 : i32
          %add3A_164 = arith.addi %mul3A_161, %mul3A_163 : i32
          %dma_start3A_165 = arith.constant 0 : i32
          %dma_start3A_166 = tpu.memref_slice %arg3[%add3A_164, %dma_start3A_165] : memref<112640x128xf32, #tpu.memory_space<hbm>> -> memref<160x128xf32, #tpu.memory_space<hbm>>
          %dma_start3A_167 = arith.constant 0 : i32
          %dma_start3A_168 = tpu.memref_slice %arg3[%add3A_164, %dma_start3A_167] : memref<112640x128xf32, #tpu.memory_space<hbm>> -> memref<160x128xf32, #tpu.memory_space<hbm>>
          tpu.enqueue_dma source(%dma_start3A_168 : memref<160x128xf32, #tpu.memory_space<hbm>>) target(%arg16 : memref<160x128xf32, #tpu.memory_space<vmem>>) target_semaphore(%arg22 : memref<!tpu.dma_semaphore, #tpu.memory_space<semaphore_mem>>)
          %add3A_169 = arith.constant 0 : i32
          %add3A_170 = arith.addi %add3A_164, %add3A_169 : i32
          %dma_start3A_171 = tpu.memref_slice %arg6[%add3A_170] : memref<112640xi32, #tpu.memory_space<hbm>> -> memref<80xi32, #tpu.memory_space<hbm>>
          %dma_start3A_172 = tpu.memref_slice %arg6[%add3A_170] : memref<112640xi32, #tpu.memory_space<hbm>> -> memref<80xi32, #tpu.memory_space<hbm>>
          tpu.enqueue_dma source(%dma_start3A_172 : memref<80xi32, #tpu.memory_space<hbm>>) target(%arg18 : memref<80xi32, #tpu.memory_space<vmem>>) target_semaphore(%arg24 : memref<!tpu.dma_semaphore, #tpu.memory_space<semaphore_mem>>)
          %add3A_173 = arith.constant 80 : i32
          %add3A_174 = arith.addi %add3A_164, %add3A_173 : i32
          %dma_start3A_175 = tpu.memref_slice %arg6[%add3A_174] : memref<112640xi32, #tpu.memory_space<hbm>> -> memref<80xi32, #tpu.memory_space<hbm>>
          %dma_start3A_176 = tpu.memref_slice %arg6[%add3A_174] : memref<112640xi32, #tpu.memory_space<hbm>> -> memref<80xi32, #tpu.memory_space<hbm>>
          tpu.enqueue_dma source(%dma_start3A_176 : memref<80xi32, #tpu.memory_space<hbm>>) target(%arg19 : memref<80xi32, #tpu.memory_space<vmem>>) target_semaphore(%arg24 : memref<!tpu.dma_semaphore, #tpu.memory_space<semaphore_mem>>)
        } else {
        }
        %dma_wait3A_137 = arith.constant 0 : i32
        %dma_wait3A_138 = arith.constant 0 : i32
        %dma_wait3A_139 = tpu.memref_slice %arg17[%dma_wait3A_137, %dma_wait3A_138] : memref<160x128xf32, #tpu.memory_space<vmem>> -> memref<80x128xf32, #tpu.memory_space<vmem>>
        %dma_wait3A_140 = arith.constant 0 : i32
        %dma_wait3A_141 = arith.constant 0 : i32
        %dma_wait3A_142 = tpu.memref_slice %arg15[%dma_wait3A_140, %dma_wait3A_141] : memref<10000x128xf32, #tpu.memory_space<vmem_shared>> -> memref<10000x128xf32, #tpu.memory_space<vmem_shared>>
        tpu.wait_indirect_dma semaphore(%arg27 : memref<!tpu.dma_semaphore, #tpu.memory_space<semaphore_mem>>) src(%dma_wait3A_139 : memref<80x128xf32, #tpu.memory_space<vmem>>) dst(%dma_wait3A_142 : memref<10000x128xf32, #tpu.memory_space<vmem_shared>>)
        %dma_wait3A_143 = arith.constant 80 : i32
        %dma_wait3A_144 = arith.constant 0 : i32
        %dma_wait3A_145 = tpu.memref_slice %arg17[%dma_wait3A_143, %dma_wait3A_144] : memref<160x128xf32, #tpu.memory_space<vmem>> -> memref<80x128xf32, #tpu.memory_space<vmem>>
        %dma_wait3A_146 = arith.constant 0 : i32
        %dma_wait3A_147 = arith.constant 0 : i32
        %dma_wait3A_148 = tpu.memref_slice %arg15[%dma_wait3A_146, %dma_wait3A_147] : memref<10000x128xf32, #tpu.memory_space<vmem_shared>> -> memref<10000x128xf32, #tpu.memory_space<vmem_shared>>
        tpu.wait_indirect_dma semaphore(%arg27 : memref<!tpu.dma_semaphore, #tpu.memory_space<semaphore_mem>>) src(%dma_wait3A_145 : memref<80x128xf32, #tpu.memory_space<vmem>>) dst(%dma_wait3A_148 : memref<10000x128xf32, #tpu.memory_space<vmem_shared>>)
        %mul3A_149 = arith.constant 2 : i32
        %mul3A_150 = arith.muli %mul3A_149, %scan3A_55 : i32
        %add3A_151 = arith.constant 3 : i32
        %add3A_152 = arith.addi %mul3A_150, %add3A_151 : i32
        %lt3A_153 = arith.constant 44 : i32
        %lt3A_154 = arith.cmpi slt, %add3A_152, %lt3A_153 : i32
        %convert_element_type3A_155 = arith.extui %lt3A_154 : i1 to i32
        %cond3A_156 = arith.constant 0 : i32
        %cond3A_157 = arith.cmpi ne, %convert_element_type3A_155, %cond3A_156 : i32
        scf.if %cond3A_157 {
          %add3A_158 = arith.constant 3 : i32
          %add3A_159 = arith.addi %mul3A_57, %add3A_158 : i32
          %mul3A_160 = arith.constant 7040 : i32
          %mul3A_161 = arith.muli %arg1, %mul3A_160 : i32
          %mul3A_162 = arith.constant 160 : i32
          %mul3A_163 = arith.muli %add3A_159, %mul3A_162 : i32
          %add3A_164 = arith.addi %mul3A_161, %mul3A_163 : i32
          %dma_start3A_165 = arith.constant 0 : i32
          %dma_start3A_166 = tpu.memref_slice %arg3[%add3A_164, %dma_start3A_165] : memref<112640x128xf32, #tpu.memory_space<hbm>> -> memref<160x128xf32, #tpu.memory_space<hbm>>
          %dma_start3A_167 = arith.constant 0 : i32
          %dma_start3A_168 = tpu.memref_slice %arg3[%add3A_164, %dma_start3A_167] : memref<112640x128xf32, #tpu.memory_space<hbm>> -> memref<160x128xf32, #tpu.memory_space<hbm>>
          tpu.enqueue_dma source(%dma_start3A_168 : memref<160x128xf32, #tpu.memory_space<hbm>>) target(%arg17 : memref<160x128xf32, #tpu.memory_space<vmem>>) target_semaphore(%arg23 : memref<!tpu.dma_semaphore, #tpu.memory_space<semaphore_mem>>)
          %add3A_169 = arith.constant 0 : i32
          %add3A_170 = arith.addi %add3A_164, %add3A_169 : i32
          %dma_start3A_171 = tpu.memref_slice %arg6[%add3A_170] : memref<112640xi32, #tpu.memory_space<hbm>> -> memref<80xi32, #tpu.memory_space<hbm>>
          %dma_start3A_172 = tpu.memref_slice %arg6[%add3A_170] : memref<112640xi32, #tpu.memory_space<hbm>> -> memref<80xi32, #tpu.memory_space<hbm>>
          tpu.enqueue_dma source(%dma_start3A_172 : memref<80xi32, #tpu.memory_space<hbm>>) target(%arg20 : memref<80xi32, #tpu.memory_space<vmem>>) target_semaphore(%arg25 : memref<!tpu.dma_semaphore, #tpu.memory_space<semaphore_mem>>)
          %add3A_173 = arith.constant 80 : i32
          %add3A_174 = arith.addi %add3A_164, %add3A_173 : i32
          %dma_start3A_175 = tpu.memref_slice %arg6[%add3A_174] : memref<112640xi32, #tpu.memory_space<hbm>> -> memref<80xi32, #tpu.memory_space<hbm>>
          %dma_start3A_176 = tpu.memref_slice %arg6[%add3A_174] : memref<112640xi32, #tpu.memory_space<hbm>> -> memref<80xi32, #tpu.memory_space<hbm>>
          tpu.enqueue_dma source(%dma_start3A_176 : memref<80xi32, #tpu.memory_space<hbm>>) target(%arg21 : memref<80xi32, #tpu.memory_space<vmem>>) target_semaphore(%arg25 : memref<!tpu.dma_semaphore, #tpu.memory_space<semaphore_mem>>)
        } else {
        }
      }
      %scan3A_52 = arith.constant 22 : i32
      %barrier3A_53 = arith.constant 0 : index
      tpu.barrier barrier_id(%barrier3A_53)
      "tpu.region"() ({
        %run_scoped3A = tpu.sem_alloc : memref<!tpu.dma_semaphore, #tpu.memory_space<semaphore_mem>>
        %dma_start3A_55 = arith.constant 0 : i32
        %dma_start3A_56 = tpu.memref_slice %arg12[%mul3A_0, %dma_start3A_55] : memref<10000x128xf32, #tpu.memory_space<hbm>> -> memref<640x128xf32, #tpu.memory_space<hbm>>
        %dma_start3A_57 = arith.constant 0 : i32
        %dma_start3A_58 = tpu.memref_slice %arg15[%mul3A_0, %dma_start3A_57] : memref<10000x128xf32, #tpu.memory_space<vmem_shared>> -> memref<640x128xf32, #tpu.memory_space<vmem_shared>>
        tpu.enqueue_dma source(%dma_start3A_58 : memref<640x128xf32, #tpu.memory_space<vmem_shared>>) target(%dma_start3A_56 : memref<640x128xf32, #tpu.memory_space<hbm>>) target_semaphore(%run_scoped3A : memref<!tpu.dma_semaphore, #tpu.memory_space<semaphore_mem>>)
        %dma_wait3A = arith.constant 0 : i32
        %dma_wait3A_59 = tpu.memref_slice %arg12[%mul3A_0, %dma_wait3A] : memref<10000x128xf32, #tpu.memory_space<hbm>> -> memref<640x128xf32, #tpu.memory_space<hbm>>
        %dma_wait3A_60 = arith.constant 0 : i32
        %dma_wait3A_61 = tpu.memref_slice %arg15[%mul3A_0, %dma_wait3A_60] : memref<10000x128xf32, #tpu.memory_space<vmem_shared>> -> memref<640x128xf32, #tpu.memory_space<vmem_shared>>
        tpu.wait_dma2 semaphore(%run_scoped3A : memref<!tpu.dma_semaphore, #tpu.memory_space<semaphore_mem>>) src(%dma_wait3A_61 : memref<640x128xf32, #tpu.memory_space<vmem_shared>>) dst(%dma_wait3A_59 : memref<640x128xf32, #tpu.memory_space<hbm>>)
        tpu.yield
      }) : () -> ()
      %barrier3A_54 = arith.constant 0 : index
      tpu.barrier barrier_id(%barrier3A_54)
    } else {
    }
    %eq3A_8 = arith.constant 0 : i32
    %eq3A_9 = arith.cmpi eq, %arg0, %eq3A_8 : i32
    %convert_element_type3A_10 = arith.extui %eq3A_9 : i1 to i32
    %cond3A_11 = arith.constant 0 : i32
    %cond3A_12 = arith.cmpi ne, %convert_element_type3A_10, %cond3A_11 : i32
    scf.if %cond3A_12 {
      "tpu.region"() ({
        %run_scoped3A = tpu.sem_alloc : memref<!tpu.dma_semaphore, #tpu.memory_space<semaphore_mem>>
        %dma_start3A_55 = arith.constant 0 : i32
        %dma_start3A_56 = tpu.memref_slice %arg15[%mul3A_0, %dma_start3A_55] : memref<10000x128xf32, #tpu.memory_space<vmem_shared>> -> memref<640x128xf32, #tpu.memory_space<vmem_shared>>
        %dma_start3A_57 = arith.constant 0 : i32
        %dma_start3A_58 = tpu.memref_slice %arg9[%mul3A_0, %dma_start3A_57] : memref<10000x128xf32, #tpu.memory_space<hbm>> -> memref<640x128xf32, #tpu.memory_space<hbm>>
        tpu.enqueue_dma source(%dma_start3A_58 : memref<640x128xf32, #tpu.memory_space<hbm>>) target(%dma_start3A_56 : memref<640x128xf32, #tpu.memory_space<vmem_shared>>) target_semaphore(%run_scoped3A : memref<!tpu.dma_semaphore, #tpu.memory_space<semaphore_mem>>)
        %dma_wait3A = arith.constant 0 : i32
        %dma_wait3A_59 = tpu.memref_slice %arg15[%mul3A_0, %dma_wait3A] : memref<10000x128xf32, #tpu.memory_space<vmem_shared>> -> memref<640x128xf32, #tpu.memory_space<vmem_shared>>
        %dma_wait3A_60 = arith.constant 0 : i32
        %dma_wait3A_61 = tpu.memref_slice %arg9[%mul3A_0, %dma_wait3A_60] : memref<10000x128xf32, #tpu.memory_space<hbm>> -> memref<640x128xf32, #tpu.memory_space<hbm>>
        tpu.wait_dma2 semaphore(%run_scoped3A : memref<!tpu.dma_semaphore, #tpu.memory_space<semaphore_mem>>) src(%dma_wait3A_61 : memref<640x128xf32, #tpu.memory_space<hbm>>) dst(%dma_wait3A_59 : memref<640x128xf32, #tpu.memory_space<vmem_shared>>)
        tpu.yield
      }) : () -> ()
      %barrier3A = arith.constant 0 : index
      tpu.barrier barrier_id(%barrier3A)
      %mul3A_18 = arith.constant 7040 : i32
      %mul3A_19 = arith.muli %arg1, %mul3A_18 : i32
      %add3A = arith.constant 0 : i32
      %add3A_20 = arith.addi %mul3A_19, %add3A : i32
      %dma_start3A = arith.constant 0 : i32
      %dma_start3A_21 = tpu.memref_slice %arg4[%add3A_20, %dma_start3A] : memref<112640x128xf32, #tpu.memory_space<hbm>> -> memref<160x128xf32, #tpu.memory_space<hbm>>
      %dma_start3A_22 = arith.constant 0 : i32
      %dma_start3A_23 = tpu.memref_slice %arg4[%add3A_20, %dma_start3A_22] : memref<112640x128xf32, #tpu.memory_space<hbm>> -> memref<160x128xf32, #tpu.memory_space<hbm>>
      tpu.enqueue_dma source(%dma_start3A_23 : memref<160x128xf32, #tpu.memory_space<hbm>>) target(%arg16 : memref<160x128xf32, #tpu.memory_space<vmem>>) target_semaphore(%arg22 : memref<!tpu.dma_semaphore, #tpu.memory_space<semaphore_mem>>)
      %add3A_24 = arith.constant 0 : i32
      %add3A_25 = arith.addi %add3A_20, %add3A_24 : i32
      %dma_start3A_26 = tpu.memref_slice %arg6[%add3A_25] : memref<112640xi32, #tpu.memory_space<hbm>> -> memref<80xi32, #tpu.memory_space<hbm>>
      %dma_start3A_27 = tpu.memref_slice %arg6[%add3A_25] : memref<112640xi32, #tpu.memory_space<hbm>> -> memref<80xi32, #tpu.memory_space<hbm>>
      tpu.enqueue_dma source(%dma_start3A_27 : memref<80xi32, #tpu.memory_space<hbm>>) target(%arg18 : memref<80xi32, #tpu.memory_space<vmem>>) target_semaphore(%arg24 : memref<!tpu.dma_semaphore, #tpu.memory_space<semaphore_mem>>)
      %add3A_28 = arith.constant 80 : i32
      %add3A_29 = arith.addi %add3A_20, %add3A_28 : i32
      %dma_start3A_30 = tpu.memref_slice %arg6[%add3A_29] : memref<112640xi32, #tpu.memory_space<hbm>> -> memref<80xi32, #tpu.memory_space<hbm>>
      %dma_start3A_31 = tpu.memref_slice %arg6[%add3A_29] : memref<112640xi32, #tpu.memory_space<hbm>> -> memref<80xi32, #tpu.memory_space<hbm>>
      tpu.enqueue_dma source(%dma_start3A_31 : memref<80xi32, #tpu.memory_space<hbm>>) target(%arg19 : memref<80xi32, #tpu.memory_space<vmem>>) target_semaphore(%arg24 : memref<!tpu.dma_semaphore, #tpu.memory_space<semaphore_mem>>)
      %mul3A_32 = arith.constant 7040 : i32
      %mul3A_33 = arith.muli %arg1, %mul3A_32 : i32
      %add3A_34 = arith.constant 160 : i32
      %add3A_35 = arith.addi %mul3A_33, %add3A_34 : i32
      %dma_start3A_36 = arith.constant 0 : i32
      %dma_start3A_37 = tpu.memref_slice %arg4[%add3A_35, %dma_start3A_36] : memref<112640x128xf32, #tpu.memory_space<hbm>> -> memref<160x128xf32, #tpu.memory_space<hbm>>
      %dma_start3A_38 = arith.constant 0 : i32
      %dma_start3A_39 = tpu.memref_slice %arg4[%add3A_35, %dma_start3A_38] : memref<112640x128xf32, #tpu.memory_space<hbm>> -> memref<160x128xf32, #tpu.memory_space<hbm>>
      tpu.enqueue_dma source(%dma_start3A_39 : memref<160x128xf32, #tpu.memory_space<hbm>>) target(%arg17 : memref<160x128xf32, #tpu.memory_space<vmem>>) target_semaphore(%arg23 : memref<!tpu.dma_semaphore, #tpu.memory_space<semaphore_mem>>)
      %add3A_40 = arith.constant 0 : i32
      %add3A_41 = arith.addi %add3A_35, %add3A_40 : i32
      %dma_start3A_42 = tpu.memref_slice %arg6[%add3A_41] : memref<112640xi32, #tpu.memory_space<hbm>> -> memref<80xi32, #tpu.memory_space<hbm>>
      %dma_start3A_43 = tpu.memref_slice %arg6[%add3A_41] : memref<112640xi32, #tpu.memory_space<hbm>> -> memref<80xi32, #tpu.memory_space<hbm>>
      tpu.enqueue_dma source(%dma_start3A_43 : memref<80xi32, #tpu.memory_space<hbm>>) target(%arg20 : memref<80xi32, #tpu.memory_space<vmem>>) target_semaphore(%arg25 : memref<!tpu.dma_semaphore, #tpu.memory_space<semaphore_mem>>)
      %add3A_44 = arith.constant 80 : i32
      %add3A_45 = arith.addi %add3A_35, %add3A_44 : i32
      %dma_start3A_46 = tpu.memref_slice %arg6[%add3A_45] : memref<112640xi32, #tpu.memory_space<hbm>> -> memref<80xi32, #tpu.memory_space<hbm>>
      %dma_start3A_47 = tpu.memref_slice %arg6[%add3A_45] : memref<112640xi32, #tpu.memory_space<hbm>> -> memref<80xi32, #tpu.memory_space<hbm>>
      tpu.enqueue_dma source(%dma_start3A_47 : memref<80xi32, #tpu.memory_space<hbm>>) target(%arg21 : memref<80xi32, #tpu.memory_space<vmem>>) target_semaphore(%arg25 : memref<!tpu.dma_semaphore, #tpu.memory_space<semaphore_mem>>)
      %scan3A = arith.constant 0 : i32
      %scan3A_48 = arith.constant 0 : i32
      %scan3A_49 = arith.constant 22 : i32
      %scan3A_50 = arith.addi %scan3A_48, %scan3A_49 : i32
      %scan3A_51 = arith.constant 1 : i32
      scf.for %scan3A_55 = %scan3A_48 to %scan3A_50 step %scan3A_51  : i32 {
        %mul3A_56 = arith.constant 2 : i32
        %mul3A_57 = arith.muli %mul3A_56, %scan3A_55 : i32
        %mul3A_58 = arith.constant 7040 : i32
        %mul3A_59 = arith.muli %arg1, %mul3A_58 : i32
        %mul3A_60 = arith.constant 160 : i32
        %mul3A_61 = arith.muli %mul3A_57, %mul3A_60 : i32
        %add3A_62 = arith.addi %mul3A_59, %mul3A_61 : i32
        %dma_wait3A = arith.constant 0 : i32
        %dma_wait3A_63 = tpu.memref_slice %arg4[%add3A_62, %dma_wait3A] : memref<112640x128xf32, #tpu.memory_space<hbm>> -> memref<160x128xf32, #tpu.memory_space<hbm>>
        %dma_wait3A_64 = arith.constant 0 : i32
        %dma_wait3A_65 = tpu.memref_slice %arg4[%add3A_62, %dma_wait3A_64] : memref<112640x128xf32, #tpu.memory_space<hbm>> -> memref<160x128xf32, #tpu.memory_space<hbm>>
        tpu.wait_dma2 semaphore(%arg22 : memref<!tpu.dma_semaphore, #tpu.memory_space<semaphore_mem>>) src(%dma_wait3A_65 : memref<160x128xf32, #tpu.memory_space<hbm>>) dst(%arg16 : memref<160x128xf32, #tpu.memory_space<vmem>>)
        %add3A_66 = arith.constant 0 : i32
        %add3A_67 = arith.addi %add3A_62, %add3A_66 : i32
        %dma_wait3A_68 = tpu.memref_slice %arg6[%add3A_67] : memref<112640xi32, #tpu.memory_space<hbm>> -> memref<80xi32, #tpu.memory_space<hbm>>
        %dma_wait3A_69 = tpu.memref_slice %arg6[%add3A_67] : memref<112640xi32, #tpu.memory_space<hbm>> -> memref<80xi32, #tpu.memory_space<hbm>>
        tpu.wait_dma2 semaphore(%arg24 : memref<!tpu.dma_semaphore, #tpu.memory_space<semaphore_mem>>) src(%dma_wait3A_69 : memref<80xi32, #tpu.memory_space<hbm>>) dst(%arg18 : memref<80xi32, #tpu.memory_space<vmem>>)
        %add3A_70 = arith.constant 80 : i32
        %add3A_71 = arith.addi %add3A_62, %add3A_70 : i32
        %dma_wait3A_72 = tpu.memref_slice %arg6[%add3A_71] : memref<112640xi32, #tpu.memory_space<hbm>> -> memref<80xi32, #tpu.memory_space<hbm>>
        %dma_wait3A_73 = tpu.memref_slice %arg6[%add3A_71] : memref<112640xi32, #tpu.memory_space<hbm>> -> memref<80xi32, #tpu.memory_space<hbm>>
        tpu.wait_dma2 semaphore(%arg24 : memref<!tpu.dma_semaphore, #tpu.memory_space<semaphore_mem>>) src(%dma_wait3A_73 : memref<80xi32, #tpu.memory_space<hbm>>) dst(%arg19 : memref<80xi32, #tpu.memory_space<vmem>>)
        %dma_start3A_74 = arith.constant 0 : i32
        %dma_start3A_75 = arith.constant 0 : i32
        %dma_start3A_76 = tpu.memref_slice %arg16[%dma_start3A_74, %dma_start3A_75] : memref<160x128xf32, #tpu.memory_space<vmem>> -> memref<80x128xf32, #tpu.memory_space<vmem>>
        %dma_start3A_77 = arith.constant 0 : i32
        %dma_start3A_78 = arith.constant 0 : i32
        %dma_start3A_79 = tpu.memref_slice %arg15[%dma_start3A_77, %dma_start3A_78] : memref<10000x128xf32, #tpu.memory_space<vmem_shared>> -> memref<10000x128xf32, #tpu.memory_space<vmem_shared>>
        tpu.enqueue_indirect_dma source(%dma_start3A_76 : memref<80x128xf32, #tpu.memory_space<vmem>>) target(%dma_start3A_79 : memref<10000x128xf32, #tpu.memory_space<vmem_shared>>) offsets(%arg18 : memref<80xi32, #tpu.memory_space<vmem>>) semaphore(%arg26 : memref<!tpu.dma_semaphore, #tpu.memory_space<semaphore_mem>>) {add = true}
        %dma_start3A_80 = arith.constant 80 : i32
        %dma_start3A_81 = arith.constant 0 : i32
        %dma_start3A_82 = tpu.memref_slice %arg16[%dma_start3A_80, %dma_start3A_81] : memref<160x128xf32, #tpu.memory_space<vmem>> -> memref<80x128xf32, #tpu.memory_space<vmem>>
        %dma_start3A_83 = arith.constant 0 : i32
        %dma_start3A_84 = arith.constant 0 : i32
        %dma_start3A_85 = tpu.memref_slice %arg15[%dma_start3A_83, %dma_start3A_84] : memref<10000x128xf32, #tpu.memory_space<vmem_shared>> -> memref<10000x128xf32, #tpu.memory_space<vmem_shared>>
        tpu.enqueue_indirect_dma source(%dma_start3A_82 : memref<80x128xf32, #tpu.memory_space<vmem>>) target(%dma_start3A_85 : memref<10000x128xf32, #tpu.memory_space<vmem_shared>>) offsets(%arg19 : memref<80xi32, #tpu.memory_space<vmem>>) semaphore(%arg26 : memref<!tpu.dma_semaphore, #tpu.memory_space<semaphore_mem>>) {add = true}
        %add3A_86 = arith.constant 1 : i32
        %add3A_87 = arith.addi %mul3A_57, %add3A_86 : i32
        %mul3A_88 = arith.constant 7040 : i32
        %mul3A_89 = arith.muli %arg1, %mul3A_88 : i32
        %mul3A_90 = arith.constant 160 : i32
        %mul3A_91 = arith.muli %add3A_87, %mul3A_90 : i32
        %add3A_92 = arith.addi %mul3A_89, %mul3A_91 : i32
        %dma_wait3A_93 = arith.constant 0 : i32
        %dma_wait3A_94 = tpu.memref_slice %arg4[%add3A_92, %dma_wait3A_93] : memref<112640x128xf32, #tpu.memory_space<hbm>> -> memref<160x128xf32, #tpu.memory_space<hbm>>
        %dma_wait3A_95 = arith.constant 0 : i32
        %dma_wait3A_96 = tpu.memref_slice %arg4[%add3A_92, %dma_wait3A_95] : memref<112640x128xf32, #tpu.memory_space<hbm>> -> memref<160x128xf32, #tpu.memory_space<hbm>>
        tpu.wait_dma2 semaphore(%arg23 : memref<!tpu.dma_semaphore, #tpu.memory_space<semaphore_mem>>) src(%dma_wait3A_96 : memref<160x128xf32, #tpu.memory_space<hbm>>) dst(%arg17 : memref<160x128xf32, #tpu.memory_space<vmem>>)
        %add3A_97 = arith.constant 0 : i32
        %add3A_98 = arith.addi %add3A_92, %add3A_97 : i32
        %dma_wait3A_99 = tpu.memref_slice %arg6[%add3A_98] : memref<112640xi32, #tpu.memory_space<hbm>> -> memref<80xi32, #tpu.memory_space<hbm>>
        %dma_wait3A_100 = tpu.memref_slice %arg6[%add3A_98] : memref<112640xi32, #tpu.memory_space<hbm>> -> memref<80xi32, #tpu.memory_space<hbm>>
        tpu.wait_dma2 semaphore(%arg25 : memref<!tpu.dma_semaphore, #tpu.memory_space<semaphore_mem>>) src(%dma_wait3A_100 : memref<80xi32, #tpu.memory_space<hbm>>) dst(%arg20 : memref<80xi32, #tpu.memory_space<vmem>>)
        %add3A_101 = arith.constant 80 : i32
        %add3A_102 = arith.addi %add3A_92, %add3A_101 : i32
        %dma_wait3A_103 = tpu.memref_slice %arg6[%add3A_102] : memref<112640xi32, #tpu.memory_space<hbm>> -> memref<80xi32, #tpu.memory_space<hbm>>
        %dma_wait3A_104 = tpu.memref_slice %arg6[%add3A_102] : memref<112640xi32, #tpu.memory_space<hbm>> -> memref<80xi32, #tpu.memory_space<hbm>>
        tpu.wait_dma2 semaphore(%arg25 : memref<!tpu.dma_semaphore, #tpu.memory_space<semaphore_mem>>) src(%dma_wait3A_104 : memref<80xi32, #tpu.memory_space<hbm>>) dst(%arg21 : memref<80xi32, #tpu.memory_space<vmem>>)
        %dma_start3A_105 = arith.constant 0 : i32
        %dma_start3A_106 = arith.constant 0 : i32
        %dma_start3A_107 = tpu.memref_slice %arg17[%dma_start3A_105, %dma_start3A_106] : memref<160x128xf32, #tpu.memory_space<vmem>> -> memref<80x128xf32, #tpu.memory_space<vmem>>
        %dma_start3A_108 = arith.constant 0 : i32
        %dma_start3A_109 = arith.constant 0 : i32
        %dma_start3A_110 = tpu.memref_slice %arg15[%dma_start3A_108, %dma_start3A_109] : memref<10000x128xf32, #tpu.memory_space<vmem_shared>> -> memref<10000x128xf32, #tpu.memory_space<vmem_shared>>
        tpu.enqueue_indirect_dma source(%dma_start3A_107 : memref<80x128xf32, #tpu.memory_space<vmem>>) target(%dma_start3A_110 : memref<10000x128xf32, #tpu.memory_space<vmem_shared>>) offsets(%arg20 : memref<80xi32, #tpu.memory_space<vmem>>) semaphore(%arg27 : memref<!tpu.dma_semaphore, #tpu.memory_space<semaphore_mem>>) {add = true}
        %dma_start3A_111 = arith.constant 80 : i32
        %dma_start3A_112 = arith.constant 0 : i32
        %dma_start3A_113 = tpu.memref_slice %arg17[%dma_start3A_111, %dma_start3A_112] : memref<160x128xf32, #tpu.memory_space<vmem>> -> memref<80x128xf32, #tpu.memory_space<vmem>>
        %dma_start3A_114 = arith.constant 0 : i32
        %dma_start3A_115 = arith.constant 0 : i32
        %dma_start3A_116 = tpu.memref_slice %arg15[%dma_start3A_114, %dma_start3A_115] : memref<10000x128xf32, #tpu.memory_space<vmem_shared>> -> memref<10000x128xf32, #tpu.memory_space<vmem_shared>>
        tpu.enqueue_indirect_dma source(%dma_start3A_113 : memref<80x128xf32, #tpu.memory_space<vmem>>) target(%dma_start3A_116 : memref<10000x128xf32, #tpu.memory_space<vmem_shared>>) offsets(%arg21 : memref<80xi32, #tpu.memory_space<vmem>>) semaphore(%arg27 : memref<!tpu.dma_semaphore, #tpu.memory_space<semaphore_mem>>) {add = true}
        %dma_wait3A_117 = arith.constant 0 : i32
        %dma_wait3A_118 = arith.constant 0 : i32
        %dma_wait3A_119 = tpu.memref_slice %arg16[%dma_wait3A_117, %dma_wait3A_118] : memref<160x128xf32, #tpu.memory_space<vmem>> -> memref<80x128xf32, #tpu.memory_space<vmem>>
        %dma_wait3A_120 = arith.constant 0 : i32
        %dma_wait3A_121 = arith.constant 0 : i32
        %dma_wait3A_122 = tpu.memref_slice %arg15[%dma_wait3A_120, %dma_wait3A_121] : memref<10000x128xf32, #tpu.memory_space<vmem_shared>> -> memref<10000x128xf32, #tpu.memory_space<vmem_shared>>
        tpu.wait_indirect_dma semaphore(%arg26 : memref<!tpu.dma_semaphore, #tpu.memory_space<semaphore_mem>>) src(%dma_wait3A_119 : memref<80x128xf32, #tpu.memory_space<vmem>>) dst(%dma_wait3A_122 : memref<10000x128xf32, #tpu.memory_space<vmem_shared>>)
        %dma_wait3A_123 = arith.constant 80 : i32
        %dma_wait3A_124 = arith.constant 0 : i32
        %dma_wait3A_125 = tpu.memref_slice %arg16[%dma_wait3A_123, %dma_wait3A_124] : memref<160x128xf32, #tpu.memory_space<vmem>> -> memref<80x128xf32, #tpu.memory_space<vmem>>
        %dma_wait3A_126 = arith.constant 0 : i32
        %dma_wait3A_127 = arith.constant 0 : i32
        %dma_wait3A_128 = tpu.memref_slice %arg15[%dma_wait3A_126, %dma_wait3A_127] : memref<10000x128xf32, #tpu.memory_space<vmem_shared>> -> memref<10000x128xf32, #tpu.memory_space<vmem_shared>>
        tpu.wait_indirect_dma semaphore(%arg26 : memref<!tpu.dma_semaphore, #tpu.memory_space<semaphore_mem>>) src(%dma_wait3A_125 : memref<80x128xf32, #tpu.memory_space<vmem>>) dst(%dma_wait3A_128 : memref<10000x128xf32, #tpu.memory_space<vmem_shared>>)
        %mul3A_129 = arith.constant 2 : i32
        %mul3A_130 = arith.muli %mul3A_129, %scan3A_55 : i32
        %add3A_131 = arith.constant 2 : i32
        %add3A_132 = arith.addi %mul3A_130, %add3A_131 : i32
        %lt3A = arith.constant 44 : i32
        %lt3A_133 = arith.cmpi slt, %add3A_132, %lt3A : i32
        %convert_element_type3A_134 = arith.extui %lt3A_133 : i1 to i32
        %cond3A_135 = arith.constant 0 : i32
        %cond3A_136 = arith.cmpi ne, %convert_element_type3A_134, %cond3A_135 : i32
        scf.if %cond3A_136 {
          %add3A_158 = arith.constant 2 : i32
          %add3A_159 = arith.addi %mul3A_57, %add3A_158 : i32
          %mul3A_160 = arith.constant 7040 : i32
          %mul3A_161 = arith.muli %arg1, %mul3A_160 : i32
          %mul3A_162 = arith.constant 160 : i32
          %mul3A_163 = arith.muli %add3A_159, %mul3A_162 : i32
          %add3A_164 = arith.addi %mul3A_161, %mul3A_163 : i32
          %dma_start3A_165 = arith.constant 0 : i32
          %dma_start3A_166 = tpu.memref_slice %arg4[%add3A_164, %dma_start3A_165] : memref<112640x128xf32, #tpu.memory_space<hbm>> -> memref<160x128xf32, #tpu.memory_space<hbm>>
          %dma_start3A_167 = arith.constant 0 : i32
          %dma_start3A_168 = tpu.memref_slice %arg4[%add3A_164, %dma_start3A_167] : memref<112640x128xf32, #tpu.memory_space<hbm>> -> memref<160x128xf32, #tpu.memory_space<hbm>>
          tpu.enqueue_dma source(%dma_start3A_168 : memref<160x128xf32, #tpu.memory_space<hbm>>) target(%arg16 : memref<160x128xf32, #tpu.memory_space<vmem>>) target_semaphore(%arg22 : memref<!tpu.dma_semaphore, #tpu.memory_space<semaphore_mem>>)
          %add3A_169 = arith.constant 0 : i32
          %add3A_170 = arith.addi %add3A_164, %add3A_169 : i32
          %dma_start3A_171 = tpu.memref_slice %arg6[%add3A_170] : memref<112640xi32, #tpu.memory_space<hbm>> -> memref<80xi32, #tpu.memory_space<hbm>>
          %dma_start3A_172 = tpu.memref_slice %arg6[%add3A_170] : memref<112640xi32, #tpu.memory_space<hbm>> -> memref<80xi32, #tpu.memory_space<hbm>>
          tpu.enqueue_dma source(%dma_start3A_172 : memref<80xi32, #tpu.memory_space<hbm>>) target(%arg18 : memref<80xi32, #tpu.memory_space<vmem>>) target_semaphore(%arg24 : memref<!tpu.dma_semaphore, #tpu.memory_space<semaphore_mem>>)
          %add3A_173 = arith.constant 80 : i32
          %add3A_174 = arith.addi %add3A_164, %add3A_173 : i32
          %dma_start3A_175 = tpu.memref_slice %arg6[%add3A_174] : memref<112640xi32, #tpu.memory_space<hbm>> -> memref<80xi32, #tpu.memory_space<hbm>>
          %dma_start3A_176 = tpu.memref_slice %arg6[%add3A_174] : memref<112640xi32, #tpu.memory_space<hbm>> -> memref<80xi32, #tpu.memory_space<hbm>>
          tpu.enqueue_dma source(%dma_start3A_176 : memref<80xi32, #tpu.memory_space<hbm>>) target(%arg19 : memref<80xi32, #tpu.memory_space<vmem>>) target_semaphore(%arg24 : memref<!tpu.dma_semaphore, #tpu.memory_space<semaphore_mem>>)
        } else {
        }
        %dma_wait3A_137 = arith.constant 0 : i32
        %dma_wait3A_138 = arith.constant 0 : i32
        %dma_wait3A_139 = tpu.memref_slice %arg17[%dma_wait3A_137, %dma_wait3A_138] : memref<160x128xf32, #tpu.memory_space<vmem>> -> memref<80x128xf32, #tpu.memory_space<vmem>>
        %dma_wait3A_140 = arith.constant 0 : i32
        %dma_wait3A_141 = arith.constant 0 : i32
        %dma_wait3A_142 = tpu.memref_slice %arg15[%dma_wait3A_140, %dma_wait3A_141] : memref<10000x128xf32, #tpu.memory_space<vmem_shared>> -> memref<10000x128xf32, #tpu.memory_space<vmem_shared>>
        tpu.wait_indirect_dma semaphore(%arg27 : memref<!tpu.dma_semaphore, #tpu.memory_space<semaphore_mem>>) src(%dma_wait3A_139 : memref<80x128xf32, #tpu.memory_space<vmem>>) dst(%dma_wait3A_142 : memref<10000x128xf32, #tpu.memory_space<vmem_shared>>)
        %dma_wait3A_143 = arith.constant 80 : i32
        %dma_wait3A_144 = arith.constant 0 : i32
        %dma_wait3A_145 = tpu.memref_slice %arg17[%dma_wait3A_143, %dma_wait3A_144] : memref<160x128xf32, #tpu.memory_space<vmem>> -> memref<80x128xf32, #tpu.memory_space<vmem>>
        %dma_wait3A_146 = arith.constant 0 : i32
        %dma_wait3A_147 = arith.constant 0 : i32
        %dma_wait3A_148 = tpu.memref_slice %arg15[%dma_wait3A_146, %dma_wait3A_147] : memref<10000x128xf32, #tpu.memory_space<vmem_shared>> -> memref<10000x128xf32, #tpu.memory_space<vmem_shared>>
        tpu.wait_indirect_dma semaphore(%arg27 : memref<!tpu.dma_semaphore, #tpu.memory_space<semaphore_mem>>) src(%dma_wait3A_145 : memref<80x128xf32, #tpu.memory_space<vmem>>) dst(%dma_wait3A_148 : memref<10000x128xf32, #tpu.memory_space<vmem_shared>>)
        %mul3A_149 = arith.constant 2 : i32
        %mul3A_150 = arith.muli %mul3A_149, %scan3A_55 : i32
        %add3A_151 = arith.constant 3 : i32
        %add3A_152 = arith.addi %mul3A_150, %add3A_151 : i32
        %lt3A_153 = arith.constant 44 : i32
        %lt3A_154 = arith.cmpi slt, %add3A_152, %lt3A_153 : i32
        %convert_element_type3A_155 = arith.extui %lt3A_154 : i1 to i32
        %cond3A_156 = arith.constant 0 : i32
        %cond3A_157 = arith.cmpi ne, %convert_element_type3A_155, %cond3A_156 : i32
        scf.if %cond3A_157 {
          %add3A_158 = arith.constant 3 : i32
          %add3A_159 = arith.addi %mul3A_57, %add3A_158 : i32
          %mul3A_160 = arith.constant 7040 : i32
          %mul3A_161 = arith.muli %arg1, %mul3A_160 : i32
          %mul3A_162 = arith.constant 160 : i32
          %mul3A_163 = arith.muli %add3A_159, %mul3A_162 : i32
          %add3A_164 = arith.addi %mul3A_161, %mul3A_163 : i32
          %dma_start3A_165 = arith.constant 0 : i32
          %dma_start3A_166 = tpu.memref_slice %arg4[%add3A_164, %dma_start3A_165] : memref<112640x128xf32, #tpu.memory_space<hbm>> -> memref<160x128xf32, #tpu.memory_space<hbm>>
          %dma_start3A_167 = arith.constant 0 : i32
          %dma_start3A_168 = tpu.memref_slice %arg4[%add3A_164, %dma_start3A_167] : memref<112640x128xf32, #tpu.memory_space<hbm>> -> memref<160x128xf32, #tpu.memory_space<hbm>>
          tpu.enqueue_dma source(%dma_start3A_168 : memref<160x128xf32, #tpu.memory_space<hbm>>) target(%arg17 : memref<160x128xf32, #tpu.memory_space<vmem>>) target_semaphore(%arg23 : memref<!tpu.dma_semaphore, #tpu.memory_space<semaphore_mem>>)
          %add3A_169 = arith.constant 0 : i32
          %add3A_170 = arith.addi %add3A_164, %add3A_169 : i32
          %dma_start3A_171 = tpu.memref_slice %arg6[%add3A_170] : memref<112640xi32, #tpu.memory_space<hbm>> -> memref<80xi32, #tpu.memory_space<hbm>>
          %dma_start3A_172 = tpu.memref_slice %arg6[%add3A_170] : memref<112640xi32, #tpu.memory_space<hbm>> -> memref<80xi32, #tpu.memory_space<hbm>>
          tpu.enqueue_dma source(%dma_start3A_172 : memref<80xi32, #tpu.memory_space<hbm>>) target(%arg20 : memref<80xi32, #tpu.memory_space<vmem>>) target_semaphore(%arg25 : memref<!tpu.dma_semaphore, #tpu.memory_space<semaphore_mem>>)
          %add3A_173 = arith.constant 80 : i32
          %add3A_174 = arith.addi %add3A_164, %add3A_173 : i32
          %dma_start3A_175 = tpu.memref_slice %arg6[%add3A_174] : memref<112640xi32, #tpu.memory_space<hbm>> -> memref<80xi32, #tpu.memory_space<hbm>>
          %dma_start3A_176 = tpu.memref_slice %arg6[%add3A_174] : memref<112640xi32, #tpu.memory_space<hbm>> -> memref<80xi32, #tpu.memory_space<hbm>>
          tpu.enqueue_dma source(%dma_start3A_176 : memref<80xi32, #tpu.memory_space<hbm>>) target(%arg21 : memref<80xi32, #tpu.memory_space<vmem>>) target_semaphore(%arg25 : memref<!tpu.dma_semaphore, #tpu.memory_space<semaphore_mem>>)
        } else {
        }
      }
      %scan3A_52 = arith.constant 22 : i32
      %barrier3A_53 = arith.constant 0 : index
      tpu.barrier barrier_id(%barrier3A_53)
      "tpu.region"() ({
        %run_scoped3A = tpu.sem_alloc : memref<!tpu.dma_semaphore, #tpu.memory_space<semaphore_mem>>
        %dma_start3A_55 = arith.constant 0 : i32
        %dma_start3A_56 = tpu.memref_slice %arg13[%mul3A_0, %dma_start3A_55] : memref<10000x128xf32, #tpu.memory_space<hbm>> -> memref<640x128xf32, #tpu.memory_space<hbm>>
        %dma_start3A_57 = arith.constant 0 : i32
        %dma_start3A_58 = tpu.memref_slice %arg15[%mul3A_0, %dma_start3A_57] : memref<10000x128xf32, #tpu.memory_space<vmem_shared>> -> memref<640x128xf32, #tpu.memory_space<vmem_shared>>
        tpu.enqueue_dma source(%dma_start3A_58 : memref<640x128xf32, #tpu.memory_space<vmem_shared>>) target(%dma_start3A_56 : memref<640x128xf32, #tpu.memory_space<hbm>>) target_semaphore(%run_scoped3A : memref<!tpu.dma_semaphore, #tpu.memory_space<semaphore_mem>>)
        %dma_wait3A = arith.constant 0 : i32
        %dma_wait3A_59 = tpu.memref_slice %arg13[%mul3A_0, %dma_wait3A] : memref<10000x128xf32, #tpu.memory_space<hbm>> -> memref<640x128xf32, #tpu.memory_space<hbm>>
        %dma_wait3A_60 = arith.constant 0 : i32
        %dma_wait3A_61 = tpu.memref_slice %arg15[%mul3A_0, %dma_wait3A_60] : memref<10000x128xf32, #tpu.memory_space<vmem_shared>> -> memref<640x128xf32, #tpu.memory_space<vmem_shared>>
        tpu.wait_dma2 semaphore(%run_scoped3A : memref<!tpu.dma_semaphore, #tpu.memory_space<semaphore_mem>>) src(%dma_wait3A_61 : memref<640x128xf32, #tpu.memory_space<vmem_shared>>) dst(%dma_wait3A_59 : memref<640x128xf32, #tpu.memory_space<hbm>>)
        tpu.yield
      }) : () -> ()
      %barrier3A_54 = arith.constant 0 : index
      tpu.barrier barrier_id(%barrier3A_54)
    } else {
    }
    %eq3A_13 = arith.constant 1 : i32
    %eq3A_14 = arith.cmpi eq, %arg0, %eq3A_13 : i32
    %convert_element_type3A_15 = arith.extui %eq3A_14 : i1 to i32
    %cond3A_16 = arith.constant 0 : i32
    %cond3A_17 = arith.cmpi ne, %convert_element_type3A_15, %cond3A_16 : i32
    scf.if %cond3A_17 {
      "tpu.region"() ({
        %run_scoped3A = tpu.sem_alloc : memref<!tpu.dma_semaphore, #tpu.memory_space<semaphore_mem>>
        %dma_start3A_55 = arith.constant 0 : i32
        %dma_start3A_56 = tpu.memref_slice %arg15[%mul3A_0, %dma_start3A_55] : memref<10000x128xf32, #tpu.memory_space<vmem_shared>> -> memref<640x128xf32, #tpu.memory_space<vmem_shared>>
        %dma_start3A_57 = arith.constant 0 : i32
        %dma_start3A_58 = tpu.memref_slice %arg10[%mul3A_0, %dma_start3A_57] : memref<10000x128xf32, #tpu.memory_space<hbm>> -> memref<640x128xf32, #tpu.memory_space<hbm>>
        tpu.enqueue_dma source(%dma_start3A_58 : memref<640x128xf32, #tpu.memory_space<hbm>>) target(%dma_start3A_56 : memref<640x128xf32, #tpu.memory_space<vmem_shared>>) target_semaphore(%run_scoped3A : memref<!tpu.dma_semaphore, #tpu.memory_space<semaphore_mem>>)
        %dma_wait3A = arith.constant 0 : i32
        %dma_wait3A_59 = tpu.memref_slice %arg15[%mul3A_0, %dma_wait3A] : memref<10000x128xf32, #tpu.memory_space<vmem_shared>> -> memref<640x128xf32, #tpu.memory_space<vmem_shared>>
        %dma_wait3A_60 = arith.constant 0 : i32
        %dma_wait3A_61 = tpu.memref_slice %arg10[%mul3A_0, %dma_wait3A_60] : memref<10000x128xf32, #tpu.memory_space<hbm>> -> memref<640x128xf32, #tpu.memory_space<hbm>>
        tpu.wait_dma2 semaphore(%run_scoped3A : memref<!tpu.dma_semaphore, #tpu.memory_space<semaphore_mem>>) src(%dma_wait3A_61 : memref<640x128xf32, #tpu.memory_space<hbm>>) dst(%dma_wait3A_59 : memref<640x128xf32, #tpu.memory_space<vmem_shared>>)
        tpu.yield
      }) : () -> ()
      %barrier3A = arith.constant 0 : index
      tpu.barrier barrier_id(%barrier3A)
      %mul3A_18 = arith.constant 7040 : i32
      %mul3A_19 = arith.muli %arg1, %mul3A_18 : i32
      %add3A = arith.constant 0 : i32
      %add3A_20 = arith.addi %mul3A_19, %add3A : i32
      %dma_start3A = arith.constant 0 : i32
      %dma_start3A_21 = tpu.memref_slice %arg5[%add3A_20, %dma_start3A] : memref<112640x128xf32, #tpu.memory_space<hbm>> -> memref<160x128xf32, #tpu.memory_space<hbm>>
      %dma_start3A_22 = arith.constant 0 : i32
      %dma_start3A_23 = tpu.memref_slice %arg5[%add3A_20, %dma_start3A_22] : memref<112640x128xf32, #tpu.memory_space<hbm>> -> memref<160x128xf32, #tpu.memory_space<hbm>>
      tpu.enqueue_dma source(%dma_start3A_23 : memref<160x128xf32, #tpu.memory_space<hbm>>) target(%arg16 : memref<160x128xf32, #tpu.memory_space<vmem>>) target_semaphore(%arg22 : memref<!tpu.dma_semaphore, #tpu.memory_space<semaphore_mem>>)
      %add3A_24 = arith.constant 0 : i32
      %add3A_25 = arith.addi %add3A_20, %add3A_24 : i32
      %dma_start3A_26 = tpu.memref_slice %arg6[%add3A_25] : memref<112640xi32, #tpu.memory_space<hbm>> -> memref<80xi32, #tpu.memory_space<hbm>>
      %dma_start3A_27 = tpu.memref_slice %arg6[%add3A_25] : memref<112640xi32, #tpu.memory_space<hbm>> -> memref<80xi32, #tpu.memory_space<hbm>>
      tpu.enqueue_dma source(%dma_start3A_27 : memref<80xi32, #tpu.memory_space<hbm>>) target(%arg18 : memref<80xi32, #tpu.memory_space<vmem>>) target_semaphore(%arg24 : memref<!tpu.dma_semaphore, #tpu.memory_space<semaphore_mem>>)
      %add3A_28 = arith.constant 80 : i32
      %add3A_29 = arith.addi %add3A_20, %add3A_28 : i32
      %dma_start3A_30 = tpu.memref_slice %arg6[%add3A_29] : memref<112640xi32, #tpu.memory_space<hbm>> -> memref<80xi32, #tpu.memory_space<hbm>>
      %dma_start3A_31 = tpu.memref_slice %arg6[%add3A_29] : memref<112640xi32, #tpu.memory_space<hbm>> -> memref<80xi32, #tpu.memory_space<hbm>>
      tpu.enqueue_dma source(%dma_start3A_31 : memref<80xi32, #tpu.memory_space<hbm>>) target(%arg19 : memref<80xi32, #tpu.memory_space<vmem>>) target_semaphore(%arg24 : memref<!tpu.dma_semaphore, #tpu.memory_space<semaphore_mem>>)
      %mul3A_32 = arith.constant 7040 : i32
      %mul3A_33 = arith.muli %arg1, %mul3A_32 : i32
      %add3A_34 = arith.constant 160 : i32
      %add3A_35 = arith.addi %mul3A_33, %add3A_34 : i32
      %dma_start3A_36 = arith.constant 0 : i32
      %dma_start3A_37 = tpu.memref_slice %arg5[%add3A_35, %dma_start3A_36] : memref<112640x128xf32, #tpu.memory_space<hbm>> -> memref<160x128xf32, #tpu.memory_space<hbm>>
      %dma_start3A_38 = arith.constant 0 : i32
      %dma_start3A_39 = tpu.memref_slice %arg5[%add3A_35, %dma_start3A_38] : memref<112640x128xf32, #tpu.memory_space<hbm>> -> memref<160x128xf32, #tpu.memory_space<hbm>>
      tpu.enqueue_dma source(%dma_start3A_39 : memref<160x128xf32, #tpu.memory_space<hbm>>) target(%arg17 : memref<160x128xf32, #tpu.memory_space<vmem>>) target_semaphore(%arg23 : memref<!tpu.dma_semaphore, #tpu.memory_space<semaphore_mem>>)
      %add3A_40 = arith.constant 0 : i32
      %add3A_41 = arith.addi %add3A_35, %add3A_40 : i32
      %dma_start3A_42 = tpu.memref_slice %arg6[%add3A_41] : memref<112640xi32, #tpu.memory_space<hbm>> -> memref<80xi32, #tpu.memory_space<hbm>>
      %dma_start3A_43 = tpu.memref_slice %arg6[%add3A_41] : memref<112640xi32, #tpu.memory_space<hbm>> -> memref<80xi32, #tpu.memory_space<hbm>>
      tpu.enqueue_dma source(%dma_start3A_43 : memref<80xi32, #tpu.memory_space<hbm>>) target(%arg20 : memref<80xi32, #tpu.memory_space<vmem>>) target_semaphore(%arg25 : memref<!tpu.dma_semaphore, #tpu.memory_space<semaphore_mem>>)
      %add3A_44 = arith.constant 80 : i32
      %add3A_45 = arith.addi %add3A_35, %add3A_44 : i32
      %dma_start3A_46 = tpu.memref_slice %arg6[%add3A_45] : memref<112640xi32, #tpu.memory_space<hbm>> -> memref<80xi32, #tpu.memory_space<hbm>>
      %dma_start3A_47 = tpu.memref_slice %arg6[%add3A_45] : memref<112640xi32, #tpu.memory_space<hbm>> -> memref<80xi32, #tpu.memory_space<hbm>>
      tpu.enqueue_dma source(%dma_start3A_47 : memref<80xi32, #tpu.memory_space<hbm>>) target(%arg21 : memref<80xi32, #tpu.memory_space<vmem>>) target_semaphore(%arg25 : memref<!tpu.dma_semaphore, #tpu.memory_space<semaphore_mem>>)
      %scan3A = arith.constant 0 : i32
      %scan3A_48 = arith.constant 0 : i32
      %scan3A_49 = arith.constant 22 : i32
      %scan3A_50 = arith.addi %scan3A_48, %scan3A_49 : i32
      %scan3A_51 = arith.constant 1 : i32
      scf.for %scan3A_55 = %scan3A_48 to %scan3A_50 step %scan3A_51  : i32 {
        %mul3A_56 = arith.constant 2 : i32
        %mul3A_57 = arith.muli %mul3A_56, %scan3A_55 : i32
        %mul3A_58 = arith.constant 7040 : i32
        %mul3A_59 = arith.muli %arg1, %mul3A_58 : i32
        %mul3A_60 = arith.constant 160 : i32
        %mul3A_61 = arith.muli %mul3A_57, %mul3A_60 : i32
        %add3A_62 = arith.addi %mul3A_59, %mul3A_61 : i32
        %dma_wait3A = arith.constant 0 : i32
        %dma_wait3A_63 = tpu.memref_slice %arg5[%add3A_62, %dma_wait3A] : memref<112640x128xf32, #tpu.memory_space<hbm>> -> memref<160x128xf32, #tpu.memory_space<hbm>>
        %dma_wait3A_64 = arith.constant 0 : i32
        %dma_wait3A_65 = tpu.memref_slice %arg5[%add3A_62, %dma_wait3A_64] : memref<112640x128xf32, #tpu.memory_space<hbm>> -> memref<160x128xf32, #tpu.memory_space<hbm>>
        tpu.wait_dma2 semaphore(%arg22 : memref<!tpu.dma_semaphore, #tpu.memory_space<semaphore_mem>>) src(%dma_wait3A_65 : memref<160x128xf32, #tpu.memory_space<hbm>>) dst(%arg16 : memref<160x128xf32, #tpu.memory_space<vmem>>)
        %add3A_66 = arith.constant 0 : i32
        %add3A_67 = arith.addi %add3A_62, %add3A_66 : i32
        %dma_wait3A_68 = tpu.memref_slice %arg6[%add3A_67] : memref<112640xi32, #tpu.memory_space<hbm>> -> memref<80xi32, #tpu.memory_space<hbm>>
        %dma_wait3A_69 = tpu.memref_slice %arg6[%add3A_67] : memref<112640xi32, #tpu.memory_space<hbm>> -> memref<80xi32, #tpu.memory_space<hbm>>
        tpu.wait_dma2 semaphore(%arg24 : memref<!tpu.dma_semaphore, #tpu.memory_space<semaphore_mem>>) src(%dma_wait3A_69 : memref<80xi32, #tpu.memory_space<hbm>>) dst(%arg18 : memref<80xi32, #tpu.memory_space<vmem>>)
        %add3A_70 = arith.constant 80 : i32
        %add3A_71 = arith.addi %add3A_62, %add3A_70 : i32
        %dma_wait3A_72 = tpu.memref_slice %arg6[%add3A_71] : memref<112640xi32, #tpu.memory_space<hbm>> -> memref<80xi32, #tpu.memory_space<hbm>>
        %dma_wait3A_73 = tpu.memref_slice %arg6[%add3A_71] : memref<112640xi32, #tpu.memory_space<hbm>> -> memref<80xi32, #tpu.memory_space<hbm>>
        tpu.wait_dma2 semaphore(%arg24 : memref<!tpu.dma_semaphore, #tpu.memory_space<semaphore_mem>>) src(%dma_wait3A_73 : memref<80xi32, #tpu.memory_space<hbm>>) dst(%arg19 : memref<80xi32, #tpu.memory_space<vmem>>)
        %dma_start3A_74 = arith.constant 0 : i32
        %dma_start3A_75 = arith.constant 0 : i32
        %dma_start3A_76 = tpu.memref_slice %arg16[%dma_start3A_74, %dma_start3A_75] : memref<160x128xf32, #tpu.memory_space<vmem>> -> memref<80x128xf32, #tpu.memory_space<vmem>>
        %dma_start3A_77 = arith.constant 0 : i32
        %dma_start3A_78 = arith.constant 0 : i32
        %dma_start3A_79 = tpu.memref_slice %arg15[%dma_start3A_77, %dma_start3A_78] : memref<10000x128xf32, #tpu.memory_space<vmem_shared>> -> memref<10000x128xf32, #tpu.memory_space<vmem_shared>>
        tpu.enqueue_indirect_dma source(%dma_start3A_76 : memref<80x128xf32, #tpu.memory_space<vmem>>) target(%dma_start3A_79 : memref<10000x128xf32, #tpu.memory_space<vmem_shared>>) offsets(%arg18 : memref<80xi32, #tpu.memory_space<vmem>>) semaphore(%arg26 : memref<!tpu.dma_semaphore, #tpu.memory_space<semaphore_mem>>) {add = true}
        %dma_start3A_80 = arith.constant 80 : i32
        %dma_start3A_81 = arith.constant 0 : i32
        %dma_start3A_82 = tpu.memref_slice %arg16[%dma_start3A_80, %dma_start3A_81] : memref<160x128xf32, #tpu.memory_space<vmem>> -> memref<80x128xf32, #tpu.memory_space<vmem>>
        %dma_start3A_83 = arith.constant 0 : i32
        %dma_start3A_84 = arith.constant 0 : i32
        %dma_start3A_85 = tpu.memref_slice %arg15[%dma_start3A_83, %dma_start3A_84] : memref<10000x128xf32, #tpu.memory_space<vmem_shared>> -> memref<10000x128xf32, #tpu.memory_space<vmem_shared>>
        tpu.enqueue_indirect_dma source(%dma_start3A_82 : memref<80x128xf32, #tpu.memory_space<vmem>>) target(%dma_start3A_85 : memref<10000x128xf32, #tpu.memory_space<vmem_shared>>) offsets(%arg19 : memref<80xi32, #tpu.memory_space<vmem>>) semaphore(%arg26 : memref<!tpu.dma_semaphore, #tpu.memory_space<semaphore_mem>>) {add = true}
        %add3A_86 = arith.constant 1 : i32
        %add3A_87 = arith.addi %mul3A_57, %add3A_86 : i32
        %mul3A_88 = arith.constant 7040 : i32
        %mul3A_89 = arith.muli %arg1, %mul3A_88 : i32
        %mul3A_90 = arith.constant 160 : i32
        %mul3A_91 = arith.muli %add3A_87, %mul3A_90 : i32
        %add3A_92 = arith.addi %mul3A_89, %mul3A_91 : i32
        %dma_wait3A_93 = arith.constant 0 : i32
        %dma_wait3A_94 = tpu.memref_slice %arg5[%add3A_92, %dma_wait3A_93] : memref<112640x128xf32, #tpu.memory_space<hbm>> -> memref<160x128xf32, #tpu.memory_space<hbm>>
        %dma_wait3A_95 = arith.constant 0 : i32
        %dma_wait3A_96 = tpu.memref_slice %arg5[%add3A_92, %dma_wait3A_95] : memref<112640x128xf32, #tpu.memory_space<hbm>> -> memref<160x128xf32, #tpu.memory_space<hbm>>
        tpu.wait_dma2 semaphore(%arg23 : memref<!tpu.dma_semaphore, #tpu.memory_space<semaphore_mem>>) src(%dma_wait3A_96 : memref<160x128xf32, #tpu.memory_space<hbm>>) dst(%arg17 : memref<160x128xf32, #tpu.memory_space<vmem>>)
        %add3A_97 = arith.constant 0 : i32
        %add3A_98 = arith.addi %add3A_92, %add3A_97 : i32
        %dma_wait3A_99 = tpu.memref_slice %arg6[%add3A_98] : memref<112640xi32, #tpu.memory_space<hbm>> -> memref<80xi32, #tpu.memory_space<hbm>>
        %dma_wait3A_100 = tpu.memref_slice %arg6[%add3A_98] : memref<112640xi32, #tpu.memory_space<hbm>> -> memref<80xi32, #tpu.memory_space<hbm>>
        tpu.wait_dma2 semaphore(%arg25 : memref<!tpu.dma_semaphore, #tpu.memory_space<semaphore_mem>>) src(%dma_wait3A_100 : memref<80xi32, #tpu.memory_space<hbm>>) dst(%arg20 : memref<80xi32, #tpu.memory_space<vmem>>)
        %add3A_101 = arith.constant 80 : i32
        %add3A_102 = arith.addi %add3A_92, %add3A_101 : i32
        %dma_wait3A_103 = tpu.memref_slice %arg6[%add3A_102] : memref<112640xi32, #tpu.memory_space<hbm>> -> memref<80xi32, #tpu.memory_space<hbm>>
        %dma_wait3A_104 = tpu.memref_slice %arg6[%add3A_102] : memref<112640xi32, #tpu.memory_space<hbm>> -> memref<80xi32, #tpu.memory_space<hbm>>
        tpu.wait_dma2 semaphore(%arg25 : memref<!tpu.dma_semaphore, #tpu.memory_space<semaphore_mem>>) src(%dma_wait3A_104 : memref<80xi32, #tpu.memory_space<hbm>>) dst(%arg21 : memref<80xi32, #tpu.memory_space<vmem>>)
        %dma_start3A_105 = arith.constant 0 : i32
        %dma_start3A_106 = arith.constant 0 : i32
        %dma_start3A_107 = tpu.memref_slice %arg17[%dma_start3A_105, %dma_start3A_106] : memref<160x128xf32, #tpu.memory_space<vmem>> -> memref<80x128xf32, #tpu.memory_space<vmem>>
        %dma_start3A_108 = arith.constant 0 : i32
        %dma_start3A_109 = arith.constant 0 : i32
        %dma_start3A_110 = tpu.memref_slice %arg15[%dma_start3A_108, %dma_start3A_109] : memref<10000x128xf32, #tpu.memory_space<vmem_shared>> -> memref<10000x128xf32, #tpu.memory_space<vmem_shared>>
        tpu.enqueue_indirect_dma source(%dma_start3A_107 : memref<80x128xf32, #tpu.memory_space<vmem>>) target(%dma_start3A_110 : memref<10000x128xf32, #tpu.memory_space<vmem_shared>>) offsets(%arg20 : memref<80xi32, #tpu.memory_space<vmem>>) semaphore(%arg27 : memref<!tpu.dma_semaphore, #tpu.memory_space<semaphore_mem>>) {add = true}
        %dma_start3A_111 = arith.constant 80 : i32
        %dma_start3A_112 = arith.constant 0 : i32
        %dma_start3A_113 = tpu.memref_slice %arg17[%dma_start3A_111, %dma_start3A_112] : memref<160x128xf32, #tpu.memory_space<vmem>> -> memref<80x128xf32, #tpu.memory_space<vmem>>
        %dma_start3A_114 = arith.constant 0 : i32
        %dma_start3A_115 = arith.constant 0 : i32
        %dma_start3A_116 = tpu.memref_slice %arg15[%dma_start3A_114, %dma_start3A_115] : memref<10000x128xf32, #tpu.memory_space<vmem_shared>> -> memref<10000x128xf32, #tpu.memory_space<vmem_shared>>
        tpu.enqueue_indirect_dma source(%dma_start3A_113 : memref<80x128xf32, #tpu.memory_space<vmem>>) target(%dma_start3A_116 : memref<10000x128xf32, #tpu.memory_space<vmem_shared>>) offsets(%arg21 : memref<80xi32, #tpu.memory_space<vmem>>) semaphore(%arg27 : memref<!tpu.dma_semaphore, #tpu.memory_space<semaphore_mem>>) {add = true}
        %dma_wait3A_117 = arith.constant 0 : i32
        %dma_wait3A_118 = arith.constant 0 : i32
        %dma_wait3A_119 = tpu.memref_slice %arg16[%dma_wait3A_117, %dma_wait3A_118] : memref<160x128xf32, #tpu.memory_space<vmem>> -> memref<80x128xf32, #tpu.memory_space<vmem>>
        %dma_wait3A_120 = arith.constant 0 : i32
        %dma_wait3A_121 = arith.constant 0 : i32
        %dma_wait3A_122 = tpu.memref_slice %arg15[%dma_wait3A_120, %dma_wait3A_121] : memref<10000x128xf32, #tpu.memory_space<vmem_shared>> -> memref<10000x128xf32, #tpu.memory_space<vmem_shared>>
        tpu.wait_indirect_dma semaphore(%arg26 : memref<!tpu.dma_semaphore, #tpu.memory_space<semaphore_mem>>) src(%dma_wait3A_119 : memref<80x128xf32, #tpu.memory_space<vmem>>) dst(%dma_wait3A_122 : memref<10000x128xf32, #tpu.memory_space<vmem_shared>>)
        %dma_wait3A_123 = arith.constant 80 : i32
        %dma_wait3A_124 = arith.constant 0 : i32
        %dma_wait3A_125 = tpu.memref_slice %arg16[%dma_wait3A_123, %dma_wait3A_124] : memref<160x128xf32, #tpu.memory_space<vmem>> -> memref<80x128xf32, #tpu.memory_space<vmem>>
        %dma_wait3A_126 = arith.constant 0 : i32
        %dma_wait3A_127 = arith.constant 0 : i32
        %dma_wait3A_128 = tpu.memref_slice %arg15[%dma_wait3A_126, %dma_wait3A_127] : memref<10000x128xf32, #tpu.memory_space<vmem_shared>> -> memref<10000x128xf32, #tpu.memory_space<vmem_shared>>
        tpu.wait_indirect_dma semaphore(%arg26 : memref<!tpu.dma_semaphore, #tpu.memory_space<semaphore_mem>>) src(%dma_wait3A_125 : memref<80x128xf32, #tpu.memory_space<vmem>>) dst(%dma_wait3A_128 : memref<10000x128xf32, #tpu.memory_space<vmem_shared>>)
        %mul3A_129 = arith.constant 2 : i32
        %mul3A_130 = arith.muli %mul3A_129, %scan3A_55 : i32
        %add3A_131 = arith.constant 2 : i32
        %add3A_132 = arith.addi %mul3A_130, %add3A_131 : i32
        %lt3A = arith.constant 44 : i32
        %lt3A_133 = arith.cmpi slt, %add3A_132, %lt3A : i32
        %convert_element_type3A_134 = arith.extui %lt3A_133 : i1 to i32
        %cond3A_135 = arith.constant 0 : i32
        %cond3A_136 = arith.cmpi ne, %convert_element_type3A_134, %cond3A_135 : i32
        scf.if %cond3A_136 {
          %add3A_158 = arith.constant 2 : i32
          %add3A_159 = arith.addi %mul3A_57, %add3A_158 : i32
          %mul3A_160 = arith.constant 7040 : i32
          %mul3A_161 = arith.muli %arg1, %mul3A_160 : i32
          %mul3A_162 = arith.constant 160 : i32
          %mul3A_163 = arith.muli %add3A_159, %mul3A_162 : i32
          %add3A_164 = arith.addi %mul3A_161, %mul3A_163 : i32
          %dma_start3A_165 = arith.constant 0 : i32
          %dma_start3A_166 = tpu.memref_slice %arg5[%add3A_164, %dma_start3A_165] : memref<112640x128xf32, #tpu.memory_space<hbm>> -> memref<160x128xf32, #tpu.memory_space<hbm>>
          %dma_start3A_167 = arith.constant 0 : i32
          %dma_start3A_168 = tpu.memref_slice %arg5[%add3A_164, %dma_start3A_167] : memref<112640x128xf32, #tpu.memory_space<hbm>> -> memref<160x128xf32, #tpu.memory_space<hbm>>
          tpu.enqueue_dma source(%dma_start3A_168 : memref<160x128xf32, #tpu.memory_space<hbm>>) target(%arg16 : memref<160x128xf32, #tpu.memory_space<vmem>>) target_semaphore(%arg22 : memref<!tpu.dma_semaphore, #tpu.memory_space<semaphore_mem>>)
          %add3A_169 = arith.constant 0 : i32
          %add3A_170 = arith.addi %add3A_164, %add3A_169 : i32
          %dma_start3A_171 = tpu.memref_slice %arg6[%add3A_170] : memref<112640xi32, #tpu.memory_space<hbm>> -> memref<80xi32, #tpu.memory_space<hbm>>
          %dma_start3A_172 = tpu.memref_slice %arg6[%add3A_170] : memref<112640xi32, #tpu.memory_space<hbm>> -> memref<80xi32, #tpu.memory_space<hbm>>
          tpu.enqueue_dma source(%dma_start3A_172 : memref<80xi32, #tpu.memory_space<hbm>>) target(%arg18 : memref<80xi32, #tpu.memory_space<vmem>>) target_semaphore(%arg24 : memref<!tpu.dma_semaphore, #tpu.memory_space<semaphore_mem>>)
          %add3A_173 = arith.constant 80 : i32
          %add3A_174 = arith.addi %add3A_164, %add3A_173 : i32
          %dma_start3A_175 = tpu.memref_slice %arg6[%add3A_174] : memref<112640xi32, #tpu.memory_space<hbm>> -> memref<80xi32, #tpu.memory_space<hbm>>
          %dma_start3A_176 = tpu.memref_slice %arg6[%add3A_174] : memref<112640xi32, #tpu.memory_space<hbm>> -> memref<80xi32, #tpu.memory_space<hbm>>
          tpu.enqueue_dma source(%dma_start3A_176 : memref<80xi32, #tpu.memory_space<hbm>>) target(%arg19 : memref<80xi32, #tpu.memory_space<vmem>>) target_semaphore(%arg24 : memref<!tpu.dma_semaphore, #tpu.memory_space<semaphore_mem>>)
        } else {
        }
        %dma_wait3A_137 = arith.constant 0 : i32
        %dma_wait3A_138 = arith.constant 0 : i32
        %dma_wait3A_139 = tpu.memref_slice %arg17[%dma_wait3A_137, %dma_wait3A_138] : memref<160x128xf32, #tpu.memory_space<vmem>> -> memref<80x128xf32, #tpu.memory_space<vmem>>
        %dma_wait3A_140 = arith.constant 0 : i32
        %dma_wait3A_141 = arith.constant 0 : i32
        %dma_wait3A_142 = tpu.memref_slice %arg15[%dma_wait3A_140, %dma_wait3A_141] : memref<10000x128xf32, #tpu.memory_space<vmem_shared>> -> memref<10000x128xf32, #tpu.memory_space<vmem_shared>>
        tpu.wait_indirect_dma semaphore(%arg27 : memref<!tpu.dma_semaphore, #tpu.memory_space<semaphore_mem>>) src(%dma_wait3A_139 : memref<80x128xf32, #tpu.memory_space<vmem>>) dst(%dma_wait3A_142 : memref<10000x128xf32, #tpu.memory_space<vmem_shared>>)
        %dma_wait3A_143 = arith.constant 80 : i32
        %dma_wait3A_144 = arith.constant 0 : i32
        %dma_wait3A_145 = tpu.memref_slice %arg17[%dma_wait3A_143, %dma_wait3A_144] : memref<160x128xf32, #tpu.memory_space<vmem>> -> memref<80x128xf32, #tpu.memory_space<vmem>>
        %dma_wait3A_146 = arith.constant 0 : i32
        %dma_wait3A_147 = arith.constant 0 : i32
        %dma_wait3A_148 = tpu.memref_slice %arg15[%dma_wait3A_146, %dma_wait3A_147] : memref<10000x128xf32, #tpu.memory_space<vmem_shared>> -> memref<10000x128xf32, #tpu.memory_space<vmem_shared>>
        tpu.wait_indirect_dma semaphore(%arg27 : memref<!tpu.dma_semaphore, #tpu.memory_space<semaphore_mem>>) src(%dma_wait3A_145 : memref<80x128xf32, #tpu.memory_space<vmem>>) dst(%dma_wait3A_148 : memref<10000x128xf32, #tpu.memory_space<vmem_shared>>)
        %mul3A_149 = arith.constant 2 : i32
        %mul3A_150 = arith.muli %mul3A_149, %scan3A_55 : i32
        %add3A_151 = arith.constant 3 : i32
        %add3A_152 = arith.addi %mul3A_150, %add3A_151 : i32
        %lt3A_153 = arith.constant 44 : i32
        %lt3A_154 = arith.cmpi slt, %add3A_152, %lt3A_153 : i32
        %convert_element_type3A_155 = arith.extui %lt3A_154 : i1 to i32
        %cond3A_156 = arith.constant 0 : i32
        %cond3A_157 = arith.cmpi ne, %convert_element_type3A_155, %cond3A_156 : i32
        scf.if %cond3A_157 {
          %add3A_158 = arith.constant 3 : i32
          %add3A_159 = arith.addi %mul3A_57, %add3A_158 : i32
          %mul3A_160 = arith.constant 7040 : i32
          %mul3A_161 = arith.muli %arg1, %mul3A_160 : i32
          %mul3A_162 = arith.constant 160 : i32
          %mul3A_163 = arith.muli %add3A_159, %mul3A_162 : i32
          %add3A_164 = arith.addi %mul3A_161, %mul3A_163 : i32
          %dma_start3A_165 = arith.constant 0 : i32
          %dma_start3A_166 = tpu.memref_slice %arg5[%add3A_164, %dma_start3A_165] : memref<112640x128xf32, #tpu.memory_space<hbm>> -> memref<160x128xf32, #tpu.memory_space<hbm>>
          %dma_start3A_167 = arith.constant 0 : i32
          %dma_start3A_168 = tpu.memref_slice %arg5[%add3A_164, %dma_start3A_167] : memref<112640x128xf32, #tpu.memory_space<hbm>> -> memref<160x128xf32, #tpu.memory_space<hbm>>
          tpu.enqueue_dma source(%dma_start3A_168 : memref<160x128xf32, #tpu.memory_space<hbm>>) target(%arg17 : memref<160x128xf32, #tpu.memory_space<vmem>>) target_semaphore(%arg23 : memref<!tpu.dma_semaphore, #tpu.memory_space<semaphore_mem>>)
          %add3A_169 = arith.constant 0 : i32
          %add3A_170 = arith.addi %add3A_164, %add3A_169 : i32
          %dma_start3A_171 = tpu.memref_slice %arg6[%add3A_170] : memref<112640xi32, #tpu.memory_space<hbm>> -> memref<80xi32, #tpu.memory_space<hbm>>
          %dma_start3A_172 = tpu.memref_slice %arg6[%add3A_170] : memref<112640xi32, #tpu.memory_space<hbm>> -> memref<80xi32, #tpu.memory_space<hbm>>
          tpu.enqueue_dma source(%dma_start3A_172 : memref<80xi32, #tpu.memory_space<hbm>>) target(%arg20 : memref<80xi32, #tpu.memory_space<vmem>>) target_semaphore(%arg25 : memref<!tpu.dma_semaphore, #tpu.memory_space<semaphore_mem>>)
          %add3A_173 = arith.constant 80 : i32
          %add3A_174 = arith.addi %add3A_164, %add3A_173 : i32
          %dma_start3A_175 = tpu.memref_slice %arg6[%add3A_174] : memref<112640xi32, #tpu.memory_space<hbm>> -> memref<80xi32, #tpu.memory_space<hbm>>
          %dma_start3A_176 = tpu.memref_slice %arg6[%add3A_174] : memref<112640xi32, #tpu.memory_space<hbm>> -> memref<80xi32, #tpu.memory_space<hbm>>
          tpu.enqueue_dma source(%dma_start3A_176 : memref<80xi32, #tpu.memory_space<hbm>>) target(%arg21 : memref<80xi32, #tpu.memory_space<vmem>>) target_semaphore(%arg25 : memref<!tpu.dma_semaphore, #tpu.memory_space<semaphore_mem>>)
        } else {
        }
      }
      %scan3A_52 = arith.constant 22 : i32
      %barrier3A_53 = arith.constant 0 : index
      tpu.barrier barrier_id(%barrier3A_53)
      "tpu.region"() ({
        %run_scoped3A = tpu.sem_alloc : memref<!tpu.dma_semaphore, #tpu.memory_space<semaphore_mem>>
        %dma_start3A_55 = arith.constant 0 : i32
        %dma_start3A_56 = tpu.memref_slice %arg14[%mul3A_0, %dma_start3A_55] : memref<10000x128xf32, #tpu.memory_space<hbm>> -> memref<640x128xf32, #tpu.memory_space<hbm>>
        %dma_start3A_57 = arith.constant 0 : i32
        %dma_start3A_58 = tpu.memref_slice %arg15[%mul3A_0, %dma_start3A_57] : memref<10000x128xf32, #tpu.memory_space<vmem_shared>> -> memref<640x128xf32, #tpu.memory_space<vmem_shared>>
        tpu.enqueue_dma source(%dma_start3A_58 : memref<640x128xf32, #tpu.memory_space<vmem_shared>>) target(%dma_start3A_56 : memref<640x128xf32, #tpu.memory_space<hbm>>) target_semaphore(%run_scoped3A : memref<!tpu.dma_semaphore, #tpu.memory_space<semaphore_mem>>)
        %dma_wait3A = arith.constant 0 : i32
        %dma_wait3A_59 = tpu.memref_slice %arg14[%mul3A_0, %dma_wait3A] : memref<10000x128xf32, #tpu.memory_space<hbm>> -> memref<640x128xf32, #tpu.memory_space<hbm>>
        %dma_wait3A_60 = arith.constant 0 : i32
        %dma_wait3A_61 = tpu.memref_slice %arg15[%mul3A_0, %dma_wait3A_60] : memref<10000x128xf32, #tpu.memory_space<vmem_shared>> -> memref<640x128xf32, #tpu.memory_space<vmem_shared>>
        tpu.wait_dma2 semaphore(%run_scoped3A : memref<!tpu.dma_semaphore, #tpu.memory_space<semaphore_mem>>) src(%dma_wait3A_61 : memref<640x128xf32, #tpu.memory_space<vmem_shared>>) dst(%dma_wait3A_59 : memref<640x128xf32, #tpu.memory_space<hbm>>)
        tpu.yield
      }) : () -> ()
      %barrier3A_54 = arith.constant 0 : index
      tpu.barrier barrier_id(%barrier3A_54)
    } else {
    }
    return
  }
}

module attributes {stable_mosaic.version = 14 : i64} {
  func.func @_mlp_body(%arg0: i32, %arg1: memref<2000x128xf32, #tpu.memory_space<vmem>>, %arg2: memref<2000x128xf32, #tpu.memory_space<vmem>>, %arg3: memref<2000x128xf32, #tpu.memory_space<vmem>>, %arg4: memref<2000x128xf32, #tpu.memory_space<vmem>>, %arg5: memref<128x128xf32, #tpu.memory_space<vmem>>, %arg6: memref<1x128xf32, #tpu.memory_space<vmem>>, %arg7: memref<128x384xf32, #tpu.memory_space<vmem>>, %arg8: memref<1x384xf32, #tpu.memory_space<vmem>>, %arg9: memref<2000x384xf32, #tpu.memory_space<vmem>>) attributes {dimension_semantics = [#tpu.dimension_semantics<arbitrary>], iteration_bounds = array<i64: 5>, scalar_prefetch = 0 : i64, scratch_operands = 0 : i64, tpu.core_type = #tpu.core_type<tc>, window_params = [{transform_indices = @transform_0, window_bounds = array<i64: 2000, 128>}, {transform_indices = @transform_1, window_bounds = array<i64: 2000, 128>}, {transform_indices = @transform_2, window_bounds = array<i64: 2000, 128>}, {transform_indices = @transform_3, window_bounds = array<i64: 2000, 128>}, {pipeline_mode = #tpu.pipeline_mode<synchronous>, transform_indices = @transform_4, window_bounds = array<i64: 128, 128>}, {pipeline_mode = #tpu.pipeline_mode<synchronous>, transform_indices = @transform_5, window_bounds = array<i64: 1, 128>}, {pipeline_mode = #tpu.pipeline_mode<synchronous>, transform_indices = @transform_6, window_bounds = array<i64: 128, 384>}, {pipeline_mode = #tpu.pipeline_mode<synchronous>, transform_indices = @transform_7, window_bounds = array<i64: 1, 384>}, {transform_indices = @transform_8, window_bounds = array<i64: 2000, 384>}]} {
    %get3A = arith.constant 0 : index
    %get3A_0 = arith.constant 0 : index
    %get3A_1 = vector.load %arg1[%get3A, %get3A_0] : memref<2000x128xf32, #tpu.memory_space<vmem>>, vector<2000x128xf32>
    %get3A_2 = arith.constant 0 : index
    %get3A_3 = arith.constant 0 : index
    %get3A_4 = vector.load %arg5[%get3A_2, %get3A_3] : memref<128x128xf32, #tpu.memory_space<vmem>>, vector<128x128xf32>
    %dot_general3A = arith.constant dense<0.000000e+00> : vector<2000x128xf32>
    %dot_general3A_5 = tpu.matmul %get3A_1, %get3A_4, %dot_general3A {dimension_numbers = #tpu.dot_dimension_numbers<[1], [0], [0], [1], [0, 0, 1, 1], [], []>, transpose_lhs_hint = false} : vector<2000x128xf32>, vector<128x128xf32>, vector<2000x128xf32> -> vector<2000x128xf32>
    %get3A_6 = arith.constant 0 : index
    %get3A_7 = arith.constant 0 : index
    %get3A_8 = vector.load %arg6[%get3A_6, %get3A_7] : memref<1x128xf32, #tpu.memory_space<vmem>>, vector<1x128xf32>
    %add3A = vector.broadcast %get3A_8 : vector<1x128xf32> to vector<2000x128xf32>
    %add3A_9 = arith.addf %dot_general3A_5, %add3A : vector<2000x128xf32>
    %logistic3A = arith.negf %add3A_9 : vector<2000x128xf32>
    %logistic3A_10 = math.exp %logistic3A : vector<2000x128xf32>
    %logistic3A_11 = arith.constant 1.000000e+00 : f32
    %logistic3A_12 = vector.broadcast %logistic3A_11 : f32 to vector<2000x128xf32>
    %logistic3A_13 = arith.addf %logistic3A_12, %logistic3A_10 : vector<2000x128xf32>
    %logistic3A_14 = arith.divf %logistic3A_12, %logistic3A_13 : vector<2000x128xf32>
    %mul3A = arith.mulf %add3A_9, %logistic3A_14 : vector<2000x128xf32>
    %get3A_15 = arith.constant 0 : index
    %get3A_16 = arith.constant 0 : index
    %get3A_17 = vector.load %arg7[%get3A_15, %get3A_16] : memref<128x384xf32, #tpu.memory_space<vmem>>, vector<128x384xf32>
    %dot_general3A_18 = arith.constant dense<0.000000e+00> : vector<2000x384xf32>
    %dot_general3A_19 = tpu.matmul %mul3A, %get3A_17, %dot_general3A_18 {dimension_numbers = #tpu.dot_dimension_numbers<[1], [0], [0], [1], [0, 0, 1, 1], [], []>, transpose_lhs_hint = false} : vector<2000x128xf32>, vector<128x384xf32>, vector<2000x384xf32> -> vector<2000x384xf32>
    %get3A_20 = arith.constant 0 : index
    %get3A_21 = arith.constant 0 : index
    %get3A_22 = vector.load %arg8[%get3A_20, %get3A_21] : memref<1x384xf32, #tpu.memory_space<vmem>>, vector<1x384xf32>
    %add3A_23 = vector.broadcast %get3A_22 : vector<1x384xf32> to vector<2000x384xf32>
    %add3A_24 = arith.addf %dot_general3A_19, %add3A_23 : vector<2000x384xf32>
    %get3A_25 = arith.constant 0 : index
    %get3A_26 = arith.constant 0 : index
    %get3A_27 = vector.load %arg2[%get3A_25, %get3A_26] : memref<2000x128xf32, #tpu.memory_space<vmem>>, vector<2000x128xf32>
    %get3A_28 = arith.constant 0 : index
    %get3A_29 = arith.constant 0 : index
    %get3A_30 = vector.load %arg3[%get3A_28, %get3A_29] : memref<2000x128xf32, #tpu.memory_space<vmem>>, vector<2000x128xf32>
    %get3A_31 = arith.constant 0 : index
    %get3A_32 = arith.constant 0 : index
    %get3A_33 = vector.load %arg4[%get3A_31, %get3A_32] : memref<2000x128xf32, #tpu.memory_space<vmem>>, vector<2000x128xf32>
    %concatenate3A = tpu.concatenate %get3A_27, %get3A_30, %get3A_33 in 1 : vector<2000x128xf32>, vector<2000x128xf32>, vector<2000x128xf32> -> vector<2000x384xf32>
    %bitcast_convert_type3A = tpu.bitcast %add3A_24 : vector<2000x384xf32> -> vector<2000x384xi32>
    %add3A_34 = arith.constant 32768 : i32
    %add3A_35 = vector.broadcast %add3A_34 : i32 to vector<2000x384xi32>
    %add3A_36 = arith.addi %bitcast_convert_type3A, %add3A_35 : vector<2000x384xi32>
    %bitcast_convert_type3A_37 = tpu.bitcast %concatenate3A : vector<2000x384xf32> -> vector<2000x384xi32>
    %add3A_38 = arith.constant 32768 : i32
    %add3A_39 = vector.broadcast %add3A_38 : i32 to vector<2000x384xi32>
    %add3A_40 = arith.addi %bitcast_convert_type3A_37, %add3A_39 : vector<2000x384xi32>
    %and3A = arith.constant -65536 : i32
    %and3A_41 = vector.broadcast %and3A : i32 to vector<2000x384xi32>
    %and3A_42 = arith.andi %add3A_36, %and3A_41 : vector<2000x384xi32>
    %shift_right_logical3A = arith.constant 16 : i32
    %shift_right_logical3A_43 = vector.broadcast %shift_right_logical3A : i32 to vector<2000x384xi32>
    %shift_right_logical3A_44 = arith.shrui %add3A_40, %shift_right_logical3A_43 : vector<2000x384xi32>
    %or3A = arith.ori %and3A_42, %shift_right_logical3A_44 : vector<2000x384xi32>
    %bitcast_convert_type3A_45 = tpu.bitcast %or3A : vector<2000x384xi32> -> vector<2000x384xf32>
    %swap3A = arith.constant 0 : index
    %swap3A_46 = arith.constant 0 : index
    %swap3A_47 = vector.load %arg9[%swap3A, %swap3A_46] : memref<2000x384xf32, #tpu.memory_space<vmem>>, vector<2000x384xf32>
    tpu.vector_store %arg9[%swap3A, %swap3A_46], %bitcast_convert_type3A_45 {strides = array<i32>} : memref<2000x384xf32, #tpu.memory_space<vmem>>, vector<2000x384xf32>,
    return
  }
  func.func @transform_0(%arg0: i32) -> (i32, i32) {
    %c0_i32 = arith.constant 0 : i32
    %c0_i32_0 = arith.constant 0 : i32
    return %arg0, %c0_i32 : i32, i32
  }
  func.func @transform_1(%arg0: i32) -> (i32, i32) {
    %c0_i32 = arith.constant 0 : i32
    %c0_i32_0 = arith.constant 0 : i32
    return %arg0, %c0_i32 : i32, i32
  }
  func.func @transform_2(%arg0: i32) -> (i32, i32) {
    %c0_i32 = arith.constant 0 : i32
    %c0_i32_0 = arith.constant 0 : i32
    return %arg0, %c0_i32 : i32, i32
  }
  func.func @transform_3(%arg0: i32) -> (i32, i32) {
    %c0_i32 = arith.constant 0 : i32
    %c0_i32_0 = arith.constant 0 : i32
    return %arg0, %c0_i32 : i32, i32
  }
  func.func @transform_4(%arg0: i32) -> (i32, i32) {
    %c0_i32 = arith.constant 0 : i32
    %c0_i32_0 = arith.constant 0 : i32
    %c0_i32_1 = arith.constant 0 : i32
    return %c0_i32, %c0_i32_0 : i32, i32
  }
  func.func @transform_5(%arg0: i32) -> (i32, i32) {
    %c0_i32 = arith.constant 0 : i32
    %c0_i32_0 = arith.constant 0 : i32
    %c0_i32_1 = arith.constant 0 : i32
    return %c0_i32, %c0_i32_0 : i32, i32
  }
  func.func @transform_6(%arg0: i32) -> (i32, i32) {
    %c0_i32 = arith.constant 0 : i32
    %c0_i32_0 = arith.constant 0 : i32
    %c0_i32_1 = arith.constant 0 : i32
    return %c0_i32, %c0_i32_0 : i32, i32
  }
  func.func @transform_7(%arg0: i32) -> (i32, i32) {
    %c0_i32 = arith.constant 0 : i32
    %c0_i32_0 = arith.constant 0 : i32
    %c0_i32_1 = arith.constant 0 : i32
    return %c0_i32, %c0_i32_0 : i32, i32
  }
  func.func @transform_8(%arg0: i32) -> (i32, i32) {
    %c0_i32 = arith.constant 0 : i32
    %c0_i32_0 = arith.constant 0 : i32
    return %arg0, %c0_i32 : i32, i32
  }
}

module attributes {stable_mosaic.version = 14 : i64} {
  func.func @_msg_body(%arg0: i32, %arg1: memref<1280x384xf32, #tpu.memory_space<vmem>>, %arg2: memref<1280x16xf32, #tpu.memory_space<vmem>>, %arg3: memref<1280x3xf32, #tpu.memory_space<vmem>>, %arg4: memref<1280x1xf32, #tpu.memory_space<vmem>>, %arg5: memref<16x384xf32, #tpu.memory_space<vmem>>, %arg6: memref<1x384xf32, #tpu.memory_space<vmem>>, %arg7: memref<1280x128xf32, #tpu.memory_space<vmem>>, %arg8: memref<1280x128xf32, #tpu.memory_space<vmem>>, %arg9: memref<1280x128xf32, #tpu.memory_space<vmem>>, %arg10: memref<1280x128xf32, #tpu.memory_space<vmem>>) attributes {dimension_semantics = [#tpu.dimension_semantics<arbitrary>], iteration_bounds = array<i64: 162>, scalar_prefetch = 0 : i64, scratch_operands = 0 : i64, tpu.core_type = #tpu.core_type<tc>, window_params = [{transform_indices = @transform_0, window_bounds = array<i64: 1280, 384>}, {transform_indices = @transform_1, window_bounds = array<i64: 1280, 16>}, {transform_indices = @transform_2, window_bounds = array<i64: 1280, 3>}, {transform_indices = @transform_3, window_bounds = array<i64: 1280, 1>}, {pipeline_mode = #tpu.pipeline_mode<synchronous>, transform_indices = @transform_4, window_bounds = array<i64: 16, 384>}, {pipeline_mode = #tpu.pipeline_mode<synchronous>, transform_indices = @transform_5, window_bounds = array<i64: 1, 384>}, {transform_indices = @transform_6, window_bounds = array<i64: 1280, 128>}, {transform_indices = @transform_7, window_bounds = array<i64: 1280, 128>}, {transform_indices = @transform_8, window_bounds = array<i64: 1280, 128>}, {transform_indices = @transform_9, window_bounds = array<i64: 1280, 128>}]} {
    %get3A = arith.constant 0 : index
    %get3A_0 = arith.constant 0 : index
    %get3A_1 = vector.load %arg2[%get3A, %get3A_0] : memref<1280x16xf32, #tpu.memory_space<vmem>>, vector<1280x16xf32>
    %get3A_2 = arith.constant 0 : index
    %get3A_3 = arith.constant 0 : index
    %get3A_4 = vector.load %arg5[%get3A_2, %get3A_3] : memref<16x384xf32, #tpu.memory_space<vmem>>, vector<16x384xf32>
    %dot_general3A = arith.constant dense<0.000000e+00> : vector<1280x384xf32>
    %dot_general3A_5 = tpu.matmul %get3A_1, %get3A_4, %dot_general3A {dimension_numbers = #tpu.dot_dimension_numbers<[1], [0], [0], [1], [0, 0, 1, 1], [], []>, transpose_lhs_hint = false} : vector<1280x16xf32>, vector<16x384xf32>, vector<1280x384xf32> -> vector<1280x384xf32>
    %get3A_6 = arith.constant 0 : index
    %get3A_7 = arith.constant 0 : index
    %get3A_8 = vector.load %arg6[%get3A_6, %get3A_7] : memref<1x384xf32, #tpu.memory_space<vmem>>, vector<1x384xf32>
    %add3A = vector.broadcast %get3A_8 : vector<1x384xf32> to vector<1280x384xf32>
    %add3A_9 = arith.addf %dot_general3A_5, %add3A : vector<1280x384xf32>
    %get3A_10 = arith.constant 0 : index
    %get3A_11 = arith.constant 0 : index
    %get3A_12 = vector.load %arg4[%get3A_10, %get3A_11] : memref<1280x1xf32, #tpu.memory_space<vmem>>, vector<1280x1xf32>
    %mul3A = arith.constant 0.628318548 : f32
    %mul3A_13 = vector.broadcast %mul3A : f32 to vector<1280x1xf32>
    %mul3A_14 = arith.mulf %get3A_12, %mul3A_13 : vector<1280x1xf32>
    %square3A = arith.mulf %mul3A_14, %mul3A_14 : vector<1280x1xf32>
    %mul3A_15 = arith.constant 6.94444461E-4 : f32
    %mul3A_16 = vector.broadcast %mul3A_15 : f32 to vector<1280x1xf32>
    %mul3A_17 = arith.mulf %square3A, %mul3A_16 : vector<1280x1xf32>
    %sub3A = arith.constant 0.020833334 : f32
    %sub3A_18 = vector.broadcast %sub3A : f32 to vector<1280x1xf32>
    %sub3A_19 = arith.subf %sub3A_18, %mul3A_17 : vector<1280x1xf32>
    %mul3A_20 = arith.mulf %square3A, %sub3A_19 : vector<1280x1xf32>
    %add3A_21 = arith.constant -2.500000e-01 : f32
    %add3A_22 = vector.broadcast %add3A_21 : f32 to vector<1280x1xf32>
    %add3A_23 = arith.addf %add3A_22, %mul3A_20 : vector<1280x1xf32>
    %mul3A_24 = arith.mulf %square3A, %add3A_23 : vector<1280x1xf32>
    %add3A_25 = arith.constant 1.000000e+00 : f32
    %add3A_26 = vector.broadcast %add3A_25 : f32 to vector<1280x1xf32>
    %add3A_27 = arith.addf %add3A_26, %mul3A_24 : vector<1280x1xf32>
    %mul3A_28 = vector.broadcast %add3A_27 : vector<1280x1xf32> to vector<1280x384xf32>
    %mul3A_29 = arith.mulf %add3A_9, %mul3A_28 : vector<1280x384xf32>
    %get3A_30 = arith.constant 0 : index
    %get3A_31 = arith.constant 0 : index
    %get3A_32 = vector.load %arg1[%get3A_30, %get3A_31] : memref<1280x384xf32, #tpu.memory_space<vmem>>, vector<1280x384xf32>
    %bitcast_convert_type3A = tpu.bitcast %get3A_32 : vector<1280x384xf32> -> vector<1280x384xi32>
    %and3A = arith.constant -65536 : i32
    %and3A_33 = vector.broadcast %and3A : i32 to vector<1280x384xi32>
    %and3A_34 = arith.andi %bitcast_convert_type3A, %and3A_33 : vector<1280x384xi32>
    %bitcast_convert_type3A_35 = tpu.bitcast %and3A_34 : vector<1280x384xi32> -> vector<1280x384xf32>
    %shift_left3A = arith.constant 16 : i32
    %shift_left3A_36 = vector.broadcast %shift_left3A : i32 to vector<1280x384xi32>
    %shift_left3A_37 = arith.shli %bitcast_convert_type3A, %shift_left3A_36 : vector<1280x384xi32>
    %bitcast_convert_type3A_38 = tpu.bitcast %shift_left3A_37 : vector<1280x384xi32> -> vector<1280x384xf32>
    %slice3A = vector.extract_strided_slice %mul3A_29 {offsets = [0, 0], sizes = [1280, 128], strides = [1, 1]} : vector<1280x384xf32> to vector<1280x128xf32>
    %slice3A_39 = vector.extract_strided_slice %bitcast_convert_type3A_35 {offsets = [0, 0], sizes = [1280, 128], strides = [1, 1]} : vector<1280x384xf32> to vector<1280x128xf32>
    %mul3A_40 = arith.mulf %slice3A, %slice3A_39 : vector<1280x128xf32>
    %slice3A_41 = vector.extract_strided_slice %mul3A_29 {offsets = [0, 128], sizes = [1280, 128], strides = [1, 1]} : vector<1280x384xf32> to vector<1280x128xf32>
    %slice3A_42 = vector.extract_strided_slice %bitcast_convert_type3A_35 {offsets = [0, 128], sizes = [1280, 128], strides = [1, 1]} : vector<1280x384xf32> to vector<1280x128xf32>
    %mul3A_43 = arith.mulf %slice3A_41, %slice3A_42 : vector<1280x128xf32>
    %slice3A_44 = vector.extract_strided_slice %mul3A_29 {offsets = [0, 256], sizes = [1280, 128], strides = [1, 1]} : vector<1280x384xf32> to vector<1280x128xf32>
    %slice3A_45 = vector.extract_strided_slice %bitcast_convert_type3A_35 {offsets = [0, 256], sizes = [1280, 128], strides = [1, 1]} : vector<1280x384xf32> to vector<1280x128xf32>
    %mul3A_46 = arith.mulf %slice3A_44, %slice3A_45 : vector<1280x128xf32>
    %get3A_47 = arith.constant 0 : index
    %get3A_48 = arith.constant 0 : index
    %get3A_49 = vector.load %arg3[%get3A_47, %get3A_48] : memref<1280x3xf32, #tpu.memory_space<vmem>>, vector<1280x3xf32>
    %mul3A_50 = arith.mulf %get3A_49, %get3A_49 : vector<1280x3xf32>
    %reduce_sum3A = arith.constant dense<0.000000e+00> : vector<1280xf32>
    %reduce_sum3A_51 = vector.multi_reduction <add>, %mul3A_50, %reduce_sum3A [1] : vector<1280x3xf32> to vector<1280xf32>
    %broadcast_in_dim3A = vector.shape_cast %reduce_sum3A_51 : vector<1280xf32> to vector<1280x1xf32>
    %max3A = arith.constant 9.99999968E-21 : f32
    %max3A_52 = vector.broadcast %max3A : f32 to vector<1280x1xf32>
    %max3A_53 = arith.maximumf %broadcast_in_dim3A, %max3A_52 : vector<1280x1xf32>
    %rsqrt3A = math.rsqrt %max3A_53 : vector<1280x1xf32>
    %mul3A_54 = vector.broadcast %rsqrt3A : vector<1280x1xf32> to vector<1280x3xf32>
    %mul3A_55 = arith.mulf %get3A_49, %mul3A_54 : vector<1280x3xf32>
    %swap3A = arith.constant 0 : index
    %swap3A_56 = arith.constant 0 : index
    %swap3A_57 = vector.load %arg7[%swap3A, %swap3A_56] : memref<1280x128xf32, #tpu.memory_space<vmem>>, vector<1280x128xf32>
    tpu.vector_store %arg7[%swap3A, %swap3A_56], %mul3A_46 {strides = array<i32>} : memref<1280x128xf32, #tpu.memory_space<vmem>>, vector<1280x128xf32>,
    %slice3A_58 = vector.extract_strided_slice %bitcast_convert_type3A_38 {offsets = [0, 0], sizes = [1280, 128], strides = [1, 1]} : vector<1280x384xf32> to vector<1280x128xf32>
    %mul3A_59 = arith.mulf %slice3A_58, %mul3A_40 : vector<1280x128xf32>
    %slice3A_60 = vector.extract_strided_slice %mul3A_55 {offsets = [0, 0], sizes = [1280, 1], strides = [1, 1]} : vector<1280x3xf32> to vector<1280x1xf32>
    %mul3A_61 = vector.broadcast %slice3A_60 : vector<1280x1xf32> to vector<1280x128xf32>
    %mul3A_62 = arith.mulf %mul3A_43, %mul3A_61 : vector<1280x128xf32>
    %add3A_63 = arith.addf %mul3A_59, %mul3A_62 : vector<1280x128xf32>
    %swap3A_64 = arith.constant 0 : index
    %swap3A_65 = arith.constant 0 : index
    %swap3A_66 = vector.load %arg8[%swap3A_64, %swap3A_65] : memref<1280x128xf32, #tpu.memory_space<vmem>>, vector<1280x128xf32>
    tpu.vector_store %arg8[%swap3A_64, %swap3A_65], %add3A_63 {strides = array<i32>} : memref<1280x128xf32, #tpu.memory_space<vmem>>, vector<1280x128xf32>,
    %slice3A_67 = vector.extract_strided_slice %bitcast_convert_type3A_38 {offsets = [0, 128], sizes = [1280, 128], strides = [1, 1]} : vector<1280x384xf32> to vector<1280x128xf32>
    %mul3A_68 = arith.mulf %slice3A_67, %mul3A_40 : vector<1280x128xf32>
    %slice3A_69 = vector.extract_strided_slice %mul3A_55 {offsets = [0, 1], sizes = [1280, 1], strides = [1, 1]} : vector<1280x3xf32> to vector<1280x1xf32>
    %mul3A_70 = vector.broadcast %slice3A_69 : vector<1280x1xf32> to vector<1280x128xf32>
    %mul3A_71 = arith.mulf %mul3A_43, %mul3A_70 : vector<1280x128xf32>
    %add3A_72 = arith.addf %mul3A_68, %mul3A_71 : vector<1280x128xf32>
    %swap3A_73 = arith.constant 0 : index
    %swap3A_74 = arith.constant 0 : index
    %swap3A_75 = vector.load %arg9[%swap3A_73, %swap3A_74] : memref<1280x128xf32, #tpu.memory_space<vmem>>, vector<1280x128xf32>
    tpu.vector_store %arg9[%swap3A_73, %swap3A_74], %add3A_72 {strides = array<i32>} : memref<1280x128xf32, #tpu.memory_space<vmem>>, vector<1280x128xf32>,
    %slice3A_76 = vector.extract_strided_slice %bitcast_convert_type3A_38 {offsets = [0, 256], sizes = [1280, 128], strides = [1, 1]} : vector<1280x384xf32> to vector<1280x128xf32>
    %mul3A_77 = arith.mulf %slice3A_76, %mul3A_40 : vector<1280x128xf32>
    %slice3A_78 = vector.extract_strided_slice %mul3A_55 {offsets = [0, 2], sizes = [1280, 1], strides = [1, 1]} : vector<1280x3xf32> to vector<1280x1xf32>
    %mul3A_79 = vector.broadcast %slice3A_78 : vector<1280x1xf32> to vector<1280x128xf32>
    %mul3A_80 = arith.mulf %mul3A_43, %mul3A_79 : vector<1280x128xf32>
    %add3A_81 = arith.addf %mul3A_77, %mul3A_80 : vector<1280x128xf32>
    %swap3A_82 = arith.constant 0 : index
    %swap3A_83 = arith.constant 0 : index
    %swap3A_84 = vector.load %arg10[%swap3A_82, %swap3A_83] : memref<1280x128xf32, #tpu.memory_space<vmem>>, vector<1280x128xf32>
    tpu.vector_store %arg10[%swap3A_82, %swap3A_83], %add3A_81 {strides = array<i32>} : memref<1280x128xf32, #tpu.memory_space<vmem>>, vector<1280x128xf32>,
    return
  }
  func.func @transform_0(%arg0: i32) -> (i32, i32) {
    %c0_i32 = arith.constant 0 : i32
    %c0_i32_0 = arith.constant 0 : i32
    return %arg0, %c0_i32 : i32, i32
  }
  func.func @transform_1(%arg0: i32) -> (i32, i32) {
    %c0_i32 = arith.constant 0 : i32
    %c0_i32_0 = arith.constant 0 : i32
    return %arg0, %c0_i32 : i32, i32
  }
  func.func @transform_2(%arg0: i32) -> (i32, i32) {
    %c0_i32 = arith.constant 0 : i32
    %c0_i32_0 = arith.constant 0 : i32
    return %arg0, %c0_i32 : i32, i32
  }
  func.func @transform_3(%arg0: i32) -> (i32, i32) {
    %c0_i32 = arith.constant 0 : i32
    %c0_i32_0 = arith.constant 0 : i32
    return %arg0, %c0_i32 : i32, i32
  }
  func.func @transform_4(%arg0: i32) -> (i32, i32) {
    %c0_i32 = arith.constant 0 : i32
    %c0_i32_0 = arith.constant 0 : i32
    %c0_i32_1 = arith.constant 0 : i32
    return %c0_i32, %c0_i32_0 : i32, i32
  }
  func.func @transform_5(%arg0: i32) -> (i32, i32) {
    %c0_i32 = arith.constant 0 : i32
    %c0_i32_0 = arith.constant 0 : i32
    %c0_i32_1 = arith.constant 0 : i32
    return %c0_i32, %c0_i32_0 : i32, i32
  }
  func.func @transform_6(%arg0: i32) -> (i32, i32) {
    %c0_i32 = arith.constant 0 : i32
    %c0_i32_0 = arith.constant 0 : i32
    return %arg0, %c0_i32 : i32, i32
  }
  func.func @transform_7(%arg0: i32) -> (i32, i32) {
    %c0_i32 = arith.constant 0 : i32
    %c0_i32_0 = arith.constant 0 : i32
    return %arg0, %c0_i32 : i32, i32
  }
  func.func @transform_8(%arg0: i32) -> (i32, i32) {
    %c0_i32 = arith.constant 0 : i32
    %c0_i32_0 = arith.constant 0 : i32
    return %arg0, %c0_i32 : i32, i32
  }
  func.func @transform_9(%arg0: i32) -> (i32, i32) {
    %c0_i32 = arith.constant 0 : i32
    %c0_i32_0 = arith.constant 0 : i32
    return %arg0, %c0_i32 : i32, i32
  }
}

module attributes {stable_mosaic.version = 14 : i64} {
  func.func @_msg_body(%arg0: i32, %arg1: memref<1280x384xf32, #tpu.memory_space<vmem>>, %arg2: memref<1280x16xf32, #tpu.memory_space<vmem>>, %arg3: memref<1280x3xf32, #tpu.memory_space<vmem>>, %arg4: memref<1280x1xf32, #tpu.memory_space<vmem>>, %arg5: memref<16x384xf32, #tpu.memory_space<vmem>>, %arg6: memref<1x384xf32, #tpu.memory_space<vmem>>, %arg7: memref<1280x128xf32, #tpu.memory_space<vmem>>, %arg8: memref<1280x128xf32, #tpu.memory_space<vmem>>, %arg9: memref<1280x128xf32, #tpu.memory_space<vmem>>, %arg10: memref<1280x128xf32, #tpu.memory_space<vmem>>) attributes {dimension_semantics = [#tpu.dimension_semantics<arbitrary>], iteration_bounds = array<i64: 88>, scalar_prefetch = 0 : i64, scratch_operands = 0 : i64, tpu.core_type = #tpu.core_type<tc>, window_params = [{transform_indices = @transform_0, window_bounds = array<i64: 1280, 384>}, {transform_indices = @transform_1, window_bounds = array<i64: 1280, 16>}, {transform_indices = @transform_2, window_bounds = array<i64: 1280, 3>}, {transform_indices = @transform_3, window_bounds = array<i64: 1280, 1>}, {pipeline_mode = #tpu.pipeline_mode<synchronous>, transform_indices = @transform_4, window_bounds = array<i64: 16, 384>}, {pipeline_mode = #tpu.pipeline_mode<synchronous>, transform_indices = @transform_5, window_bounds = array<i64: 1, 384>}, {transform_indices = @transform_6, window_bounds = array<i64: 1280, 128>}, {transform_indices = @transform_7, window_bounds = array<i64: 1280, 128>}, {transform_indices = @transform_8, window_bounds = array<i64: 1280, 128>}, {transform_indices = @transform_9, window_bounds = array<i64: 1280, 128>}]} {
    %get3A = arith.constant 0 : index
    %get3A_0 = arith.constant 0 : index
    %get3A_1 = vector.load %arg2[%get3A, %get3A_0] : memref<1280x16xf32, #tpu.memory_space<vmem>>, vector<1280x16xf32>
    %get3A_2 = arith.constant 0 : index
    %get3A_3 = arith.constant 0 : index
    %get3A_4 = vector.load %arg5[%get3A_2, %get3A_3] : memref<16x384xf32, #tpu.memory_space<vmem>>, vector<16x384xf32>
    %dot_general3A = arith.constant dense<0.000000e+00> : vector<1280x384xf32>
    %dot_general3A_5 = tpu.matmul %get3A_1, %get3A_4, %dot_general3A {dimension_numbers = #tpu.dot_dimension_numbers<[1], [0], [0], [1], [0, 0, 1, 1], [], []>, transpose_lhs_hint = false} : vector<1280x16xf32>, vector<16x384xf32>, vector<1280x384xf32> -> vector<1280x384xf32>
    %get3A_6 = arith.constant 0 : index
    %get3A_7 = arith.constant 0 : index
    %get3A_8 = vector.load %arg6[%get3A_6, %get3A_7] : memref<1x384xf32, #tpu.memory_space<vmem>>, vector<1x384xf32>
    %add3A = vector.broadcast %get3A_8 : vector<1x384xf32> to vector<1280x384xf32>
    %add3A_9 = arith.addf %dot_general3A_5, %add3A : vector<1280x384xf32>
    %get3A_10 = arith.constant 0 : index
    %get3A_11 = arith.constant 0 : index
    %get3A_12 = vector.load %arg4[%get3A_10, %get3A_11] : memref<1280x1xf32, #tpu.memory_space<vmem>>, vector<1280x1xf32>
    %mul3A = arith.constant 0.628318548 : f32
    %mul3A_13 = vector.broadcast %mul3A : f32 to vector<1280x1xf32>
    %mul3A_14 = arith.mulf %get3A_12, %mul3A_13 : vector<1280x1xf32>
    %square3A = arith.mulf %mul3A_14, %mul3A_14 : vector<1280x1xf32>
    %mul3A_15 = arith.constant 6.94444461E-4 : f32
    %mul3A_16 = vector.broadcast %mul3A_15 : f32 to vector<1280x1xf32>
    %mul3A_17 = arith.mulf %square3A, %mul3A_16 : vector<1280x1xf32>
    %sub3A = arith.constant 0.020833334 : f32
    %sub3A_18 = vector.broadcast %sub3A : f32 to vector<1280x1xf32>
    %sub3A_19 = arith.subf %sub3A_18, %mul3A_17 : vector<1280x1xf32>
    %mul3A_20 = arith.mulf %square3A, %sub3A_19 : vector<1280x1xf32>
    %add3A_21 = arith.constant -2.500000e-01 : f32
    %add3A_22 = vector.broadcast %add3A_21 : f32 to vector<1280x1xf32>
    %add3A_23 = arith.addf %add3A_22, %mul3A_20 : vector<1280x1xf32>
    %mul3A_24 = arith.mulf %square3A, %add3A_23 : vector<1280x1xf32>
    %add3A_25 = arith.constant 1.000000e+00 : f32
    %add3A_26 = vector.broadcast %add3A_25 : f32 to vector<1280x1xf32>
    %add3A_27 = arith.addf %add3A_26, %mul3A_24 : vector<1280x1xf32>
    %mul3A_28 = vector.broadcast %add3A_27 : vector<1280x1xf32> to vector<1280x384xf32>
    %mul3A_29 = arith.mulf %add3A_9, %mul3A_28 : vector<1280x384xf32>
    %get3A_30 = arith.constant 0 : index
    %get3A_31 = arith.constant 0 : index
    %get3A_32 = vector.load %arg1[%get3A_30, %get3A_31] : memref<1280x384xf32, #tpu.memory_space<vmem>>, vector<1280x384xf32>
    %bitcast_convert_type3A = tpu.bitcast %get3A_32 : vector<1280x384xf32> -> vector<1280x384xi32>
    %and3A = arith.constant -65536 : i32
    %and3A_33 = vector.broadcast %and3A : i32 to vector<1280x384xi32>
    %and3A_34 = arith.andi %bitcast_convert_type3A, %and3A_33 : vector<1280x384xi32>
    %bitcast_convert_type3A_35 = tpu.bitcast %and3A_34 : vector<1280x384xi32> -> vector<1280x384xf32>
    %shift_left3A = arith.constant 16 : i32
    %shift_left3A_36 = vector.broadcast %shift_left3A : i32 to vector<1280x384xi32>
    %shift_left3A_37 = arith.shli %bitcast_convert_type3A, %shift_left3A_36 : vector<1280x384xi32>
    %bitcast_convert_type3A_38 = tpu.bitcast %shift_left3A_37 : vector<1280x384xi32> -> vector<1280x384xf32>
    %slice3A = vector.extract_strided_slice %mul3A_29 {offsets = [0, 0], sizes = [1280, 128], strides = [1, 1]} : vector<1280x384xf32> to vector<1280x128xf32>
    %slice3A_39 = vector.extract_strided_slice %bitcast_convert_type3A_35 {offsets = [0, 0], sizes = [1280, 128], strides = [1, 1]} : vector<1280x384xf32> to vector<1280x128xf32>
    %mul3A_40 = arith.mulf %slice3A, %slice3A_39 : vector<1280x128xf32>
    %slice3A_41 = vector.extract_strided_slice %mul3A_29 {offsets = [0, 128], sizes = [1280, 128], strides = [1, 1]} : vector<1280x384xf32> to vector<1280x128xf32>
    %slice3A_42 = vector.extract_strided_slice %bitcast_convert_type3A_35 {offsets = [0, 128], sizes = [1280, 128], strides = [1, 1]} : vector<1280x384xf32> to vector<1280x128xf32>
    %mul3A_43 = arith.mulf %slice3A_41, %slice3A_42 : vector<1280x128xf32>
    %slice3A_44 = vector.extract_strided_slice %mul3A_29 {offsets = [0, 256], sizes = [1280, 128], strides = [1, 1]} : vector<1280x384xf32> to vector<1280x128xf32>
    %slice3A_45 = vector.extract_strided_slice %bitcast_convert_type3A_35 {offsets = [0, 256], sizes = [1280, 128], strides = [1, 1]} : vector<1280x384xf32> to vector<1280x128xf32>
    %mul3A_46 = arith.mulf %slice3A_44, %slice3A_45 : vector<1280x128xf32>
    %get3A_47 = arith.constant 0 : index
    %get3A_48 = arith.constant 0 : index
    %get3A_49 = vector.load %arg3[%get3A_47, %get3A_48] : memref<1280x3xf32, #tpu.memory_space<vmem>>, vector<1280x3xf32>
    %mul3A_50 = arith.mulf %get3A_49, %get3A_49 : vector<1280x3xf32>
    %reduce_sum3A = arith.constant dense<0.000000e+00> : vector<1280xf32>
    %reduce_sum3A_51 = vector.multi_reduction <add>, %mul3A_50, %reduce_sum3A [1] : vector<1280x3xf32> to vector<1280xf32>
    %broadcast_in_dim3A = vector.shape_cast %reduce_sum3A_51 : vector<1280xf32> to vector<1280x1xf32>
    %max3A = arith.constant 9.99999968E-21 : f32
    %max3A_52 = vector.broadcast %max3A : f32 to vector<1280x1xf32>
    %max3A_53 = arith.maximumf %broadcast_in_dim3A, %max3A_52 : vector<1280x1xf32>
    %rsqrt3A = math.rsqrt %max3A_53 : vector<1280x1xf32>
    %mul3A_54 = vector.broadcast %rsqrt3A : vector<1280x1xf32> to vector<1280x3xf32>
    %mul3A_55 = arith.mulf %get3A_49, %mul3A_54 : vector<1280x3xf32>
    %swap3A = arith.constant 0 : index
    %swap3A_56 = arith.constant 0 : index
    %swap3A_57 = vector.load %arg7[%swap3A, %swap3A_56] : memref<1280x128xf32, #tpu.memory_space<vmem>>, vector<1280x128xf32>
    tpu.vector_store %arg7[%swap3A, %swap3A_56], %mul3A_46 {strides = array<i32>} : memref<1280x128xf32, #tpu.memory_space<vmem>>, vector<1280x128xf32>,
    %slice3A_58 = vector.extract_strided_slice %bitcast_convert_type3A_38 {offsets = [0, 0], sizes = [1280, 128], strides = [1, 1]} : vector<1280x384xf32> to vector<1280x128xf32>
    %mul3A_59 = arith.mulf %slice3A_58, %mul3A_40 : vector<1280x128xf32>
    %slice3A_60 = vector.extract_strided_slice %mul3A_55 {offsets = [0, 0], sizes = [1280, 1], strides = [1, 1]} : vector<1280x3xf32> to vector<1280x1xf32>
    %mul3A_61 = vector.broadcast %slice3A_60 : vector<1280x1xf32> to vector<1280x128xf32>
    %mul3A_62 = arith.mulf %mul3A_43, %mul3A_61 : vector<1280x128xf32>
    %add3A_63 = arith.addf %mul3A_59, %mul3A_62 : vector<1280x128xf32>
    %swap3A_64 = arith.constant 0 : index
    %swap3A_65 = arith.constant 0 : index
    %swap3A_66 = vector.load %arg8[%swap3A_64, %swap3A_65] : memref<1280x128xf32, #tpu.memory_space<vmem>>, vector<1280x128xf32>
    tpu.vector_store %arg8[%swap3A_64, %swap3A_65], %add3A_63 {strides = array<i32>} : memref<1280x128xf32, #tpu.memory_space<vmem>>, vector<1280x128xf32>,
    %slice3A_67 = vector.extract_strided_slice %bitcast_convert_type3A_38 {offsets = [0, 128], sizes = [1280, 128], strides = [1, 1]} : vector<1280x384xf32> to vector<1280x128xf32>
    %mul3A_68 = arith.mulf %slice3A_67, %mul3A_40 : vector<1280x128xf32>
    %slice3A_69 = vector.extract_strided_slice %mul3A_55 {offsets = [0, 1], sizes = [1280, 1], strides = [1, 1]} : vector<1280x3xf32> to vector<1280x1xf32>
    %mul3A_70 = vector.broadcast %slice3A_69 : vector<1280x1xf32> to vector<1280x128xf32>
    %mul3A_71 = arith.mulf %mul3A_43, %mul3A_70 : vector<1280x128xf32>
    %add3A_72 = arith.addf %mul3A_68, %mul3A_71 : vector<1280x128xf32>
    %swap3A_73 = arith.constant 0 : index
    %swap3A_74 = arith.constant 0 : index
    %swap3A_75 = vector.load %arg9[%swap3A_73, %swap3A_74] : memref<1280x128xf32, #tpu.memory_space<vmem>>, vector<1280x128xf32>
    tpu.vector_store %arg9[%swap3A_73, %swap3A_74], %add3A_72 {strides = array<i32>} : memref<1280x128xf32, #tpu.memory_space<vmem>>, vector<1280x128xf32>,
    %slice3A_76 = vector.extract_strided_slice %bitcast_convert_type3A_38 {offsets = [0, 256], sizes = [1280, 128], strides = [1, 1]} : vector<1280x384xf32> to vector<1280x128xf32>
    %mul3A_77 = arith.mulf %slice3A_76, %mul3A_40 : vector<1280x128xf32>
    %slice3A_78 = vector.extract_strided_slice %mul3A_55 {offsets = [0, 2], sizes = [1280, 1], strides = [1, 1]} : vector<1280x3xf32> to vector<1280x1xf32>
    %mul3A_79 = vector.broadcast %slice3A_78 : vector<1280x1xf32> to vector<1280x128xf32>
    %mul3A_80 = arith.mulf %mul3A_43, %mul3A_79 : vector<1280x128xf32>
    %add3A_81 = arith.addf %mul3A_77, %mul3A_80 : vector<1280x128xf32>
    %swap3A_82 = arith.constant 0 : index
    %swap3A_83 = arith.constant 0 : index
    %swap3A_84 = vector.load %arg10[%swap3A_82, %swap3A_83] : memref<1280x128xf32, #tpu.memory_space<vmem>>, vector<1280x128xf32>
    tpu.vector_store %arg10[%swap3A_82, %swap3A_83], %add3A_81 {strides = array<i32>} : memref<1280x128xf32, #tpu.memory_space<vmem>>, vector<1280x128xf32>,
    return
  }
  func.func @transform_0(%arg0: i32) -> (i32, i32) {
    %c0_i32 = arith.constant 0 : i32
    %c0_i32_0 = arith.constant 0 : i32
    return %arg0, %c0_i32 : i32, i32
  }
  func.func @transform_1(%arg0: i32) -> (i32, i32) {
    %c0_i32 = arith.constant 0 : i32
    %c0_i32_0 = arith.constant 0 : i32
    return %arg0, %c0_i32 : i32, i32
  }
  func.func @transform_2(%arg0: i32) -> (i32, i32) {
    %c0_i32 = arith.constant 0 : i32
    %c0_i32_0 = arith.constant 0 : i32
    return %arg0, %c0_i32 : i32, i32
  }
  func.func @transform_3(%arg0: i32) -> (i32, i32) {
    %c0_i32 = arith.constant 0 : i32
    %c0_i32_0 = arith.constant 0 : i32
    return %arg0, %c0_i32 : i32, i32
  }
  func.func @transform_4(%arg0: i32) -> (i32, i32) {
    %c0_i32 = arith.constant 0 : i32
    %c0_i32_0 = arith.constant 0 : i32
    %c0_i32_1 = arith.constant 0 : i32
    return %c0_i32, %c0_i32_0 : i32, i32
  }
  func.func @transform_5(%arg0: i32) -> (i32, i32) {
    %c0_i32 = arith.constant 0 : i32
    %c0_i32_0 = arith.constant 0 : i32
    %c0_i32_1 = arith.constant 0 : i32
    return %c0_i32, %c0_i32_0 : i32, i32
  }
  func.func @transform_6(%arg0: i32) -> (i32, i32) {
    %c0_i32 = arith.constant 0 : i32
    %c0_i32_0 = arith.constant 0 : i32
    return %arg0, %c0_i32 : i32, i32
  }
  func.func @transform_7(%arg0: i32) -> (i32, i32) {
    %c0_i32 = arith.constant 0 : i32
    %c0_i32_0 = arith.constant 0 : i32
    return %arg0, %c0_i32 : i32, i32
  }
  func.func @transform_8(%arg0: i32) -> (i32, i32) {
    %c0_i32 = arith.constant 0 : i32
    %c0_i32_0 = arith.constant 0 : i32
    return %arg0, %c0_i32 : i32, i32
  }
  func.func @transform_9(%arg0: i32) -> (i32, i32) {
    %c0_i32 = arith.constant 0 : i32
    %c0_i32_0 = arith.constant 0 : i32
    return %arg0, %c0_i32 : i32, i32
  }
}

</mosaic_0001>

<sc_bundles>
// kernel: kernel.12.cloned.1.call-start
scs
__scs_entry_jumppad:
0x0: {  	(pc) =	sbr.rel $0x88, $3  }
0x1: {  	(tag) =	ssettag $0x0;
	lr =	simm.s32 $0x1  }
0x2: {  	[smem:$0x3F95] =	sst lr;
	_ =	strace $0xD0000000  }
0x3: {  	_ = 	snop  }
0x4: {  	_ = 	snop  }
0x5: {  	_ = 	snop  }
0x6: {  	_ = 	snop  }
0x7: {  	_ = 	snop  }
__scs_overlays_trampoline_lowered:
0x8: {  	[smem:$0x3FA4] =	sst s0  }
0x9: {  	[smem:$0x3FA5] =	sst s1  }
0xa: {  	[smem:$0x3FA6] =	sst s2  }
0xb: {  	[smem:$0x3FA7] =	sst s3  }
0xc: {  	[smem:$0x3FA8] =	sst s4  }
0xd: {  	[smem:$0x3FA9] =	sst s5  }
0xe: {  	[smem:$0x3FAA] =	sst s6  }
0xf: {  	[smem:$0x3FAB] =	sst s7  }
0x10: {  	[smem:$0x3FAC] =	sst s8  }
0x11: {  	[smem:$0x3FAD] =	sst s9;
	s0 =	simm.s32 @!p0 $0x0  }
0x12: {  	s1 =	sld [smem:$0x3F93];
	s0 =	simm.s32 @p0 $0x1  }
0x13: {  	[smem:$0x3FAE] =	sst s0;
	s0 =	simm.s32 @!p1 $0x0  }
0x14: {  	s2 =	sld [smem:$0x3F92];
	s0 =	simm.s32 @p1 $0x1  }
0x15: {  	[smem:$0x3FAF] =	sst s0;
	s0 =	simm.s32 @!p2 $0x0  }
0x16: {  	s3 =	sld [smem:$0x3FDB];
	s0 =	simm.s32 @p2 $0x1  }
0x17: {  	s4 =	simm.s32 $0x1BF5;
	[smem:$0x3FB1] =	sst s0  }
0x18: {  	s0 =	sld [smem:$0x3F94];
	_ =	swait.ge [sflag:s4], $0x0  }
0x19: {  	s7 =	sld [smem:$0x3F95]  }
0x1a: {  	s8 =	sadd.s32 $0xFFFFE003, lr  }
0x1b: {  	s9 =	sadd.s32 $0xFFFFFEF7, lr;
	s5 =	simm.s32 $0xFFFFFFFF;
	p2 =	slt.u32 s8, $0xFFFFF086  }
0x1c: {  	p1 =	slt.u32 s9, $0xF7A;
	s5 =	simm.s32 @!p2 $0x0  }
0x1d: {  	s5 =	simm.s32 @p1 $0x1;
	p0 =	seq.s32 s7, s2  }
0x1e: {  	s7 =	smul.u32 @!p0 $0xF7A, s2;
	p2 =	seq.s32 @!p0 s5, $0x0  }
0x1f: {  	s9 =	smul.u32 $0xF7A, s1;
	s8 =	simm.s32 @!p0 $0x1BF5;
	p2 =	por !p2, p0  }
0x20: {  	[sflag:s8] =	ssyncset.s32 @!p0 $0xFFFFF086;
	s6 =	sadd.s32 @!p0 s3, s7;
	s7 =	simm.s32 @!p0 $0x108  }
0x21: {  	s3 =	sadd.s32 s3, s9;
	s6 =	sadd.s32 @!p0 $0x88, s6;
	s7 =	simm.s32 @p2 $0x1082  }
0x22: {  	[simem:s7], [sflag:s8] =	dma.local @!p0 [hbm:s6], $0xF7A  }
0x23: {  	s9 =	sor.u32 $0xD0000000, s2;
	s6 =	simm.s32 $0x108;
	_ =	swait.ge @!p0 [sflag:s8], $0x0  }
0x24: {  	s3 =	sadd.s32 $0x88, s3;
	s6 =	simm.s32 @!p1 $0x1082;
	[sflag:s4] =	ssyncset.s32 $0xFFFFF086  }
0x25: {  	[simem:s6], [sflag:s4] =	dma.local [hbm:s3], $0xF7A  }
0x26: {  	[smem:$0x3F95] =	sst s1;
	(tag) =	ssettag s2;
	_ =	strace s9  }
0x27: {  	s1 =	sld [smem:$0x3FA5]  }
0x28: {  	s2 =	sld [smem:$0x3FA6]  }
0x29: {  	s4 =	sld [smem:$0x3FA8]  }
0x2a: {  	p0 =	seq.s32 s5, $0x0;
	s5 =	sld [smem:$0x3FA9]  }
0x2b: {  	s6 =	sld [smem:$0x3FAA]  }
0x2c: {  	s7 =	sld [smem:$0x3FAB]  }
0x2d: {  	s3 =	simm.s32 $0x108;
	s8 =	sld [smem:$0x3FAC]  }
0x2e: {  	s3 =	simm.s32 @!p0 $0x1082;
	s9 =	sld [smem:$0x3FAD]  }
0x2f: {  	lr =	sadd.s32 s0, s3;
	s0 =	sld [smem:$0x3FA4]  }
0x30: {  	s3 =	sld [smem:$0x3FA7]  }
0x31: {  	[smem:$0x3FB0] =	sst s10  }
0x32: {  	s10 =	sld [smem:$0x3FAE];
	_ =	sdelay $0x3  }
0x33: {  	p0 =	seq.s32 s10, $0x1;
	s10 =	sld [smem:$0x3FB0];
	_ =	sdelay $0x3  }
0x34: {  	[smem:$0x3FB0] =	sst s10  }
0x35: {  	s10 =	sld [smem:$0x3FAF];
	_ =	sdelay $0x3  }
0x36: {  	p1 =	seq.s32 s10, $0x1;
	s10 =	sld [smem:$0x3FB0];
	_ =	sdelay $0x3  }
0x37: {  	[smem:$0x3FB0] =	sst s10  }
0x38: {  	s10 =	sld [smem:$0x3FB1]  }
0x39: {  	_ = 	snop;
	(pc) =	sbr.ind lr, $3  }
0x3a: {  	_ = 	snop  }
0x3b: {  	_ = 	snop  }
0x3c: {  	p2 =	seq.s32 s10, $0x1;
	s10 =	sld [smem:$0x3FB0]  }
0x3d: {  	_ =	shalt  }
0x3e: {  	_ =	shalt  }
0x3f: {  	_ =	shalt  }
0x40: {  	_ =	shalt  }
0x41: {  	_ =	shalt  }
0x42: {  	_ =	shalt  }
0x43: {  	_ =	shalt  }
0x44: {  	_ =	shalt  }
0x45: {  	_ =	shalt  }
0x46: {  	_ =	shalt  }
0x47: {  	_ =	shalt  }
0x48: {  	_ =	shalt  }
0x49: {  	_ =	shalt  }
0x4a: {  	_ =	shalt  }
0x4b: {  	_ =	shalt  }
0x4c: {  	_ =	shalt  }
0x4d: {  	_ =	shalt  }
0x4e: {  	_ =	shalt  }
0x4f: {  	_ =	shalt  }
0x50: {  	_ =	shalt  }
0x51: {  	_ =	shalt  }
0x52: {  	_ =	shalt  }
0x53: {  	_ =	shalt  }
0x54: {  	_ =	shalt  }
0x55: {  	_ =	shalt  }
0x56: {  	_ =	shalt  }
0x57: {  	_ =	shalt  }
0x58: {  	_ =	shalt  }
0x59: {  	_ =	shalt  }
0x5a: {  	_ =	shalt  }
0x5b: {  	_ =	shalt  }
0x5c: {  	_ =	shalt  }
0x5d: {  	_ =	shalt  }
0x5e: {  	_ =	shalt  }
0x5f: {  	_ =	shalt  }
0x60: {  	_ =	shalt  }
0x61: {  	_ =	shalt  }
0x62: {  	_ =	shalt  }
0x63: {  	_ =	shalt  }
0x64: {  	_ =	shalt  }
0x65: {  	_ =	shalt  }
0x66: {  	_ =	shalt  }
0x67: {  	_ =	shalt  }
0x68: {  	_ =	shalt  }
0x69: {  	_ =	shalt  }
0x6a: {  	_ =	shalt  }
0x6b: {  	_ =	shalt  }
0x6c: {  	_ =	shalt  }
0x6d: {  	_ =	shalt  }
0x6e: {  	_ =	shalt  }
0x6f: {  	_ =	shalt  }
0x70: {  	_ =	shalt  }
0x71: {  	_ =	shalt  }
0x72: {  	_ =	shalt  }
0x73: {  	_ =	shalt  }
0x74: {  	_ =	shalt  }
0x75: {  	_ =	shalt  }
0x76: {  	_ =	shalt  }
0x77: {  	_ =	shalt  }
0x78: {  	_ =	shalt  }
0x79: {  	_ =	shalt  }
0x7a: {  	_ =	shalt  }
0x7b: {  	_ =	shalt  }
0x7c: {  	_ =	shalt  }
0x7d: {  	_ =	shalt  }
0x7e: {  	_ =	shalt  }
0x7f: {  	_ =	shalt  }
0x80: {  	_ =	shalt  }
0x81: {  	_ =	shalt  }
0x82: {  	_ =	shalt  }
0x83: {  	_ =	shalt  }
0x84: {  	_ =	shalt  }
0x85: {  	_ =	shalt  }
0x86: {  	_ =	shalt  }
0x87: {  	_ =	shalt  }
.Lfunc_end0:
.L_simem_size_0:
called_computation.1_lowered:
.L_overlay_start_0:
0x88: {  	s2 =	sld [smem:$0x3FD9]  }
0x89: {  	s3 =	sld [smem:$0x3FFE];
	_ =	sdelay $0x1  }
0x8a: {  	s1 =	srdreg.scid  }
0x8b: {  	s0 =	sand.u32 $0x1, s1  }
0x8c: {  	s15 =	sshll.u32 s0, $0xA;
	s2 =	sadd.s32 s3, s2  }
0x8d: {  	s2 =	sadd.s32 s2, s15  }
0x8e: {  	[smem:$0x3FBC] =	sst s2  }
0x8f: {  	_ = 	snop  }
0x90: {  	s2 =	sld [smem:$0x3FD0];
	_ =	sdelay $0x2  }
0x91: {  	s16 =	simm.s32 $0xB;
	s4 =	simm.s32 $0x10  }
0x92: {  	[smem:s4], [sflag:s16] =	dma.local [hbm:s2], $0x1  }
0x93: {  	_ =	swait.eq [sflag:s16], $0x1  }
0x94: {  	[sflag:s16] =	ssyncset.done $0x0  }
0x95: {  	[sflag:s16] =	ssyncadd.s32 $0xFFFFFFFF  }
0x96: {  	s17 =	sld [smem:$0x11];
	(tm) =	ssettm $0x1  }
0x97: {  	s18 =	sld [smem:$0x3FFB];
	_ =	sdelay $0x3  }
0x98: {  	_ =	strace s18  }
0x99: {  	s2 =	sld [smem:$0x3FFC];
	_ =	sdelay $0x3  }
0x9a: {  	_ =	strace s2  }
0x9b: {  	s2 =	sld [smem:$0x3FFD];
	_ =	sdelay $0x3  }
0x9c: {  	_ =	strace s2  }
0x9d: {  	_ =	strace $0x8FFFFFFF  }
0x9e: {  	s19 =	sld [smem:$0x3FDB];
	_ =	sdelay $0x1  }
0x9f: {  	s20 =	simm.s32 $_scs_section_size  }
0xa0: {  	s5 =	simm.s32 $_size__tile_overlayer_lowered;
	s6 =	simm.s32 $_tile_overlayer_lowered  }
0xa1: {  	s7 =	simm.s32 $0x1BFF;
	s21 =	sshll.u32 s6, $0x1;
	s4 =	sadd.s32 s20, s19  }
0xa2: {  	s22 =	simm.s32 $0x0;
	s5 =	sshll.u32 s5, $0x1;
	s6 =	sadd.s32 s21, s4  }
0xa3: {  	[timem:s22], [sflag:s7] =	dma.local [hbm:s6], s5  }
0xa4: {  	_ =	swait.ge [sflag:s7], s5  }
0xa5: {  	s5 =	ssub.s32 $0x0, s5;
	[sflag:s7] =	ssyncset.done $0x0  }
0xa6: {  	[sflag:s7] =	ssyncadd.s32 s5;
	_ =	sdelay $0x1  }
0xa7: {  	s23 =	simm.s32 $0x1B8B  }
0xa8: {  	_ =	swait.ge [sflag:s23], $0x1  }
0xa9: {  	[sflag:s23] =	ssyncset.done $0x0  }
0xaa: {  	[sflag:s23] =	ssyncadd.s32 $0xFFFFFFFF  }
0xab: {  	s5 =	sld [smem:$0x0]  }
0xac: {  	s6 =	sand.u32 $0xFFFFFFFE, s1  }
0xad: {  	p0 =	sne.s32 s1, s6  }
0xae: {  	s6 =	sshll.u32 @p0 s6, $0xE  }
0xaf: {  	s6 =	sadd.s32 @p0 $0x11B8D, s6;
	s7 =	sshll.u32 @p0 s5, $0x11  }
0xb0: {  	s6 =	sor.u32 @p0 s7, s6  }
0xb1: {  	[sflag:s6] =	ssyncadd.remote.s32 @p0 $0x1;
	_ =	sdelay $0x1  }
0xb2: {  	s6 =	simm.s32 @p0 $0x1B8D  }
0xb3: {  	_ =	swait.eq @p0 [sflag:s6], $0x1  }
0xb4: {  	[sflag:s6] =	ssyncadd.s32 @p0 $0xFFFFFFFF  }
0xb5: {  	s7 =	sshll.u32 @!p0 s1, $0xE  }
0xb6: {  	s7 =	sor.u32 @!p0 $0x4000, s7;
	s6 =	simm.s32 @!p0 $0x1B8D  }
0xb7: {  	s5 =	sshll.u32 @!p0 s5, $0x11;
	s7 =	sadd.s32 @!p0 $0x11B8D, s7;
	_ =	swait.eq @!p0 [sflag:s6], $0x1  }
0xb8: {  	s5 =	sor.u32 @!p0 s5, s7;
	[sflag:s6] =	ssyncadd.s32 @!p0 $0xFFFFFFFF  }
0xb9: {  	s25 =	simm.s32 $0x1B8E;
	s24 =	sld [smem:$0x3FFE];
	[sflag:s5] =	ssyncadd.remote.s32 @!p0 $0x1  }
0xba: {  	s26 =	simm.s32 $execute0_lowered;
	[smem:$0x3FD2] =	sst s25  }
0xbb: {  	s6 =	sshll.u32 s26, $0x1;
	_ =	strace $0x80000049;
	[dreg:$0x1] =	wrdreg $0xFFFFFFFF  }
0xbc: {  	s28 =	simm.s32 $_size_execute0_lowered;
	s4 =	sadd.s32 s4, s6;
	[dreg:$0x0] =	wrdreg $0x0  }
0xbd: {  	s6 =	sshll.u32 s28, $0x1;
	[dreg:$0x2] =	wrdreg s4  }
0xbe: {  	[dreg:$0x3] =	wrdreg s6  }
0xbf: {  	[dreg:$0x4] =	wrdreg $0xC0  }
0xc0: {  	_ =	task [dreg:s22], $0x5FFFF  }
0xc1: {  	[dreg:$0x1] =	wrdreg $0xFFFFFFFF  }
0xc2: {  	[dreg:$0x0] =	wrdreg $0x60  }
0xc3: {  	[dreg:$0x2] =	wrdreg s17  }
0xc4: {  	[dreg:$0x3] =	wrdreg s24  }
0xc5: {  	[dreg:$0x4] =	wrdreg $0x9  }
0xc6: {  	_ =	task.clear_ibuf [dreg:s22], $0x5FFFF;
	_ =	strace $0x90000049  }
0xc7: {  	s29 =	simm.s32 $0x9;
	_ =	strace $0x8000004B  }
0xc8: {  	_ =	swait.ge [sflag:s29], $0x1  }
0xc9: {  	[sflag:s29] =	ssyncadd.s32 $0xFFFFFFFF  }
0xca: {  	_ =	strace $0x9000004B  }
0xcb: {  	_ =	sfence  }
0xcc: {  	s30 =	sld [smem:$0x0];
	_ =	sdelay $0x2  }
0xcd: {  	s31 =	sshll.u32 s1, $0xD;
	s1 =	sshrl.u32 s1, $0x2  }
0xce: {  	s4 =	sand.u32 $0x4000, s31;
	s1 =	sadd.s32 s1, s30  }
0xcf: {  	s0 =	sor.u32 s4, s0;
	s1 =	sshll.u32 s1, $0x11  }
0xd0: {  	s0 =	sor.u32 s1, s0  }
0xd1: {  	s0 =	sadd.s32 $0x8F2B, s0  }
0xd2: {  	[sflag:s0] =	ssyncadd.remote.s32 $0x1  }
0xd3: {  	_ =	sfence.sel $0xFFFF  }
0xd4: {  	[dreg:$0x0] =	wrdreg $0xFFFFFFFF;
	(pc) =	sbr.abs _section_cstart, $3  }
0xd5: {  	[dreg:$0x1] =	wrdreg $0xFFFFFFFF  }
0xd6: {  	_ =	task.clear_ibuf [dreg:s22], $0x2FFFF;
	_ =	strace $0x9FFFFFFF  }
0xd7: {  	(tm) =	ssettm $0x7FFFFFFF  }
tec
execute0_lowered:
.L_overlay_start_1:
0x0: {  	(tag) =	ssettag $0x1  }
0x1: {  	s0 =	srdreg.scid  }
0x2: {  	s5 =	stileid.u32;
	s2 =	rddreg [dreg:$0x0]  }
0x3: {  	s4 =	rddreg [dreg:$0x1];
	s3 =	simm.s32 $0x0;
	s10 =	simm.s32 $0xE00  }
0x4: {  	s12 =	simm.s32 $0x1A00;
	s13 =	simm.s32 $0x2200;
	s14 =	simm.s32 $0x2600  }
0x5: {  	s15 =	simm.s32 $0x2E00;
	s16 =	simm.s32 $0x3200;
	s17 =	simm.s32 $0x3A00  }
0x6: {  	s18 =	simm.s32 $0x3E00;
	s19 =	simm.s32 $0x4600;
	s20 =	simm.s32 $0x4A00  }
0x7: {  	s21 =	simm.s32 $0x5200;
	s22 =	simm.s32 $0x5600;
	s23 =	simm.s32 $0x5E00  }
0x8: {  	s24 =	simm.s32 $0x6200;
	s25 =	simm.s32 $0x6A00;
	s28 =	simm.s32 $0x7600  }
0x9: {  	s29 =	simm.s32 $0x7A00;
	s30 =	simm.s32 $0x8200;
	s31 =	simm.s32 $0x1  }
0xa: {  	s0 =	sand.u32 $0x1, s0;
	s1 =	sshll.u32 s5, $0x1;
	s5 =	smul.u32 $0x1B80, s5  }
0xb: {  	s9 =	simm.s32 $0x0;
	s1 =	sor.u32 s0, s1;
	s6 =	smul.u32 $0xDC0, s0  }
0xc: {  	[smem:$0x7FF] =	sst s3;
	s0 =	ssub.s32 $0x2, s0;
	s1 =	smul.u32 $0xDC0, s1  }
0xd: {  	_ =	strace $0x8000004A;
	s7 =	sshrl.u32 s0, $0x1;
	s5 =	sadd.s32 s6, s5  }
0xe: {  	s0 =	ssub.s32 s0, s7;
	s1 =	sshrl.u32 s1, $0x3;
	s6 =	sshrl.u32 s5, $0x3  }
0xf: {  	s5 =	sor.u32 $0x28, s5;
	s0 =	smax.u32 s0, $0x1;
	s6 =	smul.u32 $0x180, s6  }
.Ltmp0:
0x10: {  	s1 =	sadd.s32 s1, s4;
	s4 =	sadd.s32 $0x9EA800, s4;
	(pc) =	sbr.rel .LBB2_1-.Ltmp0, $4  }
0x11: {  	s5 =	sshrl.u32 s5, $0x3;
	[dreg:$0x4] =	wrdreg s0;
	s0 =	simm.s32 $0x3  }
0x12: {  	v2 =	vlaneseq.u32;
	s1 =	sadd.s32 $0x9E7000, s1;
	s26 =	smul.u32 $0x180, s5;
	s5 =	sadd.s32 $0x100, s2  }
0x13: {  	vm0 =	vmmov $0xffff;
	vm1 =	vmmov $0xff;
	v1 =	vshrl.u32 v2, $0x3;
	[dreg:$0x3] =	wrdreg s1;
	s7 =	sadd.s32 s6, s4;
	s1 =	simm.s32 $0x2  }
0x14: {  	v0 =	vand.u32 $0x7, v2;
	v2 =	vor.u32 $0x8, v2;
	v1 =	vmul.u32 $0x8, v1;
	s8 =	sadd.s32 s26, s4;
	s26 =	simm.s32 $0x6E00;
	s4 =	simm.s32 $0x4  }
.LBB2_4:
0x15: {  	_ =	swait.ge [sflag:s4], $0x3C00  }
0x16: {  	s9 =	rddreg [dreg:$0x5]  }
0x17: {  	s6 =	rddreg [dreg:$0x4];
	s9 =	sadd.s32 $0x1, s9  }
0x18: {  	p0 =	sne.s32 s9, s6  }
.Ltmp1:
0x19: {  	_ = 	snop;
	(pc) =	sbr.rel @!p0 .LBB2_5-.Ltmp1, $3  }
0x1a: {  	_ =	sdelay $0x1  }
0x1b: {  	[sflag:s4] =	ssyncset.done $0x0  }
0x1c: {  	[sflag:s4] =	ssyncadd.s32 $0xFFFFC400  }
.LBB2_1:
0x1d: {  	[dreg:$0x5] =	wrdreg s9  }
0x1e: {  	s6 =	rddreg [dreg:$0x3];
	s9 =	simm.s32 $0x5  }
0x1f: {  	[tilespmem:s3], [sflag:$0x5] =	stream.linear.gather [hbm4b:s6+s3], $0xDC0, $0x38;
	[tilespmem:$0x8600] =	vst v63  }
0x20: {  	_ =	swait.ge [sflag:s9], $0xDC0  }
0x21: {  	[sflag:s9] =	ssyncset.done $0x0  }
0x22: {  	[sflag:s9] =	ssyncadd.s32 $0xFFFFF240  }
0x23: {  	v3 =	vld [tilespmem:$0x0];
	_ =	sdelay $0x4  }
0x24: {  	v4 =	vshrl.u32 v3, $0x3  }
0x25: {  	v4 =	vmul.u32 $0x18, v4  }
0x26: {  	v3 =	vand.u32 $0x7, v3  }
0x27: {  	v3 =	vor.u32 v3, v4  }
0x28: {  	v4 =	vperm.xlane v3, v0;
	_ =	sdelay $0x1  }
0x29: {  	v4 =	vadd.s32 v1, v4;
	_ =	sdelay $0x1  }
0x2a: {  	v3 =	vperm.xlane v3, v2;
	_ =	sdelay $0x1  }
0x2b: {  	v3 =	vadd.s32 v1, v3  }
0x2c: {  	[tilespmem:s10], [sflag:$0x1] =	stream.indirect_vreg.gather [hbm4b:s2+s3], $0x80, v4, vm0, $0xb8;
	[tilespmem:$0x8600] =	vst v63  }
0x2d: {  	s11 =	simm.s32 $0x1600  }
0x2e: {  	[tilespmem:s11], [sflag:$0x1] =	stream.indirect_vreg.gather [hbm4b:s5+s3], $0x80, v4, vm1, $0xb8;
	[tilespmem:$0x8600] =	vst v63  }
0x2f: {  	_ = 	snop  }
0x30: {  	[tilespmem:s12], [sflag:$0x1] =	stream.indirect_vreg.gather [hbm4b:s2+s3], $0x80, v3, vm0, $0xb8;
	[tilespmem:$0x8600] =	vst v63  }
0x31: {  	_ = 	snop  }
0x32: {  	[tilespmem:s13], [sflag:$0x1] =	stream.indirect_vreg.gather [hbm4b:s5+s3], $0x80, v3, vm1, $0xb8;
	[tilespmem:$0x8600] =	vst v63  }
0x33: {  	v3 =	vld [tilespmem:$0x10];
	_ =	sdelay $0x4  }
0x34: {  	v59 =	vshrl.u32 v3, $0x3  }
0x35: {  	v4 =	vmul.u32 $0x18, v59  }
0x36: {  	v3 =	vand.u32 $0x7, v3  }
0x37: {  	v3 =	vor.u32 v3, v4  }
0x38: {  	v4 =	vperm.xlane v3, v0;
	_ =	sdelay $0x1  }
0x39: {  	v4 =	vadd.s32 v1, v4;
	_ =	sdelay $0x1  }
0x3a: {  	v3 =	vperm.xlane v3, v2;
	_ =	sdelay $0x1  }
0x3b: {  	v3 =	vadd.s32 v1, v3  }
0x3c: {  	[tilespmem:s14], [sflag:$0x1] =	stream.indirect_vreg.gather [hbm4b:s2+s3], $0x80, v4, vm0, $0xb8;
	[tilespmem:$0x8600] =	vst v63  }
0x3d: {  	_ = 	snop  }
0x3e: {  	[tilespmem:s15], [sflag:$0x1] =	stream.indirect_vreg.gather [hbm4b:s5+s3], $0x80, v4, vm1, $0xb8;
	[tilespmem:$0x8600] =	vst v63  }
0x3f: {  	_ = 	snop  }
0x40: {  	[tilespmem:s16], [sflag:$0x1] =	stream.indirect_vreg.gather [hbm4b:s2+s3], $0x80, v3, vm0, $0xb8;
	[tilespmem:$0x8600] =	vst v63  }
0x41: {  	_ = 	snop  }
0x42: {  	[tilespmem:s17], [sflag:$0x1] =	stream.indirect_vreg.gather [hbm4b:s5+s3], $0x80, v3, vm1, $0xb8;
	[tilespmem:$0x8600] =	vst v63  }
0x43: {  	v3 =	vld.msk [tilespmem:$0x20], $0xff;
	_ =	sdelay $0x4  }
0x44: {  	v60 =	vshrl.u32 v3, $0x3  }
0x45: {  	v4 =	vmul.u32 $0x18, v60  }
0x46: {  	v3 =	vand.u32 $0x7, v3  }
0x47: {  	v3 =	vor.u32 v3, v4  }
0x48: {  	v3 =	vperm.xlane v3, v0;
	_ =	sdelay $0x1  }
0x49: {  	v3 =	vadd.s32 v1, v3;
	_ =	sdelay $0x4  }
0x4a: {  	[tilespmem:s18], [sflag:$0x1] =	stream.indirect_vreg.gather [hbm4b:s2+s3], $0x80, v3, vm0, $0xb8;
	[tilespmem:$0x8600] =	vst v63  }
0x4b: {  	_ = 	snop  }
0x4c: {  	[tilespmem:s19], [sflag:$0x1] =	stream.indirect_vreg.gather [hbm4b:s5+s3], $0x80, v3, vm1, $0xb8;
	[tilespmem:$0x8600] =	vst v63  }
0x4d: {  	v3 =	vld [tilespmem:$0x28];
	_ =	sdelay $0x4  }
0x4e: {  	v61 =	vshrl.u32 v3, $0x3  }
0x4f: {  	v4 =	vmul.u32 $0x18, v61  }
0x50: {  	v3 =	vand.u32 $0x7, v3  }
0x51: {  	v3 =	vor.u32 v3, v4  }
0x52: {  	v4 =	vperm.xlane v3, v0;
	_ =	sdelay $0x1  }
0x53: {  	v4 =	vadd.s32 v1, v4;
	_ =	sdelay $0x1  }
0x54: {  	v3 =	vperm.xlane v3, v2;
	_ =	sdelay $0x1  }
0x55: {  	v3 =	vadd.s32 v1, v3  }
0x56: {  	[tilespmem:s20], [sflag:$0x2] =	stream.indirect_vreg.gather [hbm4b:s2+s3], $0x80, v4, vm0, $0xb8;
	[tilespmem:$0x8600] =	vst v63  }
0x57: {  	_ = 	snop  }
0x58: {  	[tilespmem:s21], [sflag:$0x2] =	stream.indirect_vreg.gather [hbm4b:s5+s3], $0x80, v4, vm1, $0xb8;
	[tilespmem:$0x8600] =	vst v63  }
0x59: {  	_ = 	snop  }
0x5a: {  	[tilespmem:s22], [sflag:$0x2] =	stream.indirect_vreg.gather [hbm4b:s2+s3], $0x80, v3, vm0, $0xb8;
	[tilespmem:$0x8600] =	vst v63  }
0x5b: {  	_ = 	snop  }
0x5c: {  	[tilespmem:s23], [sflag:$0x2] =	stream.indirect_vreg.gather [hbm4b:s5+s3], $0x80, v3, vm1, $0xb8;
	[tilespmem:$0x8600] =	vst v63  }
0x5d: {  	v3 =	vld [tilespmem:$0x38];
	_ =	sdelay $0x4  }
0x5e: {  	v62 =	vshrl.u32 v3, $0x3  }
0x5f: {  	v4 =	vmul.u32 $0x18, v62  }
0x60: {  	v3 =	vand.u32 $0x7, v3  }
0x61: {  	v3 =	vor.u32 v3, v4  }
0x62: {  	v4 =	vperm.xlane v3, v0;
	_ =	sdelay $0x1  }
0x63: {  	v4 =	vadd.s32 v1, v4;
	_ =	sdelay $0x1  }
0x64: {  	v3 =	vperm.xlane v3, v2;
	_ =	sdelay $0x1  }
0x65: {  	v3 =	vadd.s32 v1, v3  }
0x66: {  	[tilespmem:s24], [sflag:$0x2] =	stream.indirect_vreg.gather [hbm4b:s2+s3], $0x80, v4, vm0, $0xb8;
	[tilespmem:$0x8600] =	vst v63  }
0x67: {  	_ = 	snop  }
0x68: {  	[tilespmem:s25], [sflag:$0x2] =	stream.indirect_vreg.gather [hbm4b:s5+s3], $0x80, v4, vm1, $0xb8;
	[tilespmem:$0x8600] =	vst v63  }
0x69: {  	_ = 	snop  }
0x6a: {  	[tilespmem:s26], [sflag:$0x2] =	stream.indirect_vreg.gather [hbm4b:s2+s3], $0x80, v3, vm0, $0xb8;
	[tilespmem:$0x8600] =	vst v63  }
0x6b: {  	_ = 	snop  }
0x6c: {  	[tilespmem:s28], [sflag:$0x2] =	stream.indirect_vreg.gather [hbm4b:s5+s3], $0x80, v3, vm1, $0xb8;
	[tilespmem:$0x8600] =	vst v63  }
0x6d: {  	v3 =	vld.msk [tilespmem:$0x48], $0xff;
	_ =	sdelay $0x4  }
0x6e: {  	v63 =	vshrl.u32 v3, $0x3  }
0x6f: {  	v4 =	vmul.u32 $0x18, v63  }
0x70: {  	v3 =	vand.u32 $0x7, v3  }
0x71: {  	v3 =	vor.u32 v3, v4  }
0x72: {  	v3 =	vperm.xlane v3, v0;
	_ =	sdelay $0x1  }
0x73: {  	v3 =	vadd.s32 v1, v3;
	_ =	sdelay $0x4  }
0x74: {  	[tilespmem:s29], [sflag:$0x2] =	stream.indirect_vreg.gather [hbm4b:s2+s3], $0x80, v3, vm0, $0xb8;
	[tilespmem:$0x8600] =	vst v63  }
0x75: {  	s6 =	simm.s32 $0x0;
	s9 =	simm.s32 $0x98  }
0x76: {  	[tilespmem:s30], [sflag:$0x2] =	stream.indirect_vreg.gather [hbm4b:s5+s3], $0x80, v3, vm1, $0xb8;
	[tilespmem:$0x8600] =	vst v63  }
.LBB2_2:
0x77: {  	_ =	swait.ge [sflag:s31], $0x3C00  }
0x78: {  	[sflag:s31] =	ssyncset.done $0x0  }
0x79: {  	s11 =	sadd.s32 s6, s7;
	[sflag:s31] =	ssyncadd.s32 $0xFFFFC400  }
0x7a: {  	[hbm4b:s11+s3] =	stream.linear.scatter [tilespmem:s10], [sflag:$0x3], $0x3C00, $0x38;
	[tilespmem:$0x8600] =	vst v63  }
0x7b: {  	_ =	swait.ge [sflag:s1], $0x3C00  }
0x7c: {  	p0 =	seq.s32 s6, $0x28500;
	[sflag:s1] =	ssyncset.done $0x0  }
.Ltmp2:
0x7d: {  	s11 =	sadd.s32 s6, s8;
	[sflag:s1] =	ssyncadd.s32 $0xFFFFC400;
	(pc) =	sbr.rel @p0 .LBB2_4-.Ltmp2, $4  }
0x7e: {  	[hbm4b:s11+s3] =	stream.linear.scatter [tilespmem:s20], [sflag:$0x4], $0x3C00, $0x38;
	[tilespmem:$0x8600] =	vst v63  }
0x7f: {  	_ =	swait.ge [sflag:s0], $0x3C00  }
0x80: {  	[sflag:s0] =	ssyncset.done $0x0  }
0x81: {  	[sflag:s0] =	ssyncadd.s32 $0xFFFFC400  }
0x82: {  	v3 =	vld [tilespmem:s9+$0xFFFFFFB8];
	_ =	sdelay $0x4  }
0x83: {  	v4 =	vshrl.u32 v3, $0x3  }
0x84: {  	v4 =	vmul.u32 $0x18, v4  }
0x85: {  	v3 =	vand.u32 $0x7, v3  }
0x86: {  	v3 =	vor.u32 v3, v4  }
0x87: {  	v4 =	vperm.xlane v3, v0;
	_ =	sdelay $0x1  }
0x88: {  	v4 =	vadd.s32 v1, v4;
	_ =	sdelay $0x1  }
0x89: {  	v3 =	vperm.xlane v3, v2;
	_ =	sdelay $0x1  }
0x8a: {  	v3 =	vadd.s32 v1, v3  }
0x8b: {  	[tilespmem:s10], [sflag:$0x1] =	stream.indirect_vreg.gather [hbm4b:s2+s3], $0x80, v4, vm0, $0xb8;
	[tilespmem:$0x8600] =	vst v63  }
0x8c: {  	s11 =	simm.s32 $0x1600  }
0x8d: {  	[tilespmem:s11], [sflag:$0x1] =	stream.indirect_vreg.gather [hbm4b:s5+s3], $0x80, v4, vm1, $0xb8;
	[tilespmem:$0x8600] =	vst v63  }
0x8e: {  	_ = 	snop  }
0x8f: {  	[tilespmem:s12], [sflag:$0x1] =	stream.indirect_vreg.gather [hbm4b:s2+s3], $0x80, v3, vm0, $0xb8;
	[tilespmem:$0x8600] =	vst v63  }
0x90: {  	_ = 	snop  }
0x91: {  	[tilespmem:s13], [sflag:$0x1] =	stream.indirect_vreg.gather [hbm4b:s5+s3], $0x80, v3, vm1, $0xb8;
	[tilespmem:$0x8600] =	vst v63  }
0x92: {  	v3 =	vld [tilespmem:s9+$0xFFFFFFC8];
	_ =	sdelay $0x4  }
0x93: {  	v59 =	vshrl.u32 v3, $0x3  }
0x94: {  	v4 =	vmul.u32 $0x18, v59  }
0x95: {  	v3 =	vand.u32 $0x7, v3  }
0x96: {  	v3 =	vor.u32 v3, v4  }
0x97: {  	v4 =	vperm.xlane v3, v0;
	_ =	sdelay $0x1  }
0x98: {  	v4 =	vadd.s32 v1, v4;
	_ =	sdelay $0x1  }
0x99: {  	v3 =	vperm.xlane v3, v2;
	_ =	sdelay $0x1  }
0x9a: {  	v3 =	vadd.s32 v1, v3  }
0x9b: {  	[tilespmem:s14], [sflag:$0x1] =	stream.indirect_vreg.gather [hbm4b:s2+s3], $0x80, v4, vm0, $0xb8;
	[tilespmem:$0x8600] =	vst v63  }
0x9c: {  	_ = 	snop  }
0x9d: {  	[tilespmem:s15], [sflag:$0x1] =	stream.indirect_vreg.gather [hbm4b:s5+s3], $0x80, v4, vm1, $0xb8;
	[tilespmem:$0x8600] =	vst v63  }
0x9e: {  	_ = 	snop  }
0x9f: {  	[tilespmem:s16], [sflag:$0x1] =	stream.indirect_vreg.gather [hbm4b:s2+s3], $0x80, v3, vm0, $0xb8;
	[tilespmem:$0x8600] =	vst v63  }
0xa0: {  	_ = 	snop  }
0xa1: {  	[tilespmem:s17], [sflag:$0x1] =	stream.indirect_vreg.gather [hbm4b:s5+s3], $0x80, v3, vm1, $0xb8;
	[tilespmem:$0x8600] =	vst v63  }
0xa2: {  	v3 =	vld.msk [tilespmem:s9+$0xFFFFFFD8], $0xff;
	_ =	sdelay $0x4  }
0xa3: {  	v60 =	vshrl.u32 v3, $0x3  }
0xa4: {  	v4 =	vmul.u32 $0x18, v60  }
0xa5: {  	v3 =	vand.u32 $0x7, v3  }
0xa6: {  	v3 =	vor.u32 v3, v4  }
0xa7: {  	v3 =	vperm.xlane v3, v0;
	_ =	sdelay $0x1  }
0xa8: {  	v3 =	vadd.s32 v1, v3;
	_ =	sdelay $0x4  }
0xa9: {  	[tilespmem:s18], [sflag:$0x1] =	stream.indirect_vreg.gather [hbm4b:s2+s3], $0x80, v3, vm0, $0xb8;
	[tilespmem:$0x8600] =	vst v63  }
0xaa: {  	_ = 	snop  }
0xab: {  	[tilespmem:s19], [sflag:$0x1] =	stream.indirect_vreg.gather [hbm4b:s5+s3], $0x80, v3, vm1, $0xb8;
	[tilespmem:$0x8600] =	vst v63  }
0xac: {  	_ =	swait.ge [sflag:s4], $0x3C00  }
0xad: {  	[sflag:s4] =	ssyncset.done $0x0  }
0xae: {  	[sflag:s4] =	ssyncadd.s32 $0xFFFFC400  }
0xaf: {  	v3 =	vld [tilespmem:s9+$0xFFFFFFE0];
	_ =	sdelay $0x4  }
0xb0: {  	v61 =	vshrl.u32 v3, $0x3  }
0xb1: {  	v4 =	vmul.u32 $0x18, v61  }
0xb2: {  	v3 =	vand.u32 $0x7, v3  }
0xb3: {  	v3 =	vor.u32 v3, v4  }
0xb4: {  	v4 =	vperm.xlane v3, v0;
	_ =	sdelay $0x1  }
0xb5: {  	v4 =	vadd.s32 v1, v4;
	_ =	sdelay $0x1  }
0xb6: {  	v3 =	vperm.xlane v3, v2;
	_ =	sdelay $0x1  }
0xb7: {  	v3 =	vadd.s32 v1, v3  }
0xb8: {  	[tilespmem:s20], [sflag:$0x2] =	stream.indirect_vreg.gather [hbm4b:s2+s3], $0x80, v4, vm0, $0xb8;
	[tilespmem:$0x8600] =	vst v63  }
0xb9: {  	_ = 	snop  }
0xba: {  	[tilespmem:s21], [sflag:$0x2] =	stream.indirect_vreg.gather [hbm4b:s5+s3], $0x80, v4, vm1, $0xb8;
	[tilespmem:$0x8600] =	vst v63  }
0xbb: {  	_ = 	snop  }
0xbc: {  	[tilespmem:s22], [sflag:$0x2] =	stream.indirect_vreg.gather [hbm4b:s2+s3], $0x80, v3, vm0, $0xb8;
	[tilespmem:$0x8600] =	vst v63  }
0xbd: {  	_ = 	snop  }
0xbe: {  	[tilespmem:s23], [sflag:$0x2] =	stream.indirect_vreg.gather [hbm4b:s5+s3], $0x80, v3, vm1, $0xb8;
	[tilespmem:$0x8600] =	vst v63  }
0xbf: {  	v3 =	vld [tilespmem:s9+$0xFFFFFFF0];
	_ =	sdelay $0x4  }
0xc0: {  	v62 =	vshrl.u32 v3, $0x3  }
0xc1: {  	v4 =	vmul.u32 $0x18, v62  }
0xc2: {  	v3 =	vand.u32 $0x7, v3  }
0xc3: {  	v3 =	vor.u32 v3, v4  }
0xc4: {  	v4 =	vperm.xlane v3, v0;
	_ =	sdelay $0x1  }
0xc5: {  	v4 =	vadd.s32 v1, v4;
	_ =	sdelay $0x1  }
0xc6: {  	v3 =	vperm.xlane v3, v2;
	_ =	sdelay $0x1  }
0xc7: {  	v3 =	vadd.s32 v1, v3  }
0xc8: {  	[tilespmem:s24], [sflag:$0x2] =	stream.indirect_vreg.gather [hbm4b:s2+s3], $0x80, v4, vm0, $0xb8;
	[tilespmem:$0x8600] =	vst v63  }
0xc9: {  	_ = 	snop  }
0xca: {  	[tilespmem:s25], [sflag:$0x2] =	stream.indirect_vreg.gather [hbm4b:s5+s3], $0x80, v4, vm1, $0xb8;
	[tilespmem:$0x8600] =	vst v63  }
0xcb: {  	_ = 	snop  }
0xcc: {  	[tilespmem:s26], [sflag:$0x2] =	stream.indirect_vreg.gather [hbm4b:s2+s3], $0x80, v3, vm0, $0xb8;
	[tilespmem:$0x8600] =	vst v63  }
0xcd: {  	_ = 	snop  }
0xce: {  	[tilespmem:s28], [sflag:$0x2] =	stream.indirect_vreg.gather [hbm4b:s5+s3], $0x80, v3, vm1, $0xb8;
	[tilespmem:$0x8600] =	vst v63  }
0xcf: {  	v3 =	vld.msk [tilespmem:s9+$0x0], $0xff;
	_ =	sdelay $0x4  }
0xd0: {  	v63 =	vshrl.u32 v3, $0x3  }
0xd1: {  	v4 =	vmul.u32 $0x18, v63  }
0xd2: {  	v3 =	vand.u32 $0x7, v3  }
0xd3: {  	v3 =	vor.u32 v3, v4  }
0xd4: {  	v3 =	vperm.xlane v3, v0;
	_ =	sdelay $0x1  }
0xd5: {  	v3 =	vadd.s32 v1, v3;
	_ =	sdelay $0x2  }
.Ltmp3:
0xd6: {  	_ = 	snop;
	(pc) =	sbr.rel .LBB2_2-.Ltmp3, $4  }
0xd7: {  	_ = 	snop  }
0xd8: {  	[tilespmem:s29], [sflag:$0x2] =	stream.indirect_vreg.gather [hbm4b:s2+s3], $0x80, v3, vm0, $0xb8;
	[tilespmem:$0x8600] =	vst v63  }
0xd9: {  	s6 =	sadd.s32 $0xF00, s6;
	s9 =	sadd.s32 $0x50, s9  }
0xda: {  	[tilespmem:s30], [sflag:$0x2] =	stream.indirect_vreg.gather [hbm4b:s5+s3], $0x80, v3, vm1, $0xb8;
	[tilespmem:$0x8600] =	vst v63  }
.LBB2_5:
0xdb: {  	_ =	sfence.sel $0x180000  }
0xdc: {  	[bflag:$0x0] =	sbarrier.arrive $0xFFFF  }
0xdd: {  	_ =	strace $0x9000004A  }
0xde: {  	s0 =	stileid.u32;
	[bflag:$0x2] =	sbarrier.arrive $0xFFFF  }
0xdf: {  	p0 =	sne.s32 s0, $0x0;
	s0 =	rddreg [dreg:$0x2]  }
0xe0: {  	s0 =	sadd.s32 @!p0 $0x100000, s0  }
0xe1: {  	[sflag:s0] =	ssyncadd.tile.s32 @!p0 $0x1;
	_ =	shalt  }
.Lfunc_end2:
_tile_overlayer_lowered:
.L_overlay_start_2:
0xe2: {  	(tag) =	ssettag $0x2  }
0xe3: {  	s0 =	rddreg [dreg:$0x0];
	s2 =	stileid.u32  }
0xe4: {  	s1 =	rddreg [dreg:$0x1];
	p0 =	sne.s32 s2, $0x0  }
0xe5: {  	s3 =	rddreg [dreg:$0x2];
	[bflag:$0x3] =	sbarrier.arrive $0xFFFF;
	s2 =	simm.s32 @!p0 $0x1C05  }
0xe6: {  	[timem:s3], [sflag:s2] =	dma.local @!p0 [hbm:s0], s1  }
0xe7: {  	s0 =	simm.s32 @!p0 $0x5  }
0xe8: {  	_ =	swait.ge @!p0 [sflag:s0], s1  }
0xe9: {  	s1 =	ssub.s32 @!p0 $0x0, s1;
	[sflag:s0] =	ssyncset.done @!p0 $0x0  }
0xea: {  	[sflag:s0] =	ssyncadd.s32 @!p0 s1  }
0xeb: {  	[bflag:$0x3] =	sbarrier.arrive $0xFFFF  }
0xec: {  	_ =	shalt  }

// kernel: kernel.15.cloned.1.call-start
scs
__scs_entry_jumppad:
0x0: {  	(pc) =	sbr.rel $0x88, $3  }
0x1: {  	(tag) =	ssettag $0x0;
	lr =	simm.s32 $0x1  }
0x2: {  	[smem:$0x3F95] =	sst lr;
	_ =	strace $0xD0000000  }
0x3: {  	_ = 	snop  }
0x4: {  	_ = 	snop  }
0x5: {  	_ = 	snop  }
0x6: {  	_ = 	snop  }
0x7: {  	_ = 	snop  }
__scs_overlays_trampoline_lowered:
0x8: {  	[smem:$0x3FA4] =	sst s0  }
0x9: {  	[smem:$0x3FA5] =	sst s1  }
0xa: {  	[smem:$0x3FA6] =	sst s2  }
0xb: {  	[smem:$0x3FA7] =	sst s3  }
0xc: {  	[smem:$0x3FA8] =	sst s4  }
0xd: {  	[smem:$0x3FA9] =	sst s5  }
0xe: {  	[smem:$0x3FAA] =	sst s6  }
0xf: {  	[smem:$0x3FAB] =	sst s7  }
0x10: {  	[smem:$0x3FAC] =	sst s8  }
0x11: {  	[smem:$0x3FAD] =	sst s9;
	s0 =	simm.s32 @!p0 $0x0  }
0x12: {  	s1 =	sld [smem:$0x3F93];
	s0 =	simm.s32 @p0 $0x1  }
0x13: {  	[smem:$0x3FAE] =	sst s0;
	s0 =	simm.s32 @!p1 $0x0  }
0x14: {  	s2 =	sld [smem:$0x3F92];
	s0 =	simm.s32 @p1 $0x1  }
0x15: {  	[smem:$0x3FAF] =	sst s0;
	s0 =	simm.s32 @!p2 $0x0  }
0x16: {  	s3 =	sld [smem:$0x3FDB];
	s0 =	simm.s32 @p2 $0x1  }
0x17: {  	s4 =	simm.s32 $0x1BF5;
	[smem:$0x3FB1] =	sst s0  }
0x18: {  	s0 =	sld [smem:$0x3F94];
	_ =	swait.ge [sflag:s4], $0x0  }
0x19: {  	s7 =	sld [smem:$0x3F95]  }
0x1a: {  	s8 =	sadd.s32 $0xFFFFE003, lr  }
0x1b: {  	s9 =	sadd.s32 $0xFFFFFEF7, lr;
	s5 =	simm.s32 $0xFFFFFFFF;
	p2 =	slt.u32 s8, $0xFFFFF086  }
0x1c: {  	p1 =	slt.u32 s9, $0xF7A;
	s5 =	simm.s32 @!p2 $0x0  }
0x1d: {  	s5 =	simm.s32 @p1 $0x1;
	p0 =	seq.s32 s7, s2  }
0x1e: {  	s7 =	smul.u32 @!p0 $0xF7A, s2;
	p2 =	seq.s32 @!p0 s5, $0x0  }
0x1f: {  	s9 =	smul.u32 $0xF7A, s1;
	s8 =	simm.s32 @!p0 $0x1BF5;
	p2 =	por !p2, p0  }
0x20: {  	[sflag:s8] =	ssyncset.s32 @!p0 $0xFFFFF086;
	s6 =	sadd.s32 @!p0 s3, s7;
	s7 =	simm.s32 @!p0 $0x108  }
0x21: {  	s3 =	sadd.s32 s3, s9;
	s6 =	sadd.s32 @!p0 $0x88, s6;
	s7 =	simm.s32 @p2 $0x1082  }
0x22: {  	[simem:s7], [sflag:s8] =	dma.local @!p0 [hbm:s6], $0xF7A  }
0x23: {  	s9 =	sor.u32 $0xD0000000, s2;
	s6 =	simm.s32 $0x108;
	_ =	swait.ge @!p0 [sflag:s8], $0x0  }
0x24: {  	s3 =	sadd.s32 $0x88, s3;
	s6 =	simm.s32 @!p1 $0x1082;
	[sflag:s4] =	ssyncset.s32 $0xFFFFF086  }
0x25: {  	[simem:s6], [sflag:s4] =	dma.local [hbm:s3], $0xF7A  }
0x26: {  	[smem:$0x3F95] =	sst s1;
	(tag) =	ssettag s2;
	_ =	strace s9  }
0x27: {  	s1 =	sld [smem:$0x3FA5]  }
0x28: {  	s2 =	sld [smem:$0x3FA6]  }
0x29: {  	s4 =	sld [smem:$0x3FA8]  }
0x2a: {  	p0 =	seq.s32 s5, $0x0;
	s5 =	sld [smem:$0x3FA9]  }
0x2b: {  	s6 =	sld [smem:$0x3FAA]  }
0x2c: {  	s7 =	sld [smem:$0x3FAB]  }
0x2d: {  	s3 =	simm.s32 $0x108;
	s8 =	sld [smem:$0x3FAC]  }
0x2e: {  	s3 =	simm.s32 @!p0 $0x1082;
	s9 =	sld [smem:$0x3FAD]  }
0x2f: {  	lr =	sadd.s32 s0, s3;
	s0 =	sld [smem:$0x3FA4]  }
0x30: {  	s3 =	sld [smem:$0x3FA7]  }
0x31: {  	[smem:$0x3FB0] =	sst s10  }
0x32: {  	s10 =	sld [smem:$0x3FAE];
	_ =	sdelay $0x3  }
0x33: {  	p0 =	seq.s32 s10, $0x1;
	s10 =	sld [smem:$0x3FB0];
	_ =	sdelay $0x3  }
0x34: {  	[smem:$0x3FB0] =	sst s10  }
0x35: {  	s10 =	sld [smem:$0x3FAF];
	_ =	sdelay $0x3  }
0x36: {  	p1 =	seq.s32 s10, $0x1;
	s10 =	sld [smem:$0x3FB0];
	_ =	sdelay $0x3  }
0x37: {  	[smem:$0x3FB0] =	sst s10  }
0x38: {  	s10 =	sld [smem:$0x3FB1]  }
0x39: {  	_ = 	snop;
	(pc) =	sbr.ind lr, $3  }
0x3a: {  	_ = 	snop  }
0x3b: {  	_ = 	snop  }
0x3c: {  	p2 =	seq.s32 s10, $0x1;
	s10 =	sld [smem:$0x3FB0]  }
0x3d: {  	_ =	shalt  }
0x3e: {  	_ =	shalt  }
0x3f: {  	_ =	shalt  }
0x40: {  	_ =	shalt  }
0x41: {  	_ =	shalt  }
0x42: {  	_ =	shalt  }
0x43: {  	_ =	shalt  }
0x44: {  	_ =	shalt  }
0x45: {  	_ =	shalt  }
0x46: {  	_ =	shalt  }
0x47: {  	_ =	shalt  }
0x48: {  	_ =	shalt  }
0x49: {  	_ =	shalt  }
0x4a: {  	_ =	shalt  }
0x4b: {  	_ =	shalt  }
0x4c: {  	_ =	shalt  }
0x4d: {  	_ =	shalt  }
0x4e: {  	_ =	shalt  }
0x4f: {  	_ =	shalt  }
0x50: {  	_ =	shalt  }
0x51: {  	_ =	shalt  }
0x52: {  	_ =	shalt  }
0x53: {  	_ =	shalt  }
0x54: {  	_ =	shalt  }
0x55: {  	_ =	shalt  }
0x56: {  	_ =	shalt  }
0x57: {  	_ =	shalt  }
0x58: {  	_ =	shalt  }
0x59: {  	_ =	shalt  }
0x5a: {  	_ =	shalt  }
0x5b: {  	_ =	shalt  }
0x5c: {  	_ =	shalt  }
0x5d: {  	_ =	shalt  }
0x5e: {  	_ =	shalt  }
0x5f: {  	_ =	shalt  }
0x60: {  	_ =	shalt  }
0x61: {  	_ =	shalt  }
0x62: {  	_ =	shalt  }
0x63: {  	_ =	shalt  }
0x64: {  	_ =	shalt  }
0x65: {  	_ =	shalt  }
0x66: {  	_ =	shalt  }
0x67: {  	_ =	shalt  }
0x68: {  	_ =	shalt  }
0x69: {  	_ =	shalt  }
0x6a: {  	_ =	shalt  }
0x6b: {  	_ =	shalt  }
0x6c: {  	_ =	shalt  }
0x6d: {  	_ =	shalt  }
0x6e: {  	_ =	shalt  }
0x6f: {  	_ =	shalt  }
0x70: {  	_ =	shalt  }
0x71: {  	_ =	shalt  }
0x72: {  	_ =	shalt  }
0x73: {  	_ =	shalt  }
0x74: {  	_ =	shalt  }
0x75: {  	_ =	shalt  }
0x76: {  	_ =	shalt  }
0x77: {  	_ =	shalt  }
0x78: {  	_ =	shalt  }
0x79: {  	_ =	shalt  }
0x7a: {  	_ =	shalt  }
0x7b: {  	_ =	shalt  }
0x7c: {  	_ =	shalt  }
0x7d: {  	_ =	shalt  }
0x7e: {  	_ =	shalt  }
0x7f: {  	_ =	shalt  }
0x80: {  	_ =	shalt  }
0x81: {  	_ =	shalt  }
0x82: {  	_ =	shalt  }
0x83: {  	_ =	shalt  }
0x84: {  	_ =	shalt  }
0x85: {  	_ =	shalt  }
0x86: {  	_ =	shalt  }
0x87: {  	_ =	shalt  }
.Lfunc_end0:
.L_simem_size_0:
called_computation.2_lowered:
.L_overlay_start_0:
0x88: {  	s2 =	sld [smem:$0x3FD9]  }
0x89: {  	s3 =	sld [smem:$0x3FFE];
	_ =	sdelay $0x1  }
0x8a: {  	s1 =	srdreg.scid  }
0x8b: {  	s0 =	sand.u32 $0x1, s1  }
0x8c: {  	s15 =	sshll.u32 s0, $0xA;
	s2 =	sadd.s32 s3, s2  }
0x8d: {  	s2 =	sadd.s32 s2, s15  }
0x8e: {  	[smem:$0x3FBC] =	sst s2  }
0x8f: {  	_ = 	snop  }
0x90: {  	s16 =	sld [smem:$0x3FD0];
	_ =	sdelay $0x2  }
0x91: {  	s4 =	simm.s32 $0xB;
	s5 =	simm.s32 $0x10;
	s2 =	sld [smem:$0x3FC9]  }
0x92: {  	[smem:s5], [sflag:s4] =	dma.local [hbm:s16], $0x1  }
0x93: {  	_ =	swait.eq [sflag:s4], $0x1  }
0x94: {  	[sflag:s4] =	ssyncset.done $0x0  }
0x95: {  	[sflag:s4] =	ssyncadd.s32 $0xFFFFFFFF  }
0x96: {  	s17 =	sld [smem:$0x10];
	(tm) =	ssettm $0x1  }
0x97: {  	s18 =	sld [smem:$0x3FFB];
	_ =	sdelay $0x3  }
0x98: {  	_ =	strace s18  }
0x99: {  	s3 =	sld [smem:$0x3FFC];
	_ =	sdelay $0x3  }
0x9a: {  	_ =	strace s3  }
0x9b: {  	s3 =	sld [smem:$0x3FFD];
	_ =	sdelay $0x3  }
0x9c: {  	_ =	strace s3  }
0x9d: {  	_ =	strace $0x8FFFFFFF  }
0x9e: {  	s19 =	sld [smem:$0x3FDB];
	_ =	sdelay $0x1  }
0x9f: {  	s20 =	simm.s32 $_scs_section_size  }
0xa0: {  	s6 =	simm.s32 $_size__tile_overlayer_lowered;
	s7 =	simm.s32 $_tile_overlayer_lowered  }
0xa1: {  	s8 =	simm.s32 $0x1BFF;
	s21 =	sshll.u32 s7, $0x1;
	s5 =	sadd.s32 s20, s19  }
0xa2: {  	s22 =	simm.s32 $0x0;
	s6 =	sshll.u32 s6, $0x1;
	s7 =	sadd.s32 s21, s5  }
0xa3: {  	[timem:s22], [sflag:s8] =	dma.local [hbm:s7], s6  }
0xa4: {  	_ =	swait.ge [sflag:s8], s6  }
0xa5: {  	s6 =	ssub.s32 $0x0, s6;
	[sflag:s8] =	ssyncset.done $0x0  }
0xa6: {  	[sflag:s8] =	ssyncadd.s32 s6;
	_ =	sdelay $0x1  }
0xa7: {  	s23 =	simm.s32 $0x1B8B  }
0xa8: {  	_ =	swait.ge [sflag:s23], $0x1  }
0xa9: {  	[sflag:s23] =	ssyncset.done $0x0  }
0xaa: {  	[sflag:s23] =	ssyncadd.s32 $0xFFFFFFFF  }
0xab: {  	s6 =	sld [smem:$0x0]  }
0xac: {  	s7 =	sand.u32 $0xFFFFFFFE, s1  }
0xad: {  	p0 =	sne.s32 s1, s7  }
0xae: {  	s7 =	sshll.u32 @p0 s7, $0xE  }
0xaf: {  	s7 =	sadd.s32 @p0 $0x11B8D, s7;
	s8 =	sshll.u32 @p0 s6, $0x11  }
0xb0: {  	s7 =	sor.u32 @p0 s8, s7  }
0xb1: {  	[sflag:s7] =	ssyncadd.remote.s32 @p0 $0x1;
	_ =	sdelay $0x1  }
0xb2: {  	s7 =	simm.s32 @p0 $0x1B8D  }
0xb3: {  	_ =	swait.eq @p0 [sflag:s7], $0x1  }
0xb4: {  	[sflag:s7] =	ssyncadd.s32 @p0 $0xFFFFFFFF  }
0xb5: {  	s8 =	sshll.u32 @!p0 s1, $0xE  }
0xb6: {  	s8 =	sor.u32 @!p0 $0x4000, s8;
	s7 =	simm.s32 @!p0 $0x1B8D  }
0xb7: {  	s6 =	sshll.u32 @!p0 s6, $0x11;
	s8 =	sadd.s32 @!p0 $0x11B8D, s8;
	_ =	swait.eq @!p0 [sflag:s7], $0x1  }
0xb8: {  	s6 =	sor.u32 @!p0 s6, s8;
	[sflag:s7] =	ssyncadd.s32 @!p0 $0xFFFFFFFF  }
0xb9: {  	s25 =	simm.s32 $0x1B8E;
	s24 =	sld [smem:$0x3FFE];
	[sflag:s6] =	ssyncadd.remote.s32 @!p0 $0x1  }
0xba: {  	s26 =	simm.s32 $execute0_lowered;
	[smem:$0x3FD2] =	sst s25  }
0xbb: {  	s7 =	sshll.u32 s26, $0x1;
	_ =	strace $0x8000004C;
	[dreg:$0x1] =	wrdreg $0xFFFFFFFF  }
0xbc: {  	s28 =	simm.s32 $_size_execute0_lowered;
	s5 =	sadd.s32 s5, s7;
	[dreg:$0x0] =	wrdreg $0x0  }
0xbd: {  	s7 =	sshll.u32 s28, $0x1;
	[dreg:$0x2] =	wrdreg s5  }
0xbe: {  	[dreg:$0x3] =	wrdreg s7  }
0xbf: {  	[dreg:$0x4] =	wrdreg $0xC0  }
0xc0: {  	_ =	task [dreg:s22], $0x5FFFF  }
0xc1: {  	[dreg:$0x1] =	wrdreg $0xFFFFFFFF  }
0xc2: {  	[dreg:$0x0] =	wrdreg $0x60  }
0xc3: {  	[dreg:$0x2] =	wrdreg s24  }
0xc4: {  	[dreg:$0x3] =	wrdreg s2  }
0xc5: {  	[dreg:$0x4] =	wrdreg s17  }
0xc6: {  	[dreg:$0x5] =	wrdreg $0x0  }
0xc7: {  	[dreg:$0x6] =	wrdreg $0xA  }
0xc8: {  	_ =	task.clear_ibuf [dreg:s22], $0x7FFFF;
	_ =	strace $0x9000004C  }
0xc9: {  	s29 =	simm.s32 $0xA;
	_ =	strace $0x8000004E  }
0xca: {  	_ =	swait.ge [sflag:s29], $0x1  }
0xcb: {  	[sflag:s29] =	ssyncadd.s32 $0xFFFFFFFF  }
0xcc: {  	_ =	strace $0x9000004E  }
0xcd: {  	_ =	sfence  }
0xce: {  	s30 =	sld [smem:$0x0];
	_ =	sdelay $0x2  }
0xcf: {  	s31 =	sshll.u32 s1, $0xD;
	s1 =	sshrl.u32 s1, $0x2  }
0xd0: {  	s4 =	sand.u32 $0x4000, s31;
	s1 =	sadd.s32 s1, s30  }
0xd1: {  	s0 =	sor.u32 s4, s0;
	s1 =	sshll.u32 s1, $0x11  }
0xd2: {  	s0 =	sor.u32 s1, s0  }
0xd3: {  	s0 =	sadd.s32 $0x8F2B, s0  }
0xd4: {  	[sflag:s0] =	ssyncadd.remote.s32 $0x1  }
0xd5: {  	_ =	sfence.sel $0xFFFF  }
0xd6: {  	[dreg:$0x0] =	wrdreg $0xFFFFFFFF;
	(pc) =	sbr.abs _section_cstart, $3  }
0xd7: {  	[dreg:$0x1] =	wrdreg $0xFFFFFFFF  }
0xd8: {  	_ =	task.clear_ibuf [dreg:s22], $0x2FFFF;
	_ =	strace $0x9FFFFFFF  }
0xd9: {  	(tm) =	ssettm $0x7FFFFFFF  }
tec
execute0_lowered:
.L_overlay_start_1:
0x0: {  	(tag) =	ssettag $0x1  }
0x1: {  	s0 =	rddreg [dreg:$0x0]  }
0x2: {  	s2 =	rddreg [dreg:$0x1]  }
0x3: {  	s5 =	rddreg [dreg:$0x2]  }
0x4: {  	s1 =	rddreg [dreg:$0x3]  }
0x5: {  	s3 =	simm.s32 $0x0;
	s4 =	stileid.u32;
	s10 =	srdreg.scid  }
0x6: {  	s29 =	simm.s32 $0x1B080;
	s30 =	simm.s32 $0x5;
	s6 =	sadd.s32 $0x1890A00, s0  }
0x7: {  	s31 =	simm.s32 $0x6;
	s7 =	sadd.s32 $0x1BBAA00, s0;
	s17 =	smul.u32 $0x2700, s4  }
0x8: {  	[smem:$0x7FF] =	sst s3;
	s8 =	sadd.s32 $0x1EE4A00, s0;
	s12 =	smul.u32 $0x4E000, s4  }
0x9: {  	s9 =	sadd.s32 $0x220EA00, s0;
	s11 =	sadd.s32 $0x58C00, s0;
	s15 =	smul.u32 $0x32A0, s4  }
0xa: {  	s14 =	sand.u32 $0x1, s10;
	s23 =	sadd.s32 $0xAD600, s0;
	s16 =	smul.u32 $0x32A00, s4  }
0xb: {  	_ =	strace $0x8000004D;
	[dreg:$0x6] =	wrdreg s23;
	s24 =	ssub.s32 $0x2, s14  }
0xc: {  	s23 =	smul.u32 $0x654, s4;
	p0 =	sne.s32 s14, $0x0;
	s14 =	simm.s32 $0x18880  }
0xd: {  	s13 =	sadd.s32 s17, s0;
	s0 =	sadd.s32 $0xD4800, s0;
	s25 =	sshrl.u32 s24, $0x1  }
0xe: {  	s26 =	sshrl.u32 s12, $0x2;
	s5 =	sadd.s32 s5, s17;
	[dreg:$0x5] =	wrdreg s17  }
0xf: {  	s12 =	sadd.s32 $0xA0, s15;
	s18 =	sadd.s32 s7, s16;
	[dreg:$0x7] =	wrdreg s0  }
0x10: {  	s19 =	sshrl.u32 s15, $0x3;
	s2 =	sadd.s32 s2, s17;
	[dreg:$0x9] =	wrdreg s5  }
0x11: {  	s0 =	ssub.s32 s24, s25;
	s10 =	sadd.s32 s26, s1;
	[dreg:$0x13] =	wrdreg s2  }
0x12: {  	s20 =	sshll.u32 s12, $0x4;
	s5 =	sshrl.u32 s12, $0x3;
	[dreg:$0xa] =	wrdreg s18  }
0x13: {  	s24 =	sadd.s32 s9, s16;
	s15 =	sadd.s32 $0x86400, s13;
	[dreg:$0x8] =	wrdreg s10  }
0x14: {  	s17 =	sadd.s32 $0x2B400, s13;
	s10 =	sadd.s32 s11, s19;
	[dreg:$0x12] =	wrdreg s15  }
0x15: {  	s7 =	sadd.s32 s7, s20;
	s12 =	sadd.s32 s11, s5;
	[dreg:$0x15] =	wrdreg s17  }
0x16: {  	s21 =	sadd.s32 s6, s20;
	s22 =	sadd.s32 s8, s20;
	[dreg:$0x10] =	wrdreg s24  }
0x17: {  	s9 =	sadd.s32 s9, s20;
	s19 =	sadd.s32 $0x4200, s13;
	[dreg:$0xb] =	wrdreg s7  }
0x18: {  	s25 =	smax.u32 s0, $0x1;
	s20 =	sadd.s32 $0x1E00, s18;
	[dreg:$0xd] =	wrdreg s21  }
0x19: {  	s5 =	simm.s32 $0x7;
	s18 =	simm.s32 $0x1DA00;
	[dreg:$0xf] =	wrdreg s22  }
0x1a: {  	s7 =	sadd.s32 s6, s16;
	s6 =	sadd.s32 s8, s16;
	[dreg:$0x11] =	wrdreg s9  }
0x1b: {  	s21 =	sadd.s32 s23, s11;
	s16 =	sadd.s32 $0x5F200, s13;
	[dreg:$0x16] =	wrdreg s19  }
0x1c: {  	s26 =	sadd.s32 $0xA, s10;
	s28 =	sadd.s32 $0x1E, s10;
	[dreg:$0x17] =	wrdreg s20  }
0x1d: {  	s22 =	sadd.s32 $0x1E00, s24;
	s8 =	simm.s32 $0x1D880;
	s11 =	simm.s32 $0x1D900  }
0x1e: {  	s19 =	simm.s32 $0x1;
	s20 =	simm.s32 $0x3;
	[dreg:$0x14] =	wrdreg s16  }
.Ltmp0:
0x1f: {  	s9 =	simm.s32 $0x4;
	[dreg:$0x18] =	wrdreg s22;
	(pc) =	sbr.rel .LBB2_1-.Ltmp0, $4  }
0x20: {  	s13 =	simm.s32 $0x0;
	[dreg:$0xc] =	wrdreg s7;
	s23 =	sadd.s32 $0x1E00, s7  }
0x21: {  	[dreg:$0xe] =	wrdreg s6;
	s24 =	sadd.s32 $0x1E00, s6;
	s6 =	simm.s32 $0x13880  }
0x22: {  	s16 =	simm.s32 $0x1D980;
	s22 =	simm.s32 $0x50;
	[dreg:$0x19] =	wrdreg s23  }
0x23: {  	[dreg:$0x1a] =	wrdreg s24;
	s23 =	simm.s32 $0x16080;
	s24 =	simm.s32 $0x2  }
.LBB2_14:
0x24: {  	s2 =	rddreg [dreg:$0x7]  }
.LBB2_15:
0x25: {  	_ =	swait.ge [sflag:s19], $0x5000  }
0x26: {  	[sflag:s19] =	ssyncset.done $0x0  }
0x27: {  	[sflag:s19] =	ssyncadd.s32 $0xFFFFB000  }
0x28: {  	_ =	swait.ge [sflag:s20], $0x50  }
0x29: {  	[sflag:s20] =	ssyncset.done $0x0  }
0x2a: {  	[sflag:s20] =	ssyncadd.s32 $0xFFFFFFB0  }
0x2b: {  	_ =	swait.ge [sflag:s20], $0x50  }
0x2c: {  	[sflag:s20] =	ssyncset.done $0x0  }
0x2d: {  	[sflag:s20] =	ssyncadd.s32 $0xFFFFFFB0  }
0x2e: {  	[spmem:s1] =	stream.indirect.scatter.add.f32 [tilespmem:s6], [sflag:$0x5], $0x80, s8, s22, $0xb8;
	[tilespmem:$0x1DA80] =	vst v63  }
0x2f: {  	_ = 	snop  }
0x30: {  	[spmem:s1] =	stream.indirect.scatter.add.f32 [tilespmem:s23], [sflag:$0x5], $0x80, s11, s22, $0xb8;
	[tilespmem:$0x1DA80] =	vst v63  }
0x31: {  	_ =	swait.ge [sflag:s30], $0x2800  }
0x32: {  	[sflag:s30] =	ssyncset.done $0x0  }
0x33: {  	[sflag:s30] =	ssyncadd.s32 $0xFFFFD800  }
0x34: {  	_ =	swait.ge [sflag:s30], $0x2800  }
0x35: {  	[sflag:s30] =	ssyncset.done $0x0  }
0x36: {  	s13 =	sadd.s32 $0x1, s13;
	s4 =	rddreg [dreg:$0x5];
	[sflag:s30] =	ssyncadd.s32 $0xFFFFD800  }
0x37: {  	p1 =	sne.s32 s13, s25;
	s2 =	sadd.s32 s2, s4;
	[bflag:$0x0] =	sbarrier.arrive $0xFFFF  }
0x38: {  	[hbm:s2], [sflag:s15] =	dma.local [spmem:s0], $0x2800  }
.Ltmp1:
0x39: {  	_ =	swait.ge [sflag:s5], $0x2800;
	(pc) =	sbr.rel @!p1 .LBB2_16-.Ltmp1, $3  }
0x3a: {  	[sflag:s5] =	ssyncset.done $0x0  }
0x3b: {  	[sflag:s5] =	ssyncadd.s32 $0xFFFFD800  }
0x3c: {  	[bflag:$0x0] =	sbarrier.arrive $0xFFFF;
	_ =	sdelay $0x1  }
.LBB2_1:
.Ltmp2:
0x3d: {  	(pc) =	sbr.rel @p0 .LBB2_5-.Ltmp2, $4  }
0x3e: {  	_ = 	snop  }
0x3f: {  	s0 =	stileid.u32  }
0x40: {  	s17 =	rddreg [dreg:$0x8];
	s2 =	sshll.u32 s0, $0x6  }
0x41: {  	s0 =	sshrl.u32 s17, $0x3;
	s15 =	sor.u32 $0x1C07, s2  }
0x42: {  	s15 =	sor.u32 $0x1C07, s2;
	s7 =	rddreg [dreg:$0x13]  }
0x43: {  	[spmem:s0], [sflag:s15] =	dma.local [hbm:s7], $0x2800  }
0x44: {  	_ =	swait.ge [sflag:s5], $0x2800  }
0x45: {  	[sflag:s5] =	ssyncset.done $0x0  }
0x46: {  	[sflag:s5] =	ssyncadd.s32 $0xFFFFD800  }
0x47: {  	[bflag:$0x0] =	sbarrier.arrive $0xFFFF  }
0x48: {  	s2 =	simm.s32 $0x0;
	s4 =	rddreg [dreg:$0xc]  }
0x49: {  	[tilespmem:s6], [sflag:$0x1] =	stream.linear.gather [hbm4b:s4+s2], $0x5000, $0x38;
	[tilespmem:$0x1DA80] =	vst v63  }
0x4a: {  	_ = 	snop  }
0x4b: {  	[tilespmem:s8], [sflag:$0x3] =	stream.linear.gather [hbm4b:s10+s2], $0x50, $0x38;
	[tilespmem:$0x1DA80] =	vst v63  }
0x4c: {  	_ = 	snop  }
0x4d: {  	[tilespmem:s11], [sflag:$0x3] =	stream.linear.gather [hbm4b:s26+s2], $0x50, $0x38;
	[tilespmem:$0x1DA80] =	vst v63  }
0x4e: {  	s17 =	rddreg [dreg:$0xd]  }
0x4f: {  	[tilespmem:s14], [sflag:$0x2] =	stream.linear.gather [hbm4b:s17+s2], $0x5000, $0x38;
	[tilespmem:$0x1DA80] =	vst v63  }
0x50: {  	_ = 	snop  }
0x51: {  	[tilespmem:s16], [sflag:$0x4] =	stream.linear.gather [hbm4b:s12+s2], $0x50, $0x38;
	[tilespmem:$0x1DA80] =	vst v63  }
0x52: {  	s17 =	rddreg [dreg:$0x19]  }
0x53: {  	[tilespmem:s18], [sflag:$0x4] =	stream.linear.gather [hbm4b:s28+s2], $0x50, $0x38;
	[tilespmem:$0x1DA80] =	vst v63  }
.LBB2_3:
0x54: {  	_ =	swait.ge [sflag:s19], $0x5000  }
0x55: {  	[sflag:s19] =	ssyncset.done $0x0  }
0x56: {  	[sflag:s19] =	ssyncadd.s32 $0xFFFFB000  }
0x57: {  	_ =	swait.ge [sflag:s20], $0x50  }
0x58: {  	[sflag:s20] =	ssyncset.done $0x0  }
0x59: {  	[sflag:s20] =	ssyncadd.s32 $0xFFFFFFB0  }
0x5a: {  	_ =	swait.ge [sflag:s20], $0x50  }
0x5b: {  	[sflag:s20] =	ssyncset.done $0x0  }
0x5c: {  	[sflag:s20] =	ssyncadd.s32 $0xFFFFFFB0  }
0x5d: {  	[spmem:s1] =	stream.indirect.scatter.add.f32 [tilespmem:s6], [sflag:$0x5], $0x80, s8, s22, $0xb8;
	[tilespmem:$0x1DA80] =	vst v63  }
0x5e: {  	_ = 	snop  }
0x5f: {  	[spmem:s1] =	stream.indirect.scatter.add.f32 [tilespmem:s23], [sflag:$0x5], $0x80, s11, s22, $0xb8;
	[tilespmem:$0x1DA80] =	vst v63  }
0x60: {  	_ =	swait.ge [sflag:s24], $0x5000  }
0x61: {  	[sflag:s24] =	ssyncset.done $0x0  }
0x62: {  	[sflag:s24] =	ssyncadd.s32 $0xFFFFB000  }
0x63: {  	_ =	swait.ge [sflag:s9], $0x50  }
0x64: {  	[sflag:s9] =	ssyncset.done $0x0  }
0x65: {  	[sflag:s9] =	ssyncadd.s32 $0xFFFFFFB0  }
0x66: {  	_ =	swait.ge [sflag:s9], $0x50  }
0x67: {  	[sflag:s9] =	ssyncset.done $0x0  }
0x68: {  	[sflag:s9] =	ssyncadd.s32 $0xFFFFFFB0  }
0x69: {  	[spmem:s1] =	stream.indirect.scatter.add.f32 [tilespmem:s14], [sflag:$0x6], $0x80, s16, s22, $0xb8;
	[tilespmem:$0x1DA80] =	vst v63  }
0x6a: {  	_ = 	snop  }
0x6b: {  	[spmem:s1] =	stream.indirect.scatter.add.f32 [tilespmem:s29], [sflag:$0x6], $0x80, s18, s22, $0xb8;
	[tilespmem:$0x1DA80] =	vst v63  }
0x6c: {  	_ =	swait.ge [sflag:s30], $0x2800  }
0x6d: {  	[sflag:s30] =	ssyncset.done $0x0  }
0x6e: {  	[sflag:s30] =	ssyncadd.s32 $0xFFFFD800  }
0x6f: {  	_ =	swait.ge [sflag:s30], $0x2800  }
0x70: {  	[sflag:s30] =	ssyncset.done $0x0  }
0x71: {  	s7 =	sadd.s32 $0xFFFFF600, s17;
	[sflag:s30] =	ssyncadd.s32 $0xFFFFD800  }
0x72: {  	[tilespmem:s6], [sflag:$0x1] =	stream.linear.gather [hbm4b:s7+s3], $0x5000, $0x38;
	[tilespmem:$0x1DA80] =	vst v63  }
0x73: {  	s7 =	sadd.s32 s2, s21  }
0x74: {  	s4 =	sadd.s32 $0x28, s7  }
0x75: {  	[tilespmem:s8], [sflag:$0x3] =	stream.linear.gather [hbm4b:s4+s3], $0x50, $0x38;
	[tilespmem:$0x1DA80] =	vst v63  }
0x76: {  	s4 =	sadd.s32 $0x32, s7  }
0x77: {  	[tilespmem:s11], [sflag:$0x3] =	stream.linear.gather [hbm4b:s4+s3], $0x50, $0x38;
	[tilespmem:$0x1DA80] =	vst v63  }
0x78: {  	p1 =	seq.s32 s2, $0x618;
	_ =	swait.ge [sflag:s31], $0x2800  }
.Ltmp3:
0x79: {  	[sflag:s31] =	ssyncset.done $0x0;
	(pc) =	sbr.rel @p1 .LBB2_8-.Ltmp3, $4  }
0x7a: {  	[sflag:s31] =	ssyncadd.s32 $0xFFFFD800  }
0x7b: {  	_ =	swait.ge [sflag:s31], $0x2800  }
0x7c: {  	[sflag:s31] =	ssyncset.done $0x0  }
0x7d: {  	[sflag:s31] =	ssyncadd.s32 $0xFFFFD800  }
0x7e: {  	[tilespmem:s14], [sflag:$0x2] =	stream.linear.gather [hbm4b:s17+s3], $0x5000, $0x38;
	[tilespmem:$0x1DA80] =	vst v63  }
.Ltmp4:
0x7f: {  	_ = 	snop;
	(pc) =	sbr.rel .LBB2_3-.Ltmp4, $4  }
0x80: {  	s4 =	sadd.s32 $0x3C, s7  }
0x81: {  	[tilespmem:s16], [sflag:$0x4] =	stream.linear.gather [hbm4b:s4+s3], $0x50, $0x38;
	[tilespmem:$0x1DA80] =	vst v63  }
0x82: {  	s7 =	sadd.s32 $0x46, s7;
	s17 =	sadd.s32 $0x1400, s17;
	s2 =	sadd.s32 $0x28, s2  }
0x83: {  	[tilespmem:s18], [sflag:$0x4] =	stream.linear.gather [hbm4b:s7+s3], $0x50, $0x38;
	[tilespmem:$0x1DA80] =	vst v63  }
.LBB2_5:
0x84: {  	s2 =	rddreg [dreg:$0x9]  }
0x85: {  	[spmem:s0], [sflag:s15] =	dma.local [hbm:s2], $0x2800  }
0x86: {  	_ =	swait.ge [sflag:s5], $0x2800  }
0x87: {  	[sflag:s5] =	ssyncset.done $0x0  }
0x88: {  	[sflag:s5] =	ssyncadd.s32 $0xFFFFD800  }
0x89: {  	[bflag:$0x0] =	sbarrier.arrive $0xFFFF  }
0x8a: {  	s2 =	simm.s32 $0x0;
	s4 =	rddreg [dreg:$0xa]  }
0x8b: {  	[tilespmem:s6], [sflag:$0x1] =	stream.linear.gather [hbm4b:s4+s2], $0x5000, $0x38;
	[tilespmem:$0x1DA80] =	vst v63  }
0x8c: {  	_ = 	snop  }
0x8d: {  	[tilespmem:s8], [sflag:$0x3] =	stream.linear.gather [hbm4b:s10+s2], $0x50, $0x38;
	[tilespmem:$0x1DA80] =	vst v63  }
0x8e: {  	_ = 	snop  }
0x8f: {  	[tilespmem:s11], [sflag:$0x3] =	stream.linear.gather [hbm4b:s26+s2], $0x50, $0x38;
	[tilespmem:$0x1DA80] =	vst v63  }
0x90: {  	s17 =	rddreg [dreg:$0xb]  }
0x91: {  	[tilespmem:s14], [sflag:$0x2] =	stream.linear.gather [hbm4b:s17+s2], $0x5000, $0x38;
	[tilespmem:$0x1DA80] =	vst v63  }
0x92: {  	_ = 	snop  }
0x93: {  	[tilespmem:s16], [sflag:$0x4] =	stream.linear.gather [hbm4b:s12+s2], $0x50, $0x38;
	[tilespmem:$0x1DA80] =	vst v63  }
0x94: {  	s17 =	rddreg [dreg:$0x17]  }
0x95: {  	[tilespmem:s18], [sflag:$0x4] =	stream.linear.gather [hbm4b:s28+s2], $0x50, $0x38;
	[tilespmem:$0x1DA80] =	vst v63  }
.LBB2_6:
0x96: {  	_ =	swait.ge [sflag:s19], $0x5000  }
0x97: {  	[sflag:s19] =	ssyncset.done $0x0  }
0x98: {  	[sflag:s19] =	ssyncadd.s32 $0xFFFFB000  }
0x99: {  	_ =	swait.ge [sflag:s20], $0x50  }
0x9a: {  	[sflag:s20] =	ssyncset.done $0x0  }
0x9b: {  	[sflag:s20] =	ssyncadd.s32 $0xFFFFFFB0  }
0x9c: {  	_ =	swait.ge [sflag:s20], $0x50  }
0x9d: {  	[sflag:s20] =	ssyncset.done $0x0  }
0x9e: {  	[sflag:s20] =	ssyncadd.s32 $0xFFFFFFB0  }
0x9f: {  	[spmem:s1] =	stream.indirect.scatter.add.f32 [tilespmem:s6], [sflag:$0x5], $0x80, s8, s22, $0xb8;
	[tilespmem:$0x1DA80] =	vst v63  }
0xa0: {  	_ = 	snop  }
0xa1: {  	[spmem:s1] =	stream.indirect.scatter.add.f32 [tilespmem:s23], [sflag:$0x5], $0x80, s11, s22, $0xb8;
	[tilespmem:$0x1DA80] =	vst v63  }
0xa2: {  	_ =	swait.ge [sflag:s24], $0x5000  }
0xa3: {  	[sflag:s24] =	ssyncset.done $0x0  }
0xa4: {  	[sflag:s24] =	ssyncadd.s32 $0xFFFFB000  }
0xa5: {  	_ =	swait.ge [sflag:s9], $0x50  }
0xa6: {  	[sflag:s9] =	ssyncset.done $0x0  }
0xa7: {  	[sflag:s9] =	ssyncadd.s32 $0xFFFFFFB0  }
0xa8: {  	_ =	swait.ge [sflag:s9], $0x50  }
0xa9: {  	[sflag:s9] =	ssyncset.done $0x0  }
0xaa: {  	[sflag:s9] =	ssyncadd.s32 $0xFFFFFFB0  }
0xab: {  	[spmem:s1] =	stream.indirect.scatter.add.f32 [tilespmem:s14], [sflag:$0x6], $0x80, s16, s22, $0xb8;
	[tilespmem:$0x1DA80] =	vst v63  }
0xac: {  	_ = 	snop  }
0xad: {  	[spmem:s1] =	stream.indirect.scatter.add.f32 [tilespmem:s29], [sflag:$0x6], $0x80, s18, s22, $0xb8;
	[tilespmem:$0x1DA80] =	vst v63  }
0xae: {  	_ =	swait.ge [sflag:s30], $0x2800  }
0xaf: {  	[sflag:s30] =	ssyncset.done $0x0  }
0xb0: {  	[sflag:s30] =	ssyncadd.s32 $0xFFFFD800  }
0xb1: {  	_ =	swait.ge [sflag:s30], $0x2800  }
0xb2: {  	[sflag:s30] =	ssyncset.done $0x0  }
0xb3: {  	s4 =	sadd.s32 $0xFFFFF600, s17;
	s7 =	sadd.s32 s2, s21;
	[sflag:s30] =	ssyncadd.s32 $0xFFFFD800  }
0xb4: {  	[tilespmem:s6], [sflag:$0x1] =	stream.linear.gather [hbm4b:s4+s3], $0x5000, $0x38;
	[tilespmem:$0x1DA80] =	vst v63  }
0xb5: {  	s4 =	sadd.s32 $0x28, s7  }
0xb6: {  	[tilespmem:s8], [sflag:$0x3] =	stream.linear.gather [hbm4b:s4+s3], $0x50, $0x38;
	[tilespmem:$0x1DA80] =	vst v63  }
0xb7: {  	s4 =	sadd.s32 $0x32, s7  }
0xb8: {  	[tilespmem:s11], [sflag:$0x3] =	stream.linear.gather [hbm4b:s4+s3], $0x50, $0x38;
	[tilespmem:$0x1DA80] =	vst v63  }
0xb9: {  	p1 =	seq.s32 s2, $0x618;
	_ =	swait.ge [sflag:s31], $0x2800  }
.Ltmp5:
0xba: {  	[sflag:s31] =	ssyncset.done $0x0;
	(pc) =	sbr.rel @p1 .LBB2_12-.Ltmp5, $4  }
0xbb: {  	[sflag:s31] =	ssyncadd.s32 $0xFFFFD800  }
0xbc: {  	_ =	swait.ge [sflag:s31], $0x2800  }
0xbd: {  	[sflag:s31] =	ssyncset.done $0x0  }
0xbe: {  	[sflag:s31] =	ssyncadd.s32 $0xFFFFD800  }
0xbf: {  	[tilespmem:s14], [sflag:$0x2] =	stream.linear.gather [hbm4b:s17+s3], $0x5000, $0x38;
	[tilespmem:$0x1DA80] =	vst v63  }
.Ltmp6:
0xc0: {  	_ = 	snop;
	(pc) =	sbr.rel .LBB2_6-.Ltmp6, $4  }
0xc1: {  	s4 =	sadd.s32 $0x3C, s7  }
0xc2: {  	[tilespmem:s16], [sflag:$0x4] =	stream.linear.gather [hbm4b:s4+s3], $0x50, $0x38;
	[tilespmem:$0x1DA80] =	vst v63  }
0xc3: {  	s7 =	sadd.s32 $0x46, s7;
	s17 =	sadd.s32 $0x1400, s17;
	s2 =	sadd.s32 $0x28, s2  }
0xc4: {  	[tilespmem:s18], [sflag:$0x4] =	stream.linear.gather [hbm4b:s7+s3], $0x50, $0x38;
	[tilespmem:$0x1DA80] =	vst v63  }
.LBB2_8:
0xc5: {  	_ =	swait.ge [sflag:s19], $0x5000  }
0xc6: {  	[sflag:s19] =	ssyncset.done $0x0  }
0xc7: {  	[sflag:s19] =	ssyncadd.s32 $0xFFFFB000  }
0xc8: {  	_ =	swait.ge [sflag:s20], $0x50  }
0xc9: {  	[sflag:s20] =	ssyncset.done $0x0  }
0xca: {  	[sflag:s20] =	ssyncadd.s32 $0xFFFFFFB0  }
0xcb: {  	_ =	swait.ge [sflag:s20], $0x50  }
0xcc: {  	[sflag:s20] =	ssyncset.done $0x0  }
0xcd: {  	[sflag:s20] =	ssyncadd.s32 $0xFFFFFFB0  }
0xce: {  	[spmem:s1] =	stream.indirect.scatter.add.f32 [tilespmem:s6], [sflag:$0x5], $0x80, s8, s22, $0xb8;
	[tilespmem:$0x1DA80] =	vst v63  }
0xcf: {  	_ = 	snop  }
0xd0: {  	[spmem:s1] =	stream.indirect.scatter.add.f32 [tilespmem:s23], [sflag:$0x5], $0x80, s11, s22, $0xb8;
	[tilespmem:$0x1DA80] =	vst v63  }
0xd1: {  	_ =	swait.ge [sflag:s30], $0x2800  }
0xd2: {  	[sflag:s30] =	ssyncset.done $0x0  }
0xd3: {  	[sflag:s30] =	ssyncadd.s32 $0xFFFFD800  }
0xd4: {  	_ =	swait.ge [sflag:s30], $0x2800  }
0xd5: {  	[sflag:s30] =	ssyncset.done $0x0  }
0xd6: {  	[sflag:s30] =	ssyncadd.s32 $0xFFFFD800  }
0xd7: {  	[bflag:$0x0] =	sbarrier.arrive $0xFFFF  }
0xd8: {  	s2 =	rddreg [dreg:$0x14]  }
0xd9: {  	[hbm:s2], [sflag:s15] =	dma.local [spmem:s0], $0x2800  }
0xda: {  	_ =	swait.ge [sflag:s5], $0x2800  }
0xdb: {  	[sflag:s5] =	ssyncset.done $0x0  }
0xdc: {  	[sflag:s5] =	ssyncadd.s32 $0xFFFFD800  }
0xdd: {  	[bflag:$0x0] =	sbarrier.arrive $0xFFFF  }
0xde: {  	s7 =	rddreg [dreg:$0x15]  }
0xdf: {  	[spmem:s0], [sflag:s15] =	dma.local [hbm:s7], $0x2800  }
0xe0: {  	_ =	swait.ge [sflag:s5], $0x2800  }
0xe1: {  	[sflag:s5] =	ssyncset.done $0x0  }
0xe2: {  	[sflag:s5] =	ssyncadd.s32 $0xFFFFD800  }
0xe3: {  	[bflag:$0x0] =	sbarrier.arrive $0xFFFF  }
0xe4: {  	s2 =	simm.s32 $0x0;
	s4 =	rddreg [dreg:$0xe]  }
0xe5: {  	[tilespmem:s6], [sflag:$0x1] =	stream.linear.gather [hbm4b:s4+s2], $0x5000, $0x38;
	[tilespmem:$0x1DA80] =	vst v63  }
0xe6: {  	_ = 	snop  }
0xe7: {  	[tilespmem:s8], [sflag:$0x3] =	stream.linear.gather [hbm4b:s10+s2], $0x50, $0x38;
	[tilespmem:$0x1DA80] =	vst v63  }
0xe8: {  	_ = 	snop  }
0xe9: {  	[tilespmem:s11], [sflag:$0x3] =	stream.linear.gather [hbm4b:s26+s2], $0x50, $0x38;
	[tilespmem:$0x1DA80] =	vst v63  }
0xea: {  	s17 =	rddreg [dreg:$0xf]  }
0xeb: {  	[tilespmem:s14], [sflag:$0x2] =	stream.linear.gather [hbm4b:s17+s2], $0x5000, $0x38;
	[tilespmem:$0x1DA80] =	vst v63  }
0xec: {  	_ = 	snop  }
0xed: {  	[tilespmem:s16], [sflag:$0x4] =	stream.linear.gather [hbm4b:s12+s2], $0x50, $0x38;
	[tilespmem:$0x1DA80] =	vst v63  }
0xee: {  	s17 =	rddreg [dreg:$0x1a]  }
0xef: {  	[tilespmem:s18], [sflag:$0x4] =	stream.linear.gather [hbm4b:s28+s2], $0x50, $0x38;
	[tilespmem:$0x1DA80] =	vst v63  }
.LBB2_9:
0xf0: {  	_ =	swait.ge [sflag:s19], $0x5000  }
0xf1: {  	[sflag:s19] =	ssyncset.done $0x0  }
0xf2: {  	[sflag:s19] =	ssyncadd.s32 $0xFFFFB000  }
0xf3: {  	_ =	swait.ge [sflag:s20], $0x50  }
0xf4: {  	[sflag:s20] =	ssyncset.done $0x0  }
0xf5: {  	[sflag:s20] =	ssyncadd.s32 $0xFFFFFFB0  }
0xf6: {  	_ =	swait.ge [sflag:s20], $0x50  }
0xf7: {  	[sflag:s20] =	ssyncset.done $0x0  }
0xf8: {  	[sflag:s20] =	ssyncadd.s32 $0xFFFFFFB0  }
0xf9: {  	[spmem:s1] =	stream.indirect.scatter.add.f32 [tilespmem:s6], [sflag:$0x5], $0x80, s8, s22, $0xb8;
	[tilespmem:$0x1DA80] =	vst v63  }
0xfa: {  	_ = 	snop  }
0xfb: {  	[spmem:s1] =	stream.indirect.scatter.add.f32 [tilespmem:s23], [sflag:$0x5], $0x80, s11, s22, $0xb8;
	[tilespmem:$0x1DA80] =	vst v63  }
0xfc: {  	_ =	swait.ge [sflag:s24], $0x5000  }
0xfd: {  	[sflag:s24] =	ssyncset.done $0x0  }
0xfe: {  	[sflag:s24] =	ssyncadd.s32 $0xFFFFB000  }
0xff: {  	_ =	swait.ge [sflag:s9], $0x50  }
0x100: {  	[sflag:s9] =	ssyncset.done $0x0  }
0x101: {  	[sflag:s9] =	ssyncadd.s32 $0xFFFFFFB0  }
0x102: {  	_ =	swait.ge [sflag:s9], $0x50  }
0x103: {  	[sflag:s9] =	ssyncset.done $0x0  }
0x104: {  	[sflag:s9] =	ssyncadd.s32 $0xFFFFFFB0  }
0x105: {  	[spmem:s1] =	stream.indirect.scatter.add.f32 [tilespmem:s14], [sflag:$0x6], $0x80, s16, s22, $0xb8;
	[tilespmem:$0x1DA80] =	vst v63  }
0x106: {  	_ = 	snop  }
0x107: {  	[spmem:s1] =	stream.indirect.scatter.add.f32 [tilespmem:s29], [sflag:$0x6], $0x80, s18, s22, $0xb8;
	[tilespmem:$0x1DA80] =	vst v63  }
0x108: {  	_ =	swait.ge [sflag:s30], $0x2800  }
0x109: {  	[sflag:s30] =	ssyncset.done $0x0  }
0x10a: {  	[sflag:s30] =	ssyncadd.s32 $0xFFFFD800  }
0x10b: {  	_ =	swait.ge [sflag:s30], $0x2800  }
0x10c: {  	[sflag:s30] =	ssyncset.done $0x0  }
0x10d: {  	s4 =	sadd.s32 $0xFFFFF600, s17;
	s7 =	sadd.s32 s2, s21;
	[sflag:s30] =	ssyncadd.s32 $0xFFFFD800  }
0x10e: {  	[tilespmem:s6], [sflag:$0x1] =	stream.linear.gather [hbm4b:s4+s3], $0x5000, $0x38;
	[tilespmem:$0x1DA80] =	vst v63  }
0x10f: {  	s4 =	sadd.s32 $0x28, s7  }
0x110: {  	[tilespmem:s8], [sflag:$0x3] =	stream.linear.gather [hbm4b:s4+s3], $0x50, $0x38;
	[tilespmem:$0x1DA80] =	vst v63  }
0x111: {  	s4 =	sadd.s32 $0x32, s7  }
0x112: {  	[tilespmem:s11], [sflag:$0x3] =	stream.linear.gather [hbm4b:s4+s3], $0x50, $0x38;
	[tilespmem:$0x1DA80] =	vst v63  }
0x113: {  	p1 =	seq.s32 s2, $0x618;
	_ =	swait.ge [sflag:s31], $0x2800  }
.Ltmp7:
0x114: {  	[sflag:s31] =	ssyncset.done $0x0;
	(pc) =	sbr.rel @p1 .LBB2_10-.Ltmp7, $4  }
0x115: {  	[sflag:s31] =	ssyncadd.s32 $0xFFFFD800  }
0x116: {  	_ =	swait.ge [sflag:s31], $0x2800  }
0x117: {  	[sflag:s31] =	ssyncset.done $0x0  }
0x118: {  	[sflag:s31] =	ssyncadd.s32 $0xFFFFD800  }
0x119: {  	[tilespmem:s14], [sflag:$0x2] =	stream.linear.gather [hbm4b:s17+s3], $0x5000, $0x38;
	[tilespmem:$0x1DA80] =	vst v63  }
.Ltmp8:
0x11a: {  	_ = 	snop;
	(pc) =	sbr.rel .LBB2_9-.Ltmp8, $4  }
0x11b: {  	s4 =	sadd.s32 $0x3C, s7  }
0x11c: {  	[tilespmem:s16], [sflag:$0x4] =	stream.linear.gather [hbm4b:s4+s3], $0x50, $0x38;
	[tilespmem:$0x1DA80] =	vst v63  }
0x11d: {  	s7 =	sadd.s32 $0x46, s7;
	s17 =	sadd.s32 $0x1400, s17;
	s2 =	sadd.s32 $0x28, s2  }
0x11e: {  	[tilespmem:s18], [sflag:$0x4] =	stream.linear.gather [hbm4b:s7+s3], $0x50, $0x38;
	[tilespmem:$0x1DA80] =	vst v63  }
.LBB2_12:
0x11f: {  	_ =	swait.ge [sflag:s19], $0x5000  }
0x120: {  	[sflag:s19] =	ssyncset.done $0x0  }
0x121: {  	[sflag:s19] =	ssyncadd.s32 $0xFFFFB000  }
0x122: {  	_ =	swait.ge [sflag:s20], $0x50  }
0x123: {  	[sflag:s20] =	ssyncset.done $0x0  }
0x124: {  	[sflag:s20] =	ssyncadd.s32 $0xFFFFFFB0  }
0x125: {  	_ =	swait.ge [sflag:s20], $0x50  }
0x126: {  	[sflag:s20] =	ssyncset.done $0x0  }
0x127: {  	[sflag:s20] =	ssyncadd.s32 $0xFFFFFFB0  }
0x128: {  	[spmem:s1] =	stream.indirect.scatter.add.f32 [tilespmem:s6], [sflag:$0x5], $0x80, s8, s22, $0xb8;
	[tilespmem:$0x1DA80] =	vst v63  }
0x129: {  	_ = 	snop  }
0x12a: {  	[spmem:s1] =	stream.indirect.scatter.add.f32 [tilespmem:s23], [sflag:$0x5], $0x80, s11, s22, $0xb8;
	[tilespmem:$0x1DA80] =	vst v63  }
0x12b: {  	_ =	swait.ge [sflag:s30], $0x2800  }
0x12c: {  	[sflag:s30] =	ssyncset.done $0x0  }
0x12d: {  	[sflag:s30] =	ssyncadd.s32 $0xFFFFD800  }
0x12e: {  	_ =	swait.ge [sflag:s30], $0x2800  }
0x12f: {  	[sflag:s30] =	ssyncset.done $0x0  }
0x130: {  	[sflag:s30] =	ssyncadd.s32 $0xFFFFD800  }
0x131: {  	[bflag:$0x0] =	sbarrier.arrive $0xFFFF  }
0x132: {  	s2 =	rddreg [dreg:$0x12]  }
0x133: {  	[hbm:s2], [sflag:s15] =	dma.local [spmem:s0], $0x2800  }
0x134: {  	_ =	swait.ge [sflag:s5], $0x2800  }
0x135: {  	[sflag:s5] =	ssyncset.done $0x0  }
0x136: {  	[sflag:s5] =	ssyncadd.s32 $0xFFFFD800  }
0x137: {  	[bflag:$0x0] =	sbarrier.arrive $0xFFFF  }
0x138: {  	s7 =	rddreg [dreg:$0x16]  }
0x139: {  	[spmem:s0], [sflag:s15] =	dma.local [hbm:s7], $0x2800  }
0x13a: {  	_ =	swait.ge [sflag:s5], $0x2800  }
0x13b: {  	[sflag:s5] =	ssyncset.done $0x0  }
0x13c: {  	[sflag:s5] =	ssyncadd.s32 $0xFFFFD800  }
0x13d: {  	[bflag:$0x0] =	sbarrier.arrive $0xFFFF  }
0x13e: {  	s2 =	simm.s32 $0x0;
	s4 =	rddreg [dreg:$0x10]  }
0x13f: {  	[tilespmem:s6], [sflag:$0x1] =	stream.linear.gather [hbm4b:s4+s2], $0x5000, $0x38;
	[tilespmem:$0x1DA80] =	vst v63  }
0x140: {  	_ = 	snop  }
0x141: {  	[tilespmem:s8], [sflag:$0x3] =	stream.linear.gather [hbm4b:s10+s2], $0x50, $0x38;
	[tilespmem:$0x1DA80] =	vst v63  }
0x142: {  	_ = 	snop  }
0x143: {  	[tilespmem:s11], [sflag:$0x3] =	stream.linear.gather [hbm4b:s26+s2], $0x50, $0x38;
	[tilespmem:$0x1DA80] =	vst v63  }
0x144: {  	s17 =	rddreg [dreg:$0x11]  }
0x145: {  	[tilespmem:s14], [sflag:$0x2] =	stream.linear.gather [hbm4b:s17+s2], $0x5000, $0x38;
	[tilespmem:$0x1DA80] =	vst v63  }
0x146: {  	_ = 	snop  }
0x147: {  	[tilespmem:s16], [sflag:$0x4] =	stream.linear.gather [hbm4b:s12+s2], $0x50, $0x38;
	[tilespmem:$0x1DA80] =	vst v63  }
0x148: {  	s17 =	rddreg [dreg:$0x18]  }
0x149: {  	[tilespmem:s18], [sflag:$0x4] =	stream.linear.gather [hbm4b:s28+s2], $0x50, $0x38;
	[tilespmem:$0x1DA80] =	vst v63  }
.LBB2_13:
0x14a: {  	_ =	swait.ge [sflag:s19], $0x5000  }
0x14b: {  	[sflag:s19] =	ssyncset.done $0x0  }
0x14c: {  	[sflag:s19] =	ssyncadd.s32 $0xFFFFB000  }
0x14d: {  	_ =	swait.ge [sflag:s20], $0x50  }
0x14e: {  	[sflag:s20] =	ssyncset.done $0x0  }
0x14f: {  	[sflag:s20] =	ssyncadd.s32 $0xFFFFFFB0  }
0x150: {  	_ =	swait.ge [sflag:s20], $0x50  }
0x151: {  	[sflag:s20] =	ssyncset.done $0x0  }
0x152: {  	[sflag:s20] =	ssyncadd.s32 $0xFFFFFFB0  }
0x153: {  	[spmem:s1] =	stream.indirect.scatter.add.f32 [tilespmem:s6], [sflag:$0x5], $0x80, s8, s22, $0xb8;
	[tilespmem:$0x1DA80] =	vst v63  }
0x154: {  	_ = 	snop  }
0x155: {  	[spmem:s1] =	stream.indirect.scatter.add.f32 [tilespmem:s23], [sflag:$0x5], $0x80, s11, s22, $0xb8;
	[tilespmem:$0x1DA80] =	vst v63  }
0x156: {  	_ =	swait.ge [sflag:s24], $0x5000  }
0x157: {  	[sflag:s24] =	ssyncset.done $0x0  }
0x158: {  	[sflag:s24] =	ssyncadd.s32 $0xFFFFB000  }
0x159: {  	_ =	swait.ge [sflag:s9], $0x50  }
0x15a: {  	[sflag:s9] =	ssyncset.done $0x0  }
0x15b: {  	[sflag:s9] =	ssyncadd.s32 $0xFFFFFFB0  }
0x15c: {  	_ =	swait.ge [sflag:s9], $0x50  }
0x15d: {  	[sflag:s9] =	ssyncset.done $0x0  }
0x15e: {  	[sflag:s9] =	ssyncadd.s32 $0xFFFFFFB0  }
0x15f: {  	[spmem:s1] =	stream.indirect.scatter.add.f32 [tilespmem:s14], [sflag:$0x6], $0x80, s16, s22, $0xb8;
	[tilespmem:$0x1DA80] =	vst v63  }
0x160: {  	_ = 	snop  }
0x161: {  	[spmem:s1] =	stream.indirect.scatter.add.f32 [tilespmem:s29], [sflag:$0x6], $0x80, s18, s22, $0xb8;
	[tilespmem:$0x1DA80] =	vst v63  }
0x162: {  	_ =	swait.ge [sflag:s30], $0x2800  }
0x163: {  	[sflag:s30] =	ssyncset.done $0x0  }
0x164: {  	[sflag:s30] =	ssyncadd.s32 $0xFFFFD800  }
0x165: {  	_ =	swait.ge [sflag:s30], $0x2800  }
0x166: {  	[sflag:s30] =	ssyncset.done $0x0  }
0x167: {  	s4 =	sadd.s32 $0xFFFFF600, s17;
	s7 =	sadd.s32 s2, s21;
	[sflag:s30] =	ssyncadd.s32 $0xFFFFD800  }
0x168: {  	[tilespmem:s6], [sflag:$0x1] =	stream.linear.gather [hbm4b:s4+s3], $0x5000, $0x38;
	[tilespmem:$0x1DA80] =	vst v63  }
0x169: {  	s4 =	sadd.s32 $0x28, s7  }
0x16a: {  	[tilespmem:s8], [sflag:$0x3] =	stream.linear.gather [hbm4b:s4+s3], $0x50, $0x38;
	[tilespmem:$0x1DA80] =	vst v63  }
0x16b: {  	s4 =	sadd.s32 $0x32, s7  }
0x16c: {  	[tilespmem:s11], [sflag:$0x3] =	stream.linear.gather [hbm4b:s4+s3], $0x50, $0x38;
	[tilespmem:$0x1DA80] =	vst v63  }
0x16d: {  	p1 =	seq.s32 s2, $0x618;
	_ =	swait.ge [sflag:s31], $0x2800  }
.Ltmp9:
0x16e: {  	[sflag:s31] =	ssyncset.done $0x0;
	(pc) =	sbr.rel @p1 .LBB2_14-.Ltmp9, $4  }
0x16f: {  	[sflag:s31] =	ssyncadd.s32 $0xFFFFD800  }
0x170: {  	_ =	swait.ge [sflag:s31], $0x2800  }
0x171: {  	[sflag:s31] =	ssyncset.done $0x0  }
0x172: {  	[sflag:s31] =	ssyncadd.s32 $0xFFFFD800  }
0x173: {  	[tilespmem:s14], [sflag:$0x2] =	stream.linear.gather [hbm4b:s17+s3], $0x5000, $0x38;
	[tilespmem:$0x1DA80] =	vst v63  }
.Ltmp10:
0x174: {  	_ = 	snop;
	(pc) =	sbr.rel .LBB2_13-.Ltmp10, $4  }
0x175: {  	s4 =	sadd.s32 $0x3C, s7  }
0x176: {  	[tilespmem:s16], [sflag:$0x4] =	stream.linear.gather [hbm4b:s4+s3], $0x50, $0x38;
	[tilespmem:$0x1DA80] =	vst v63  }
0x177: {  	s7 =	sadd.s32 $0x46, s7;
	s17 =	sadd.s32 $0x1400, s17;
	s2 =	sadd.s32 $0x28, s2  }
0x178: {  	[tilespmem:s18], [sflag:$0x4] =	stream.linear.gather [hbm4b:s7+s3], $0x50, $0x38;
	[tilespmem:$0x1DA80] =	vst v63  }
.LBB2_10:
.Ltmp11:
0x179: {  	(pc) =	sbr.rel .LBB2_15-.Ltmp11, $2  }
0x17a: {  	_ =	sdelay $0x2  }
0x17b: {  	s2 =	rddreg [dreg:$0x6]  }
.LBB2_16:
0x17c: {  	_ =	sfence.sel $0x180000  }
0x17d: {  	[bflag:$0x0] =	sbarrier.arrive $0xFFFF  }
0x17e: {  	_ =	strace $0x9000004D  }
0x17f: {  	s0 =	stileid.u32;
	[bflag:$0x2] =	sbarrier.arrive $0xFFFF  }
0x180: {  	p0 =	sne.s32 s0, $0x0;
	s0 =	rddreg [dreg:$0x4]  }
0x181: {  	s0 =	sadd.s32 @!p0 $0x100000, s0  }
0x182: {  	[sflag:s0] =	ssyncadd.tile.s32 @!p0 $0x1;
	_ =	shalt  }
.Lfunc_end2:
_tile_overlayer_lowered:
.L_overlay_start_2:
0x183: {  	(tag) =	ssettag $0x2  }
0x184: {  	s0 =	rddreg [dreg:$0x0];
	s2 =	stileid.u32  }
0x185: {  	s1 =	rddreg [dreg:$0x1];
	p0 =	sne.s32 s2, $0x0  }
0x186: {  	s3 =	rddreg [dreg:$0x2];
	[bflag:$0x3] =	sbarrier.arrive $0xFFFF;
	s2 =	simm.s32 @!p0 $0x1C07  }
0x187: {  	[timem:s3], [sflag:s2] =	dma.local @!p0 [hbm:s0], s1  }
0x188: {  	s0 =	simm.s32 @!p0 $0x7  }
0x189: {  	_ =	swait.ge @!p0 [sflag:s0], s1  }
0x18a: {  	s1 =	ssub.s32 @!p0 $0x0, s1;
	[sflag:s0] =	ssyncset.done @!p0 $0x0  }
0x18b: {  	[sflag:s0] =	ssyncadd.s32 @!p0 s1  }
0x18c: {  	[bflag:$0x3] =	sbarrier.arrive $0xFFFF  }
0x18d: {  	_ =	shalt  }

// kernel: kernel.18.cloned.1.call-start
scs
__scs_entry_jumppad:
0x0: {  	(pc) =	sbr.rel $0x88, $3  }
0x1: {  	(tag) =	ssettag $0x0;
	lr =	simm.s32 $0x1  }
0x2: {  	[smem:$0x3F95] =	sst lr;
	_ =	strace $0xD0000000  }
0x3: {  	_ = 	snop  }
0x4: {  	_ = 	snop  }
0x5: {  	_ = 	snop  }
0x6: {  	_ = 	snop  }
0x7: {  	_ = 	snop  }
__scs_overlays_trampoline_lowered:
0x8: {  	[smem:$0x3FA4] =	sst s0  }
0x9: {  	[smem:$0x3FA5] =	sst s1  }
0xa: {  	[smem:$0x3FA6] =	sst s2  }
0xb: {  	[smem:$0x3FA7] =	sst s3  }
0xc: {  	[smem:$0x3FA8] =	sst s4  }
0xd: {  	[smem:$0x3FA9] =	sst s5  }
0xe: {  	[smem:$0x3FAA] =	sst s6  }
0xf: {  	[smem:$0x3FAB] =	sst s7  }
0x10: {  	[smem:$0x3FAC] =	sst s8  }
0x11: {  	[smem:$0x3FAD] =	sst s9;
	s0 =	simm.s32 @!p0 $0x0  }
0x12: {  	s1 =	sld [smem:$0x3F93];
	s0 =	simm.s32 @p0 $0x1  }
0x13: {  	[smem:$0x3FAE] =	sst s0;
	s0 =	simm.s32 @!p1 $0x0  }
0x14: {  	s2 =	sld [smem:$0x3F92];
	s0 =	simm.s32 @p1 $0x1  }
0x15: {  	[smem:$0x3FAF] =	sst s0;
	s0 =	simm.s32 @!p2 $0x0  }
0x16: {  	s3 =	sld [smem:$0x3FDB];
	s0 =	simm.s32 @p2 $0x1  }
0x17: {  	s4 =	simm.s32 $0x1BF5;
	[smem:$0x3FB1] =	sst s0  }
0x18: {  	s0 =	sld [smem:$0x3F94];
	_ =	swait.ge [sflag:s4], $0x0  }
0x19: {  	s7 =	sld [smem:$0x3F95]  }
0x1a: {  	s8 =	sadd.s32 $0xFFFFE003, lr  }
0x1b: {  	s9 =	sadd.s32 $0xFFFFFEF7, lr;
	s5 =	simm.s32 $0xFFFFFFFF;
	p2 =	slt.u32 s8, $0xFFFFF086  }
0x1c: {  	p1 =	slt.u32 s9, $0xF7A;
	s5 =	simm.s32 @!p2 $0x0  }
0x1d: {  	s5 =	simm.s32 @p1 $0x1;
	p0 =	seq.s32 s7, s2  }
0x1e: {  	s7 =	smul.u32 @!p0 $0xF7A, s2;
	p2 =	seq.s32 @!p0 s5, $0x0  }
0x1f: {  	s9 =	smul.u32 $0xF7A, s1;
	s8 =	simm.s32 @!p0 $0x1BF5;
	p2 =	por !p2, p0  }
0x20: {  	[sflag:s8] =	ssyncset.s32 @!p0 $0xFFFFF086;
	s6 =	sadd.s32 @!p0 s3, s7;
	s7 =	simm.s32 @!p0 $0x108  }
0x21: {  	s3 =	sadd.s32 s3, s9;
	s6 =	sadd.s32 @!p0 $0x88, s6;
	s7 =	simm.s32 @p2 $0x1082  }
0x22: {  	[simem:s7], [sflag:s8] =	dma.local @!p0 [hbm:s6], $0xF7A  }
0x23: {  	s9 =	sor.u32 $0xD0000000, s2;
	s6 =	simm.s32 $0x108;
	_ =	swait.ge @!p0 [sflag:s8], $0x0  }
0x24: {  	s3 =	sadd.s32 $0x88, s3;
	s6 =	simm.s32 @!p1 $0x1082;
	[sflag:s4] =	ssyncset.s32 $0xFFFFF086  }
0x25: {  	[simem:s6], [sflag:s4] =	dma.local [hbm:s3], $0xF7A  }
0x26: {  	[smem:$0x3F95] =	sst s1;
	(tag) =	ssettag s2;
	_ =	strace s9  }
0x27: {  	s1 =	sld [smem:$0x3FA5]  }
0x28: {  	s2 =	sld [smem:$0x3FA6]  }
0x29: {  	s4 =	sld [smem:$0x3FA8]  }
0x2a: {  	p0 =	seq.s32 s5, $0x0;
	s5 =	sld [smem:$0x3FA9]  }
0x2b: {  	s6 =	sld [smem:$0x3FAA]  }
0x2c: {  	s7 =	sld [smem:$0x3FAB]  }
0x2d: {  	s3 =	simm.s32 $0x108;
	s8 =	sld [smem:$0x3FAC]  }
0x2e: {  	s3 =	simm.s32 @!p0 $0x1082;
	s9 =	sld [smem:$0x3FAD]  }
0x2f: {  	lr =	sadd.s32 s0, s3;
	s0 =	sld [smem:$0x3FA4]  }
0x30: {  	s3 =	sld [smem:$0x3FA7]  }
0x31: {  	[smem:$0x3FB0] =	sst s10  }
0x32: {  	s10 =	sld [smem:$0x3FAE];
	_ =	sdelay $0x3  }
0x33: {  	p0 =	seq.s32 s10, $0x1;
	s10 =	sld [smem:$0x3FB0];
	_ =	sdelay $0x3  }
0x34: {  	[smem:$0x3FB0] =	sst s10  }
0x35: {  	s10 =	sld [smem:$0x3FAF];
	_ =	sdelay $0x3  }
0x36: {  	p1 =	seq.s32 s10, $0x1;
	s10 =	sld [smem:$0x3FB0];
	_ =	sdelay $0x3  }
0x37: {  	[smem:$0x3FB0] =	sst s10  }
0x38: {  	s10 =	sld [smem:$0x3FB1]  }
0x39: {  	_ = 	snop;
	(pc) =	sbr.ind lr, $3  }
0x3a: {  	_ = 	snop  }
0x3b: {  	_ = 	snop  }
0x3c: {  	p2 =	seq.s32 s10, $0x1;
	s10 =	sld [smem:$0x3FB0]  }
0x3d: {  	_ =	shalt  }
0x3e: {  	_ =	shalt  }
0x3f: {  	_ =	shalt  }
0x40: {  	_ =	shalt  }
0x41: {  	_ =	shalt  }
0x42: {  	_ =	shalt  }
0x43: {  	_ =	shalt  }
0x44: {  	_ =	shalt  }
0x45: {  	_ =	shalt  }
0x46: {  	_ =	shalt  }
0x47: {  	_ =	shalt  }
0x48: {  	_ =	shalt  }
0x49: {  	_ =	shalt  }
0x4a: {  	_ =	shalt  }
0x4b: {  	_ =	shalt  }
0x4c: {  	_ =	shalt  }
0x4d: {  	_ =	shalt  }
0x4e: {  	_ =	shalt  }
0x4f: {  	_ =	shalt  }
0x50: {  	_ =	shalt  }
0x51: {  	_ =	shalt  }
0x52: {  	_ =	shalt  }
0x53: {  	_ =	shalt  }
0x54: {  	_ =	shalt  }
0x55: {  	_ =	shalt  }
0x56: {  	_ =	shalt  }
0x57: {  	_ =	shalt  }
0x58: {  	_ =	shalt  }
0x59: {  	_ =	shalt  }
0x5a: {  	_ =	shalt  }
0x5b: {  	_ =	shalt  }
0x5c: {  	_ =	shalt  }
0x5d: {  	_ =	shalt  }
0x5e: {  	_ =	shalt  }
0x5f: {  	_ =	shalt  }
0x60: {  	_ =	shalt  }
0x61: {  	_ =	shalt  }
0x62: {  	_ =	shalt  }
0x63: {  	_ =	shalt  }
0x64: {  	_ =	shalt  }
0x65: {  	_ =	shalt  }
0x66: {  	_ =	shalt  }
0x67: {  	_ =	shalt  }
0x68: {  	_ =	shalt  }
0x69: {  	_ =	shalt  }
0x6a: {  	_ =	shalt  }
0x6b: {  	_ =	shalt  }
0x6c: {  	_ =	shalt  }
0x6d: {  	_ =	shalt  }
0x6e: {  	_ =	shalt  }
0x6f: {  	_ =	shalt  }
0x70: {  	_ =	shalt  }
0x71: {  	_ =	shalt  }
0x72: {  	_ =	shalt  }
0x73: {  	_ =	shalt  }
0x74: {  	_ =	shalt  }
0x75: {  	_ =	shalt  }
0x76: {  	_ =	shalt  }
0x77: {  	_ =	shalt  }
0x78: {  	_ =	shalt  }
0x79: {  	_ =	shalt  }
0x7a: {  	_ =	shalt  }
0x7b: {  	_ =	shalt  }
0x7c: {  	_ =	shalt  }
0x7d: {  	_ =	shalt  }
0x7e: {  	_ =	shalt  }
0x7f: {  	_ =	shalt  }
0x80: {  	_ =	shalt  }
0x81: {  	_ =	shalt  }
0x82: {  	_ =	shalt  }
0x83: {  	_ =	shalt  }
0x84: {  	_ =	shalt  }
0x85: {  	_ =	shalt  }
0x86: {  	_ =	shalt  }
0x87: {  	_ =	shalt  }
.Lfunc_end0:
.L_simem_size_0:
called_computation.3_lowered:
.L_overlay_start_0:
0x88: {  	s2 =	sld [smem:$0x3FD9]  }
0x89: {  	s3 =	sld [smem:$0x3FFE];
	_ =	sdelay $0x1  }
0x8a: {  	s1 =	srdreg.scid  }
0x8b: {  	s0 =	sand.u32 $0x1, s1  }
0x8c: {  	s14 =	sshll.u32 s0, $0xA;
	s2 =	sadd.s32 s3, s2  }
0x8d: {  	s2 =	sadd.s32 s2, s14  }
0x8e: {  	[smem:$0x3FBC] =	sst s2  }
0x8f: {  	_ = 	snop  }
0x90: {  	s2 =	sld [smem:$0x3FD0];
	_ =	sdelay $0x2  }
0x91: {  	s15 =	simm.s32 $0xB;
	s4 =	simm.s32 $0x10  }
0x92: {  	[smem:s4], [sflag:s15] =	dma.local [hbm:s2], $0x1  }
0x93: {  	_ =	swait.eq [sflag:s15], $0x1  }
0x94: {  	[sflag:s15] =	ssyncset.done $0x0  }
0x95: {  	[sflag:s15] =	ssyncadd.s32 $0xFFFFFFFF  }
0x96: {  	s16 =	sld [smem:$0x10];
	(tm) =	ssettm $0x1  }
0x97: {  	s17 =	sld [smem:$0x3FFB];
	_ =	sdelay $0x3  }
0x98: {  	_ =	strace s17  }
0x99: {  	s3 =	sld [smem:$0x3FFC];
	_ =	sdelay $0x3  }
0x9a: {  	_ =	strace s3  }
0x9b: {  	s3 =	sld [smem:$0x3FFD];
	_ =	sdelay $0x3  }
0x9c: {  	_ =	strace s3  }
0x9d: {  	_ =	strace $0x8FFFFFFF  }
0x9e: {  	s18 =	sld [smem:$0x3FDB];
	_ =	sdelay $0x1  }
0x9f: {  	s19 =	simm.s32 $_scs_section_size  }
0xa0: {  	s5 =	simm.s32 $_size__tile_overlayer_lowered;
	s6 =	simm.s32 $_tile_overlayer_lowered  }
0xa1: {  	s22 =	simm.s32 $0x1BFF;
	s21 =	sshll.u32 s6, $0x1;
	s3 =	sadd.s32 s19, s18  }
0xa2: {  	s7 =	simm.s32 $0x0;
	s20 =	sshll.u32 s5, $0x1;
	s5 =	sadd.s32 s21, s3  }
0xa3: {  	[timem:s7], [sflag:s22] =	dma.local [hbm:s5], s20  }
0xa4: {  	_ =	swait.ge [sflag:s22], s20  }
0xa5: {  	s4 =	ssub.s32 $0x0, s20;
	[sflag:s22] =	ssyncset.done $0x0  }
0xa6: {  	[sflag:s22] =	ssyncadd.s32 s4;
	_ =	sdelay $0x1  }
0xa7: {  	s23 =	simm.s32 $0x1B8B  }
0xa8: {  	_ =	swait.ge [sflag:s23], $0x1  }
0xa9: {  	[sflag:s23] =	ssyncset.done $0x0  }
0xaa: {  	s25 =	simm.s32 $0x1B8E;
	s24 =	sld [smem:$0x3FFE];
	[sflag:s23] =	ssyncadd.s32 $0xFFFFFFFF  }
0xab: {  	s26 =	simm.s32 $execute0_lowered;
	[smem:$0x3FD2] =	sst s25  }
0xac: {  	s5 =	sshll.u32 s26, $0x1;
	_ =	strace $0x8000004F;
	[dreg:$0x1] =	wrdreg $0xFFFFFFFF  }
0xad: {  	s28 =	simm.s32 $_size_execute0_lowered;
	s3 =	sadd.s32 s3, s5;
	[dreg:$0x0] =	wrdreg $0x0  }
0xae: {  	s5 =	sshll.u32 s28, $0x1;
	[dreg:$0x2] =	wrdreg s3  }
0xaf: {  	[dreg:$0x3] =	wrdreg s5  }
0xb0: {  	[dreg:$0x4] =	wrdreg $0xC0  }
0xb1: {  	_ =	task [dreg:s7], $0x5FFFF  }
0xb2: {  	[dreg:$0x1] =	wrdreg $0xFFFFFFFF  }
0xb3: {  	[dreg:$0x0] =	wrdreg $0x60  }
0xb4: {  	[dreg:$0x2] =	wrdreg s24  }
0xb5: {  	[dreg:$0x3] =	wrdreg s16  }
0xb6: {  	[dreg:$0x4] =	wrdreg $0x0  }
0xb7: {  	[dreg:$0x5] =	wrdreg $0x9  }
0xb8: {  	_ =	task.clear_ibuf [dreg:s7], $0x6FFFF;
	_ =	strace $0x9000004F  }
0xb9: {  	s29 =	simm.s32 $0x9;
	_ =	strace $0x80000051  }
0xba: {  	_ =	swait.ge [sflag:s29], $0x1  }
0xbb: {  	[sflag:s29] =	ssyncadd.s32 $0xFFFFFFFF  }
0xbc: {  	_ =	strace $0x90000051  }
0xbd: {  	_ =	sfence  }
0xbe: {  	s30 =	sld [smem:$0x0];
	_ =	sdelay $0x2  }
0xbf: {  	s31 =	sshll.u32 s1, $0xD;
	s1 =	sshrl.u32 s1, $0x2  }
0xc0: {  	s3 =	sand.u32 $0x4000, s31;
	s1 =	sadd.s32 s1, s30  }
0xc1: {  	s0 =	sor.u32 s3, s0;
	s1 =	sshll.u32 s1, $0x11  }
0xc2: {  	s0 =	sor.u32 s1, s0  }
0xc3: {  	s0 =	sadd.s32 $0x8F2B, s0  }
0xc4: {  	[sflag:s0] =	ssyncadd.remote.s32 $0x1  }
0xc5: {  	_ =	sfence.sel $0xFFFF  }
0xc6: {  	[dreg:$0x0] =	wrdreg $0xFFFFFFFF;
	(pc) =	sbr.abs _section_cstart, $3  }
0xc7: {  	[dreg:$0x1] =	wrdreg $0xFFFFFFFF  }
0xc8: {  	_ =	task.clear_ibuf [dreg:s7], $0x2FFFF;
	_ =	strace $0x9FFFFFFF  }
0xc9: {  	(tm) =	ssettm $0x7FFFFFFF  }
tec
execute0_lowered:
.L_overlay_start_1:
0x0: {  	(tag) =	ssettag $0x1  }
0x1: {  	s0 =	rddreg [dreg:$0x0]  }
0x2: {  	s2 =	rddreg [dreg:$0x1]  }
0x3: {  	s1 =	rddreg [dreg:$0x2]  }
0x4: {  	s3 =	simm.s32 $0x0;
	s4 =	stileid.u32;
	s7 =	srdreg.scid  }
0x5: {  	s29 =	simm.s32 $0x1B080;
	s5 =	sadd.s32 $0x623A00, s0;
	s18 =	smul.u32 $0x2700, s4  }
0x6: {  	s30 =	simm.s32 $0x6;
	s6 =	sadd.s32 $0x7DBA00, s0;
	s10 =	smul.u32 $0x4E000, s4  }
0x7: {  	[smem:$0x7FF] =	sst s3;
	s8 =	sadd.s32 $0xF12800, s0;
	s12 =	smul.u32 $0x1B80, s4  }
0x8: {  	s9 =	sadd.s32 $0x10CA800, s0;
	s11 =	sadd.s32 $0x52600, s0;
	s15 =	smul.u32 $0x1B800, s4  }
0x9: {  	s14 =	sand.u32 $0x1, s7;
	s16 =	sadd.s32 $0x2B400, s0;
	s26 =	smul.u32 $0x370, s4  }
0xa: {  	_ =	strace $0x80000050;
	[dreg:$0x5] =	wrdreg s16;
	s17 =	ssub.s32 $0x2, s14  }
0xb: {  	p0 =	sne.s32 s14, $0x0;
	s14 =	simm.s32 $0x18880;
	s13 =	sadd.s32 s18, s0  }
0xc: {  	s0 =	sadd.s32 $0xFBA00, s0;
	s19 =	sshrl.u32 s17, $0x1;
	s20 =	sshrl.u32 s10, $0x2  }
0xd: {  	s16 =	sadd.s32 $0xA0, s12;
	s22 =	sshrl.u32 s12, $0x3;
	[dreg:$0x4] =	wrdreg s18  }
0xe: {  	s24 =	sadd.s32 s5, s15;
	s2 =	sadd.s32 s2, s18;
	[dreg:$0x6] =	wrdreg s0  }
0xf: {  	s31 =	sadd.s32 s9, s15;
	s18 =	simm.s32 $0x1DA00;
	[dreg:$0x13] =	wrdreg s2  }
0x10: {  	s0 =	ssub.s32 s17, s19;
	s7 =	sadd.s32 s20, s1;
	[dreg:$0xf] =	wrdreg s31  }
0x11: {  	s21 =	sadd.s32 $0x86400, s13;
	s17 =	sshll.u32 s16, $0x4;
	[dreg:$0xb] =	wrdreg s24  }
0x12: {  	s10 =	sadd.s32 s11, s22;
	s23 =	sshrl.u32 s16, $0x3;
	[dreg:$0x7] =	wrdreg s7  }
0x13: {  	s16 =	sadd.s32 s8, s15;
	s19 =	sadd.s32 $0xAD600, s13;
	[dreg:$0x8] =	wrdreg s21  }
0x14: {  	s20 =	sadd.s32 s26, s11;
	s24 =	sadd.s32 $0x1E00, s24;
	[dreg:$0x14] =	wrdreg s19  }
0x15: {  	s2 =	simm.s32 $0x0;
	s7 =	sadd.s32 s6, s15;
	[dreg:$0x18] =	wrdreg s24  }
0x16: {  	s6 =	sadd.s32 s6, s17;
	s12 =	sadd.s32 s11, s23;
	[dreg:$0xd] =	wrdreg s16  }
0x17: {  	s5 =	sadd.s32 s5, s17;
	s25 =	sadd.s32 s8, s17;
	[dreg:$0xa] =	wrdreg s6  }
0x18: {  	s9 =	sadd.s32 s9, s17;
	s15 =	sadd.s32 $0x4200, s13;
	[dreg:$0xc] =	wrdreg s5  }
0x19: {  	s17 =	sadd.s32 $0x5F200, s13;
	s21 =	sadd.s32 $0xD4800, s13;
	[dreg:$0xe] =	wrdreg s25  }
0x1a: {  	s26 =	sadd.s32 $0xA, s10;
	s28 =	sadd.s32 $0x1E, s10;
	[dreg:$0x10] =	wrdreg s9  }
0x1b: {  	s23 =	sadd.s32 $0x1E00, s31;
	s31 =	sadd.s32 $0x1E00, s16;
	[dreg:$0x11] =	wrdreg s15  }
0x1c: {  	s8 =	simm.s32 $0x1D880;
	s11 =	simm.s32 $0x1D900;
	[dreg:$0x12] =	wrdreg s17  }
0x1d: {  	s16 =	simm.s32 $0x1D980;
	s19 =	simm.s32 $0x1;
	[dreg:$0x15] =	wrdreg s21  }
.Ltmp0:
0x1e: {  	s24 =	simm.s32 $0x2;
	[dreg:$0x9] =	wrdreg s7;
	(pc) =	sbr.rel .LBB2_1-.Ltmp0, $4  }
0x1f: {  	s13 =	simm.s32 $0x5;
	s25 =	smax.u32 s0, $0x1;
	[dreg:$0x17] =	wrdreg s23  }
0x20: {  	s22 =	sadd.s32 $0x1E00, s7;
	[dreg:$0x19] =	wrdreg s31;
	s5 =	simm.s32 $0x7  }
0x21: {  	s6 =	simm.s32 $0x13880;
	s21 =	simm.s32 $0x3;
	s23 =	simm.s32 $0x16080  }
0x22: {  	s9 =	simm.s32 $0x4;
	[dreg:$0x16] =	wrdreg s22;
	s22 =	simm.s32 $0x50  }
.LBB2_14:
0x23: {  	s0 =	rddreg [dreg:$0x6]  }
.LBB2_15:
0x24: {  	_ =	swait.ge [sflag:s30], $0x2800  }
0x25: {  	[sflag:s30] =	ssyncset.done $0x0  }
0x26: {  	[sflag:s30] =	ssyncadd.s32 $0xFFFFD800  }
0x27: {  	_ =	swait.ge [sflag:s30], $0x2800  }
0x28: {  	[sflag:s30] =	ssyncset.done $0x0  }
0x29: {  	s2 =	sadd.s32 $0x1, s2;
	s4 =	rddreg [dreg:$0x4];
	[sflag:s30] =	ssyncadd.s32 $0xFFFFD800  }
0x2a: {  	p1 =	sne.s32 s2, s25;
	s0 =	sadd.s32 s0, s4;
	[bflag:$0x0] =	sbarrier.arrive $0xFFFF  }
0x2b: {  	[hbm:s0], [sflag:s15] =	dma.local [spmem:s31], $0x2800  }
.Ltmp1:
0x2c: {  	_ =	swait.ge [sflag:s5], $0x2800;
	(pc) =	sbr.rel @!p1 .LBB2_16-.Ltmp1, $3  }
0x2d: {  	[sflag:s5] =	ssyncset.done $0x0  }
0x2e: {  	[sflag:s5] =	ssyncadd.s32 $0xFFFFD800  }
0x2f: {  	[bflag:$0x0] =	sbarrier.arrive $0xFFFF;
	_ =	sdelay $0x1  }
.LBB2_1:
.Ltmp2:
0x30: {  	(pc) =	sbr.rel @p0 .LBB2_5-.Ltmp2, $4  }
0x31: {  	_ = 	snop  }
0x32: {  	s0 =	stileid.u32  }
0x33: {  	s4 =	rddreg [dreg:$0x7];
	s0 =	sshll.u32 s0, $0x6  }
0x34: {  	s31 =	sshrl.u32 s4, $0x3;
	s15 =	sor.u32 $0x1C07, s0  }
0x35: {  	s15 =	sor.u32 $0x1C07, s0;
	s7 =	rddreg [dreg:$0x12]  }
0x36: {  	[spmem:s31], [sflag:s15] =	dma.local [hbm:s7], $0x2800  }
0x37: {  	_ =	swait.ge [sflag:s5], $0x2800  }
0x38: {  	[sflag:s5] =	ssyncset.done $0x0  }
0x39: {  	[sflag:s5] =	ssyncadd.s32 $0xFFFFD800  }
0x3a: {  	[bflag:$0x0] =	sbarrier.arrive $0xFFFF  }
0x3b: {  	s0 =	simm.s32 $0x0;
	s4 =	rddreg [dreg:$0xb]  }
0x3c: {  	[tilespmem:s6], [sflag:$0x1] =	stream.linear.gather [hbm4b:s4+s0], $0x5000, $0x38;
	[tilespmem:$0x1DA80] =	vst v63  }
0x3d: {  	_ = 	snop  }
0x3e: {  	[tilespmem:s8], [sflag:$0x3] =	stream.linear.gather [hbm4b:s10+s0], $0x50, $0x38;
	[tilespmem:$0x1DA80] =	vst v63  }
0x3f: {  	_ = 	snop  }
0x40: {  	[tilespmem:s11], [sflag:$0x3] =	stream.linear.gather [hbm4b:s26+s0], $0x50, $0x38;
	[tilespmem:$0x1DA80] =	vst v63  }
0x41: {  	s17 =	rddreg [dreg:$0xc]  }
0x42: {  	[tilespmem:s14], [sflag:$0x2] =	stream.linear.gather [hbm4b:s17+s0], $0x5000, $0x38;
	[tilespmem:$0x1DA80] =	vst v63  }
0x43: {  	_ = 	snop  }
0x44: {  	[tilespmem:s16], [sflag:$0x4] =	stream.linear.gather [hbm4b:s12+s0], $0x50, $0x38;
	[tilespmem:$0x1DA80] =	vst v63  }
0x45: {  	s17 =	rddreg [dreg:$0x18]  }
0x46: {  	[tilespmem:s18], [sflag:$0x4] =	stream.linear.gather [hbm4b:s28+s0], $0x50, $0x38;
	[tilespmem:$0x1DA80] =	vst v63  }
.LBB2_3:
0x47: {  	_ =	swait.ge [sflag:s19], $0x5000  }
0x48: {  	[sflag:s19] =	ssyncset.done $0x0  }
0x49: {  	[sflag:s19] =	ssyncadd.s32 $0xFFFFB000  }
0x4a: {  	_ =	swait.ge [sflag:s21], $0x50  }
0x4b: {  	[sflag:s21] =	ssyncset.done $0x0  }
0x4c: {  	[sflag:s21] =	ssyncadd.s32 $0xFFFFFFB0  }
0x4d: {  	_ =	swait.ge [sflag:s21], $0x50  }
0x4e: {  	[sflag:s21] =	ssyncset.done $0x0  }
0x4f: {  	[sflag:s21] =	ssyncadd.s32 $0xFFFFFFB0  }
0x50: {  	[spmem:s1] =	stream.indirect.scatter.add.f32 [tilespmem:s6], [sflag:$0x5], $0x80, s8, s22, $0xb8;
	[tilespmem:$0x1DA80] =	vst v63  }
0x51: {  	_ = 	snop  }
0x52: {  	[spmem:s1] =	stream.indirect.scatter.add.f32 [tilespmem:s23], [sflag:$0x5], $0x80, s11, s22, $0xb8;
	[tilespmem:$0x1DA80] =	vst v63  }
0x53: {  	_ =	swait.ge [sflag:s24], $0x5000  }
0x54: {  	[sflag:s24] =	ssyncset.done $0x0  }
0x55: {  	[sflag:s24] =	ssyncadd.s32 $0xFFFFB000  }
0x56: {  	_ =	swait.ge [sflag:s9], $0x50  }
0x57: {  	[sflag:s9] =	ssyncset.done $0x0  }
0x58: {  	[sflag:s9] =	ssyncadd.s32 $0xFFFFFFB0  }
0x59: {  	_ =	swait.ge [sflag:s9], $0x50  }
0x5a: {  	[sflag:s9] =	ssyncset.done $0x0  }
0x5b: {  	[sflag:s9] =	ssyncadd.s32 $0xFFFFFFB0  }
0x5c: {  	[spmem:s1] =	stream.indirect.scatter.add.f32 [tilespmem:s14], [sflag:$0x6], $0x80, s16, s22, $0xb8;
	[tilespmem:$0x1DA80] =	vst v63  }
0x5d: {  	_ = 	snop  }
0x5e: {  	[spmem:s1] =	stream.indirect.scatter.add.f32 [tilespmem:s29], [sflag:$0x6], $0x80, s18, s22, $0xb8;
	[tilespmem:$0x1DA80] =	vst v63  }
0x5f: {  	p1 =	seq.s32 s0, $0x348;
	_ =	swait.ge [sflag:s13], $0x2800  }
.Ltmp3:
0x60: {  	[sflag:s13] =	ssyncset.done $0x0;
	(pc) =	sbr.rel @p1 .LBB2_8-.Ltmp3, $4  }
0x61: {  	[sflag:s13] =	ssyncadd.s32 $0xFFFFD800  }
0x62: {  	_ =	swait.ge [sflag:s13], $0x2800  }
0x63: {  	[sflag:s13] =	ssyncset.done $0x0  }
0x64: {  	[sflag:s13] =	ssyncadd.s32 $0xFFFFD800  }
0x65: {  	s7 =	sadd.s32 $0xFFFFF600, s17  }
0x66: {  	[tilespmem:s6], [sflag:$0x1] =	stream.linear.gather [hbm4b:s7+s3], $0x5000, $0x38;
	[tilespmem:$0x1DA80] =	vst v63  }
0x67: {  	s7 =	sadd.s32 s0, s20  }
0x68: {  	s4 =	sadd.s32 $0x28, s7  }
0x69: {  	[tilespmem:s8], [sflag:$0x3] =	stream.linear.gather [hbm4b:s4+s3], $0x50, $0x38;
	[tilespmem:$0x1DA80] =	vst v63  }
0x6a: {  	s4 =	sadd.s32 $0x32, s7  }
0x6b: {  	[tilespmem:s11], [sflag:$0x3] =	stream.linear.gather [hbm4b:s4+s3], $0x50, $0x38;
	[tilespmem:$0x1DA80] =	vst v63  }
0x6c: {  	_ =	swait.ge [sflag:s30], $0x2800  }
0x6d: {  	[sflag:s30] =	ssyncset.done $0x0  }
0x6e: {  	[sflag:s30] =	ssyncadd.s32 $0xFFFFD800  }
0x6f: {  	_ =	swait.ge [sflag:s30], $0x2800  }
0x70: {  	[sflag:s30] =	ssyncset.done $0x0  }
0x71: {  	[sflag:s30] =	ssyncadd.s32 $0xFFFFD800  }
0x72: {  	[tilespmem:s14], [sflag:$0x2] =	stream.linear.gather [hbm4b:s17+s3], $0x5000, $0x38;
	[tilespmem:$0x1DA80] =	vst v63  }
.Ltmp4:
0x73: {  	_ = 	snop;
	(pc) =	sbr.rel .LBB2_3-.Ltmp4, $4  }
0x74: {  	s4 =	sadd.s32 $0x3C, s7  }
0x75: {  	[tilespmem:s16], [sflag:$0x4] =	stream.linear.gather [hbm4b:s4+s3], $0x50, $0x38;
	[tilespmem:$0x1DA80] =	vst v63  }
0x76: {  	s0 =	sadd.s32 $0x28, s0;
	s7 =	sadd.s32 $0x46, s7;
	s17 =	sadd.s32 $0x1400, s17  }
0x77: {  	[tilespmem:s18], [sflag:$0x4] =	stream.linear.gather [hbm4b:s7+s3], $0x50, $0x38;
	[tilespmem:$0x1DA80] =	vst v63  }
.LBB2_5:
0x78: {  	s0 =	rddreg [dreg:$0x8]  }
0x79: {  	[spmem:s31], [sflag:s15] =	dma.local [hbm:s0], $0x2800  }
0x7a: {  	_ =	swait.ge [sflag:s5], $0x2800  }
0x7b: {  	[sflag:s5] =	ssyncset.done $0x0  }
0x7c: {  	[sflag:s5] =	ssyncadd.s32 $0xFFFFD800  }
0x7d: {  	[bflag:$0x0] =	sbarrier.arrive $0xFFFF  }
0x7e: {  	s0 =	simm.s32 $0x0;
	s4 =	rddreg [dreg:$0x9]  }
0x7f: {  	[tilespmem:s6], [sflag:$0x1] =	stream.linear.gather [hbm4b:s4+s0], $0x5000, $0x38;
	[tilespmem:$0x1DA80] =	vst v63  }
0x80: {  	_ = 	snop  }
0x81: {  	[tilespmem:s8], [sflag:$0x3] =	stream.linear.gather [hbm4b:s10+s0], $0x50, $0x38;
	[tilespmem:$0x1DA80] =	vst v63  }
0x82: {  	_ = 	snop  }
0x83: {  	[tilespmem:s11], [sflag:$0x3] =	stream.linear.gather [hbm4b:s26+s0], $0x50, $0x38;
	[tilespmem:$0x1DA80] =	vst v63  }
0x84: {  	s17 =	rddreg [dreg:$0xa]  }
0x85: {  	[tilespmem:s14], [sflag:$0x2] =	stream.linear.gather [hbm4b:s17+s0], $0x5000, $0x38;
	[tilespmem:$0x1DA80] =	vst v63  }
0x86: {  	_ = 	snop  }
0x87: {  	[tilespmem:s16], [sflag:$0x4] =	stream.linear.gather [hbm4b:s12+s0], $0x50, $0x38;
	[tilespmem:$0x1DA80] =	vst v63  }
0x88: {  	s17 =	rddreg [dreg:$0x16]  }
0x89: {  	[tilespmem:s18], [sflag:$0x4] =	stream.linear.gather [hbm4b:s28+s0], $0x50, $0x38;
	[tilespmem:$0x1DA80] =	vst v63  }
.LBB2_6:
0x8a: {  	_ =	swait.ge [sflag:s19], $0x5000  }
0x8b: {  	[sflag:s19] =	ssyncset.done $0x0  }
0x8c: {  	[sflag:s19] =	ssyncadd.s32 $0xFFFFB000  }
0x8d: {  	_ =	swait.ge [sflag:s21], $0x50  }
0x8e: {  	[sflag:s21] =	ssyncset.done $0x0  }
0x8f: {  	[sflag:s21] =	ssyncadd.s32 $0xFFFFFFB0  }
0x90: {  	_ =	swait.ge [sflag:s21], $0x50  }
0x91: {  	[sflag:s21] =	ssyncset.done $0x0  }
0x92: {  	[sflag:s21] =	ssyncadd.s32 $0xFFFFFFB0  }
0x93: {  	[spmem:s1] =	stream.indirect.scatter.add.f32 [tilespmem:s6], [sflag:$0x5], $0x80, s8, s22, $0xb8;
	[tilespmem:$0x1DA80] =	vst v63  }
0x94: {  	_ = 	snop  }
0x95: {  	[spmem:s1] =	stream.indirect.scatter.add.f32 [tilespmem:s23], [sflag:$0x5], $0x80, s11, s22, $0xb8;
	[tilespmem:$0x1DA80] =	vst v63  }
0x96: {  	_ =	swait.ge [sflag:s24], $0x5000  }
0x97: {  	[sflag:s24] =	ssyncset.done $0x0  }
0x98: {  	[sflag:s24] =	ssyncadd.s32 $0xFFFFB000  }
0x99: {  	_ =	swait.ge [sflag:s9], $0x50  }
0x9a: {  	[sflag:s9] =	ssyncset.done $0x0  }
0x9b: {  	[sflag:s9] =	ssyncadd.s32 $0xFFFFFFB0  }
0x9c: {  	_ =	swait.ge [sflag:s9], $0x50  }
0x9d: {  	[sflag:s9] =	ssyncset.done $0x0  }
0x9e: {  	[sflag:s9] =	ssyncadd.s32 $0xFFFFFFB0  }
0x9f: {  	[spmem:s1] =	stream.indirect.scatter.add.f32 [tilespmem:s14], [sflag:$0x6], $0x80, s16, s22, $0xb8;
	[tilespmem:$0x1DA80] =	vst v63  }
0xa0: {  	_ = 	snop  }
0xa1: {  	[spmem:s1] =	stream.indirect.scatter.add.f32 [tilespmem:s29], [sflag:$0x6], $0x80, s18, s22, $0xb8;
	[tilespmem:$0x1DA80] =	vst v63  }
0xa2: {  	p1 =	seq.s32 s0, $0x348;
	_ =	swait.ge [sflag:s13], $0x2800  }
.Ltmp5:
0xa3: {  	[sflag:s13] =	ssyncset.done $0x0;
	(pc) =	sbr.rel @p1 .LBB2_12-.Ltmp5, $4  }
0xa4: {  	[sflag:s13] =	ssyncadd.s32 $0xFFFFD800  }
0xa5: {  	_ =	swait.ge [sflag:s13], $0x2800  }
0xa6: {  	[sflag:s13] =	ssyncset.done $0x0  }
0xa7: {  	[sflag:s13] =	ssyncadd.s32 $0xFFFFD800  }
0xa8: {  	s4 =	sadd.s32 $0xFFFFF600, s17  }
0xa9: {  	[tilespmem:s6], [sflag:$0x1] =	stream.linear.gather [hbm4b:s4+s3], $0x5000, $0x38;
	[tilespmem:$0x1DA80] =	vst v63  }
0xaa: {  	s4 =	sadd.s32 s0, s20  }
0xab: {  	s7 =	sadd.s32 $0x28, s4  }
0xac: {  	[tilespmem:s8], [sflag:$0x3] =	stream.linear.gather [hbm4b:s7+s3], $0x50, $0x38;
	[tilespmem:$0x1DA80] =	vst v63  }
0xad: {  	s7 =	sadd.s32 $0x32, s4  }
0xae: {  	[tilespmem:s11], [sflag:$0x3] =	stream.linear.gather [hbm4b:s7+s3], $0x50, $0x38;
	[tilespmem:$0x1DA80] =	vst v63  }
0xaf: {  	_ =	swait.ge [sflag:s30], $0x2800  }
0xb0: {  	[sflag:s30] =	ssyncset.done $0x0  }
0xb1: {  	[sflag:s30] =	ssyncadd.s32 $0xFFFFD800  }
0xb2: {  	_ =	swait.ge [sflag:s30], $0x2800  }
0xb3: {  	[sflag:s30] =	ssyncset.done $0x0  }
0xb4: {  	[sflag:s30] =	ssyncadd.s32 $0xFFFFD800  }
0xb5: {  	[tilespmem:s14], [sflag:$0x2] =	stream.linear.gather [hbm4b:s17+s3], $0x5000, $0x38;
	[tilespmem:$0x1DA80] =	vst v63  }
.Ltmp6:
0xb6: {  	_ = 	snop;
	(pc) =	sbr.rel .LBB2_6-.Ltmp6, $4  }
0xb7: {  	s7 =	sadd.s32 $0x3C, s4  }
0xb8: {  	[tilespmem:s16], [sflag:$0x4] =	stream.linear.gather [hbm4b:s7+s3], $0x50, $0x38;
	[tilespmem:$0x1DA80] =	vst v63  }
0xb9: {  	s0 =	sadd.s32 $0x28, s0;
	s4 =	sadd.s32 $0x46, s4;
	s17 =	sadd.s32 $0x1400, s17  }
0xba: {  	[tilespmem:s18], [sflag:$0x4] =	stream.linear.gather [hbm4b:s4+s3], $0x50, $0x38;
	[tilespmem:$0x1DA80] =	vst v63  }
.LBB2_8:
0xbb: {  	_ =	swait.ge [sflag:s30], $0x2800  }
0xbc: {  	[sflag:s30] =	ssyncset.done $0x0  }
0xbd: {  	[sflag:s30] =	ssyncadd.s32 $0xFFFFD800  }
0xbe: {  	_ =	swait.ge [sflag:s30], $0x2800  }
0xbf: {  	[sflag:s30] =	ssyncset.done $0x0  }
0xc0: {  	[sflag:s30] =	ssyncadd.s32 $0xFFFFD800  }
0xc1: {  	[bflag:$0x0] =	sbarrier.arrive $0xFFFF  }
0xc2: {  	s0 =	rddreg [dreg:$0x13]  }
0xc3: {  	[hbm:s0], [sflag:s15] =	dma.local [spmem:s31], $0x2800  }
0xc4: {  	_ =	swait.ge [sflag:s5], $0x2800  }
0xc5: {  	[sflag:s5] =	ssyncset.done $0x0  }
0xc6: {  	[sflag:s5] =	ssyncadd.s32 $0xFFFFD800  }
0xc7: {  	[bflag:$0x0] =	sbarrier.arrive $0xFFFF  }
0xc8: {  	s7 =	rddreg [dreg:$0x14]  }
0xc9: {  	[spmem:s31], [sflag:s15] =	dma.local [hbm:s7], $0x2800  }
0xca: {  	_ =	swait.ge [sflag:s5], $0x2800  }
0xcb: {  	[sflag:s5] =	ssyncset.done $0x0  }
0xcc: {  	[sflag:s5] =	ssyncadd.s32 $0xFFFFD800  }
0xcd: {  	[bflag:$0x0] =	sbarrier.arrive $0xFFFF  }
0xce: {  	s0 =	simm.s32 $0x0;
	s4 =	rddreg [dreg:$0xd]  }
0xcf: {  	[tilespmem:s6], [sflag:$0x1] =	stream.linear.gather [hbm4b:s4+s0], $0x5000, $0x38;
	[tilespmem:$0x1DA80] =	vst v63  }
0xd0: {  	_ = 	snop  }
0xd1: {  	[tilespmem:s8], [sflag:$0x3] =	stream.linear.gather [hbm4b:s10+s0], $0x50, $0x38;
	[tilespmem:$0x1DA80] =	vst v63  }
0xd2: {  	_ = 	snop  }
0xd3: {  	[tilespmem:s11], [sflag:$0x3] =	stream.linear.gather [hbm4b:s26+s0], $0x50, $0x38;
	[tilespmem:$0x1DA80] =	vst v63  }
0xd4: {  	s17 =	rddreg [dreg:$0xe]  }
0xd5: {  	[tilespmem:s14], [sflag:$0x2] =	stream.linear.gather [hbm4b:s17+s0], $0x5000, $0x38;
	[tilespmem:$0x1DA80] =	vst v63  }
0xd6: {  	_ = 	snop  }
0xd7: {  	[tilespmem:s16], [sflag:$0x4] =	stream.linear.gather [hbm4b:s12+s0], $0x50, $0x38;
	[tilespmem:$0x1DA80] =	vst v63  }
0xd8: {  	s17 =	rddreg [dreg:$0x19]  }
0xd9: {  	[tilespmem:s18], [sflag:$0x4] =	stream.linear.gather [hbm4b:s28+s0], $0x50, $0x38;
	[tilespmem:$0x1DA80] =	vst v63  }
.LBB2_9:
0xda: {  	_ =	swait.ge [sflag:s19], $0x5000  }
0xdb: {  	[sflag:s19] =	ssyncset.done $0x0  }
0xdc: {  	[sflag:s19] =	ssyncadd.s32 $0xFFFFB000  }
0xdd: {  	_ =	swait.ge [sflag:s21], $0x50  }
0xde: {  	[sflag:s21] =	ssyncset.done $0x0  }
0xdf: {  	[sflag:s21] =	ssyncadd.s32 $0xFFFFFFB0  }
0xe0: {  	_ =	swait.ge [sflag:s21], $0x50  }
0xe1: {  	[sflag:s21] =	ssyncset.done $0x0  }
0xe2: {  	[sflag:s21] =	ssyncadd.s32 $0xFFFFFFB0  }
0xe3: {  	[spmem:s1] =	stream.indirect.scatter.add.f32 [tilespmem:s6], [sflag:$0x5], $0x80, s8, s22, $0xb8;
	[tilespmem:$0x1DA80] =	vst v63  }
0xe4: {  	_ = 	snop  }
0xe5: {  	[spmem:s1] =	stream.indirect.scatter.add.f32 [tilespmem:s23], [sflag:$0x5], $0x80, s11, s22, $0xb8;
	[tilespmem:$0x1DA80] =	vst v63  }
0xe6: {  	_ =	swait.ge [sflag:s24], $0x5000  }
0xe7: {  	[sflag:s24] =	ssyncset.done $0x0  }
0xe8: {  	[sflag:s24] =	ssyncadd.s32 $0xFFFFB000  }
0xe9: {  	_ =	swait.ge [sflag:s9], $0x50  }
0xea: {  	[sflag:s9] =	ssyncset.done $0x0  }
0xeb: {  	[sflag:s9] =	ssyncadd.s32 $0xFFFFFFB0  }
0xec: {  	_ =	swait.ge [sflag:s9], $0x50  }
0xed: {  	[sflag:s9] =	ssyncset.done $0x0  }
0xee: {  	[sflag:s9] =	ssyncadd.s32 $0xFFFFFFB0  }
0xef: {  	[spmem:s1] =	stream.indirect.scatter.add.f32 [tilespmem:s14], [sflag:$0x6], $0x80, s16, s22, $0xb8;
	[tilespmem:$0x1DA80] =	vst v63  }
0xf0: {  	_ = 	snop  }
0xf1: {  	[spmem:s1] =	stream.indirect.scatter.add.f32 [tilespmem:s29], [sflag:$0x6], $0x80, s18, s22, $0xb8;
	[tilespmem:$0x1DA80] =	vst v63  }
0xf2: {  	p1 =	seq.s32 s0, $0x348;
	_ =	swait.ge [sflag:s13], $0x2800  }
.Ltmp7:
0xf3: {  	[sflag:s13] =	ssyncset.done $0x0;
	(pc) =	sbr.rel @p1 .LBB2_10-.Ltmp7, $4  }
0xf4: {  	[sflag:s13] =	ssyncadd.s32 $0xFFFFD800  }
0xf5: {  	_ =	swait.ge [sflag:s13], $0x2800  }
0xf6: {  	[sflag:s13] =	ssyncset.done $0x0  }
0xf7: {  	[sflag:s13] =	ssyncadd.s32 $0xFFFFD800  }
0xf8: {  	s4 =	sadd.s32 $0xFFFFF600, s17  }
0xf9: {  	[tilespmem:s6], [sflag:$0x1] =	stream.linear.gather [hbm4b:s4+s3], $0x5000, $0x38;
	[tilespmem:$0x1DA80] =	vst v63  }
0xfa: {  	s4 =	sadd.s32 s0, s20  }
0xfb: {  	s7 =	sadd.s32 $0x28, s4  }
0xfc: {  	[tilespmem:s8], [sflag:$0x3] =	stream.linear.gather [hbm4b:s7+s3], $0x50, $0x38;
	[tilespmem:$0x1DA80] =	vst v63  }
0xfd: {  	s7 =	sadd.s32 $0x32, s4  }
0xfe: {  	[tilespmem:s11], [sflag:$0x3] =	stream.linear.gather [hbm4b:s7+s3], $0x50, $0x38;
	[tilespmem:$0x1DA80] =	vst v63  }
0xff: {  	_ =	swait.ge [sflag:s30], $0x2800  }
0x100: {  	[sflag:s30] =	ssyncset.done $0x0  }
0x101: {  	[sflag:s30] =	ssyncadd.s32 $0xFFFFD800  }
0x102: {  	_ =	swait.ge [sflag:s30], $0x2800  }
0x103: {  	[sflag:s30] =	ssyncset.done $0x0  }
0x104: {  	[sflag:s30] =	ssyncadd.s32 $0xFFFFD800  }
0x105: {  	[tilespmem:s14], [sflag:$0x2] =	stream.linear.gather [hbm4b:s17+s3], $0x5000, $0x38;
	[tilespmem:$0x1DA80] =	vst v63  }
.Ltmp8:
0x106: {  	_ = 	snop;
	(pc) =	sbr.rel .LBB2_9-.Ltmp8, $4  }
0x107: {  	s7 =	sadd.s32 $0x3C, s4  }
0x108: {  	[tilespmem:s16], [sflag:$0x4] =	stream.linear.gather [hbm4b:s7+s3], $0x50, $0x38;
	[tilespmem:$0x1DA80] =	vst v63  }
0x109: {  	s0 =	sadd.s32 $0x28, s0;
	s4 =	sadd.s32 $0x46, s4;
	s17 =	sadd.s32 $0x1400, s17  }
0x10a: {  	[tilespmem:s18], [sflag:$0x4] =	stream.linear.gather [hbm4b:s4+s3], $0x50, $0x38;
	[tilespmem:$0x1DA80] =	vst v63  }
.LBB2_12:
0x10b: {  	_ =	swait.ge [sflag:s30], $0x2800  }
0x10c: {  	[sflag:s30] =	ssyncset.done $0x0  }
0x10d: {  	[sflag:s30] =	ssyncadd.s32 $0xFFFFD800  }
0x10e: {  	_ =	swait.ge [sflag:s30], $0x2800  }
0x10f: {  	[sflag:s30] =	ssyncset.done $0x0  }
0x110: {  	[sflag:s30] =	ssyncadd.s32 $0xFFFFD800  }
0x111: {  	[bflag:$0x0] =	sbarrier.arrive $0xFFFF  }
0x112: {  	s0 =	rddreg [dreg:$0x11]  }
0x113: {  	[hbm:s0], [sflag:s15] =	dma.local [spmem:s31], $0x2800  }
0x114: {  	_ =	swait.ge [sflag:s5], $0x2800  }
0x115: {  	[sflag:s5] =	ssyncset.done $0x0  }
0x116: {  	[sflag:s5] =	ssyncadd.s32 $0xFFFFD800  }
0x117: {  	[bflag:$0x0] =	sbarrier.arrive $0xFFFF  }
0x118: {  	s7 =	rddreg [dreg:$0x15]  }
0x119: {  	[spmem:s31], [sflag:s15] =	dma.local [hbm:s7], $0x2800  }
0x11a: {  	_ =	swait.ge [sflag:s5], $0x2800  }
0x11b: {  	[sflag:s5] =	ssyncset.done $0x0  }
0x11c: {  	[sflag:s5] =	ssyncadd.s32 $0xFFFFD800  }
0x11d: {  	[bflag:$0x0] =	sbarrier.arrive $0xFFFF  }
0x11e: {  	s0 =	simm.s32 $0x0;
	s4 =	rddreg [dreg:$0xf]  }
0x11f: {  	[tilespmem:s6], [sflag:$0x1] =	stream.linear.gather [hbm4b:s4+s0], $0x5000, $0x38;
	[tilespmem:$0x1DA80] =	vst v63  }
0x120: {  	_ = 	snop  }
0x121: {  	[tilespmem:s8], [sflag:$0x3] =	stream.linear.gather [hbm4b:s10+s0], $0x50, $0x38;
	[tilespmem:$0x1DA80] =	vst v63  }
0x122: {  	_ = 	snop  }
0x123: {  	[tilespmem:s11], [sflag:$0x3] =	stream.linear.gather [hbm4b:s26+s0], $0x50, $0x38;
	[tilespmem:$0x1DA80] =	vst v63  }
0x124: {  	s17 =	rddreg [dreg:$0x10]  }
0x125: {  	[tilespmem:s14], [sflag:$0x2] =	stream.linear.gather [hbm4b:s17+s0], $0x5000, $0x38;
	[tilespmem:$0x1DA80] =	vst v63  }
0x126: {  	_ = 	snop  }
0x127: {  	[tilespmem:s16], [sflag:$0x4] =	stream.linear.gather [hbm4b:s12+s0], $0x50, $0x38;
	[tilespmem:$0x1DA80] =	vst v63  }
0x128: {  	s17 =	rddreg [dreg:$0x17]  }
0x129: {  	[tilespmem:s18], [sflag:$0x4] =	stream.linear.gather [hbm4b:s28+s0], $0x50, $0x38;
	[tilespmem:$0x1DA80] =	vst v63  }
.LBB2_13:
0x12a: {  	_ =	swait.ge [sflag:s19], $0x5000  }
0x12b: {  	[sflag:s19] =	ssyncset.done $0x0  }
0x12c: {  	[sflag:s19] =	ssyncadd.s32 $0xFFFFB000  }
0x12d: {  	_ =	swait.ge [sflag:s21], $0x50  }
0x12e: {  	[sflag:s21] =	ssyncset.done $0x0  }
0x12f: {  	[sflag:s21] =	ssyncadd.s32 $0xFFFFFFB0  }
0x130: {  	_ =	swait.ge [sflag:s21], $0x50  }
0x131: {  	[sflag:s21] =	ssyncset.done $0x0  }
0x132: {  	[sflag:s21] =	ssyncadd.s32 $0xFFFFFFB0  }
0x133: {  	[spmem:s1] =	stream.indirect.scatter.add.f32 [tilespmem:s6], [sflag:$0x5], $0x80, s8, s22, $0xb8;
	[tilespmem:$0x1DA80] =	vst v63  }
0x134: {  	_ = 	snop  }
0x135: {  	[spmem:s1] =	stream.indirect.scatter.add.f32 [tilespmem:s23], [sflag:$0x5], $0x80, s11, s22, $0xb8;
	[tilespmem:$0x1DA80] =	vst v63  }
0x136: {  	_ =	swait.ge [sflag:s24], $0x5000  }
0x137: {  	[sflag:s24] =	ssyncset.done $0x0  }
0x138: {  	[sflag:s24] =	ssyncadd.s32 $0xFFFFB000  }
0x139: {  	_ =	swait.ge [sflag:s9], $0x50  }
0x13a: {  	[sflag:s9] =	ssyncset.done $0x0  }
0x13b: {  	[sflag:s9] =	ssyncadd.s32 $0xFFFFFFB0  }
0x13c: {  	_ =	swait.ge [sflag:s9], $0x50  }
0x13d: {  	[sflag:s9] =	ssyncset.done $0x0  }
0x13e: {  	[sflag:s9] =	ssyncadd.s32 $0xFFFFFFB0  }
0x13f: {  	[spmem:s1] =	stream.indirect.scatter.add.f32 [tilespmem:s14], [sflag:$0x6], $0x80, s16, s22, $0xb8;
	[tilespmem:$0x1DA80] =	vst v63  }
0x140: {  	_ = 	snop  }
0x141: {  	[spmem:s1] =	stream.indirect.scatter.add.f32 [tilespmem:s29], [sflag:$0x6], $0x80, s18, s22, $0xb8;
	[tilespmem:$0x1DA80] =	vst v63  }
0x142: {  	p1 =	seq.s32 s0, $0x348;
	_ =	swait.ge [sflag:s13], $0x2800  }
.Ltmp9:
0x143: {  	[sflag:s13] =	ssyncset.done $0x0;
	(pc) =	sbr.rel @p1 .LBB2_14-.Ltmp9, $4  }
0x144: {  	[sflag:s13] =	ssyncadd.s32 $0xFFFFD800  }
0x145: {  	_ =	swait.ge [sflag:s13], $0x2800  }
0x146: {  	[sflag:s13] =	ssyncset.done $0x0  }
0x147: {  	[sflag:s13] =	ssyncadd.s32 $0xFFFFD800  }
0x148: {  	s4 =	sadd.s32 $0xFFFFF600, s17  }
0x149: {  	[tilespmem:s6], [sflag:$0x1] =	stream.linear.gather [hbm4b:s4+s3], $0x5000, $0x38;
	[tilespmem:$0x1DA80] =	vst v63  }
0x14a: {  	s4 =	sadd.s32 s0, s20  }
0x14b: {  	s7 =	sadd.s32 $0x28, s4  }
0x14c: {  	[tilespmem:s8], [sflag:$0x3] =	stream.linear.gather [hbm4b:s7+s3], $0x50, $0x38;
	[tilespmem:$0x1DA80] =	vst v63  }
0x14d: {  	s7 =	sadd.s32 $0x32, s4  }
0x14e: {  	[tilespmem:s11], [sflag:$0x3] =	stream.linear.gather [hbm4b:s7+s3], $0x50, $0x38;
	[tilespmem:$0x1DA80] =	vst v63  }
0x14f: {  	_ =	swait.ge [sflag:s30], $0x2800  }
0x150: {  	[sflag:s30] =	ssyncset.done $0x0  }
0x151: {  	[sflag:s30] =	ssyncadd.s32 $0xFFFFD800  }
0x152: {  	_ =	swait.ge [sflag:s30], $0x2800  }
0x153: {  	[sflag:s30] =	ssyncset.done $0x0  }
0x154: {  	[sflag:s30] =	ssyncadd.s32 $0xFFFFD800  }
0x155: {  	[tilespmem:s14], [sflag:$0x2] =	stream.linear.gather [hbm4b:s17+s3], $0x5000, $0x38;
	[tilespmem:$0x1DA80] =	vst v63  }
.Ltmp10:
0x156: {  	_ = 	snop;
	(pc) =	sbr.rel .LBB2_13-.Ltmp10, $4  }
0x157: {  	s7 =	sadd.s32 $0x3C, s4  }
0x158: {  	[tilespmem:s16], [sflag:$0x4] =	stream.linear.gather [hbm4b:s7+s3], $0x50, $0x38;
	[tilespmem:$0x1DA80] =	vst v63  }
0x159: {  	s0 =	sadd.s32 $0x28, s0;
	s4 =	sadd.s32 $0x46, s4;
	s17 =	sadd.s32 $0x1400, s17  }
0x15a: {  	[tilespmem:s18], [sflag:$0x4] =	stream.linear.gather [hbm4b:s4+s3], $0x50, $0x38;
	[tilespmem:$0x1DA80] =	vst v63  }
.LBB2_10:
.Ltmp11:
0x15b: {  	(pc) =	sbr.rel .LBB2_15-.Ltmp11, $2  }
0x15c: {  	_ =	sdelay $0x2  }
0x15d: {  	s0 =	rddreg [dreg:$0x5]  }
.LBB2_16:
0x15e: {  	_ =	sfence.sel $0x180000  }
0x15f: {  	[bflag:$0x0] =	sbarrier.arrive $0xFFFF  }
0x160: {  	_ =	strace $0x90000050  }
0x161: {  	s0 =	stileid.u32;
	[bflag:$0x2] =	sbarrier.arrive $0xFFFF  }
0x162: {  	p0 =	sne.s32 s0, $0x0;
	s0 =	rddreg [dreg:$0x3]  }
0x163: {  	s0 =	sadd.s32 @!p0 $0x100000, s0  }
0x164: {  	[sflag:s0] =	ssyncadd.tile.s32 @!p0 $0x1;
	_ =	shalt  }
.Lfunc_end2:
_tile_overlayer_lowered:
.L_overlay_start_2:
0x165: {  	(tag) =	ssettag $0x2  }
0x166: {  	s0 =	rddreg [dreg:$0x0];
	s2 =	stileid.u32  }
0x167: {  	s1 =	rddreg [dreg:$0x1];
	p0 =	sne.s32 s2, $0x0  }
0x168: {  	s3 =	rddreg [dreg:$0x2];
	[bflag:$0x3] =	sbarrier.arrive $0xFFFF;
	s2 =	simm.s32 @!p0 $0x1C07  }
0x169: {  	[timem:s3], [sflag:s2] =	dma.local @!p0 [hbm:s0], s1  }
0x16a: {  	s0 =	simm.s32 @!p0 $0x7  }
0x16b: {  	_ =	swait.ge @!p0 [sflag:s0], s1  }
0x16c: {  	s1 =	ssub.s32 @!p0 $0x0, s1;
	[sflag:s0] =	ssyncset.done @!p0 $0x0  }
0x16d: {  	[sflag:s0] =	ssyncadd.s32 @!p0 s1  }
0x16e: {  	[bflag:$0x3] =	sbarrier.arrive $0xFFFF  }
0x16f: {  	_ =	shalt  }

// kernel: kernel.9.cloned.1.call-start
scs
__scs_entry_jumppad:
0x0: {  	(pc) =	sbr.rel $0x88, $3  }
0x1: {  	(tag) =	ssettag $0x0;
	lr =	simm.s32 $0x1  }
0x2: {  	[smem:$0x3F95] =	sst lr;
	_ =	strace $0xD0000000  }
0x3: {  	_ = 	snop  }
0x4: {  	_ = 	snop  }
0x5: {  	_ = 	snop  }
0x6: {  	_ = 	snop  }
0x7: {  	_ = 	snop  }
__scs_overlays_trampoline_lowered:
0x8: {  	[smem:$0x3FA4] =	sst s0  }
0x9: {  	[smem:$0x3FA5] =	sst s1  }
0xa: {  	[smem:$0x3FA6] =	sst s2  }
0xb: {  	[smem:$0x3FA7] =	sst s3  }
0xc: {  	[smem:$0x3FA8] =	sst s4  }
0xd: {  	[smem:$0x3FA9] =	sst s5  }
0xe: {  	[smem:$0x3FAA] =	sst s6  }
0xf: {  	[smem:$0x3FAB] =	sst s7  }
0x10: {  	[smem:$0x3FAC] =	sst s8  }
0x11: {  	[smem:$0x3FAD] =	sst s9;
	s0 =	simm.s32 @!p0 $0x0  }
0x12: {  	s1 =	sld [smem:$0x3F93];
	s0 =	simm.s32 @p0 $0x1  }
0x13: {  	[smem:$0x3FAE] =	sst s0;
	s0 =	simm.s32 @!p1 $0x0  }
0x14: {  	s2 =	sld [smem:$0x3F92];
	s0 =	simm.s32 @p1 $0x1  }
0x15: {  	[smem:$0x3FAF] =	sst s0;
	s0 =	simm.s32 @!p2 $0x0  }
0x16: {  	s3 =	sld [smem:$0x3FDB];
	s0 =	simm.s32 @p2 $0x1  }
0x17: {  	s4 =	simm.s32 $0x1BF5;
	[smem:$0x3FB1] =	sst s0  }
0x18: {  	s0 =	sld [smem:$0x3F94];
	_ =	swait.ge [sflag:s4], $0x0  }
0x19: {  	s7 =	sld [smem:$0x3F95]  }
0x1a: {  	s8 =	sadd.s32 $0xFFFFE003, lr  }
0x1b: {  	s9 =	sadd.s32 $0xFFFFFEF7, lr;
	s5 =	simm.s32 $0xFFFFFFFF;
	p2 =	slt.u32 s8, $0xFFFFF086  }
0x1c: {  	p1 =	slt.u32 s9, $0xF7A;
	s5 =	simm.s32 @!p2 $0x0  }
0x1d: {  	s5 =	simm.s32 @p1 $0x1;
	p0 =	seq.s32 s7, s2  }
0x1e: {  	s7 =	smul.u32 @!p0 $0xF7A, s2;
	p2 =	seq.s32 @!p0 s5, $0x0  }
0x1f: {  	s9 =	smul.u32 $0xF7A, s1;
	s8 =	simm.s32 @!p0 $0x1BF5;
	p2 =	por !p2, p0  }
0x20: {  	[sflag:s8] =	ssyncset.s32 @!p0 $0xFFFFF086;
	s6 =	sadd.s32 @!p0 s3, s7;
	s7 =	simm.s32 @!p0 $0x108  }
0x21: {  	s3 =	sadd.s32 s3, s9;
	s6 =	sadd.s32 @!p0 $0x88, s6;
	s7 =	simm.s32 @p2 $0x1082  }
0x22: {  	[simem:s7], [sflag:s8] =	dma.local @!p0 [hbm:s6], $0xF7A  }
0x23: {  	s9 =	sor.u32 $0xD0000000, s2;
	s6 =	simm.s32 $0x108;
	_ =	swait.ge @!p0 [sflag:s8], $0x0  }
0x24: {  	s3 =	sadd.s32 $0x88, s3;
	s6 =	simm.s32 @!p1 $0x1082;
	[sflag:s4] =	ssyncset.s32 $0xFFFFF086  }
0x25: {  	[simem:s6], [sflag:s4] =	dma.local [hbm:s3], $0xF7A  }
0x26: {  	[smem:$0x3F95] =	sst s1;
	(tag) =	ssettag s2;
	_ =	strace s9  }
0x27: {  	s1 =	sld [smem:$0x3FA5]  }
0x28: {  	s2 =	sld [smem:$0x3FA6]  }
0x29: {  	s4 =	sld [smem:$0x3FA8]  }
0x2a: {  	p0 =	seq.s32 s5, $0x0;
	s5 =	sld [smem:$0x3FA9]  }
0x2b: {  	s6 =	sld [smem:$0x3FAA]  }
0x2c: {  	s7 =	sld [smem:$0x3FAB]  }
0x2d: {  	s3 =	simm.s32 $0x108;
	s8 =	sld [smem:$0x3FAC]  }
0x2e: {  	s3 =	simm.s32 @!p0 $0x1082;
	s9 =	sld [smem:$0x3FAD]  }
0x2f: {  	lr =	sadd.s32 s0, s3;
	s0 =	sld [smem:$0x3FA4]  }
0x30: {  	s3 =	sld [smem:$0x3FA7]  }
0x31: {  	[smem:$0x3FB0] =	sst s10  }
0x32: {  	s10 =	sld [smem:$0x3FAE];
	_ =	sdelay $0x3  }
0x33: {  	p0 =	seq.s32 s10, $0x1;
	s10 =	sld [smem:$0x3FB0];
	_ =	sdelay $0x3  }
0x34: {  	[smem:$0x3FB0] =	sst s10  }
0x35: {  	s10 =	sld [smem:$0x3FAF];
	_ =	sdelay $0x3  }
0x36: {  	p1 =	seq.s32 s10, $0x1;
	s10 =	sld [smem:$0x3FB0];
	_ =	sdelay $0x3  }
0x37: {  	[smem:$0x3FB0] =	sst s10  }
0x38: {  	s10 =	sld [smem:$0x3FB1]  }
0x39: {  	_ = 	snop;
	(pc) =	sbr.ind lr, $3  }
0x3a: {  	_ = 	snop  }
0x3b: {  	_ = 	snop  }
0x3c: {  	p2 =	seq.s32 s10, $0x1;
	s10 =	sld [smem:$0x3FB0]  }
0x3d: {  	_ =	shalt  }
0x3e: {  	_ =	shalt  }
0x3f: {  	_ =	shalt  }
0x40: {  	_ =	shalt  }
0x41: {  	_ =	shalt  }
0x42: {  	_ =	shalt  }
0x43: {  	_ =	shalt  }
0x44: {  	_ =	shalt  }
0x45: {  	_ =	shalt  }
0x46: {  	_ =	shalt  }
0x47: {  	_ =	shalt  }
0x48: {  	_ =	shalt  }
0x49: {  	_ =	shalt  }
0x4a: {  	_ =	shalt  }
0x4b: {  	_ =	shalt  }
0x4c: {  	_ =	shalt  }
0x4d: {  	_ =	shalt  }
0x4e: {  	_ =	shalt  }
0x4f: {  	_ =	shalt  }
0x50: {  	_ =	shalt  }
0x51: {  	_ =	shalt  }
0x52: {  	_ =	shalt  }
0x53: {  	_ =	shalt  }
0x54: {  	_ =	shalt  }
0x55: {  	_ =	shalt  }
0x56: {  	_ =	shalt  }
0x57: {  	_ =	shalt  }
0x58: {  	_ =	shalt  }
0x59: {  	_ =	shalt  }
0x5a: {  	_ =	shalt  }
0x5b: {  	_ =	shalt  }
0x5c: {  	_ =	shalt  }
0x5d: {  	_ =	shalt  }
0x5e: {  	_ =	shalt  }
0x5f: {  	_ =	shalt  }
0x60: {  	_ =	shalt  }
0x61: {  	_ =	shalt  }
0x62: {  	_ =	shalt  }
0x63: {  	_ =	shalt  }
0x64: {  	_ =	shalt  }
0x65: {  	_ =	shalt  }
0x66: {  	_ =	shalt  }
0x67: {  	_ =	shalt  }
0x68: {  	_ =	shalt  }
0x69: {  	_ =	shalt  }
0x6a: {  	_ =	shalt  }
0x6b: {  	_ =	shalt  }
0x6c: {  	_ =	shalt  }
0x6d: {  	_ =	shalt  }
0x6e: {  	_ =	shalt  }
0x6f: {  	_ =	shalt  }
0x70: {  	_ =	shalt  }
0x71: {  	_ =	shalt  }
0x72: {  	_ =	shalt  }
0x73: {  	_ =	shalt  }
0x74: {  	_ =	shalt  }
0x75: {  	_ =	shalt  }
0x76: {  	_ =	shalt  }
0x77: {  	_ =	shalt  }
0x78: {  	_ =	shalt  }
0x79: {  	_ =	shalt  }
0x7a: {  	_ =	shalt  }
0x7b: {  	_ =	shalt  }
0x7c: {  	_ =	shalt  }
0x7d: {  	_ =	shalt  }
0x7e: {  	_ =	shalt  }
0x7f: {  	_ =	shalt  }
0x80: {  	_ =	shalt  }
0x81: {  	_ =	shalt  }
0x82: {  	_ =	shalt  }
0x83: {  	_ =	shalt  }
0x84: {  	_ =	shalt  }
0x85: {  	_ =	shalt  }
0x86: {  	_ =	shalt  }
0x87: {  	_ =	shalt  }
.Lfunc_end0:
.L_simem_size_0:
called_computation_lowered:
.L_overlay_start_0:
0x88: {  	s2 =	sld [smem:$0x3FD9]  }
0x89: {  	s3 =	sld [smem:$0x3FFE];
	_ =	sdelay $0x1  }
0x8a: {  	s1 =	srdreg.scid  }
0x8b: {  	s0 =	sand.u32 $0x1, s1  }
0x8c: {  	s14 =	sshll.u32 s0, $0xA;
	s2 =	sadd.s32 s3, s2  }
0x8d: {  	s2 =	sadd.s32 s2, s14  }
0x8e: {  	[smem:$0x3FBC] =	sst s2  }
0x8f: {  	_ = 	snop  }
0x90: {  	s2 =	sld [smem:$0x3FD0];
	_ =	sdelay $0x2  }
0x91: {  	s15 =	simm.s32 $0xB;
	s4 =	simm.s32 $0x10  }
0x92: {  	[smem:s4], [sflag:s15] =	dma.local [hbm:s2], $0x1  }
0x93: {  	_ =	swait.eq [sflag:s15], $0x1  }
0x94: {  	[sflag:s15] =	ssyncset.done $0x0  }
0x95: {  	[sflag:s15] =	ssyncadd.s32 $0xFFFFFFFF  }
0x96: {  	s16 =	sld [smem:$0x11];
	(tm) =	ssettm $0x1  }
0x97: {  	s17 =	sld [smem:$0x3FFB];
	_ =	sdelay $0x3  }
0x98: {  	_ =	strace s17  }
0x99: {  	s3 =	sld [smem:$0x3FFC];
	_ =	sdelay $0x3  }
0x9a: {  	_ =	strace s3  }
0x9b: {  	s3 =	sld [smem:$0x3FFD];
	_ =	sdelay $0x3  }
0x9c: {  	_ =	strace s3  }
0x9d: {  	_ =	strace $0x8FFFFFFF  }
0x9e: {  	s18 =	sld [smem:$0x3FDB];
	_ =	sdelay $0x1  }
0x9f: {  	s19 =	simm.s32 $_scs_section_size  }
0xa0: {  	s5 =	simm.s32 $_size__tile_overlayer_lowered;
	s6 =	simm.s32 $_tile_overlayer_lowered  }
0xa1: {  	s22 =	simm.s32 $0x1BFF;
	s21 =	sshll.u32 s6, $0x1;
	s3 =	sadd.s32 s19, s18  }
0xa2: {  	s7 =	simm.s32 $0x0;
	s20 =	sshll.u32 s5, $0x1;
	s5 =	sadd.s32 s21, s3  }
0xa3: {  	[timem:s7], [sflag:s22] =	dma.local [hbm:s5], s20  }
0xa4: {  	_ =	swait.ge [sflag:s22], s20  }
0xa5: {  	s4 =	ssub.s32 $0x0, s20;
	[sflag:s22] =	ssyncset.done $0x0  }
0xa6: {  	[sflag:s22] =	ssyncadd.s32 s4;
	_ =	sdelay $0x1  }
0xa7: {  	s23 =	simm.s32 $0x1B8B  }
0xa8: {  	_ =	swait.ge [sflag:s23], $0x1  }
0xa9: {  	[sflag:s23] =	ssyncset.done $0x0  }
0xaa: {  	s25 =	simm.s32 $0x1B8E;
	s24 =	sld [smem:$0x3FFE];
	[sflag:s23] =	ssyncadd.s32 $0xFFFFFFFF  }
0xab: {  	s26 =	simm.s32 $execute0_lowered;
	[smem:$0x3FD2] =	sst s25  }
0xac: {  	s5 =	sshll.u32 s26, $0x1;
	_ =	strace $0x80000046;
	[dreg:$0x1] =	wrdreg $0xFFFFFFFF  }
0xad: {  	s28 =	simm.s32 $_size_execute0_lowered;
	s3 =	sadd.s32 s3, s5;
	[dreg:$0x0] =	wrdreg $0x0  }
0xae: {  	s5 =	sshll.u32 s28, $0x1;
	[dreg:$0x2] =	wrdreg s3  }
0xaf: {  	[dreg:$0x3] =	wrdreg s5  }
0xb0: {  	[dreg:$0x4] =	wrdreg $0xC0  }
0xb1: {  	_ =	task [dreg:s7], $0x5FFFF  }
0xb2: {  	[dreg:$0x1] =	wrdreg $0xFFFFFFFF  }
0xb3: {  	[dreg:$0x0] =	wrdreg $0x60  }
0xb4: {  	[dreg:$0x2] =	wrdreg s16  }
0xb5: {  	[dreg:$0x3] =	wrdreg s24  }
0xb6: {  	[dreg:$0x4] =	wrdreg $0xA  }
0xb7: {  	_ =	task.clear_ibuf [dreg:s7], $0x5FFFF;
	_ =	strace $0x90000046  }
0xb8: {  	s29 =	simm.s32 $0xA;
	_ =	strace $0x80000048  }
0xb9: {  	_ =	swait.ge [sflag:s29], $0x1  }
0xba: {  	[sflag:s29] =	ssyncadd.s32 $0xFFFFFFFF  }
0xbb: {  	_ =	strace $0x90000048  }
0xbc: {  	_ =	sfence  }
0xbd: {  	s30 =	sld [smem:$0x0];
	_ =	sdelay $0x2  }
0xbe: {  	s31 =	sshll.u32 s1, $0xD;
	s1 =	sshrl.u32 s1, $0x2  }
0xbf: {  	s3 =	sand.u32 $0x4000, s31;
	s1 =	sadd.s32 s1, s30  }
0xc0: {  	s0 =	sor.u32 s3, s0;
	s1 =	sshll.u32 s1, $0x11  }
0xc1: {  	s0 =	sor.u32 s1, s0  }
0xc2: {  	s0 =	sadd.s32 $0x8F2B, s0  }
0xc3: {  	[sflag:s0] =	ssyncadd.remote.s32 $0x1  }
0xc4: {  	_ =	sfence.sel $0xFFFF  }
0xc5: {  	[dreg:$0x0] =	wrdreg $0xFFFFFFFF;
	(pc) =	sbr.abs _section_cstart, $3  }
0xc6: {  	[dreg:$0x1] =	wrdreg $0xFFFFFFFF  }
0xc7: {  	_ =	task.clear_ibuf [dreg:s7], $0x2FFFF;
	_ =	strace $0x9FFFFFFF  }
0xc8: {  	(tm) =	ssettm $0x7FFFFFFF  }
0xc9: {  	_ =	shalt  }
tec
execute0_lowered:
.L_overlay_start_1:
0x0: {  	(tag) =	ssettag $0x1  }
0x1: {  	s0 =	srdreg.scid  }
0x2: {  	s5 =	stileid.u32;
	s2 =	rddreg [dreg:$0x0]  }
0x3: {  	s4 =	rddreg [dreg:$0x1];
	s3 =	simm.s32 $0x0;
	s10 =	simm.s32 $0x1980  }
0x4: {  	s12 =	simm.s32 $0x2580;
	s13 =	simm.s32 $0x2D80;
	s14 =	simm.s32 $0x3180  }
0x5: {  	s15 =	simm.s32 $0x3980;
	s16 =	simm.s32 $0x3D80;
	s17 =	simm.s32 $0x4580  }
0x6: {  	s18 =	simm.s32 $0x4980;
	s19 =	simm.s32 $0x5180;
	s20 =	simm.s32 $0x5580  }
0x7: {  	s21 =	simm.s32 $0x5D80;
	s22 =	simm.s32 $0x6180;
	s23 =	simm.s32 $0x6980  }
0x8: {  	s24 =	simm.s32 $0x6D80;
	s25 =	simm.s32 $0x7580;
	s28 =	simm.s32 $0x8180  }
0x9: {  	s29 =	simm.s32 $0x8580;
	s30 =	simm.s32 $0x8D80;
	s31 =	simm.s32 $0x1  }
0xa: {  	s0 =	sand.u32 $0x1, s0;
	s1 =	sshll.u32 s5, $0x1;
	s5 =	smul.u32 $0x32A0, s5  }
0xb: {  	s9 =	simm.s32 $0x0;
	s1 =	sor.u32 s0, s1;
	s6 =	smul.u32 $0x1950, s0  }
0xc: {  	[smem:$0x7FF] =	sst s3;
	s0 =	ssub.s32 $0x2, s0;
	s1 =	smul.u32 $0x1950, s1  }
0xd: {  	_ =	strace $0x80000047;
	s7 =	sshrl.u32 s0, $0x1;
	s5 =	sadd.s32 s6, s5  }
0xe: {  	s0 =	ssub.s32 s0, s7;
	s1 =	sshrl.u32 s1, $0x3;
	s6 =	sshrl.u32 s5, $0x3  }
0xf: {  	s5 =	sadd.s32 $0x28, s5;
	s0 =	smax.u32 s0, $0x1;
	s6 =	smul.u32 $0x180, s6  }
.Ltmp0:
0x10: {  	s1 =	sadd.s32 s1, s4;
	s4 =	sadd.s32 $0x5F200, s4;
	(pc) =	sbr.rel .LBB2_1-.Ltmp0, $4  }
0x11: {  	s5 =	sshrl.u32 s5, $0x3;
	[dreg:$0x4] =	wrdreg s0;
	s0 =	simm.s32 $0x3  }
0x12: {  	v2 =	vlaneseq.u32;
	s1 =	sadd.s32 $0x52600, s1;
	s26 =	smul.u32 $0x180, s5;
	s5 =	sadd.s32 $0x100, s2  }
0x13: {  	vm0 =	vmmov $0xffff;
	vm1 =	vmmov $0xff;
	v1 =	vshrl.u32 v2, $0x3;
	[dreg:$0x3] =	wrdreg s1;
	s7 =	sadd.s32 s6, s4;
	s1 =	simm.s32 $0x2  }
0x14: {  	v0 =	vand.u32 $0x7, v2;
	v2 =	vor.u32 $0x8, v2;
	v1 =	vmul.u32 $0x8, v1;
	s8 =	sadd.s32 s26, s4;
	s26 =	simm.s32 $0x7980;
	s4 =	simm.s32 $0x4  }
.LBB2_4:
0x15: {  	_ =	swait.ge [sflag:s4], $0x3C00  }
0x16: {  	s9 =	rddreg [dreg:$0x5]  }
0x17: {  	s6 =	rddreg [dreg:$0x4];
	s9 =	sadd.s32 $0x1, s9  }
0x18: {  	p0 =	sne.s32 s9, s6  }
.Ltmp1:
0x19: {  	_ = 	snop;
	(pc) =	sbr.rel @!p0 .LBB2_5-.Ltmp1, $3  }
0x1a: {  	_ =	sdelay $0x1  }
0x1b: {  	[sflag:s4] =	ssyncset.done $0x0  }
0x1c: {  	[sflag:s4] =	ssyncadd.s32 $0xFFFFC400  }
.LBB2_1:
0x1d: {  	[dreg:$0x5] =	wrdreg s9  }
0x1e: {  	s6 =	rddreg [dreg:$0x3];
	s9 =	simm.s32 $0x5  }
0x1f: {  	[tilespmem:s3], [sflag:$0x5] =	stream.linear.gather [hbm4b:s6+s3], $0x1950, $0x38;
	[tilespmem:$0x9180] =	vst v63  }
0x20: {  	_ =	swait.ge [sflag:s9], $0x1950  }
0x21: {  	[sflag:s9] =	ssyncset.done $0x0  }
0x22: {  	[sflag:s9] =	ssyncadd.s32 $0xFFFFE6B0  }
0x23: {  	v3 =	vld [tilespmem:$0x0];
	_ =	sdelay $0x4  }
0x24: {  	v4 =	vshrl.u32 v3, $0x3  }
0x25: {  	v4 =	vmul.u32 $0x18, v4  }
0x26: {  	v3 =	vand.u32 $0x7, v3  }
0x27: {  	v3 =	vor.u32 v3, v4  }
0x28: {  	v4 =	vperm.xlane v3, v0;
	_ =	sdelay $0x1  }
0x29: {  	v4 =	vadd.s32 v1, v4;
	_ =	sdelay $0x1  }
0x2a: {  	v3 =	vperm.xlane v3, v2;
	_ =	sdelay $0x1  }
0x2b: {  	v3 =	vadd.s32 v1, v3  }
0x2c: {  	[tilespmem:s10], [sflag:$0x1] =	stream.indirect_vreg.gather [hbm4b:s2+s3], $0x80, v4, vm0, $0xb8;
	[tilespmem:$0x9180] =	vst v63  }
0x2d: {  	s11 =	simm.s32 $0x2180  }
0x2e: {  	[tilespmem:s11], [sflag:$0x1] =	stream.indirect_vreg.gather [hbm4b:s5+s3], $0x80, v4, vm1, $0xb8;
	[tilespmem:$0x9180] =	vst v63  }
0x2f: {  	_ = 	snop  }
0x30: {  	[tilespmem:s12], [sflag:$0x1] =	stream.indirect_vreg.gather [hbm4b:s2+s3], $0x80, v3, vm0, $0xb8;
	[tilespmem:$0x9180] =	vst v63  }
0x31: {  	_ = 	snop  }
0x32: {  	[tilespmem:s13], [sflag:$0x1] =	stream.indirect_vreg.gather [hbm4b:s5+s3], $0x80, v3, vm1, $0xb8;
	[tilespmem:$0x9180] =	vst v63  }
0x33: {  	v3 =	vld [tilespmem:$0x10];
	_ =	sdelay $0x4  }
0x34: {  	v59 =	vshrl.u32 v3, $0x3  }
0x35: {  	v4 =	vmul.u32 $0x18, v59  }
0x36: {  	v3 =	vand.u32 $0x7, v3  }
0x37: {  	v3 =	vor.u32 v3, v4  }
0x38: {  	v4 =	vperm.xlane v3, v0;
	_ =	sdelay $0x1  }
0x39: {  	v4 =	vadd.s32 v1, v4;
	_ =	sdelay $0x1  }
0x3a: {  	v3 =	vperm.xlane v3, v2;
	_ =	sdelay $0x1  }
0x3b: {  	v3 =	vadd.s32 v1, v3  }
0x3c: {  	[tilespmem:s14], [sflag:$0x1] =	stream.indirect_vreg.gather [hbm4b:s2+s3], $0x80, v4, vm0, $0xb8;
	[tilespmem:$0x9180] =	vst v63  }
0x3d: {  	_ = 	snop  }
0x3e: {  	[tilespmem:s15], [sflag:$0x1] =	stream.indirect_vreg.gather [hbm4b:s5+s3], $0x80, v4, vm1, $0xb8;
	[tilespmem:$0x9180] =	vst v63  }
0x3f: {  	_ = 	snop  }
0x40: {  	[tilespmem:s16], [sflag:$0x1] =	stream.indirect_vreg.gather [hbm4b:s2+s3], $0x80, v3, vm0, $0xb8;
	[tilespmem:$0x9180] =	vst v63  }
0x41: {  	_ = 	snop  }
0x42: {  	[tilespmem:s17], [sflag:$0x1] =	stream.indirect_vreg.gather [hbm4b:s5+s3], $0x80, v3, vm1, $0xb8;
	[tilespmem:$0x9180] =	vst v63  }
0x43: {  	v3 =	vld.msk [tilespmem:$0x20], $0xff;
	_ =	sdelay $0x4  }
0x44: {  	v60 =	vshrl.u32 v3, $0x3  }
0x45: {  	v4 =	vmul.u32 $0x18, v60  }
0x46: {  	v3 =	vand.u32 $0x7, v3  }
0x47: {  	v3 =	vor.u32 v3, v4  }
0x48: {  	v3 =	vperm.xlane v3, v0;
	_ =	sdelay $0x1  }
0x49: {  	v3 =	vadd.s32 v1, v3;
	_ =	sdelay $0x4  }
0x4a: {  	[tilespmem:s18], [sflag:$0x1] =	stream.indirect_vreg.gather [hbm4b:s2+s3], $0x80, v3, vm0, $0xb8;
	[tilespmem:$0x9180] =	vst v63  }
0x4b: {  	_ = 	snop  }
0x4c: {  	[tilespmem:s19], [sflag:$0x1] =	stream.indirect_vreg.gather [hbm4b:s5+s3], $0x80, v3, vm1, $0xb8;
	[tilespmem:$0x9180] =	vst v63  }
0x4d: {  	v3 =	vld [tilespmem:$0x28];
	_ =	sdelay $0x4  }
0x4e: {  	v61 =	vshrl.u32 v3, $0x3  }
0x4f: {  	v4 =	vmul.u32 $0x18, v61  }
0x50: {  	v3 =	vand.u32 $0x7, v3  }
0x51: {  	v3 =	vor.u32 v3, v4  }
0x52: {  	v4 =	vperm.xlane v3, v0;
	_ =	sdelay $0x1  }
0x53: {  	v4 =	vadd.s32 v1, v4;
	_ =	sdelay $0x1  }
0x54: {  	v3 =	vperm.xlane v3, v2;
	_ =	sdelay $0x1  }
0x55: {  	v3 =	vadd.s32 v1, v3  }
0x56: {  	[tilespmem:s20], [sflag:$0x2] =	stream.indirect_vreg.gather [hbm4b:s2+s3], $0x80, v4, vm0, $0xb8;
	[tilespmem:$0x9180] =	vst v63  }
0x57: {  	_ = 	snop  }
0x58: {  	[tilespmem:s21], [sflag:$0x2] =	stream.indirect_vreg.gather [hbm4b:s5+s3], $0x80, v4, vm1, $0xb8;
	[tilespmem:$0x9180] =	vst v63  }
0x59: {  	_ = 	snop  }
0x5a: {  	[tilespmem:s22], [sflag:$0x2] =	stream.indirect_vreg.gather [hbm4b:s2+s3], $0x80, v3, vm0, $0xb8;
	[tilespmem:$0x9180] =	vst v63  }
0x5b: {  	_ = 	snop  }
0x5c: {  	[tilespmem:s23], [sflag:$0x2] =	stream.indirect_vreg.gather [hbm4b:s5+s3], $0x80, v3, vm1, $0xb8;
	[tilespmem:$0x9180] =	vst v63  }
0x5d: {  	v3 =	vld [tilespmem:$0x38];
	_ =	sdelay $0x4  }
0x5e: {  	v62 =	vshrl.u32 v3, $0x3  }
0x5f: {  	v4 =	vmul.u32 $0x18, v62  }
0x60: {  	v3 =	vand.u32 $0x7, v3  }
0x61: {  	v3 =	vor.u32 v3, v4  }
0x62: {  	v4 =	vperm.xlane v3, v0;
	_ =	sdelay $0x1  }
0x63: {  	v4 =	vadd.s32 v1, v4;
	_ =	sdelay $0x1  }
0x64: {  	v3 =	vperm.xlane v3, v2;
	_ =	sdelay $0x1  }
0x65: {  	v3 =	vadd.s32 v1, v3  }
0x66: {  	[tilespmem:s24], [sflag:$0x2] =	stream.indirect_vreg.gather [hbm4b:s2+s3], $0x80, v4, vm0, $0xb8;
	[tilespmem:$0x9180] =	vst v63  }
0x67: {  	_ = 	snop  }
0x68: {  	[tilespmem:s25], [sflag:$0x2] =	stream.indirect_vreg.gather [hbm4b:s5+s3], $0x80, v4, vm1, $0xb8;
	[tilespmem:$0x9180] =	vst v63  }
0x69: {  	_ = 	snop  }
0x6a: {  	[tilespmem:s26], [sflag:$0x2] =	stream.indirect_vreg.gather [hbm4b:s2+s3], $0x80, v3, vm0, $0xb8;
	[tilespmem:$0x9180] =	vst v63  }
0x6b: {  	_ = 	snop  }
0x6c: {  	[tilespmem:s28], [sflag:$0x2] =	stream.indirect_vreg.gather [hbm4b:s5+s3], $0x80, v3, vm1, $0xb8;
	[tilespmem:$0x9180] =	vst v63  }
0x6d: {  	v3 =	vld.msk [tilespmem:$0x48], $0xff;
	_ =	sdelay $0x4  }
0x6e: {  	v63 =	vshrl.u32 v3, $0x3  }
0x6f: {  	v4 =	vmul.u32 $0x18, v63  }
0x70: {  	v3 =	vand.u32 $0x7, v3  }
0x71: {  	v3 =	vor.u32 v3, v4  }
0x72: {  	v3 =	vperm.xlane v3, v0;
	_ =	sdelay $0x1  }
0x73: {  	v3 =	vadd.s32 v1, v3;
	_ =	sdelay $0x4  }
0x74: {  	[tilespmem:s29], [sflag:$0x2] =	stream.indirect_vreg.gather [hbm4b:s2+s3], $0x80, v3, vm0, $0xb8;
	[tilespmem:$0x9180] =	vst v63  }
0x75: {  	s6 =	simm.s32 $0x0;
	s9 =	simm.s32 $0x98  }
0x76: {  	[tilespmem:s30], [sflag:$0x2] =	stream.indirect_vreg.gather [hbm4b:s5+s3], $0x80, v3, vm1, $0xb8;
	[tilespmem:$0x9180] =	vst v63  }
.LBB2_2:
0x77: {  	_ =	swait.ge [sflag:s31], $0x3C00  }
0x78: {  	[sflag:s31] =	ssyncset.done $0x0  }
0x79: {  	s11 =	sadd.s32 s6, s7;
	[sflag:s31] =	ssyncadd.s32 $0xFFFFC400  }
0x7a: {  	[hbm4b:s11+s3] =	stream.linear.scatter [tilespmem:s10], [sflag:$0x3], $0x3C00, $0x38;
	[tilespmem:$0x9180] =	vst v63  }
0x7b: {  	_ =	swait.ge [sflag:s1], $0x3C00  }
0x7c: {  	p0 =	seq.s32 s6, $0x4B000;
	[sflag:s1] =	ssyncset.done $0x0  }
.Ltmp2:
0x7d: {  	s11 =	sadd.s32 s6, s8;
	[sflag:s1] =	ssyncadd.s32 $0xFFFFC400;
	(pc) =	sbr.rel @p0 .LBB2_4-.Ltmp2, $4  }
0x7e: {  	[hbm4b:s11+s3] =	stream.linear.scatter [tilespmem:s20], [sflag:$0x4], $0x3C00, $0x38;
	[tilespmem:$0x9180] =	vst v63  }
0x7f: {  	_ =	swait.ge [sflag:s0], $0x3C00  }
0x80: {  	[sflag:s0] =	ssyncset.done $0x0  }
0x81: {  	[sflag:s0] =	ssyncadd.s32 $0xFFFFC400  }
0x82: {  	v3 =	vld [tilespmem:s9+$0xFFFFFFB8];
	_ =	sdelay $0x4  }
0x83: {  	v4 =	vshrl.u32 v3, $0x3  }
0x84: {  	v4 =	vmul.u32 $0x18, v4  }
0x85: {  	v3 =	vand.u32 $0x7, v3  }
0x86: {  	v3 =	vor.u32 v3, v4  }
0x87: {  	v4 =	vperm.xlane v3, v0;
	_ =	sdelay $0x1  }
0x88: {  	v4 =	vadd.s32 v1, v4;
	_ =	sdelay $0x1  }
0x89: {  	v3 =	vperm.xlane v3, v2;
	_ =	sdelay $0x1  }
0x8a: {  	v3 =	vadd.s32 v1, v3  }
0x8b: {  	[tilespmem:s10], [sflag:$0x1] =	stream.indirect_vreg.gather [hbm4b:s2+s3], $0x80, v4, vm0, $0xb8;
	[tilespmem:$0x9180] =	vst v63  }
0x8c: {  	s11 =	simm.s32 $0x2180  }
0x8d: {  	[tilespmem:s11], [sflag:$0x1] =	stream.indirect_vreg.gather [hbm4b:s5+s3], $0x80, v4, vm1, $0xb8;
	[tilespmem:$0x9180] =	vst v63  }
0x8e: {  	_ = 	snop  }
0x8f: {  	[tilespmem:s12], [sflag:$0x1] =	stream.indirect_vreg.gather [hbm4b:s2+s3], $0x80, v3, vm0, $0xb8;
	[tilespmem:$0x9180] =	vst v63  }
0x90: {  	_ = 	snop  }
0x91: {  	[tilespmem:s13], [sflag:$0x1] =	stream.indirect_vreg.gather [hbm4b:s5+s3], $0x80, v3, vm1, $0xb8;
	[tilespmem:$0x9180] =	vst v63  }
0x92: {  	v3 =	vld [tilespmem:s9+$0xFFFFFFC8];
	_ =	sdelay $0x4  }
0x93: {  	v59 =	vshrl.u32 v3, $0x3  }
0x94: {  	v4 =	vmul.u32 $0x18, v59  }
0x95: {  	v3 =	vand.u32 $0x7, v3  }
0x96: {  	v3 =	vor.u32 v3, v4  }
0x97: {  	v4 =	vperm.xlane v3, v0;
	_ =	sdelay $0x1  }
0x98: {  	v4 =	vadd.s32 v1, v4;
	_ =	sdelay $0x1  }
0x99: {  	v3 =	vperm.xlane v3, v2;
	_ =	sdelay $0x1  }
0x9a: {  	v3 =	vadd.s32 v1, v3  }
0x9b: {  	[tilespmem:s14], [sflag:$0x1] =	stream.indirect_vreg.gather [hbm4b:s2+s3], $0x80, v4, vm0, $0xb8;
	[tilespmem:$0x9180] =	vst v63  }
0x9c: {  	_ = 	snop  }
0x9d: {  	[tilespmem:s15], [sflag:$0x1] =	stream.indirect_vreg.gather [hbm4b:s5+s3], $0x80, v4, vm1, $0xb8;
	[tilespmem:$0x9180] =	vst v63  }
0x9e: {  	_ = 	snop  }
0x9f: {  	[tilespmem:s16], [sflag:$0x1] =	stream.indirect_vreg.gather [hbm4b:s2+s3], $0x80, v3, vm0, $0xb8;
	[tilespmem:$0x9180] =	vst v63  }
0xa0: {  	_ = 	snop  }
0xa1: {  	[tilespmem:s17], [sflag:$0x1] =	stream.indirect_vreg.gather [hbm4b:s5+s3], $0x80, v3, vm1, $0xb8;
	[tilespmem:$0x9180] =	vst v63  }
0xa2: {  	v3 =	vld.msk [tilespmem:s9+$0xFFFFFFD8], $0xff;
	_ =	sdelay $0x4  }
0xa3: {  	v60 =	vshrl.u32 v3, $0x3  }
0xa4: {  	v4 =	vmul.u32 $0x18, v60  }
0xa5: {  	v3 =	vand.u32 $0x7, v3  }
0xa6: {  	v3 =	vor.u32 v3, v4  }
0xa7: {  	v3 =	vperm.xlane v3, v0;
	_ =	sdelay $0x1  }
0xa8: {  	v3 =	vadd.s32 v1, v3;
	_ =	sdelay $0x4  }
0xa9: {  	[tilespmem:s18], [sflag:$0x1] =	stream.indirect_vreg.gather [hbm4b:s2+s3], $0x80, v3, vm0, $0xb8;
	[tilespmem:$0x9180] =	vst v63  }
0xaa: {  	_ = 	snop  }
0xab: {  	[tilespmem:s19], [sflag:$0x1] =	stream.indirect_vreg.gather [hbm4b:s5+s3], $0x80, v3, vm1, $0xb8;
	[tilespmem:$0x9180] =	vst v63  }
0xac: {  	_ =	swait.ge [sflag:s4], $0x3C00  }
0xad: {  	[sflag:s4] =	ssyncset.done $0x0  }
0xae: {  	[sflag:s4] =	ssyncadd.s32 $0xFFFFC400  }
0xaf: {  	v3 =	vld [tilespmem:s9+$0xFFFFFFE0];
	_ =	sdelay $0x4  }
0xb0: {  	v61 =	vshrl.u32 v3, $0x3  }
0xb1: {  	v4 =	vmul.u32 $0x18, v61  }
0xb2: {  	v3 =	vand.u32 $0x7, v3  }
0xb3: {  	v3 =	vor.u32 v3, v4  }
0xb4: {  	v4 =	vperm.xlane v3, v0;
	_ =	sdelay $0x1  }
0xb5: {  	v4 =	vadd.s32 v1, v4;
	_ =	sdelay $0x1  }
0xb6: {  	v3 =	vperm.xlane v3, v2;
	_ =	sdelay $0x1  }
0xb7: {  	v3 =	vadd.s32 v1, v3  }
0xb8: {  	[tilespmem:s20], [sflag:$0x2] =	stream.indirect_vreg.gather [hbm4b:s2+s3], $0x80, v4, vm0, $0xb8;
	[tilespmem:$0x9180] =	vst v63  }
0xb9: {  	_ = 	snop  }
0xba: {  	[tilespmem:s21], [sflag:$0x2] =	stream.indirect_vreg.gather [hbm4b:s5+s3], $0x80, v4, vm1, $0xb8;
	[tilespmem:$0x9180] =	vst v63  }
0xbb: {  	_ = 	snop  }
0xbc: {  	[tilespmem:s22], [sflag:$0x2] =	stream.indirect_vreg.gather [hbm4b:s2+s3], $0x80, v3, vm0, $0xb8;
	[tilespmem:$0x9180] =	vst v63  }
0xbd: {  	_ = 	snop  }
0xbe: {  	[tilespmem:s23], [sflag:$0x2] =	stream.indirect_vreg.gather [hbm4b:s5+s3], $0x80, v3, vm1, $0xb8;
	[tilespmem:$0x9180] =	vst v63  }
0xbf: {  	v3 =	vld [tilespmem:s9+$0xFFFFFFF0];
	_ =	sdelay $0x4  }
0xc0: {  	v62 =	vshrl.u32 v3, $0x3  }
0xc1: {  	v4 =	vmul.u32 $0x18, v62  }
0xc2: {  	v3 =	vand.u32 $0x7, v3  }
0xc3: {  	v3 =	vor.u32 v3, v4  }
0xc4: {  	v4 =	vperm.xlane v3, v0;
	_ =	sdelay $0x1  }
0xc5: {  	v4 =	vadd.s32 v1, v4;
	_ =	sdelay $0x1  }
0xc6: {  	v3 =	vperm.xlane v3, v2;
	_ =	sdelay $0x1  }
0xc7: {  	v3 =	vadd.s32 v1, v3  }
0xc8: {  	[tilespmem:s24], [sflag:$0x2] =	stream.indirect_vreg.gather [hbm4b:s2+s3], $0x80, v4, vm0, $0xb8;
	[tilespmem:$0x9180] =	vst v63  }
0xc9: {  	_ = 	snop  }
0xca: {  	[tilespmem:s25], [sflag:$0x2] =	stream.indirect_vreg.gather [hbm4b:s5+s3], $0x80, v4, vm1, $0xb8;
	[tilespmem:$0x9180] =	vst v63  }
0xcb: {  	_ = 	snop  }
0xcc: {  	[tilespmem:s26], [sflag:$0x2] =	stream.indirect_vreg.gather [hbm4b:s2+s3], $0x80, v3, vm0, $0xb8;
	[tilespmem:$0x9180] =	vst v63  }
0xcd: {  	_ = 	snop  }
0xce: {  	[tilespmem:s28], [sflag:$0x2] =	stream.indirect_vreg.gather [hbm4b:s5+s3], $0x80, v3, vm1, $0xb8;
	[tilespmem:$0x9180] =	vst v63  }
0xcf: {  	v3 =	vld.msk [tilespmem:s9+$0x0], $0xff;
	_ =	sdelay $0x4  }
0xd0: {  	v63 =	vshrl.u32 v3, $0x3  }
0xd1: {  	v4 =	vmul.u32 $0x18, v63  }
0xd2: {  	v3 =	vand.u32 $0x7, v3  }
0xd3: {  	v3 =	vor.u32 v3, v4  }
0xd4: {  	v3 =	vperm.xlane v3, v0;
	_ =	sdelay $0x1  }
0xd5: {  	v3 =	vadd.s32 v1, v3;
	_ =	sdelay $0x2  }
.Ltmp3:
0xd6: {  	_ = 	snop;
	(pc) =	sbr.rel .LBB2_2-.Ltmp3, $4  }
0xd7: {  	_ = 	snop  }
0xd8: {  	[tilespmem:s29], [sflag:$0x2] =	stream.indirect_vreg.gather [hbm4b:s2+s3], $0x80, v3, vm0, $0xb8;
	[tilespmem:$0x9180] =	vst v63  }
0xd9: {  	s6 =	sadd.s32 $0xF00, s6;
	s9 =	sadd.s32 $0x50, s9  }
0xda: {  	[tilespmem:s30], [sflag:$0x2] =	stream.indirect_vreg.gather [hbm4b:s5+s3], $0x80, v3, vm1, $0xb8;
	[tilespmem:$0x9180] =	vst v63  }
.LBB2_5:
0xdb: {  	_ =	sfence.sel $0x180000  }
0xdc: {  	[bflag:$0x0] =	sbarrier.arrive $0xFFFF  }
0xdd: {  	_ =	strace $0x90000047  }
0xde: {  	s0 =	stileid.u32;
	[bflag:$0x2] =	sbarrier.arrive $0xFFFF  }
0xdf: {  	p0 =	sne.s32 s0, $0x0;
	s0 =	rddreg [dreg:$0x2]  }
0xe0: {  	s0 =	sadd.s32 @!p0 $0x100000, s0  }
0xe1: {  	[sflag:s0] =	ssyncadd.tile.s32 @!p0 $0x1;
	_ =	shalt  }
.Lfunc_end2:
_tile_overlayer_lowered:
.L_overlay_start_2:
0xe2: {  	(tag) =	ssettag $0x2  }
0xe3: {  	s0 =	rddreg [dreg:$0x0];
	s2 =	stileid.u32  }
0xe4: {  	s1 =	rddreg [dreg:$0x1];
	p0 =	sne.s32 s2, $0x0  }
0xe5: {  	s3 =	rddreg [dreg:$0x2];
	[bflag:$0x3] =	sbarrier.arrive $0xFFFF;
	s2 =	simm.s32 @!p0 $0x1C05  }
0xe6: {  	[timem:s3], [sflag:s2] =	dma.local @!p0 [hbm:s0], s1  }
0xe7: {  	s0 =	simm.s32 @!p0 $0x5  }
0xe8: {  	_ =	swait.ge @!p0 [sflag:s0], s1  }
0xe9: {  	s1 =	ssub.s32 @!p0 $0x0, s1;
	[sflag:s0] =	ssyncset.done @!p0 $0x0  }
0xea: {  	[sflag:s0] =	ssyncadd.s32 @!p0 s1  }
0xeb: {  	[bflag:$0x3] =	sbarrier.arrive $0xFFFF  }
0xec: {  	_ =	shalt  }

</sc_bundles>
